<compile_context>
chip_gen: v7x
topology: tpu7x:2x2x1
jax: 0.10.2.dev20260603
libtpu: 0.0.44.dev20260713+nightly
codegen_flags: <defaults>
</compile_context>

<pallas_src>
import functools

import jax
import jax.numpy as jnp
from jax import lax
from jax.experimental import pallas as pl
from jax.experimental.pallas import tpu as pltpu
from jax.experimental.pallas import tpu_sc as plsc

B, T, H = 32, 1024, 768
NC, NS, L = 2, 16, 16
NW = NC * NS
G = 16
NCHUNK = T // G
NJ = H // L
CB = 8
EPS = 1e-12


def _rsqrt_newton(v):
    i = lax.bitcast_convert_type(v, jnp.int32)
    i = jnp.full_like(i, 0x5F3759DF) - lax.shift_right_arithmetic(i, jnp.full_like(i, 1))
    y = lax.bitcast_convert_type(i, jnp.float32)
    for _ in range(3):
        y = y * (jnp.float32(1.5) - jnp.float32(0.5) * v * y * y)
    return y


def _lane_perm(x, perm):
    dn = lax.GatherDimensionNumbers(
        offset_dims=(), collapsed_slice_dims=(0,), start_index_map=(0,))
    return lax.gather(x, perm[:, None], dimension_numbers=dn,
                      slice_sizes=(1,),
                      mode=lax.GatherScatterMode.PROMISE_IN_BOUNDS)


def _lane_allsum(x):
    lanes = lax.iota(jnp.int32, L)
    for m in (1, 2, 4, 8):
        x = x + _lane_perm(x, lax.bitwise_xor(lanes, jnp.full_like(lanes, m)))
    return x


def _body(ids_hbm, word_hbm, pos_hbm, gamma_hbm, beta_hbm, out_hbm,
          idxall, wbuf0, wbuf1, pbuf0, pbuf1, obuf, pos_sh, stats, gv, bv,
          gsem0, gsem1, psem0, psem1, osem):
    cid = lax.axis_index("c")
    sid = lax.axis_index("s")
    w = sid * NC + cid
    wbuf = (wbuf0, wbuf1)
    pbuf = (pbuf0, pbuf1)
    gsem = (gsem0, gsem1)
    psem = (psem0, psem1)
    pltpu.sync_copy(ids_hbm.at[w], idxall)
    rpt = T // NS
    pltpu.sync_copy(pos_hbm.at[pl.ds(sid * rpt, rpt)],
                    pos_sh.at[pl.ds(sid * rpt, rpt)])
    plsc.subcore_barrier()

    def start_fetch(ci, b):
        t0 = ci * G
        pltpu.async_copy(word_hbm.at[idxall.at[pl.ds(t0, G)]], wbuf[b], gsem[b])
        pltpu.async_copy(pos_sh.at[pl.ds(t0, G)], pbuf[b], psem[b])

    def pass1(b):
        xb, pb = wbuf[b], pbuf[b]

        @plsc.parallel_loop(0, G, step=1, unroll=4)
        def row(r):
            acc = [jnp.zeros((L,), jnp.float32) for _ in range(4)]
            qcc = [jnp.zeros((L,), jnp.float32) for _ in range(4)]
            for j in range(0, NJ, 4):
                for u in range(4):
                    x = xb[r, pl.ds((j + u) * L, L)] + pb[r, pl.ds((j + u) * L, L)]
                    xb[r, pl.ds((j + u) * L, L)] = x
                    acc[u] = acc[u] + x
                    qcc[u] = qcc[u] + x * x
            s1 = _lane_allsum((acc[0] + acc[1]) + (acc[2] + acc[3]))
            s2 = _lane_allsum((qcc[0] + qcc[1]) + (qcc[2] + qcc[3]))
            mean = s1 * jnp.float32(1.0 / H)
            var = s2 * jnp.float32(1.0 / H) - mean * mean
            a = _rsqrt_newton(var + jnp.float32(EPS))
            bm = -mean * a
            stats[2 * r] = a[0]
            stats[2 * r + 1] = bm[0]

    def pass2(b):
        xb = wbuf[b]

        @plsc.parallel_loop(0, NJ // CB)
        def colblk(jb):
            gs = [gv[pl.ds((jb * CB + u) * L, L)] for u in range(CB)]
            bts = [bv[pl.ds((jb * CB + u) * L, L)] for u in range(CB)]

            @plsc.parallel_loop(0, G, step=1, unroll=4)
            def rows(r):
                a = stats[2 * r]
                bm = stats[2 * r + 1]
                for u in range(CB):
                    x = xb[r, pl.ds((jb * CB + u) * L, L)]
                    obuf[r, pl.ds((jb * CB + u) * L, L)] = (x * a + bm) * gs[u] + bts[u]

    def out_wait():
        pltpu.make_async_copy(obuf, out_hbm.at[w, pl.ds(0, G)], osem).wait()

    start_fetch(0, 0)
    pltpu.sync_copy(gamma_hbm, gv)
    pltpu.sync_copy(beta_hbm, bv)

    def pair(ci2, carry):
        for bpar in (0, 1):
            ci = ci2 * 2 + bpar
            pltpu.make_async_copy(word_hbm.at[idxall.at[pl.ds(0, G)]], wbuf[bpar], gsem[bpar]).wait()
            pltpu.make_async_copy(pos_sh.at[pl.ds(0, G)], pbuf[bpar], psem[bpar]).wait()
            if bpar == 0:
                start_fetch(ci + 1, 1)
            else:
                @pl.when(ci2 < NCHUNK // 2 - 1)
                def _():
                    start_fetch(ci + 1, 0)
            pass1(bpar)
            @pl.when(ci > 0)
            def _():
                out_wait()
            pass2(bpar)
            pltpu.async_copy(obuf, out_hbm.at[w, pl.ds(ci * G, G)], osem)
        return carry

    lax.fori_loop(0, NCHUNK // 2, pair, 0)
    out_wait()


_mesh = plsc.VectorSubcoreMesh(core_axis_name="c", subcore_axis_name="s")

_embed_ln = functools.partial(
    pl.kernel,
    out_type=jax.ShapeDtypeStruct((B, T, H), jnp.float32),
    mesh=_mesh,
    scratch_types=[
        pltpu.VMEM((T,), jnp.int32),
        pltpu.VMEM((G, H), jnp.float32),
        pltpu.VMEM((G, H), jnp.float32),
        pltpu.VMEM((G, H), jnp.float32),
        pltpu.VMEM((G, H), jnp.float32),
        pltpu.VMEM((G, H), jnp.float32),
        pltpu.VMEM_SHARED((T, H), jnp.float32),
        pltpu.SMEM((2 * G,), jnp.float32),
        pltpu.VMEM((H,), jnp.float32),
        pltpu.VMEM((H,), jnp.float32),
        pltpu.SemaphoreType.DMA,
        pltpu.SemaphoreType.DMA,
        pltpu.SemaphoreType.DMA,
        pltpu.SemaphoreType.DMA,
        pltpu.SemaphoreType.DMA,
    ],
)(_body)


@jax.jit
def kernel(input_ids, word_emb, pos_emb, ln_gamma, ln_beta):
    return _embed_ln(input_ids.astype(jnp.int32), word_emb, pos_emb,
                     ln_gamma, ln_beta)

# --- scband reference (transcript-rebuilt; emitter-appended) ---
"""Pipeline reference for scband-fnet-embeddings-64776696758520 (READ-ONLY COPY).

The authoritative reference and input builder live on the scoring server;
editing this copy changes nothing except your own understanding.
"""

import jax, jax.numpy as jnp
import numpy as np

VOCAB = 50257
HIDDEN = 768
MAX_POS = 1024
EPS = 1e-12
PAD_ID = 50256


def setup_inputs(seed: int = 0) -> dict:
    key = jax.random.key(seed)
    k1, k2, k3 = jax.random.split(key, 3)
    input_ids = jax.random.randint(k1, (32, 1024), 0, VOCAB, dtype=jnp.int64 if jax.config.jax_enable_x64 else jnp.int32)
    word_emb = jax.random.normal(k2, (VOCAB, HIDDEN), dtype=jnp.float32) * 0.02
    # padding_idx row is zero in torch nn.Embedding
    word_emb = word_emb.at[PAD_ID].set(0.0)
    pos_emb = jax.random.normal(k3, (MAX_POS, HIDDEN), dtype=jnp.float32) * 0.02
    ln_gamma = jnp.ones((HIDDEN,), dtype=jnp.float32)
    ln_beta = jnp.zeros((HIDDEN,), dtype=jnp.float32)
    return {"input_ids": input_ids, "word_emb": word_emb, "pos_emb": pos_emb, "ln_gamma": ln_gamma, "ln_beta": ln_beta}


def layer_norm(x, gamma, beta, eps=EPS):
    mean = jnp.mean(x, axis=-1, keepdims=True)
    var = jnp.mean((x - mean) ** 2, axis=-1, keepdims=True)
    return (x - mean) / jnp.sqrt(var + eps) * gamma + beta


def reference(input_ids, word_emb, pos_emb, ln_gamma, ln_beta):
    seq_len = input_ids.shape[1]
    pos_ids = jnp.arange(seq_len)[None, :]
    embeds = jnp.take(word_emb, input_ids, axis=0) + jnp.take(pos_emb, pos_ids, axis=0)
    # dropout is identity in eval mode
    return layer_norm(embeds, ln_gamma, ln_beta)

if __name__ == "__main__":
    import jax
    _d = setup_inputs()
    print(jax.jit(kernel)(*tuple(_d.values())))

</pallas_src>

<mosaic_0001>
#map = affine_map<(d0, d1) -> (0, 0)>
#map1 = affine_map<(d0, d1) -> (0)>
#map2 = affine_map<(d0, d1) -> (0, 0, 0)>
module attributes {stable_mosaic.version = 14 : i64} {
  func.func @_body(%arg0: i32, %arg1: i32, %arg2: memref<32x1024xi32, #tpu.memory_space<hbm>>, %arg3: memref<50257x768xf32, #tpu.memory_space<hbm>>, %arg4: memref<1024x768xf32, #tpu.memory_space<hbm>>, %arg5: memref<768xf32, #tpu.memory_space<hbm>>, %arg6: memref<768xf32, #tpu.memory_space<hbm>>, %arg7: memref<32x1024x768xf32, #tpu.memory_space<hbm>>, %arg8: memref<1024xi32, #tpu.memory_space<vmem>>, %arg9: memref<16x768xf32, #tpu.memory_space<vmem>>, %arg10: memref<16x768xf32, #tpu.memory_space<vmem>>, %arg11: memref<16x768xf32, #tpu.memory_space<vmem>>, %arg12: memref<16x768xf32, #tpu.memory_space<vmem>>, %arg13: memref<16x768xf32, #tpu.memory_space<vmem>>, %arg14: memref<1024x768xf32, #tpu.memory_space<vmem_shared>>, %arg15: memref<32xf32, #tpu.memory_space<smem>>, %arg16: memref<768xf32, #tpu.memory_space<vmem>>, %arg17: memref<768xf32, #tpu.memory_space<vmem>>, %arg18: memref<!tpu.dma_semaphore, #tpu.memory_space<semaphore_mem>>, %arg19: memref<!tpu.dma_semaphore, #tpu.memory_space<semaphore_mem>>, %arg20: memref<!tpu.dma_semaphore, #tpu.memory_space<semaphore_mem>>, %arg21: memref<!tpu.dma_semaphore, #tpu.memory_space<semaphore_mem>>, %arg22: memref<!tpu.dma_semaphore, #tpu.memory_space<semaphore_mem>>) attributes {dimension_semantics = [#tpu.dimension_semantics<core_parallel>, #tpu.dimension_semantics<subcore_parallel>], iteration_bounds = array<i64: 2, 16>, scalar_prefetch = 0 : i64, scratch_operands = 15 : i64, tpu.core_type = #tpu.core_type<sc_vector_subcore>, window_params = [{transform_indices = #map}, {transform_indices = #map}, {transform_indices = #map}, {transform_indices = #map1}, {transform_indices = #map1}, {transform_indices = #map2}]} {
    %mul3A = arith.constant 2 : i32
    %mul3A_0 = arith.muli %arg1, %mul3A : i32
    %add3A = arith.addi %mul3A_0, %arg0 : i32
    "tpu.region"() ({
      %run_scoped3A = tpu.sem_alloc : memref<!tpu.dma_semaphore, #tpu.memory_space<semaphore_mem>>
      %dma_start3A_27 = arith.constant 0 : i32
      %dma_start3A_28 = tpu.memref_slice %arg2[%add3A, %dma_start3A_27] : memref<32x1024xi32, #tpu.memory_space<hbm>> -> memref<1x1024xi32, #tpu.memory_space<hbm>>
      %dma_start3A_29 = tpu.memref_squeeze %dma_start3A_28 : memref<1x1024xi32, #tpu.memory_space<hbm>> -> memref<1024xi32, #tpu.memory_space<hbm>>
      %dma_start3A_30 = arith.constant 0 : i32
      %dma_start3A_31 = tpu.memref_slice %arg2[%add3A, %dma_start3A_30] : memref<32x1024xi32, #tpu.memory_space<hbm>> -> memref<1x1024xi32, #tpu.memory_space<hbm>>
      %dma_start3A_32 = tpu.memref_squeeze %dma_start3A_31 : memref<1x1024xi32, #tpu.memory_space<hbm>> -> memref<1024xi32, #tpu.memory_space<hbm>>
      tpu.enqueue_dma source(%dma_start3A_32 : memref<1024xi32, #tpu.memory_space<hbm>>) target(%arg8 : memref<1024xi32, #tpu.memory_space<vmem>>) target_semaphore(%run_scoped3A : memref<!tpu.dma_semaphore, #tpu.memory_space<semaphore_mem>>)
      %dma_wait3A_33 = arith.constant 0 : i32
      %dma_wait3A_34 = tpu.memref_slice %arg2[%add3A, %dma_wait3A_33] : memref<32x1024xi32, #tpu.memory_space<hbm>> -> memref<1x1024xi32, #tpu.memory_space<hbm>>
      %dma_wait3A_35 = tpu.memref_squeeze %dma_wait3A_34 : memref<1x1024xi32, #tpu.memory_space<hbm>> -> memref<1024xi32, #tpu.memory_space<hbm>>
      %dma_wait3A_36 = arith.constant 0 : i32
      %dma_wait3A_37 = tpu.memref_slice %arg2[%add3A, %dma_wait3A_36] : memref<32x1024xi32, #tpu.memory_space<hbm>> -> memref<1x1024xi32, #tpu.memory_space<hbm>>
      %dma_wait3A_38 = tpu.memref_squeeze %dma_wait3A_37 : memref<1x1024xi32, #tpu.memory_space<hbm>> -> memref<1024xi32, #tpu.memory_space<hbm>>
      tpu.wait_dma2 semaphore(%run_scoped3A : memref<!tpu.dma_semaphore, #tpu.memory_space<semaphore_mem>>) src(%dma_wait3A_38 : memref<1024xi32, #tpu.memory_space<hbm>>) dst(%arg8 : memref<1024xi32, #tpu.memory_space<vmem>>)
      tpu.yield
    }) : () -> ()
    %mul3A_1 = arith.constant 64 : i32
    %mul3A_2 = arith.muli %arg1, %mul3A_1 : i32
    %mul3A_3 = arith.constant 64 : i32
    %mul3A_4 = arith.muli %arg1, %mul3A_3 : i32
    "tpu.region"() ({
      %run_scoped3A = tpu.sem_alloc : memref<!tpu.dma_semaphore, #tpu.memory_space<semaphore_mem>>
      %dma_start3A_27 = arith.constant 0 : i32
      %dma_start3A_28 = tpu.memref_slice %arg14[%mul3A_4, %dma_start3A_27] : memref<1024x768xf32, #tpu.memory_space<vmem_shared>> -> memref<64x768xf32, #tpu.memory_space<vmem_shared>>
      %dma_start3A_29 = arith.constant 0 : i32
      %dma_start3A_30 = tpu.memref_slice %arg4[%mul3A_2, %dma_start3A_29] : memref<1024x768xf32, #tpu.memory_space<hbm>> -> memref<64x768xf32, #tpu.memory_space<hbm>>
      tpu.enqueue_dma source(%dma_start3A_30 : memref<64x768xf32, #tpu.memory_space<hbm>>) target(%dma_start3A_28 : memref<64x768xf32, #tpu.memory_space<vmem_shared>>) target_semaphore(%run_scoped3A : memref<!tpu.dma_semaphore, #tpu.memory_space<semaphore_mem>>)
      %dma_wait3A_31 = arith.constant 0 : i32
      %dma_wait3A_32 = tpu.memref_slice %arg14[%mul3A_4, %dma_wait3A_31] : memref<1024x768xf32, #tpu.memory_space<vmem_shared>> -> memref<64x768xf32, #tpu.memory_space<vmem_shared>>
      %dma_wait3A_33 = arith.constant 0 : i32
      %dma_wait3A_34 = tpu.memref_slice %arg4[%mul3A_2, %dma_wait3A_33] : memref<1024x768xf32, #tpu.memory_space<hbm>> -> memref<64x768xf32, #tpu.memory_space<hbm>>
      tpu.wait_dma2 semaphore(%run_scoped3A : memref<!tpu.dma_semaphore, #tpu.memory_space<semaphore_mem>>) src(%dma_wait3A_34 : memref<64x768xf32, #tpu.memory_space<hbm>>) dst(%dma_wait3A_32 : memref<64x768xf32, #tpu.memory_space<vmem_shared>>)
      tpu.yield
    }) : () -> ()
    %barrier3A = arith.constant 0 : index
    tpu.barrier barrier_id(%barrier3A)
    %dma_start3A = arith.constant 0 : i32
    %dma_start3A_5 = tpu.memref_slice %arg8[%dma_start3A] : memref<1024xi32, #tpu.memory_space<vmem>> -> memref<16xi32, #tpu.memory_space<vmem>>
    %dma_start3A_6 = arith.constant 0 : i32
    %dma_start3A_7 = arith.constant 0 : i32
    %dma_start3A_8 = tpu.memref_slice %arg3[%dma_start3A_6, %dma_start3A_7] : memref<50257x768xf32, #tpu.memory_space<hbm>> -> memref<50257x768xf32, #tpu.memory_space<hbm>>
    tpu.enqueue_indirect_dma source(%dma_start3A_8 : memref<50257x768xf32, #tpu.memory_space<hbm>>) target(%arg9 : memref<16x768xf32, #tpu.memory_space<vmem>>) offsets(%dma_start3A_5 : memref<16xi32, #tpu.memory_space<vmem>>) semaphore(%arg18 : memref<!tpu.dma_semaphore, #tpu.memory_space<semaphore_mem>>)
    %dma_start3A_9 = arith.constant 0 : i32
    %dma_start3A_10 = arith.constant 0 : i32
    %dma_start3A_11 = tpu.memref_slice %arg14[%dma_start3A_9, %dma_start3A_10] : memref<1024x768xf32, #tpu.memory_space<vmem_shared>> -> memref<16x768xf32, #tpu.memory_space<vmem_shared>>
    %dma_start3A_12 = arith.constant 0 : i32
    %dma_start3A_13 = arith.constant 0 : i32
    %dma_start3A_14 = tpu.memref_slice %arg14[%dma_start3A_12, %dma_start3A_13] : memref<1024x768xf32, #tpu.memory_space<vmem_shared>> -> memref<16x768xf32, #tpu.memory_space<vmem_shared>>
    tpu.enqueue_dma source(%dma_start3A_14 : memref<16x768xf32, #tpu.memory_space<vmem_shared>>) target(%arg11 : memref<16x768xf32, #tpu.memory_space<vmem>>) target_semaphore(%arg20 : memref<!tpu.dma_semaphore, #tpu.memory_space<semaphore_mem>>)
    "tpu.region"() ({
      %run_scoped3A = tpu.sem_alloc : memref<!tpu.dma_semaphore, #tpu.memory_space<semaphore_mem>>
      tpu.enqueue_dma source(%arg5 : memref<768xf32, #tpu.memory_space<hbm>>) target(%arg16 : memref<768xf32, #tpu.memory_space<vmem>>) target_semaphore(%run_scoped3A : memref<!tpu.dma_semaphore, #tpu.memory_space<semaphore_mem>>)
      tpu.wait_dma2 semaphore(%run_scoped3A : memref<!tpu.dma_semaphore, #tpu.memory_space<semaphore_mem>>) src(%arg5 : memref<768xf32, #tpu.memory_space<hbm>>) dst(%arg16 : memref<768xf32, #tpu.memory_space<vmem>>)
      tpu.yield
    }) : () -> ()
    "tpu.region"() ({
      %run_scoped3A = tpu.sem_alloc : memref<!tpu.dma_semaphore, #tpu.memory_space<semaphore_mem>>
      tpu.enqueue_dma source(%arg6 : memref<768xf32, #tpu.memory_space<hbm>>) target(%arg17 : memref<768xf32, #tpu.memory_space<vmem>>) target_semaphore(%run_scoped3A : memref<!tpu.dma_semaphore, #tpu.memory_space<semaphore_mem>>)
      tpu.wait_dma2 semaphore(%run_scoped3A : memref<!tpu.dma_semaphore, #tpu.memory_space<semaphore_mem>>) src(%arg6 : memref<768xf32, #tpu.memory_space<hbm>>) dst(%arg17 : memref<768xf32, #tpu.memory_space<vmem>>)
      tpu.yield
    }) : () -> ()
    %scan3A = arith.constant 0 : i32
    %scan3A_15 = arith.constant 0 : i32
    %scan3A_16 = arith.constant 32 : i32
    %scan3A_17 = arith.addi %scan3A_15, %scan3A_16 : i32
    %scan3A_18 = arith.constant 1 : i32
    scf.for %scan3A_27 = %scan3A_15 to %scan3A_17 step %scan3A_18  : i32 {
      %mul3A_28 = arith.constant 2 : i32
      %mul3A_29 = arith.muli %scan3A_27, %mul3A_28 : i32
      %add3A_30 = arith.constant 0 : i32
      %add3A_31 = arith.addi %mul3A_29, %add3A_30 : i32
      %dma_wait3A_32 = arith.constant 0 : i32
      %dma_wait3A_33 = tpu.memref_slice %arg8[%dma_wait3A_32] : memref<1024xi32, #tpu.memory_space<vmem>> -> memref<16xi32, #tpu.memory_space<vmem>>
      %dma_wait3A_34 = arith.constant 0 : i32
      %dma_wait3A_35 = arith.constant 0 : i32
      %dma_wait3A_36 = tpu.memref_slice %arg3[%dma_wait3A_34, %dma_wait3A_35] : memref<50257x768xf32, #tpu.memory_space<hbm>> -> memref<50257x768xf32, #tpu.memory_space<hbm>>
      tpu.wait_indirect_dma semaphore(%arg18 : memref<!tpu.dma_semaphore, #tpu.memory_space<semaphore_mem>>) src(%dma_wait3A_36 : memref<50257x768xf32, #tpu.memory_space<hbm>>) dst(%arg9 : memref<16x768xf32, #tpu.memory_space<vmem>>)
      %dma_wait3A_37 = arith.constant 0 : i32
      %dma_wait3A_38 = arith.constant 0 : i32
      %dma_wait3A_39 = tpu.memref_slice %arg14[%dma_wait3A_37, %dma_wait3A_38] : memref<1024x768xf32, #tpu.memory_space<vmem_shared>> -> memref<16x768xf32, #tpu.memory_space<vmem_shared>>
      %dma_wait3A_40 = arith.constant 0 : i32
      %dma_wait3A_41 = arith.constant 0 : i32
      %dma_wait3A_42 = tpu.memref_slice %arg14[%dma_wait3A_40, %dma_wait3A_41] : memref<1024x768xf32, #tpu.memory_space<vmem_shared>> -> memref<16x768xf32, #tpu.memory_space<vmem_shared>>
      tpu.wait_dma2 semaphore(%arg20 : memref<!tpu.dma_semaphore, #tpu.memory_space<semaphore_mem>>) src(%dma_wait3A_42 : memref<16x768xf32, #tpu.memory_space<vmem_shared>>) dst(%arg11 : memref<16x768xf32, #tpu.memory_space<vmem>>)
      %add3A_43 = arith.constant 1 : i32
      %add3A_44 = arith.addi %add3A_31, %add3A_43 : i32
      %mul3A_45 = arith.constant 16 : i32
      %mul3A_46 = arith.muli %add3A_44, %mul3A_45 : i32
      %dma_start3A_47 = tpu.memref_slice %arg8[%mul3A_46] : memref<1024xi32, #tpu.memory_space<vmem>> -> memref<16xi32, #tpu.memory_space<vmem>>
      %dma_start3A_48 = arith.constant 0 : i32
      %dma_start3A_49 = arith.constant 0 : i32
      %dma_start3A_50 = tpu.memref_slice %arg3[%dma_start3A_48, %dma_start3A_49] : memref<50257x768xf32, #tpu.memory_space<hbm>> -> memref<50257x768xf32, #tpu.memory_space<hbm>>
      tpu.enqueue_indirect_dma source(%dma_start3A_50 : memref<50257x768xf32, #tpu.memory_space<hbm>>) target(%arg10 : memref<16x768xf32, #tpu.memory_space<vmem>>) offsets(%dma_start3A_47 : memref<16xi32, #tpu.memory_space<vmem>>) semaphore(%arg19 : memref<!tpu.dma_semaphore, #tpu.memory_space<semaphore_mem>>)
      %dma_start3A_51 = arith.constant 0 : i32
      %dma_start3A_52 = tpu.memref_slice %arg14[%mul3A_46, %dma_start3A_51] : memref<1024x768xf32, #tpu.memory_space<vmem_shared>> -> memref<16x768xf32, #tpu.memory_space<vmem_shared>>
      %dma_start3A_53 = arith.constant 0 : i32
      %dma_start3A_54 = tpu.memref_slice %arg14[%mul3A_46, %dma_start3A_53] : memref<1024x768xf32, #tpu.memory_space<vmem_shared>> -> memref<16x768xf32, #tpu.memory_space<vmem_shared>>
      tpu.enqueue_dma source(%dma_start3A_54 : memref<16x768xf32, #tpu.memory_space<vmem_shared>>) target(%arg12 : memref<16x768xf32, #tpu.memory_space<vmem>>) target_semaphore(%arg21 : memref<!tpu.dma_semaphore, #tpu.memory_space<semaphore_mem>>)
      %parallel_loop3A = arith.constant 0 : i32
      %parallel_loop3A_55 = arith.constant 16 : i32
      %parallel_loop3A_56 = arith.constant 1 : i32
      scf.for %parallel_loop3A_108 = %parallel_loop3A to %parallel_loop3A_55 step %parallel_loop3A_56  : i32 {
        %parallel_loop3A_109 = arith.constant 0.000000e+00 : f32
        %parallel_loop3A_110 = vector.broadcast %parallel_loop3A_109 : f32 to vector<16xf32>
        %parallel_loop3A_111 = arith.constant 0.000000e+00 : f32
        %parallel_loop3A_112 = vector.broadcast %parallel_loop3A_111 : f32 to vector<16xf32>
        %parallel_loop3A_113 = arith.constant 0.000000e+00 : f32
        %parallel_loop3A_114 = vector.broadcast %parallel_loop3A_113 : f32 to vector<16xf32>
        %parallel_loop3A_115 = arith.constant 0.000000e+00 : f32
        %parallel_loop3A_116 = vector.broadcast %parallel_loop3A_115 : f32 to vector<16xf32>
        %parallel_loop3A_117 = arith.constant 0.000000e+00 : f32
        %parallel_loop3A_118 = vector.broadcast %parallel_loop3A_117 : f32 to vector<16xf32>
        %parallel_loop3A_119 = arith.constant 0.000000e+00 : f32
        %parallel_loop3A_120 = vector.broadcast %parallel_loop3A_119 : f32 to vector<16xf32>
        %parallel_loop3A_121 = arith.constant 0.000000e+00 : f32
        %parallel_loop3A_122 = vector.broadcast %parallel_loop3A_121 : f32 to vector<16xf32>
        %parallel_loop3A_123 = arith.constant 0.000000e+00 : f32
        %parallel_loop3A_124 = vector.broadcast %parallel_loop3A_123 : f32 to vector<16xf32>
        %parallel_loop3A_125 = arith.index_cast %parallel_loop3A_108 : i32 to index
        %parallel_loop3A_126 = arith.constant 0 : index
        %parallel_loop3A_127 = tpu.vector_load %arg9[%parallel_loop3A_125, %parallel_loop3A_126] {strides = array<i32>} : memref<16x768xf32, #tpu.memory_space<vmem>>, vector<1x16xf32>,
        %parallel_loop3A_128 = vector.shape_cast %parallel_loop3A_127 : vector<1x16xf32> to vector<16xf32>
        %parallel_loop3A_129 = arith.index_cast %parallel_loop3A_108 : i32 to index
        %parallel_loop3A_130 = arith.constant 0 : index
        %parallel_loop3A_131 = tpu.vector_load %arg11[%parallel_loop3A_129, %parallel_loop3A_130] {strides = array<i32>} : memref<16x768xf32, #tpu.memory_space<vmem>>, vector<1x16xf32>,
        %parallel_loop3A_132 = vector.shape_cast %parallel_loop3A_131 : vector<1x16xf32> to vector<16xf32>
        %parallel_loop3A_133 = arith.addf %parallel_loop3A_128, %parallel_loop3A_132 : vector<16xf32>
        %parallel_loop3A_134 = arith.index_cast %parallel_loop3A_108 : i32 to index
        %parallel_loop3A_135 = arith.constant 0 : index
        %parallel_loop3A_136 = tpu.vector_load %arg9[%parallel_loop3A_134, %parallel_loop3A_135] {strides = array<i32>} : memref<16x768xf32, #tpu.memory_space<vmem>>, vector<1x16xf32>,
        %parallel_loop3A_137 = vector.shape_cast %parallel_loop3A_136 : vector<1x16xf32> to vector<16xf32>
        %parallel_loop3A_138 = vector.shape_cast %parallel_loop3A_133 : vector<16xf32> to vector<1x16xf32>
        tpu.vector_store %arg9[%parallel_loop3A_134, %parallel_loop3A_135], %parallel_loop3A_138 {strides = array<i32>} : memref<16x768xf32, #tpu.memory_space<vmem>>, vector<1x16xf32>,
        %parallel_loop3A_139 = arith.addf %parallel_loop3A_110, %parallel_loop3A_133 : vector<16xf32>
        %parallel_loop3A_140 = arith.mulf %parallel_loop3A_133, %parallel_loop3A_133 : vector<16xf32>
        %parallel_loop3A_141 = arith.addf %parallel_loop3A_118, %parallel_loop3A_140 : vector<16xf32>
        %parallel_loop3A_142 = arith.index_cast %parallel_loop3A_108 : i32 to index
        %parallel_loop3A_143 = arith.constant 16 : index
        %parallel_loop3A_144 = tpu.vector_load %arg9[%parallel_loop3A_142, %parallel_loop3A_143] {strides = array<i32>} : memref<16x768xf32, #tpu.memory_space<vmem>>, vector<1x16xf32>,
        %parallel_loop3A_145 = vector.shape_cast %parallel_loop3A_144 : vector<1x16xf32> to vector<16xf32>
        %parallel_loop3A_146 = arith.index_cast %parallel_loop3A_108 : i32 to index
        %parallel_loop3A_147 = arith.constant 16 : index
        %parallel_loop3A_148 = tpu.vector_load %arg11[%parallel_loop3A_146, %parallel_loop3A_147] {strides = array<i32>} : memref<16x768xf32, #tpu.memory_space<vmem>>, vector<1x16xf32>,
        %parallel_loop3A_149 = vector.shape_cast %parallel_loop3A_148 : vector<1x16xf32> to vector<16xf32>
        %parallel_loop3A_150 = arith.addf %parallel_loop3A_145, %parallel_loop3A_149 : vector<16xf32>
        %parallel_loop3A_151 = arith.index_cast %parallel_loop3A_108 : i32 to index
        %parallel_loop3A_152 = arith.constant 16 : index
        %parallel_loop3A_153 = tpu.vector_load %arg9[%parallel_loop3A_151, %parallel_loop3A_152] {strides = array<i32>} : memref<16x768xf32, #tpu.memory_space<vmem>>, vector<1x16xf32>,
        %parallel_loop3A_154 = vector.shape_cast %parallel_loop3A_153 : vector<1x16xf32> to vector<16xf32>
        %parallel_loop3A_155 = vector.shape_cast %parallel_loop3A_150 : vector<16xf32> to vector<1x16xf32>
        tpu.vector_store %arg9[%parallel_loop3A_151, %parallel_loop3A_152], %parallel_loop3A_155 {strides = array<i32>} : memref<16x768xf32, #tpu.memory_space<vmem>>, vector<1x16xf32>,
        %parallel_loop3A_156 = arith.addf %parallel_loop3A_112, %parallel_loop3A_150 : vector<16xf32>
        %parallel_loop3A_157 = arith.mulf %parallel_loop3A_150, %parallel_loop3A_150 : vector<16xf32>
        %parallel_loop3A_158 = arith.addf %parallel_loop3A_120, %parallel_loop3A_157 : vector<16xf32>
        %parallel_loop3A_159 = arith.index_cast %parallel_loop3A_108 : i32 to index
        %parallel_loop3A_160 = arith.constant 32 : index
        %parallel_loop3A_161 = tpu.vector_load %arg9[%parallel_loop3A_159, %parallel_loop3A_160] {strides = array<i32>} : memref<16x768xf32, #tpu.memory_space<vmem>>, vector<1x16xf32>,
        %parallel_loop3A_162 = vector.shape_cast %parallel_loop3A_161 : vector<1x16xf32> to vector<16xf32>
        %parallel_loop3A_163 = arith.index_cast %parallel_loop3A_108 : i32 to index
        %parallel_loop3A_164 = arith.constant 32 : index
        %parallel_loop3A_165 = tpu.vector_load %arg11[%parallel_loop3A_163, %parallel_loop3A_164] {strides = array<i32>} : memref<16x768xf32, #tpu.memory_space<vmem>>, vector<1x16xf32>,
        %parallel_loop3A_166 = vector.shape_cast %parallel_loop3A_165 : vector<1x16xf32> to vector<16xf32>
        %parallel_loop3A_167 = arith.addf %parallel_loop3A_162, %parallel_loop3A_166 : vector<16xf32>
        %parallel_loop3A_168 = arith.index_cast %parallel_loop3A_108 : i32 to index
        %parallel_loop3A_169 = arith.constant 32 : index
        %parallel_loop3A_170 = tpu.vector_load %arg9[%parallel_loop3A_168, %parallel_loop3A_169] {strides = array<i32>} : memref<16x768xf32, #tpu.memory_space<vmem>>, vector<1x16xf32>,
        %parallel_loop3A_171 = vector.shape_cast %parallel_loop3A_170 : vector<1x16xf32> to vector<16xf32>
        %parallel_loop3A_172 = vector.shape_cast %parallel_loop3A_167 : vector<16xf32> to vector<1x16xf32>
        tpu.vector_store %arg9[%parallel_loop3A_168, %parallel_loop3A_169], %parallel_loop3A_172 {strides = array<i32>} : memref<16x768xf32, #tpu.memory_space<vmem>>, vector<1x16xf32>,
        %parallel_loop3A_173 = arith.addf %parallel_loop3A_114, %parallel_loop3A_167 : vector<16xf32>
        %parallel_loop3A_174 = arith.mulf %parallel_loop3A_167, %parallel_loop3A_167 : vector<16xf32>
        %parallel_loop3A_175 = arith.addf %parallel_loop3A_122, %parallel_loop3A_174 : vector<16xf32>
        %parallel_loop3A_176 = arith.index_cast %parallel_loop3A_108 : i32 to index
        %parallel_loop3A_177 = arith.constant 48 : index
        %parallel_loop3A_178 = tpu.vector_load %arg9[%parallel_loop3A_176, %parallel_loop3A_177] {strides = array<i32>} : memref<16x768xf32, #tpu.memory_space<vmem>>, vector<1x16xf32>,
        %parallel_loop3A_179 = vector.shape_cast %parallel_loop3A_178 : vector<1x16xf32> to vector<16xf32>
        %parallel_loop3A_180 = arith.index_cast %parallel_loop3A_108 : i32 to index
        %parallel_loop3A_181 = arith.constant 48 : index
        %parallel_loop3A_182 = tpu.vector_load %arg11[%parallel_loop3A_180, %parallel_loop3A_181] {strides = array<i32>} : memref<16x768xf32, #tpu.memory_space<vmem>>, vector<1x16xf32>,
        %parallel_loop3A_183 = vector.shape_cast %parallel_loop3A_182 : vector<1x16xf32> to vector<16xf32>
        %parallel_loop3A_184 = arith.addf %parallel_loop3A_179, %parallel_loop3A_183 : vector<16xf32>
        %parallel_loop3A_185 = arith.index_cast %parallel_loop3A_108 : i32 to index
        %parallel_loop3A_186 = arith.constant 48 : index
        %parallel_loop3A_187 = tpu.vector_load %arg9[%parallel_loop3A_185, %parallel_loop3A_186] {strides = array<i32>} : memref<16x768xf32, #tpu.memory_space<vmem>>, vector<1x16xf32>,
        %parallel_loop3A_188 = vector.shape_cast %parallel_loop3A_187 : vector<1x16xf32> to vector<16xf32>
        %parallel_loop3A_189 = vector.shape_cast %parallel_loop3A_184 : vector<16xf32> to vector<1x16xf32>
        tpu.vector_store %arg9[%parallel_loop3A_185, %parallel_loop3A_186], %parallel_loop3A_189 {strides = array<i32>} : memref<16x768xf32, #tpu.memory_space<vmem>>, vector<1x16xf32>,
        %parallel_loop3A_190 = arith.addf %parallel_loop3A_116, %parallel_loop3A_184 : vector<16xf32>
        %parallel_loop3A_191 = arith.mulf %parallel_loop3A_184, %parallel_loop3A_184 : vector<16xf32>
        %parallel_loop3A_192 = arith.addf %parallel_loop3A_124, %parallel_loop3A_191 : vector<16xf32>
        %parallel_loop3A_193 = arith.index_cast %parallel_loop3A_108 : i32 to index
        %parallel_loop3A_194 = arith.constant 64 : index
        %parallel_loop3A_195 = tpu.vector_load %arg9[%parallel_loop3A_193, %parallel_loop3A_194] {strides = array<i32>} : memref<16x768xf32, #tpu.memory_space<vmem>>, vector<1x16xf32>,
        %parallel_loop3A_196 = vector.shape_cast %parallel_loop3A_195 : vector<1x16xf32> to vector<16xf32>
        %parallel_loop3A_197 = arith.index_cast %parallel_loop3A_108 : i32 to index
        %parallel_loop3A_198 = arith.constant 64 : index
        %parallel_loop3A_199 = tpu.vector_load %arg11[%parallel_loop3A_197, %parallel_loop3A_198] {strides = array<i32>} : memref<16x768xf32, #tpu.memory_space<vmem>>, vector<1x16xf32>,
        %parallel_loop3A_200 = vector.shape_cast %parallel_loop3A_199 : vector<1x16xf32> to vector<16xf32>
        %parallel_loop3A_201 = arith.addf %parallel_loop3A_196, %parallel_loop3A_200 : vector<16xf32>
        %parallel_loop3A_202 = arith.index_cast %parallel_loop3A_108 : i32 to index
        %parallel_loop3A_203 = arith.constant 64 : index
        %parallel_loop3A_204 = tpu.vector_load %arg9[%parallel_loop3A_202, %parallel_loop3A_203] {strides = array<i32>} : memref<16x768xf32, #tpu.memory_space<vmem>>, vector<1x16xf32>,
        %parallel_loop3A_205 = vector.shape_cast %parallel_loop3A_204 : vector<1x16xf32> to vector<16xf32>
        %parallel_loop3A_206 = vector.shape_cast %parallel_loop3A_201 : vector<16xf32> to vector<1x16xf32>
        tpu.vector_store %arg9[%parallel_loop3A_202, %parallel_loop3A_203], %parallel_loop3A_206 {strides = array<i32>} : memref<16x768xf32, #tpu.memory_space<vmem>>, vector<1x16xf32>,
        %parallel_loop3A_207 = arith.addf %parallel_loop3A_139, %parallel_loop3A_201 : vector<16xf32>
        %parallel_loop3A_208 = arith.mulf %parallel_loop3A_201, %parallel_loop3A_201 : vector<16xf32>
        %parallel_loop3A_209 = arith.addf %parallel_loop3A_141, %parallel_loop3A_208 : vector<16xf32>
        %parallel_loop3A_210 = arith.index_cast %parallel_loop3A_108 : i32 to index
        %parallel_loop3A_211 = arith.constant 80 : index
        %parallel_loop3A_212 = tpu.vector_load %arg9[%parallel_loop3A_210, %parallel_loop3A_211] {strides = array<i32>} : memref<16x768xf32, #tpu.memory_space<vmem>>, vector<1x16xf32>,
        %parallel_loop3A_213 = vector.shape_cast %parallel_loop3A_212 : vector<1x16xf32> to vector<16xf32>
        %parallel_loop3A_214 = arith.index_cast %parallel_loop3A_108 : i32 to index
        %parallel_loop3A_215 = arith.constant 80 : index
        %parallel_loop3A_216 = tpu.vector_load %arg11[%parallel_loop3A_214, %parallel_loop3A_215] {strides = array<i32>} : memref<16x768xf32, #tpu.memory_space<vmem>>, vector<1x16xf32>,
        %parallel_loop3A_217 = vector.shape_cast %parallel_loop3A_216 : vector<1x16xf32> to vector<16xf32>
        %parallel_loop3A_218 = arith.addf %parallel_loop3A_213, %parallel_loop3A_217 : vector<16xf32>
        %parallel_loop3A_219 = arith.index_cast %parallel_loop3A_108 : i32 to index
        %parallel_loop3A_220 = arith.constant 80 : index
        %parallel_loop3A_221 = tpu.vector_load %arg9[%parallel_loop3A_219, %parallel_loop3A_220] {strides = array<i32>} : memref<16x768xf32, #tpu.memory_space<vmem>>, vector<1x16xf32>,
        %parallel_loop3A_222 = vector.shape_cast %parallel_loop3A_221 : vector<1x16xf32> to vector<16xf32>
        %parallel_loop3A_223 = vector.shape_cast %parallel_loop3A_218 : vector<16xf32> to vector<1x16xf32>
        tpu.vector_store %arg9[%parallel_loop3A_219, %parallel_loop3A_220], %parallel_loop3A_223 {strides = array<i32>} : memref<16x768xf32, #tpu.memory_space<vmem>>, vector<1x16xf32>,
        %parallel_loop3A_224 = arith.addf %parallel_loop3A_156, %parallel_loop3A_218 : vector<16xf32>
        %parallel_loop3A_225 = arith.mulf %parallel_loop3A_218, %parallel_loop3A_218 : vector<16xf32>
        %parallel_loop3A_226 = arith.addf %parallel_loop3A_158, %parallel_loop3A_225 : vector<16xf32>
        %parallel_loop3A_227 = arith.index_cast %parallel_loop3A_108 : i32 to index
        %parallel_loop3A_228 = arith.constant 96 : index
        %parallel_loop3A_229 = tpu.vector_load %arg9[%parallel_loop3A_227, %parallel_loop3A_228] {strides = array<i32>} : memref<16x768xf32, #tpu.memory_space<vmem>>, vector<1x16xf32>,
        %parallel_loop3A_230 = vector.shape_cast %parallel_loop3A_229 : vector<1x16xf32> to vector<16xf32>
        %parallel_loop3A_231 = arith.index_cast %parallel_loop3A_108 : i32 to index
        %parallel_loop3A_232 = arith.constant 96 : index
        %parallel_loop3A_233 = tpu.vector_load %arg11[%parallel_loop3A_231, %parallel_loop3A_232] {strides = array<i32>} : memref<16x768xf32, #tpu.memory_space<vmem>>, vector<1x16xf32>,
        %parallel_loop3A_234 = vector.shape_cast %parallel_loop3A_233 : vector<1x16xf32> to vector<16xf32>
        %parallel_loop3A_235 = arith.addf %parallel_loop3A_230, %parallel_loop3A_234 : vector<16xf32>
        %parallel_loop3A_236 = arith.index_cast %parallel_loop3A_108 : i32 to index
        %parallel_loop3A_237 = arith.constant 96 : index
        %parallel_loop3A_238 = tpu.vector_load %arg9[%parallel_loop3A_236, %parallel_loop3A_237] {strides = array<i32>} : memref<16x768xf32, #tpu.memory_space<vmem>>, vector<1x16xf32>,
        %parallel_loop3A_239 = vector.shape_cast %parallel_loop3A_238 : vector<1x16xf32> to vector<16xf32>
        %parallel_loop3A_240 = vector.shape_cast %parallel_loop3A_235 : vector<16xf32> to vector<1x16xf32>
        tpu.vector_store %arg9[%parallel_loop3A_236, %parallel_loop3A_237], %parallel_loop3A_240 {strides = array<i32>} : memref<16x768xf32, #tpu.memory_space<vmem>>, vector<1x16xf32>,
        %parallel_loop3A_241 = arith.addf %parallel_loop3A_173, %parallel_loop3A_235 : vector<16xf32>
        %parallel_loop3A_242 = arith.mulf %parallel_loop3A_235, %parallel_loop3A_235 : vector<16xf32>
        %parallel_loop3A_243 = arith.addf %parallel_loop3A_175, %parallel_loop3A_242 : vector<16xf32>
        %parallel_loop3A_244 = arith.index_cast %parallel_loop3A_108 : i32 to index
        %parallel_loop3A_245 = arith.constant 112 : index
        %parallel_loop3A_246 = tpu.vector_load %arg9[%parallel_loop3A_244, %parallel_loop3A_245] {strides = array<i32>} : memref<16x768xf32, #tpu.memory_space<vmem>>, vector<1x16xf32>,
        %parallel_loop3A_247 = vector.shape_cast %parallel_loop3A_246 : vector<1x16xf32> to vector<16xf32>
        %parallel_loop3A_248 = arith.index_cast %parallel_loop3A_108 : i32 to index
        %parallel_loop3A_249 = arith.constant 112 : index
        %parallel_loop3A_250 = tpu.vector_load %arg11[%parallel_loop3A_248, %parallel_loop3A_249] {strides = array<i32>} : memref<16x768xf32, #tpu.memory_space<vmem>>, vector<1x16xf32>,
        %parallel_loop3A_251 = vector.shape_cast %parallel_loop3A_250 : vector<1x16xf32> to vector<16xf32>
        %parallel_loop3A_252 = arith.addf %parallel_loop3A_247, %parallel_loop3A_251 : vector<16xf32>
        %parallel_loop3A_253 = arith.index_cast %parallel_loop3A_108 : i32 to index
        %parallel_loop3A_254 = arith.constant 112 : index
        %parallel_loop3A_255 = tpu.vector_load %arg9[%parallel_loop3A_253, %parallel_loop3A_254] {strides = array<i32>} : memref<16x768xf32, #tpu.memory_space<vmem>>, vector<1x16xf32>,
        %parallel_loop3A_256 = vector.shape_cast %parallel_loop3A_255 : vector<1x16xf32> to vector<16xf32>
        %parallel_loop3A_257 = vector.shape_cast %parallel_loop3A_252 : vector<16xf32> to vector<1x16xf32>
        tpu.vector_store %arg9[%parallel_loop3A_253, %parallel_loop3A_254], %parallel_loop3A_257 {strides = array<i32>} : memref<16x768xf32, #tpu.memory_space<vmem>>, vector<1x16xf32>,
        %parallel_loop3A_258 = arith.addf %parallel_loop3A_190, %parallel_loop3A_252 : vector<16xf32>
        %parallel_loop3A_259 = arith.mulf %parallel_loop3A_252, %parallel_loop3A_252 : vector<16xf32>
        %parallel_loop3A_260 = arith.addf %parallel_loop3A_192, %parallel_loop3A_259 : vector<16xf32>
        %parallel_loop3A_261 = arith.index_cast %parallel_loop3A_108 : i32 to index
        %parallel_loop3A_262 = arith.constant 128 : index
        %parallel_loop3A_263 = tpu.vector_load %arg9[%parallel_loop3A_261, %parallel_loop3A_262] {strides = array<i32>} : memref<16x768xf32, #tpu.memory_space<vmem>>, vector<1x16xf32>,
        %parallel_loop3A_264 = vector.shape_cast %parallel_loop3A_263 : vector<1x16xf32> to vector<16xf32>
        %parallel_loop3A_265 = arith.index_cast %parallel_loop3A_108 : i32 to index
        %parallel_loop3A_266 = arith.constant 128 : index
        %parallel_loop3A_267 = tpu.vector_load %arg11[%parallel_loop3A_265, %parallel_loop3A_266] {strides = array<i32>} : memref<16x768xf32, #tpu.memory_space<vmem>>, vector<1x16xf32>,
        %parallel_loop3A_268 = vector.shape_cast %parallel_loop3A_267 : vector<1x16xf32> to vector<16xf32>
        %parallel_loop3A_269 = arith.addf %parallel_loop3A_264, %parallel_loop3A_268 : vector<16xf32>
        %parallel_loop3A_270 = arith.index_cast %parallel_loop3A_108 : i32 to index
        %parallel_loop3A_271 = arith.constant 128 : index
        %parallel_loop3A_272 = tpu.vector_load %arg9[%parallel_loop3A_270, %parallel_loop3A_271] {strides = array<i32>} : memref<16x768xf32, #tpu.memory_space<vmem>>, vector<1x16xf32>,
        %parallel_loop3A_273 = vector.shape_cast %parallel_loop3A_272 : vector<1x16xf32> to vector<16xf32>
        %parallel_loop3A_274 = vector.shape_cast %parallel_loop3A_269 : vector<16xf32> to vector<1x16xf32>
        tpu.vector_store %arg9[%parallel_loop3A_270, %parallel_loop3A_271], %parallel_loop3A_274 {strides = array<i32>} : memref<16x768xf32, #tpu.memory_space<vmem>>, vector<1x16xf32>,
        %parallel_loop3A_275 = arith.addf %parallel_loop3A_207, %parallel_loop3A_269 : vector<16xf32>
        %parallel_loop3A_276 = arith.mulf %parallel_loop3A_269, %parallel_loop3A_269 : vector<16xf32>
        %parallel_loop3A_277 = arith.addf %parallel_loop3A_209, %parallel_loop3A_276 : vector<16xf32>
        %parallel_loop3A_278 = arith.index_cast %parallel_loop3A_108 : i32 to index
        %parallel_loop3A_279 = arith.constant 144 : index
        %parallel_loop3A_280 = tpu.vector_load %arg9[%parallel_loop3A_278, %parallel_loop3A_279] {strides = array<i32>} : memref<16x768xf32, #tpu.memory_space<vmem>>, vector<1x16xf32>,
        %parallel_loop3A_281 = vector.shape_cast %parallel_loop3A_280 : vector<1x16xf32> to vector<16xf32>
        %parallel_loop3A_282 = arith.index_cast %parallel_loop3A_108 : i32 to index
        %parallel_loop3A_283 = arith.constant 144 : index
        %parallel_loop3A_284 = tpu.vector_load %arg11[%parallel_loop3A_282, %parallel_loop3A_283] {strides = array<i32>} : memref<16x768xf32, #tpu.memory_space<vmem>>, vector<1x16xf32>,
        %parallel_loop3A_285 = vector.shape_cast %parallel_loop3A_284 : vector<1x16xf32> to vector<16xf32>
        %parallel_loop3A_286 = arith.addf %parallel_loop3A_281, %parallel_loop3A_285 : vector<16xf32>
        %parallel_loop3A_287 = arith.index_cast %parallel_loop3A_108 : i32 to index
        %parallel_loop3A_288 = arith.constant 144 : index
        %parallel_loop3A_289 = tpu.vector_load %arg9[%parallel_loop3A_287, %parallel_loop3A_288] {strides = array<i32>} : memref<16x768xf32, #tpu.memory_space<vmem>>, vector<1x16xf32>,
        %parallel_loop3A_290 = vector.shape_cast %parallel_loop3A_289 : vector<1x16xf32> to vector<16xf32>
        %parallel_loop3A_291 = vector.shape_cast %parallel_loop3A_286 : vector<16xf32> to vector<1x16xf32>
        tpu.vector_store %arg9[%parallel_loop3A_287, %parallel_loop3A_288], %parallel_loop3A_291 {strides = array<i32>} : memref<16x768xf32, #tpu.memory_space<vmem>>, vector<1x16xf32>,
        %parallel_loop3A_292 = arith.addf %parallel_loop3A_224, %parallel_loop3A_286 : vector<16xf32>
        %parallel_loop3A_293 = arith.mulf %parallel_loop3A_286, %parallel_loop3A_286 : vector<16xf32>
        %parallel_loop3A_294 = arith.addf %parallel_loop3A_226, %parallel_loop3A_293 : vector<16xf32>
        %parallel_loop3A_295 = arith.index_cast %parallel_loop3A_108 : i32 to index
        %parallel_loop3A_296 = arith.constant 160 : index
        %parallel_loop3A_297 = tpu.vector_load %arg9[%parallel_loop3A_295, %parallel_loop3A_296] {strides = array<i32>} : memref<16x768xf32, #tpu.memory_space<vmem>>, vector<1x16xf32>,
        %parallel_loop3A_298 = vector.shape_cast %parallel_loop3A_297 : vector<1x16xf32> to vector<16xf32>
        %parallel_loop3A_299 = arith.index_cast %parallel_loop3A_108 : i32 to index
        %parallel_loop3A_300 = arith.constant 160 : index
        %parallel_loop3A_301 = tpu.vector_load %arg11[%parallel_loop3A_299, %parallel_loop3A_300] {strides = array<i32>} : memref<16x768xf32, #tpu.memory_space<vmem>>, vector<1x16xf32>,
        %parallel_loop3A_302 = vector.shape_cast %parallel_loop3A_301 : vector<1x16xf32> to vector<16xf32>
        %parallel_loop3A_303 = arith.addf %parallel_loop3A_298, %parallel_loop3A_302 : vector<16xf32>
        %parallel_loop3A_304 = arith.index_cast %parallel_loop3A_108 : i32 to index
        %parallel_loop3A_305 = arith.constant 160 : index
        %parallel_loop3A_306 = tpu.vector_load %arg9[%parallel_loop3A_304, %parallel_loop3A_305] {strides = array<i32>} : memref<16x768xf32, #tpu.memory_space<vmem>>, vector<1x16xf32>,
        %parallel_loop3A_307 = vector.shape_cast %parallel_loop3A_306 : vector<1x16xf32> to vector<16xf32>
        %parallel_loop3A_308 = vector.shape_cast %parallel_loop3A_303 : vector<16xf32> to vector<1x16xf32>
        tpu.vector_store %arg9[%parallel_loop3A_304, %parallel_loop3A_305], %parallel_loop3A_308 {strides = array<i32>} : memref<16x768xf32, #tpu.memory_space<vmem>>, vector<1x16xf32>,
        %parallel_loop3A_309 = arith.addf %parallel_loop3A_241, %parallel_loop3A_303 : vector<16xf32>
        %parallel_loop3A_310 = arith.mulf %parallel_loop3A_303, %parallel_loop3A_303 : vector<16xf32>
        %parallel_loop3A_311 = arith.addf %parallel_loop3A_243, %parallel_loop3A_310 : vector<16xf32>
        %parallel_loop3A_312 = arith.index_cast %parallel_loop3A_108 : i32 to index
        %parallel_loop3A_313 = arith.constant 176 : index
        %parallel_loop3A_314 = tpu.vector_load %arg9[%parallel_loop3A_312, %parallel_loop3A_313] {strides = array<i32>} : memref<16x768xf32, #tpu.memory_space<vmem>>, vector<1x16xf32>,
        %parallel_loop3A_315 = vector.shape_cast %parallel_loop3A_314 : vector<1x16xf32> to vector<16xf32>
        %parallel_loop3A_316 = arith.index_cast %parallel_loop3A_108 : i32 to index
        %parallel_loop3A_317 = arith.constant 176 : index
        %parallel_loop3A_318 = tpu.vector_load %arg11[%parallel_loop3A_316, %parallel_loop3A_317] {strides = array<i32>} : memref<16x768xf32, #tpu.memory_space<vmem>>, vector<1x16xf32>,
        %parallel_loop3A_319 = vector.shape_cast %parallel_loop3A_318 : vector<1x16xf32> to vector<16xf32>
        %parallel_loop3A_320 = arith.addf %parallel_loop3A_315, %parallel_loop3A_319 : vector<16xf32>
        %parallel_loop3A_321 = arith.index_cast %parallel_loop3A_108 : i32 to index
        %parallel_loop3A_322 = arith.constant 176 : index
        %parallel_loop3A_323 = tpu.vector_load %arg9[%parallel_loop3A_321, %parallel_loop3A_322] {strides = array<i32>} : memref<16x768xf32, #tpu.memory_space<vmem>>, vector<1x16xf32>,
        %parallel_loop3A_324 = vector.shape_cast %parallel_loop3A_323 : vector<1x16xf32> to vector<16xf32>
        %parallel_loop3A_325 = vector.shape_cast %parallel_loop3A_320 : vector<16xf32> to vector<1x16xf32>
        tpu.vector_store %arg9[%parallel_loop3A_321, %parallel_loop3A_322], %parallel_loop3A_325 {strides = array<i32>} : memref<16x768xf32, #tpu.memory_space<vmem>>, vector<1x16xf32>,
        %parallel_loop3A_326 = arith.addf %parallel_loop3A_258, %parallel_loop3A_320 : vector<16xf32>
        %parallel_loop3A_327 = arith.mulf %parallel_loop3A_320, %parallel_loop3A_320 : vector<16xf32>
        %parallel_loop3A_328 = arith.addf %parallel_loop3A_260, %parallel_loop3A_327 : vector<16xf32>
        %parallel_loop3A_329 = arith.index_cast %parallel_loop3A_108 : i32 to index
        %parallel_loop3A_330 = arith.constant 192 : index
        %parallel_loop3A_331 = tpu.vector_load %arg9[%parallel_loop3A_329, %parallel_loop3A_330] {strides = array<i32>} : memref<16x768xf32, #tpu.memory_space<vmem>>, vector<1x16xf32>,
        %parallel_loop3A_332 = vector.shape_cast %parallel_loop3A_331 : vector<1x16xf32> to vector<16xf32>
        %parallel_loop3A_333 = arith.index_cast %parallel_loop3A_108 : i32 to index
        %parallel_loop3A_334 = arith.constant 192 : index
        %parallel_loop3A_335 = tpu.vector_load %arg11[%parallel_loop3A_333, %parallel_loop3A_334] {strides = array<i32>} : memref<16x768xf32, #tpu.memory_space<vmem>>, vector<1x16xf32>,
        %parallel_loop3A_336 = vector.shape_cast %parallel_loop3A_335 : vector<1x16xf32> to vector<16xf32>
        %parallel_loop3A_337 = arith.addf %parallel_loop3A_332, %parallel_loop3A_336 : vector<16xf32>
        %parallel_loop3A_338 = arith.index_cast %parallel_loop3A_108 : i32 to index
        %parallel_loop3A_339 = arith.constant 192 : index
        %parallel_loop3A_340 = tpu.vector_load %arg9[%parallel_loop3A_338, %parallel_loop3A_339] {strides = array<i32>} : memref<16x768xf32, #tpu.memory_space<vmem>>, vector<1x16xf32>,
        %parallel_loop3A_341 = vector.shape_cast %parallel_loop3A_340 : vector<1x16xf32> to vector<16xf32>
        %parallel_loop3A_342 = vector.shape_cast %parallel_loop3A_337 : vector<16xf32> to vector<1x16xf32>
        tpu.vector_store %arg9[%parallel_loop3A_338, %parallel_loop3A_339], %parallel_loop3A_342 {strides = array<i32>} : memref<16x768xf32, #tpu.memory_space<vmem>>, vector<1x16xf32>,
        %parallel_loop3A_343 = arith.addf %parallel_loop3A_275, %parallel_loop3A_337 : vector<16xf32>
        %parallel_loop3A_344 = arith.mulf %parallel_loop3A_337, %parallel_loop3A_337 : vector<16xf32>
        %parallel_loop3A_345 = arith.addf %parallel_loop3A_277, %parallel_loop3A_344 : vector<16xf32>
        %parallel_loop3A_346 = arith.index_cast %parallel_loop3A_108 : i32 to index
        %parallel_loop3A_347 = arith.constant 208 : index
        %parallel_loop3A_348 = tpu.vector_load %arg9[%parallel_loop3A_346, %parallel_loop3A_347] {strides = array<i32>} : memref<16x768xf32, #tpu.memory_space<vmem>>, vector<1x16xf32>,
        %parallel_loop3A_349 = vector.shape_cast %parallel_loop3A_348 : vector<1x16xf32> to vector<16xf32>
        %parallel_loop3A_350 = arith.index_cast %parallel_loop3A_108 : i32 to index
        %parallel_loop3A_351 = arith.constant 208 : index
        %parallel_loop3A_352 = tpu.vector_load %arg11[%parallel_loop3A_350, %parallel_loop3A_351] {strides = array<i32>} : memref<16x768xf32, #tpu.memory_space<vmem>>, vector<1x16xf32>,
        %parallel_loop3A_353 = vector.shape_cast %parallel_loop3A_352 : vector<1x16xf32> to vector<16xf32>
        %parallel_loop3A_354 = arith.addf %parallel_loop3A_349, %parallel_loop3A_353 : vector<16xf32>
        %parallel_loop3A_355 = arith.index_cast %parallel_loop3A_108 : i32 to index
        %parallel_loop3A_356 = arith.constant 208 : index
        %parallel_loop3A_357 = tpu.vector_load %arg9[%parallel_loop3A_355, %parallel_loop3A_356] {strides = array<i32>} : memref<16x768xf32, #tpu.memory_space<vmem>>, vector<1x16xf32>,
        %parallel_loop3A_358 = vector.shape_cast %parallel_loop3A_357 : vector<1x16xf32> to vector<16xf32>
        %parallel_loop3A_359 = vector.shape_cast %parallel_loop3A_354 : vector<16xf32> to vector<1x16xf32>
        tpu.vector_store %arg9[%parallel_loop3A_355, %parallel_loop3A_356], %parallel_loop3A_359 {strides = array<i32>} : memref<16x768xf32, #tpu.memory_space<vmem>>, vector<1x16xf32>,
        %parallel_loop3A_360 = arith.addf %parallel_loop3A_292, %parallel_loop3A_354 : vector<16xf32>
        %parallel_loop3A_361 = arith.mulf %parallel_loop3A_354, %parallel_loop3A_354 : vector<16xf32>
        %parallel_loop3A_362 = arith.addf %parallel_loop3A_294, %parallel_loop3A_361 : vector<16xf32>
        %parallel_loop3A_363 = arith.index_cast %parallel_loop3A_108 : i32 to index
        %parallel_loop3A_364 = arith.constant 224 : index
        %parallel_loop3A_365 = tpu.vector_load %arg9[%parallel_loop3A_363, %parallel_loop3A_364] {strides = array<i32>} : memref<16x768xf32, #tpu.memory_space<vmem>>, vector<1x16xf32>,
        %parallel_loop3A_366 = vector.shape_cast %parallel_loop3A_365 : vector<1x16xf32> to vector<16xf32>
        %parallel_loop3A_367 = arith.index_cast %parallel_loop3A_108 : i32 to index
        %parallel_loop3A_368 = arith.constant 224 : index
        %parallel_loop3A_369 = tpu.vector_load %arg11[%parallel_loop3A_367, %parallel_loop3A_368] {strides = array<i32>} : memref<16x768xf32, #tpu.memory_space<vmem>>, vector<1x16xf32>,
        %parallel_loop3A_370 = vector.shape_cast %parallel_loop3A_369 : vector<1x16xf32> to vector<16xf32>
        %parallel_loop3A_371 = arith.addf %parallel_loop3A_366, %parallel_loop3A_370 : vector<16xf32>
        %parallel_loop3A_372 = arith.index_cast %parallel_loop3A_108 : i32 to index
        %parallel_loop3A_373 = arith.constant 224 : index
        %parallel_loop3A_374 = tpu.vector_load %arg9[%parallel_loop3A_372, %parallel_loop3A_373] {strides = array<i32>} : memref<16x768xf32, #tpu.memory_space<vmem>>, vector<1x16xf32>,
        %parallel_loop3A_375 = vector.shape_cast %parallel_loop3A_374 : vector<1x16xf32> to vector<16xf32>
        %parallel_loop3A_376 = vector.shape_cast %parallel_loop3A_371 : vector<16xf32> to vector<1x16xf32>
        tpu.vector_store %arg9[%parallel_loop3A_372, %parallel_loop3A_373], %parallel_loop3A_376 {strides = array<i32>} : memref<16x768xf32, #tpu.memory_space<vmem>>, vector<1x16xf32>,
        %parallel_loop3A_377 = arith.addf %parallel_loop3A_309, %parallel_loop3A_371 : vector<16xf32>
        %parallel_loop3A_378 = arith.mulf %parallel_loop3A_371, %parallel_loop3A_371 : vector<16xf32>
        %parallel_loop3A_379 = arith.addf %parallel_loop3A_311, %parallel_loop3A_378 : vector<16xf32>
        %parallel_loop3A_380 = arith.index_cast %parallel_loop3A_108 : i32 to index
        %parallel_loop3A_381 = arith.constant 240 : index
        %parallel_loop3A_382 = tpu.vector_load %arg9[%parallel_loop3A_380, %parallel_loop3A_381] {strides = array<i32>} : memref<16x768xf32, #tpu.memory_space<vmem>>, vector<1x16xf32>,
        %parallel_loop3A_383 = vector.shape_cast %parallel_loop3A_382 : vector<1x16xf32> to vector<16xf32>
        %parallel_loop3A_384 = arith.index_cast %parallel_loop3A_108 : i32 to index
        %parallel_loop3A_385 = arith.constant 240 : index
        %parallel_loop3A_386 = tpu.vector_load %arg11[%parallel_loop3A_384, %parallel_loop3A_385] {strides = array<i32>} : memref<16x768xf32, #tpu.memory_space<vmem>>, vector<1x16xf32>,
        %parallel_loop3A_387 = vector.shape_cast %parallel_loop3A_386 : vector<1x16xf32> to vector<16xf32>
        %parallel_loop3A_388 = arith.addf %parallel_loop3A_383, %parallel_loop3A_387 : vector<16xf32>
        %parallel_loop3A_389 = arith.index_cast %parallel_loop3A_108 : i32 to index
        %parallel_loop3A_390 = arith.constant 240 : index
        %parallel_loop3A_391 = tpu.vector_load %arg9[%parallel_loop3A_389, %parallel_loop3A_390] {strides = array<i32>} : memref<16x768xf32, #tpu.memory_space<vmem>>, vector<1x16xf32>,
        %parallel_loop3A_392 = vector.shape_cast %parallel_loop3A_391 : vector<1x16xf32> to vector<16xf32>
        %parallel_loop3A_393 = vector.shape_cast %parallel_loop3A_388 : vector<16xf32> to vector<1x16xf32>
        tpu.vector_store %arg9[%parallel_loop3A_389, %parallel_loop3A_390], %parallel_loop3A_393 {strides = array<i32>} : memref<16x768xf32, #tpu.memory_space<vmem>>, vector<1x16xf32>,
        %parallel_loop3A_394 = arith.addf %parallel_loop3A_326, %parallel_loop3A_388 : vector<16xf32>
        %parallel_loop3A_395 = arith.mulf %parallel_loop3A_388, %parallel_loop3A_388 : vector<16xf32>
        %parallel_loop3A_396 = arith.addf %parallel_loop3A_328, %parallel_loop3A_395 : vector<16xf32>
        %parallel_loop3A_397 = arith.index_cast %parallel_loop3A_108 : i32 to index
        %parallel_loop3A_398 = arith.constant 256 : index
        %parallel_loop3A_399 = tpu.vector_load %arg9[%parallel_loop3A_397, %parallel_loop3A_398] {strides = array<i32>} : memref<16x768xf32, #tpu.memory_space<vmem>>, vector<1x16xf32>,
        %parallel_loop3A_400 = vector.shape_cast %parallel_loop3A_399 : vector<1x16xf32> to vector<16xf32>
        %parallel_loop3A_401 = arith.index_cast %parallel_loop3A_108 : i32 to index
        %parallel_loop3A_402 = arith.constant 256 : index
        %parallel_loop3A_403 = tpu.vector_load %arg11[%parallel_loop3A_401, %parallel_loop3A_402] {strides = array<i32>} : memref<16x768xf32, #tpu.memory_space<vmem>>, vector<1x16xf32>,
        %parallel_loop3A_404 = vector.shape_cast %parallel_loop3A_403 : vector<1x16xf32> to vector<16xf32>
        %parallel_loop3A_405 = arith.addf %parallel_loop3A_400, %parallel_loop3A_404 : vector<16xf32>
        %parallel_loop3A_406 = arith.index_cast %parallel_loop3A_108 : i32 to index
        %parallel_loop3A_407 = arith.constant 256 : index
        %parallel_loop3A_408 = tpu.vector_load %arg9[%parallel_loop3A_406, %parallel_loop3A_407] {strides = array<i32>} : memref<16x768xf32, #tpu.memory_space<vmem>>, vector<1x16xf32>,
        %parallel_loop3A_409 = vector.shape_cast %parallel_loop3A_408 : vector<1x16xf32> to vector<16xf32>
        %parallel_loop3A_410 = vector.shape_cast %parallel_loop3A_405 : vector<16xf32> to vector<1x16xf32>
        tpu.vector_store %arg9[%parallel_loop3A_406, %parallel_loop3A_407], %parallel_loop3A_410 {strides = array<i32>} : memref<16x768xf32, #tpu.memory_space<vmem>>, vector<1x16xf32>,
        %parallel_loop3A_411 = arith.addf %parallel_loop3A_343, %parallel_loop3A_405 : vector<16xf32>
        %parallel_loop3A_412 = arith.mulf %parallel_loop3A_405, %parallel_loop3A_405 : vector<16xf32>
        %parallel_loop3A_413 = arith.addf %parallel_loop3A_345, %parallel_loop3A_412 : vector<16xf32>
        %parallel_loop3A_414 = arith.index_cast %parallel_loop3A_108 : i32 to index
        %parallel_loop3A_415 = arith.constant 272 : index
        %parallel_loop3A_416 = tpu.vector_load %arg9[%parallel_loop3A_414, %parallel_loop3A_415] {strides = array<i32>} : memref<16x768xf32, #tpu.memory_space<vmem>>, vector<1x16xf32>,
        %parallel_loop3A_417 = vector.shape_cast %parallel_loop3A_416 : vector<1x16xf32> to vector<16xf32>
        %parallel_loop3A_418 = arith.index_cast %parallel_loop3A_108 : i32 to index
        %parallel_loop3A_419 = arith.constant 272 : index
        %parallel_loop3A_420 = tpu.vector_load %arg11[%parallel_loop3A_418, %parallel_loop3A_419] {strides = array<i32>} : memref<16x768xf32, #tpu.memory_space<vmem>>, vector<1x16xf32>,
        %parallel_loop3A_421 = vector.shape_cast %parallel_loop3A_420 : vector<1x16xf32> to vector<16xf32>
        %parallel_loop3A_422 = arith.addf %parallel_loop3A_417, %parallel_loop3A_421 : vector<16xf32>
        %parallel_loop3A_423 = arith.index_cast %parallel_loop3A_108 : i32 to index
        %parallel_loop3A_424 = arith.constant 272 : index
        %parallel_loop3A_425 = tpu.vector_load %arg9[%parallel_loop3A_423, %parallel_loop3A_424] {strides = array<i32>} : memref<16x768xf32, #tpu.memory_space<vmem>>, vector<1x16xf32>,
        %parallel_loop3A_426 = vector.shape_cast %parallel_loop3A_425 : vector<1x16xf32> to vector<16xf32>
        %parallel_loop3A_427 = vector.shape_cast %parallel_loop3A_422 : vector<16xf32> to vector<1x16xf32>
        tpu.vector_store %arg9[%parallel_loop3A_423, %parallel_loop3A_424], %parallel_loop3A_427 {strides = array<i32>} : memref<16x768xf32, #tpu.memory_space<vmem>>, vector<1x16xf32>,
        %parallel_loop3A_428 = arith.addf %parallel_loop3A_360, %parallel_loop3A_422 : vector<16xf32>
        %parallel_loop3A_429 = arith.mulf %parallel_loop3A_422, %parallel_loop3A_422 : vector<16xf32>
        %parallel_loop3A_430 = arith.addf %parallel_loop3A_362, %parallel_loop3A_429 : vector<16xf32>
        %parallel_loop3A_431 = arith.index_cast %parallel_loop3A_108 : i32 to index
        %parallel_loop3A_432 = arith.constant 288 : index
        %parallel_loop3A_433 = tpu.vector_load %arg9[%parallel_loop3A_431, %parallel_loop3A_432] {strides = array<i32>} : memref<16x768xf32, #tpu.memory_space<vmem>>, vector<1x16xf32>,
        %parallel_loop3A_434 = vector.shape_cast %parallel_loop3A_433 : vector<1x16xf32> to vector<16xf32>
        %parallel_loop3A_435 = arith.index_cast %parallel_loop3A_108 : i32 to index
        %parallel_loop3A_436 = arith.constant 288 : index
        %parallel_loop3A_437 = tpu.vector_load %arg11[%parallel_loop3A_435, %parallel_loop3A_436] {strides = array<i32>} : memref<16x768xf32, #tpu.memory_space<vmem>>, vector<1x16xf32>,
        %parallel_loop3A_438 = vector.shape_cast %parallel_loop3A_437 : vector<1x16xf32> to vector<16xf32>
        %parallel_loop3A_439 = arith.addf %parallel_loop3A_434, %parallel_loop3A_438 : vector<16xf32>
        %parallel_loop3A_440 = arith.index_cast %parallel_loop3A_108 : i32 to index
        %parallel_loop3A_441 = arith.constant 288 : index
        %parallel_loop3A_442 = tpu.vector_load %arg9[%parallel_loop3A_440, %parallel_loop3A_441] {strides = array<i32>} : memref<16x768xf32, #tpu.memory_space<vmem>>, vector<1x16xf32>,
        %parallel_loop3A_443 = vector.shape_cast %parallel_loop3A_442 : vector<1x16xf32> to vector<16xf32>
        %parallel_loop3A_444 = vector.shape_cast %parallel_loop3A_439 : vector<16xf32> to vector<1x16xf32>
        tpu.vector_store %arg9[%parallel_loop3A_440, %parallel_loop3A_441], %parallel_loop3A_444 {strides = array<i32>} : memref<16x768xf32, #tpu.memory_space<vmem>>, vector<1x16xf32>,
        %parallel_loop3A_445 = arith.addf %parallel_loop3A_377, %parallel_loop3A_439 : vector<16xf32>
        %parallel_loop3A_446 = arith.mulf %parallel_loop3A_439, %parallel_loop3A_439 : vector<16xf32>
        %parallel_loop3A_447 = arith.addf %parallel_loop3A_379, %parallel_loop3A_446 : vector<16xf32>
        %parallel_loop3A_448 = arith.index_cast %parallel_loop3A_108 : i32 to index
        %parallel_loop3A_449 = arith.constant 304 : index
        %parallel_loop3A_450 = tpu.vector_load %arg9[%parallel_loop3A_448, %parallel_loop3A_449] {strides = array<i32>} : memref<16x768xf32, #tpu.memory_space<vmem>>, vector<1x16xf32>,
        %parallel_loop3A_451 = vector.shape_cast %parallel_loop3A_450 : vector<1x16xf32> to vector<16xf32>
        %parallel_loop3A_452 = arith.index_cast %parallel_loop3A_108 : i32 to index
        %parallel_loop3A_453 = arith.constant 304 : index
        %parallel_loop3A_454 = tpu.vector_load %arg11[%parallel_loop3A_452, %parallel_loop3A_453] {strides = array<i32>} : memref<16x768xf32, #tpu.memory_space<vmem>>, vector<1x16xf32>,
        %parallel_loop3A_455 = vector.shape_cast %parallel_loop3A_454 : vector<1x16xf32> to vector<16xf32>
        %parallel_loop3A_456 = arith.addf %parallel_loop3A_451, %parallel_loop3A_455 : vector<16xf32>
        %parallel_loop3A_457 = arith.index_cast %parallel_loop3A_108 : i32 to index
        %parallel_loop3A_458 = arith.constant 304 : index
        %parallel_loop3A_459 = tpu.vector_load %arg9[%parallel_loop3A_457, %parallel_loop3A_458] {strides = array<i32>} : memref<16x768xf32, #tpu.memory_space<vmem>>, vector<1x16xf32>,
        %parallel_loop3A_460 = vector.shape_cast %parallel_loop3A_459 : vector<1x16xf32> to vector<16xf32>
        %parallel_loop3A_461 = vector.shape_cast %parallel_loop3A_456 : vector<16xf32> to vector<1x16xf32>
        tpu.vector_store %arg9[%parallel_loop3A_457, %parallel_loop3A_458], %parallel_loop3A_461 {strides = array<i32>} : memref<16x768xf32, #tpu.memory_space<vmem>>, vector<1x16xf32>,
        %parallel_loop3A_462 = arith.addf %parallel_loop3A_394, %parallel_loop3A_456 : vector<16xf32>
        %parallel_loop3A_463 = arith.mulf %parallel_loop3A_456, %parallel_loop3A_456 : vector<16xf32>
        %parallel_loop3A_464 = arith.addf %parallel_loop3A_396, %parallel_loop3A_463 : vector<16xf32>
        %parallel_loop3A_465 = arith.index_cast %parallel_loop3A_108 : i32 to index
        %parallel_loop3A_466 = arith.constant 320 : index
        %parallel_loop3A_467 = tpu.vector_load %arg9[%parallel_loop3A_465, %parallel_loop3A_466] {strides = array<i32>} : memref<16x768xf32, #tpu.memory_space<vmem>>, vector<1x16xf32>,
        %parallel_loop3A_468 = vector.shape_cast %parallel_loop3A_467 : vector<1x16xf32> to vector<16xf32>
        %parallel_loop3A_469 = arith.index_cast %parallel_loop3A_108 : i32 to index
        %parallel_loop3A_470 = arith.constant 320 : index
        %parallel_loop3A_471 = tpu.vector_load %arg11[%parallel_loop3A_469, %parallel_loop3A_470] {strides = array<i32>} : memref<16x768xf32, #tpu.memory_space<vmem>>, vector<1x16xf32>,
        %parallel_loop3A_472 = vector.shape_cast %parallel_loop3A_471 : vector<1x16xf32> to vector<16xf32>
        %parallel_loop3A_473 = arith.addf %parallel_loop3A_468, %parallel_loop3A_472 : vector<16xf32>
        %parallel_loop3A_474 = arith.index_cast %parallel_loop3A_108 : i32 to index
        %parallel_loop3A_475 = arith.constant 320 : index
        %parallel_loop3A_476 = tpu.vector_load %arg9[%parallel_loop3A_474, %parallel_loop3A_475] {strides = array<i32>} : memref<16x768xf32, #tpu.memory_space<vmem>>, vector<1x16xf32>,
        %parallel_loop3A_477 = vector.shape_cast %parallel_loop3A_476 : vector<1x16xf32> to vector<16xf32>
        %parallel_loop3A_478 = vector.shape_cast %parallel_loop3A_473 : vector<16xf32> to vector<1x16xf32>
        tpu.vector_store %arg9[%parallel_loop3A_474, %parallel_loop3A_475], %parallel_loop3A_478 {strides = array<i32>} : memref<16x768xf32, #tpu.memory_space<vmem>>, vector<1x16xf32>,
        %parallel_loop3A_479 = arith.addf %parallel_loop3A_411, %parallel_loop3A_473 : vector<16xf32>
        %parallel_loop3A_480 = arith.mulf %parallel_loop3A_473, %parallel_loop3A_473 : vector<16xf32>
        %parallel_loop3A_481 = arith.addf %parallel_loop3A_413, %parallel_loop3A_480 : vector<16xf32>
        %parallel_loop3A_482 = arith.index_cast %parallel_loop3A_108 : i32 to index
        %parallel_loop3A_483 = arith.constant 336 : index
        %parallel_loop3A_484 = tpu.vector_load %arg9[%parallel_loop3A_482, %parallel_loop3A_483] {strides = array<i32>} : memref<16x768xf32, #tpu.memory_space<vmem>>, vector<1x16xf32>,
        %parallel_loop3A_485 = vector.shape_cast %parallel_loop3A_484 : vector<1x16xf32> to vector<16xf32>
        %parallel_loop3A_486 = arith.index_cast %parallel_loop3A_108 : i32 to index
        %parallel_loop3A_487 = arith.constant 336 : index
        %parallel_loop3A_488 = tpu.vector_load %arg11[%parallel_loop3A_486, %parallel_loop3A_487] {strides = array<i32>} : memref<16x768xf32, #tpu.memory_space<vmem>>, vector<1x16xf32>,
        %parallel_loop3A_489 = vector.shape_cast %parallel_loop3A_488 : vector<1x16xf32> to vector<16xf32>
        %parallel_loop3A_490 = arith.addf %parallel_loop3A_485, %parallel_loop3A_489 : vector<16xf32>
        %parallel_loop3A_491 = arith.index_cast %parallel_loop3A_108 : i32 to index
        %parallel_loop3A_492 = arith.constant 336 : index
        %parallel_loop3A_493 = tpu.vector_load %arg9[%parallel_loop3A_491, %parallel_loop3A_492] {strides = array<i32>} : memref<16x768xf32, #tpu.memory_space<vmem>>, vector<1x16xf32>,
        %parallel_loop3A_494 = vector.shape_cast %parallel_loop3A_493 : vector<1x16xf32> to vector<16xf32>
        %parallel_loop3A_495 = vector.shape_cast %parallel_loop3A_490 : vector<16xf32> to vector<1x16xf32>
        tpu.vector_store %arg9[%parallel_loop3A_491, %parallel_loop3A_492], %parallel_loop3A_495 {strides = array<i32>} : memref<16x768xf32, #tpu.memory_space<vmem>>, vector<1x16xf32>,
        %parallel_loop3A_496 = arith.addf %parallel_loop3A_428, %parallel_loop3A_490 : vector<16xf32>
        %parallel_loop3A_497 = arith.mulf %parallel_loop3A_490, %parallel_loop3A_490 : vector<16xf32>
        %parallel_loop3A_498 = arith.addf %parallel_loop3A_430, %parallel_loop3A_497 : vector<16xf32>
        %parallel_loop3A_499 = arith.index_cast %parallel_loop3A_108 : i32 to index
        %parallel_loop3A_500 = arith.constant 352 : index
        %parallel_loop3A_501 = tpu.vector_load %arg9[%parallel_loop3A_499, %parallel_loop3A_500] {strides = array<i32>} : memref<16x768xf32, #tpu.memory_space<vmem>>, vector<1x16xf32>,
        %parallel_loop3A_502 = vector.shape_cast %parallel_loop3A_501 : vector<1x16xf32> to vector<16xf32>
        %parallel_loop3A_503 = arith.index_cast %parallel_loop3A_108 : i32 to index
        %parallel_loop3A_504 = arith.constant 352 : index
        %parallel_loop3A_505 = tpu.vector_load %arg11[%parallel_loop3A_503, %parallel_loop3A_504] {strides = array<i32>} : memref<16x768xf32, #tpu.memory_space<vmem>>, vector<1x16xf32>,
        %parallel_loop3A_506 = vector.shape_cast %parallel_loop3A_505 : vector<1x16xf32> to vector<16xf32>
        %parallel_loop3A_507 = arith.addf %parallel_loop3A_502, %parallel_loop3A_506 : vector<16xf32>
        %parallel_loop3A_508 = arith.index_cast %parallel_loop3A_108 : i32 to index
        %parallel_loop3A_509 = arith.constant 352 : index
        %parallel_loop3A_510 = tpu.vector_load %arg9[%parallel_loop3A_508, %parallel_loop3A_509] {strides = array<i32>} : memref<16x768xf32, #tpu.memory_space<vmem>>, vector<1x16xf32>,
        %parallel_loop3A_511 = vector.shape_cast %parallel_loop3A_510 : vector<1x16xf32> to vector<16xf32>
        %parallel_loop3A_512 = vector.shape_cast %parallel_loop3A_507 : vector<16xf32> to vector<1x16xf32>
        tpu.vector_store %arg9[%parallel_loop3A_508, %parallel_loop3A_509], %parallel_loop3A_512 {strides = array<i32>} : memref<16x768xf32, #tpu.memory_space<vmem>>, vector<1x16xf32>,
        %parallel_loop3A_513 = arith.addf %parallel_loop3A_445, %parallel_loop3A_507 : vector<16xf32>
        %parallel_loop3A_514 = arith.mulf %parallel_loop3A_507, %parallel_loop3A_507 : vector<16xf32>
        %parallel_loop3A_515 = arith.addf %parallel_loop3A_447, %parallel_loop3A_514 : vector<16xf32>
        %parallel_loop3A_516 = arith.index_cast %parallel_loop3A_108 : i32 to index
        %parallel_loop3A_517 = arith.constant 368 : index
        %parallel_loop3A_518 = tpu.vector_load %arg9[%parallel_loop3A_516, %parallel_loop3A_517] {strides = array<i32>} : memref<16x768xf32, #tpu.memory_space<vmem>>, vector<1x16xf32>,
        %parallel_loop3A_519 = vector.shape_cast %parallel_loop3A_518 : vector<1x16xf32> to vector<16xf32>
        %parallel_loop3A_520 = arith.index_cast %parallel_loop3A_108 : i32 to index
        %parallel_loop3A_521 = arith.constant 368 : index
        %parallel_loop3A_522 = tpu.vector_load %arg11[%parallel_loop3A_520, %parallel_loop3A_521] {strides = array<i32>} : memref<16x768xf32, #tpu.memory_space<vmem>>, vector<1x16xf32>,
        %parallel_loop3A_523 = vector.shape_cast %parallel_loop3A_522 : vector<1x16xf32> to vector<16xf32>
        %parallel_loop3A_524 = arith.addf %parallel_loop3A_519, %parallel_loop3A_523 : vector<16xf32>
        %parallel_loop3A_525 = arith.index_cast %parallel_loop3A_108 : i32 to index
        %parallel_loop3A_526 = arith.constant 368 : index
        %parallel_loop3A_527 = tpu.vector_load %arg9[%parallel_loop3A_525, %parallel_loop3A_526] {strides = array<i32>} : memref<16x768xf32, #tpu.memory_space<vmem>>, vector<1x16xf32>,
        %parallel_loop3A_528 = vector.shape_cast %parallel_loop3A_527 : vector<1x16xf32> to vector<16xf32>
        %parallel_loop3A_529 = vector.shape_cast %parallel_loop3A_524 : vector<16xf32> to vector<1x16xf32>
        tpu.vector_store %arg9[%parallel_loop3A_525, %parallel_loop3A_526], %parallel_loop3A_529 {strides = array<i32>} : memref<16x768xf32, #tpu.memory_space<vmem>>, vector<1x16xf32>,
        %parallel_loop3A_530 = arith.addf %parallel_loop3A_462, %parallel_loop3A_524 : vector<16xf32>
        %parallel_loop3A_531 = arith.mulf %parallel_loop3A_524, %parallel_loop3A_524 : vector<16xf32>
        %parallel_loop3A_532 = arith.addf %parallel_loop3A_464, %parallel_loop3A_531 : vector<16xf32>
        %parallel_loop3A_533 = arith.index_cast %parallel_loop3A_108 : i32 to index
        %parallel_loop3A_534 = arith.constant 384 : index
        %parallel_loop3A_535 = tpu.vector_load %arg9[%parallel_loop3A_533, %parallel_loop3A_534] {strides = array<i32>} : memref<16x768xf32, #tpu.memory_space<vmem>>, vector<1x16xf32>,
        %parallel_loop3A_536 = vector.shape_cast %parallel_loop3A_535 : vector<1x16xf32> to vector<16xf32>
        %parallel_loop3A_537 = arith.index_cast %parallel_loop3A_108 : i32 to index
        %parallel_loop3A_538 = arith.constant 384 : index
        %parallel_loop3A_539 = tpu.vector_load %arg11[%parallel_loop3A_537, %parallel_loop3A_538] {strides = array<i32>} : memref<16x768xf32, #tpu.memory_space<vmem>>, vector<1x16xf32>,
        %parallel_loop3A_540 = vector.shape_cast %parallel_loop3A_539 : vector<1x16xf32> to vector<16xf32>
        %parallel_loop3A_541 = arith.addf %parallel_loop3A_536, %parallel_loop3A_540 : vector<16xf32>
        %parallel_loop3A_542 = arith.index_cast %parallel_loop3A_108 : i32 to index
        %parallel_loop3A_543 = arith.constant 384 : index
        %parallel_loop3A_544 = tpu.vector_load %arg9[%parallel_loop3A_542, %parallel_loop3A_543] {strides = array<i32>} : memref<16x768xf32, #tpu.memory_space<vmem>>, vector<1x16xf32>,
        %parallel_loop3A_545 = vector.shape_cast %parallel_loop3A_544 : vector<1x16xf32> to vector<16xf32>
        %parallel_loop3A_546 = vector.shape_cast %parallel_loop3A_541 : vector<16xf32> to vector<1x16xf32>
        tpu.vector_store %arg9[%parallel_loop3A_542, %parallel_loop3A_543], %parallel_loop3A_546 {strides = array<i32>} : memref<16x768xf32, #tpu.memory_space<vmem>>, vector<1x16xf32>,
        %parallel_loop3A_547 = arith.addf %parallel_loop3A_479, %parallel_loop3A_541 : vector<16xf32>
        %parallel_loop3A_548 = arith.mulf %parallel_loop3A_541, %parallel_loop3A_541 : vector<16xf32>
        %parallel_loop3A_549 = arith.addf %parallel_loop3A_481, %parallel_loop3A_548 : vector<16xf32>
        %parallel_loop3A_550 = arith.index_cast %parallel_loop3A_108 : i32 to index
        %parallel_loop3A_551 = arith.constant 400 : index
        %parallel_loop3A_552 = tpu.vector_load %arg9[%parallel_loop3A_550, %parallel_loop3A_551] {strides = array<i32>} : memref<16x768xf32, #tpu.memory_space<vmem>>, vector<1x16xf32>,
        %parallel_loop3A_553 = vector.shape_cast %parallel_loop3A_552 : vector<1x16xf32> to vector<16xf32>
        %parallel_loop3A_554 = arith.index_cast %parallel_loop3A_108 : i32 to index
        %parallel_loop3A_555 = arith.constant 400 : index
        %parallel_loop3A_556 = tpu.vector_load %arg11[%parallel_loop3A_554, %parallel_loop3A_555] {strides = array<i32>} : memref<16x768xf32, #tpu.memory_space<vmem>>, vector<1x16xf32>,
        %parallel_loop3A_557 = vector.shape_cast %parallel_loop3A_556 : vector<1x16xf32> to vector<16xf32>
        %parallel_loop3A_558 = arith.addf %parallel_loop3A_553, %parallel_loop3A_557 : vector<16xf32>
        %parallel_loop3A_559 = arith.index_cast %parallel_loop3A_108 : i32 to index
        %parallel_loop3A_560 = arith.constant 400 : index
        %parallel_loop3A_561 = tpu.vector_load %arg9[%parallel_loop3A_559, %parallel_loop3A_560] {strides = array<i32>} : memref<16x768xf32, #tpu.memory_space<vmem>>, vector<1x16xf32>,
        %parallel_loop3A_562 = vector.shape_cast %parallel_loop3A_561 : vector<1x16xf32> to vector<16xf32>
        %parallel_loop3A_563 = vector.shape_cast %parallel_loop3A_558 : vector<16xf32> to vector<1x16xf32>
        tpu.vector_store %arg9[%parallel_loop3A_559, %parallel_loop3A_560], %parallel_loop3A_563 {strides = array<i32>} : memref<16x768xf32, #tpu.memory_space<vmem>>, vector<1x16xf32>,
        %parallel_loop3A_564 = arith.addf %parallel_loop3A_496, %parallel_loop3A_558 : vector<16xf32>
        %parallel_loop3A_565 = arith.mulf %parallel_loop3A_558, %parallel_loop3A_558 : vector<16xf32>
        %parallel_loop3A_566 = arith.addf %parallel_loop3A_498, %parallel_loop3A_565 : vector<16xf32>
        %parallel_loop3A_567 = arith.index_cast %parallel_loop3A_108 : i32 to index
        %parallel_loop3A_568 = arith.constant 416 : index
        %parallel_loop3A_569 = tpu.vector_load %arg9[%parallel_loop3A_567, %parallel_loop3A_568] {strides = array<i32>} : memref<16x768xf32, #tpu.memory_space<vmem>>, vector<1x16xf32>,
        %parallel_loop3A_570 = vector.shape_cast %parallel_loop3A_569 : vector<1x16xf32> to vector<16xf32>
        %parallel_loop3A_571 = arith.index_cast %parallel_loop3A_108 : i32 to index
        %parallel_loop3A_572 = arith.constant 416 : index
        %parallel_loop3A_573 = tpu.vector_load %arg11[%parallel_loop3A_571, %parallel_loop3A_572] {strides = array<i32>} : memref<16x768xf32, #tpu.memory_space<vmem>>, vector<1x16xf32>,
        %parallel_loop3A_574 = vector.shape_cast %parallel_loop3A_573 : vector<1x16xf32> to vector<16xf32>
        %parallel_loop3A_575 = arith.addf %parallel_loop3A_570, %parallel_loop3A_574 : vector<16xf32>
        %parallel_loop3A_576 = arith.index_cast %parallel_loop3A_108 : i32 to index
        %parallel_loop3A_577 = arith.constant 416 : index
        %parallel_loop3A_578 = tpu.vector_load %arg9[%parallel_loop3A_576, %parallel_loop3A_577] {strides = array<i32>} : memref<16x768xf32, #tpu.memory_space<vmem>>, vector<1x16xf32>,
        %parallel_loop3A_579 = vector.shape_cast %parallel_loop3A_578 : vector<1x16xf32> to vector<16xf32>
        %parallel_loop3A_580 = vector.shape_cast %parallel_loop3A_575 : vector<16xf32> to vector<1x16xf32>
        tpu.vector_store %arg9[%parallel_loop3A_576, %parallel_loop3A_577], %parallel_loop3A_580 {strides = array<i32>} : memref<16x768xf32, #tpu.memory_space<vmem>>, vector<1x16xf32>,
        %parallel_loop3A_581 = arith.addf %parallel_loop3A_513, %parallel_loop3A_575 : vector<16xf32>
        %parallel_loop3A_582 = arith.mulf %parallel_loop3A_575, %parallel_loop3A_575 : vector<16xf32>
        %parallel_loop3A_583 = arith.addf %parallel_loop3A_515, %parallel_loop3A_582 : vector<16xf32>
        %parallel_loop3A_584 = arith.index_cast %parallel_loop3A_108 : i32 to index
        %parallel_loop3A_585 = arith.constant 432 : index
        %parallel_loop3A_586 = tpu.vector_load %arg9[%parallel_loop3A_584, %parallel_loop3A_585] {strides = array<i32>} : memref<16x768xf32, #tpu.memory_space<vmem>>, vector<1x16xf32>,
        %parallel_loop3A_587 = vector.shape_cast %parallel_loop3A_586 : vector<1x16xf32> to vector<16xf32>
        %parallel_loop3A_588 = arith.index_cast %parallel_loop3A_108 : i32 to index
        %parallel_loop3A_589 = arith.constant 432 : index
        %parallel_loop3A_590 = tpu.vector_load %arg11[%parallel_loop3A_588, %parallel_loop3A_589] {strides = array<i32>} : memref<16x768xf32, #tpu.memory_space<vmem>>, vector<1x16xf32>,
        %parallel_loop3A_591 = vector.shape_cast %parallel_loop3A_590 : vector<1x16xf32> to vector<16xf32>
        %parallel_loop3A_592 = arith.addf %parallel_loop3A_587, %parallel_loop3A_591 : vector<16xf32>
        %parallel_loop3A_593 = arith.index_cast %parallel_loop3A_108 : i32 to index
        %parallel_loop3A_594 = arith.constant 432 : index
        %parallel_loop3A_595 = tpu.vector_load %arg9[%parallel_loop3A_593, %parallel_loop3A_594] {strides = array<i32>} : memref<16x768xf32, #tpu.memory_space<vmem>>, vector<1x16xf32>,
        %parallel_loop3A_596 = vector.shape_cast %parallel_loop3A_595 : vector<1x16xf32> to vector<16xf32>
        %parallel_loop3A_597 = vector.shape_cast %parallel_loop3A_592 : vector<16xf32> to vector<1x16xf32>
        tpu.vector_store %arg9[%parallel_loop3A_593, %parallel_loop3A_594], %parallel_loop3A_597 {strides = array<i32>} : memref<16x768xf32, #tpu.memory_space<vmem>>, vector<1x16xf32>,
        %parallel_loop3A_598 = arith.addf %parallel_loop3A_530, %parallel_loop3A_592 : vector<16xf32>
        %parallel_loop3A_599 = arith.mulf %parallel_loop3A_592, %parallel_loop3A_592 : vector<16xf32>
        %parallel_loop3A_600 = arith.addf %parallel_loop3A_532, %parallel_loop3A_599 : vector<16xf32>
        %parallel_loop3A_601 = arith.index_cast %parallel_loop3A_108 : i32 to index
        %parallel_loop3A_602 = arith.constant 448 : index
        %parallel_loop3A_603 = tpu.vector_load %arg9[%parallel_loop3A_601, %parallel_loop3A_602] {strides = array<i32>} : memref<16x768xf32, #tpu.memory_space<vmem>>, vector<1x16xf32>,
        %parallel_loop3A_604 = vector.shape_cast %parallel_loop3A_603 : vector<1x16xf32> to vector<16xf32>
        %parallel_loop3A_605 = arith.index_cast %parallel_loop3A_108 : i32 to index
        %parallel_loop3A_606 = arith.constant 448 : index
        %parallel_loop3A_607 = tpu.vector_load %arg11[%parallel_loop3A_605, %parallel_loop3A_606] {strides = array<i32>} : memref<16x768xf32, #tpu.memory_space<vmem>>, vector<1x16xf32>,
        %parallel_loop3A_608 = vector.shape_cast %parallel_loop3A_607 : vector<1x16xf32> to vector<16xf32>
        %parallel_loop3A_609 = arith.addf %parallel_loop3A_604, %parallel_loop3A_608 : vector<16xf32>
        %parallel_loop3A_610 = arith.index_cast %parallel_loop3A_108 : i32 to index
        %parallel_loop3A_611 = arith.constant 448 : index
        %parallel_loop3A_612 = tpu.vector_load %arg9[%parallel_loop3A_610, %parallel_loop3A_611] {strides = array<i32>} : memref<16x768xf32, #tpu.memory_space<vmem>>, vector<1x16xf32>,
        %parallel_loop3A_613 = vector.shape_cast %parallel_loop3A_612 : vector<1x16xf32> to vector<16xf32>
        %parallel_loop3A_614 = vector.shape_cast %parallel_loop3A_609 : vector<16xf32> to vector<1x16xf32>
        tpu.vector_store %arg9[%parallel_loop3A_610, %parallel_loop3A_611], %parallel_loop3A_614 {strides = array<i32>} : memref<16x768xf32, #tpu.memory_space<vmem>>, vector<1x16xf32>,
        %parallel_loop3A_615 = arith.addf %parallel_loop3A_547, %parallel_loop3A_609 : vector<16xf32>
        %parallel_loop3A_616 = arith.mulf %parallel_loop3A_609, %parallel_loop3A_609 : vector<16xf32>
        %parallel_loop3A_617 = arith.addf %parallel_loop3A_549, %parallel_loop3A_616 : vector<16xf32>
        %parallel_loop3A_618 = arith.index_cast %parallel_loop3A_108 : i32 to index
        %parallel_loop3A_619 = arith.constant 464 : index
        %parallel_loop3A_620 = tpu.vector_load %arg9[%parallel_loop3A_618, %parallel_loop3A_619] {strides = array<i32>} : memref<16x768xf32, #tpu.memory_space<vmem>>, vector<1x16xf32>,
        %parallel_loop3A_621 = vector.shape_cast %parallel_loop3A_620 : vector<1x16xf32> to vector<16xf32>
        %parallel_loop3A_622 = arith.index_cast %parallel_loop3A_108 : i32 to index
        %parallel_loop3A_623 = arith.constant 464 : index
        %parallel_loop3A_624 = tpu.vector_load %arg11[%parallel_loop3A_622, %parallel_loop3A_623] {strides = array<i32>} : memref<16x768xf32, #tpu.memory_space<vmem>>, vector<1x16xf32>,
        %parallel_loop3A_625 = vector.shape_cast %parallel_loop3A_624 : vector<1x16xf32> to vector<16xf32>
        %parallel_loop3A_626 = arith.addf %parallel_loop3A_621, %parallel_loop3A_625 : vector<16xf32>
        %parallel_loop3A_627 = arith.index_cast %parallel_loop3A_108 : i32 to index
        %parallel_loop3A_628 = arith.constant 464 : index
        %parallel_loop3A_629 = tpu.vector_load %arg9[%parallel_loop3A_627, %parallel_loop3A_628] {strides = array<i32>} : memref<16x768xf32, #tpu.memory_space<vmem>>, vector<1x16xf32>,
        %parallel_loop3A_630 = vector.shape_cast %parallel_loop3A_629 : vector<1x16xf32> to vector<16xf32>
        %parallel_loop3A_631 = vector.shape_cast %parallel_loop3A_626 : vector<16xf32> to vector<1x16xf32>
        tpu.vector_store %arg9[%parallel_loop3A_627, %parallel_loop3A_628], %parallel_loop3A_631 {strides = array<i32>} : memref<16x768xf32, #tpu.memory_space<vmem>>, vector<1x16xf32>,
        %parallel_loop3A_632 = arith.addf %parallel_loop3A_564, %parallel_loop3A_626 : vector<16xf32>
        %parallel_loop3A_633 = arith.mulf %parallel_loop3A_626, %parallel_loop3A_626 : vector<16xf32>
        %parallel_loop3A_634 = arith.addf %parallel_loop3A_566, %parallel_loop3A_633 : vector<16xf32>
        %parallel_loop3A_635 = arith.index_cast %parallel_loop3A_108 : i32 to index
        %parallel_loop3A_636 = arith.constant 480 : index
        %parallel_loop3A_637 = tpu.vector_load %arg9[%parallel_loop3A_635, %parallel_loop3A_636] {strides = array<i32>} : memref<16x768xf32, #tpu.memory_space<vmem>>, vector<1x16xf32>,
        %parallel_loop3A_638 = vector.shape_cast %parallel_loop3A_637 : vector<1x16xf32> to vector<16xf32>
        %parallel_loop3A_639 = arith.index_cast %parallel_loop3A_108 : i32 to index
        %parallel_loop3A_640 = arith.constant 480 : index
        %parallel_loop3A_641 = tpu.vector_load %arg11[%parallel_loop3A_639, %parallel_loop3A_640] {strides = array<i32>} : memref<16x768xf32, #tpu.memory_space<vmem>>, vector<1x16xf32>,
        %parallel_loop3A_642 = vector.shape_cast %parallel_loop3A_641 : vector<1x16xf32> to vector<16xf32>
        %parallel_loop3A_643 = arith.addf %parallel_loop3A_638, %parallel_loop3A_642 : vector<16xf32>
        %parallel_loop3A_644 = arith.index_cast %parallel_loop3A_108 : i32 to index
        %parallel_loop3A_645 = arith.constant 480 : index
        %parallel_loop3A_646 = tpu.vector_load %arg9[%parallel_loop3A_644, %parallel_loop3A_645] {strides = array<i32>} : memref<16x768xf32, #tpu.memory_space<vmem>>, vector<1x16xf32>,
        %parallel_loop3A_647 = vector.shape_cast %parallel_loop3A_646 : vector<1x16xf32> to vector<16xf32>
        %parallel_loop3A_648 = vector.shape_cast %parallel_loop3A_643 : vector<16xf32> to vector<1x16xf32>
        tpu.vector_store %arg9[%parallel_loop3A_644, %parallel_loop3A_645], %parallel_loop3A_648 {strides = array<i32>} : memref<16x768xf32, #tpu.memory_space<vmem>>, vector<1x16xf32>,
        %parallel_loop3A_649 = arith.addf %parallel_loop3A_581, %parallel_loop3A_643 : vector<16xf32>
        %parallel_loop3A_650 = arith.mulf %parallel_loop3A_643, %parallel_loop3A_643 : vector<16xf32>
        %parallel_loop3A_651 = arith.addf %parallel_loop3A_583, %parallel_loop3A_650 : vector<16xf32>
        %parallel_loop3A_652 = arith.index_cast %parallel_loop3A_108 : i32 to index
        %parallel_loop3A_653 = arith.constant 496 : index
        %parallel_loop3A_654 = tpu.vector_load %arg9[%parallel_loop3A_652, %parallel_loop3A_653] {strides = array<i32>} : memref<16x768xf32, #tpu.memory_space<vmem>>, vector<1x16xf32>,
        %parallel_loop3A_655 = vector.shape_cast %parallel_loop3A_654 : vector<1x16xf32> to vector<16xf32>
        %parallel_loop3A_656 = arith.index_cast %parallel_loop3A_108 : i32 to index
        %parallel_loop3A_657 = arith.constant 496 : index
        %parallel_loop3A_658 = tpu.vector_load %arg11[%parallel_loop3A_656, %parallel_loop3A_657] {strides = array<i32>} : memref<16x768xf32, #tpu.memory_space<vmem>>, vector<1x16xf32>,
        %parallel_loop3A_659 = vector.shape_cast %parallel_loop3A_658 : vector<1x16xf32> to vector<16xf32>
        %parallel_loop3A_660 = arith.addf %parallel_loop3A_655, %parallel_loop3A_659 : vector<16xf32>
        %parallel_loop3A_661 = arith.index_cast %parallel_loop3A_108 : i32 to index
        %parallel_loop3A_662 = arith.constant 496 : index
        %parallel_loop3A_663 = tpu.vector_load %arg9[%parallel_loop3A_661, %parallel_loop3A_662] {strides = array<i32>} : memref<16x768xf32, #tpu.memory_space<vmem>>, vector<1x16xf32>,
        %parallel_loop3A_664 = vector.shape_cast %parallel_loop3A_663 : vector<1x16xf32> to vector<16xf32>
        %parallel_loop3A_665 = vector.shape_cast %parallel_loop3A_660 : vector<16xf32> to vector<1x16xf32>
        tpu.vector_store %arg9[%parallel_loop3A_661, %parallel_loop3A_662], %parallel_loop3A_665 {strides = array<i32>} : memref<16x768xf32, #tpu.memory_space<vmem>>, vector<1x16xf32>,
        %parallel_loop3A_666 = arith.addf %parallel_loop3A_598, %parallel_loop3A_660 : vector<16xf32>
        %parallel_loop3A_667 = arith.mulf %parallel_loop3A_660, %parallel_loop3A_660 : vector<16xf32>
        %parallel_loop3A_668 = arith.addf %parallel_loop3A_600, %parallel_loop3A_667 : vector<16xf32>
        %parallel_loop3A_669 = arith.index_cast %parallel_loop3A_108 : i32 to index
        %parallel_loop3A_670 = arith.constant 512 : index
        %parallel_loop3A_671 = tpu.vector_load %arg9[%parallel_loop3A_669, %parallel_loop3A_670] {strides = array<i32>} : memref<16x768xf32, #tpu.memory_space<vmem>>, vector<1x16xf32>,
        %parallel_loop3A_672 = vector.shape_cast %parallel_loop3A_671 : vector<1x16xf32> to vector<16xf32>
        %parallel_loop3A_673 = arith.index_cast %parallel_loop3A_108 : i32 to index
        %parallel_loop3A_674 = arith.constant 512 : index
        %parallel_loop3A_675 = tpu.vector_load %arg11[%parallel_loop3A_673, %parallel_loop3A_674] {strides = array<i32>} : memref<16x768xf32, #tpu.memory_space<vmem>>, vector<1x16xf32>,
        %parallel_loop3A_676 = vector.shape_cast %parallel_loop3A_675 : vector<1x16xf32> to vector<16xf32>
        %parallel_loop3A_677 = arith.addf %parallel_loop3A_672, %parallel_loop3A_676 : vector<16xf32>
        %parallel_loop3A_678 = arith.index_cast %parallel_loop3A_108 : i32 to index
        %parallel_loop3A_679 = arith.constant 512 : index
        %parallel_loop3A_680 = tpu.vector_load %arg9[%parallel_loop3A_678, %parallel_loop3A_679] {strides = array<i32>} : memref<16x768xf32, #tpu.memory_space<vmem>>, vector<1x16xf32>,
        %parallel_loop3A_681 = vector.shape_cast %parallel_loop3A_680 : vector<1x16xf32> to vector<16xf32>
        %parallel_loop3A_682 = vector.shape_cast %parallel_loop3A_677 : vector<16xf32> to vector<1x16xf32>
        tpu.vector_store %arg9[%parallel_loop3A_678, %parallel_loop3A_679], %parallel_loop3A_682 {strides = array<i32>} : memref<16x768xf32, #tpu.memory_space<vmem>>, vector<1x16xf32>,
        %parallel_loop3A_683 = arith.addf %parallel_loop3A_615, %parallel_loop3A_677 : vector<16xf32>
        %parallel_loop3A_684 = arith.mulf %parallel_loop3A_677, %parallel_loop3A_677 : vector<16xf32>
        %parallel_loop3A_685 = arith.addf %parallel_loop3A_617, %parallel_loop3A_684 : vector<16xf32>
        %parallel_loop3A_686 = arith.index_cast %parallel_loop3A_108 : i32 to index
        %parallel_loop3A_687 = arith.constant 528 : index
        %parallel_loop3A_688 = tpu.vector_load %arg9[%parallel_loop3A_686, %parallel_loop3A_687] {strides = array<i32>} : memref<16x768xf32, #tpu.memory_space<vmem>>, vector<1x16xf32>,
        %parallel_loop3A_689 = vector.shape_cast %parallel_loop3A_688 : vector<1x16xf32> to vector<16xf32>
        %parallel_loop3A_690 = arith.index_cast %parallel_loop3A_108 : i32 to index
        %parallel_loop3A_691 = arith.constant 528 : index
        %parallel_loop3A_692 = tpu.vector_load %arg11[%parallel_loop3A_690, %parallel_loop3A_691] {strides = array<i32>} : memref<16x768xf32, #tpu.memory_space<vmem>>, vector<1x16xf32>,
        %parallel_loop3A_693 = vector.shape_cast %parallel_loop3A_692 : vector<1x16xf32> to vector<16xf32>
        %parallel_loop3A_694 = arith.addf %parallel_loop3A_689, %parallel_loop3A_693 : vector<16xf32>
        %parallel_loop3A_695 = arith.index_cast %parallel_loop3A_108 : i32 to index
        %parallel_loop3A_696 = arith.constant 528 : index
        %parallel_loop3A_697 = tpu.vector_load %arg9[%parallel_loop3A_695, %parallel_loop3A_696] {strides = array<i32>} : memref<16x768xf32, #tpu.memory_space<vmem>>, vector<1x16xf32>,
        %parallel_loop3A_698 = vector.shape_cast %parallel_loop3A_697 : vector<1x16xf32> to vector<16xf32>
        %parallel_loop3A_699 = vector.shape_cast %parallel_loop3A_694 : vector<16xf32> to vector<1x16xf32>
        tpu.vector_store %arg9[%parallel_loop3A_695, %parallel_loop3A_696], %parallel_loop3A_699 {strides = array<i32>} : memref<16x768xf32, #tpu.memory_space<vmem>>, vector<1x16xf32>,
        %parallel_loop3A_700 = arith.addf %parallel_loop3A_632, %parallel_loop3A_694 : vector<16xf32>
        %parallel_loop3A_701 = arith.mulf %parallel_loop3A_694, %parallel_loop3A_694 : vector<16xf32>
        %parallel_loop3A_702 = arith.addf %parallel_loop3A_634, %parallel_loop3A_701 : vector<16xf32>
        %parallel_loop3A_703 = arith.index_cast %parallel_loop3A_108 : i32 to index
        %parallel_loop3A_704 = arith.constant 544 : index
        %parallel_loop3A_705 = tpu.vector_load %arg9[%parallel_loop3A_703, %parallel_loop3A_704] {strides = array<i32>} : memref<16x768xf32, #tpu.memory_space<vmem>>, vector<1x16xf32>,
        %parallel_loop3A_706 = vector.shape_cast %parallel_loop3A_705 : vector<1x16xf32> to vector<16xf32>
        %parallel_loop3A_707 = arith.index_cast %parallel_loop3A_108 : i32 to index
        %parallel_loop3A_708 = arith.constant 544 : index
        %parallel_loop3A_709 = tpu.vector_load %arg11[%parallel_loop3A_707, %parallel_loop3A_708] {strides = array<i32>} : memref<16x768xf32, #tpu.memory_space<vmem>>, vector<1x16xf32>,
        %parallel_loop3A_710 = vector.shape_cast %parallel_loop3A_709 : vector<1x16xf32> to vector<16xf32>
        %parallel_loop3A_711 = arith.addf %parallel_loop3A_706, %parallel_loop3A_710 : vector<16xf32>
        %parallel_loop3A_712 = arith.index_cast %parallel_loop3A_108 : i32 to index
        %parallel_loop3A_713 = arith.constant 544 : index
        %parallel_loop3A_714 = tpu.vector_load %arg9[%parallel_loop3A_712, %parallel_loop3A_713] {strides = array<i32>} : memref<16x768xf32, #tpu.memory_space<vmem>>, vector<1x16xf32>,
        %parallel_loop3A_715 = vector.shape_cast %parallel_loop3A_714 : vector<1x16xf32> to vector<16xf32>
        %parallel_loop3A_716 = vector.shape_cast %parallel_loop3A_711 : vector<16xf32> to vector<1x16xf32>
        tpu.vector_store %arg9[%parallel_loop3A_712, %parallel_loop3A_713], %parallel_loop3A_716 {strides = array<i32>} : memref<16x768xf32, #tpu.memory_space<vmem>>, vector<1x16xf32>,
        %parallel_loop3A_717 = arith.addf %parallel_loop3A_649, %parallel_loop3A_711 : vector<16xf32>
        %parallel_loop3A_718 = arith.mulf %parallel_loop3A_711, %parallel_loop3A_711 : vector<16xf32>
        %parallel_loop3A_719 = arith.addf %parallel_loop3A_651, %parallel_loop3A_718 : vector<16xf32>
        %parallel_loop3A_720 = arith.index_cast %parallel_loop3A_108 : i32 to index
        %parallel_loop3A_721 = arith.constant 560 : index
        %parallel_loop3A_722 = tpu.vector_load %arg9[%parallel_loop3A_720, %parallel_loop3A_721] {strides = array<i32>} : memref<16x768xf32, #tpu.memory_space<vmem>>, vector<1x16xf32>,
        %parallel_loop3A_723 = vector.shape_cast %parallel_loop3A_722 : vector<1x16xf32> to vector<16xf32>
        %parallel_loop3A_724 = arith.index_cast %parallel_loop3A_108 : i32 to index
        %parallel_loop3A_725 = arith.constant 560 : index
        %parallel_loop3A_726 = tpu.vector_load %arg11[%parallel_loop3A_724, %parallel_loop3A_725] {strides = array<i32>} : memref<16x768xf32, #tpu.memory_space<vmem>>, vector<1x16xf32>,
        %parallel_loop3A_727 = vector.shape_cast %parallel_loop3A_726 : vector<1x16xf32> to vector<16xf32>
        %parallel_loop3A_728 = arith.addf %parallel_loop3A_723, %parallel_loop3A_727 : vector<16xf32>
        %parallel_loop3A_729 = arith.index_cast %parallel_loop3A_108 : i32 to index
        %parallel_loop3A_730 = arith.constant 560 : index
        %parallel_loop3A_731 = tpu.vector_load %arg9[%parallel_loop3A_729, %parallel_loop3A_730] {strides = array<i32>} : memref<16x768xf32, #tpu.memory_space<vmem>>, vector<1x16xf32>,
        %parallel_loop3A_732 = vector.shape_cast %parallel_loop3A_731 : vector<1x16xf32> to vector<16xf32>
        %parallel_loop3A_733 = vector.shape_cast %parallel_loop3A_728 : vector<16xf32> to vector<1x16xf32>
        tpu.vector_store %arg9[%parallel_loop3A_729, %parallel_loop3A_730], %parallel_loop3A_733 {strides = array<i32>} : memref<16x768xf32, #tpu.memory_space<vmem>>, vector<1x16xf32>,
        %parallel_loop3A_734 = arith.addf %parallel_loop3A_666, %parallel_loop3A_728 : vector<16xf32>
        %parallel_loop3A_735 = arith.mulf %parallel_loop3A_728, %parallel_loop3A_728 : vector<16xf32>
        %parallel_loop3A_736 = arith.addf %parallel_loop3A_668, %parallel_loop3A_735 : vector<16xf32>
        %parallel_loop3A_737 = arith.index_cast %parallel_loop3A_108 : i32 to index
        %parallel_loop3A_738 = arith.constant 576 : index
        %parallel_loop3A_739 = tpu.vector_load %arg9[%parallel_loop3A_737, %parallel_loop3A_738] {strides = array<i32>} : memref<16x768xf32, #tpu.memory_space<vmem>>, vector<1x16xf32>,
        %parallel_loop3A_740 = vector.shape_cast %parallel_loop3A_739 : vector<1x16xf32> to vector<16xf32>
        %parallel_loop3A_741 = arith.index_cast %parallel_loop3A_108 : i32 to index
        %parallel_loop3A_742 = arith.constant 576 : index
        %parallel_loop3A_743 = tpu.vector_load %arg11[%parallel_loop3A_741, %parallel_loop3A_742] {strides = array<i32>} : memref<16x768xf32, #tpu.memory_space<vmem>>, vector<1x16xf32>,
        %parallel_loop3A_744 = vector.shape_cast %parallel_loop3A_743 : vector<1x16xf32> to vector<16xf32>
        %parallel_loop3A_745 = arith.addf %parallel_loop3A_740, %parallel_loop3A_744 : vector<16xf32>
        %parallel_loop3A_746 = arith.index_cast %parallel_loop3A_108 : i32 to index
        %parallel_loop3A_747 = arith.constant 576 : index
        %parallel_loop3A_748 = tpu.vector_load %arg9[%parallel_loop3A_746, %parallel_loop3A_747] {strides = array<i32>} : memref<16x768xf32, #tpu.memory_space<vmem>>, vector<1x16xf32>,
        %parallel_loop3A_749 = vector.shape_cast %parallel_loop3A_748 : vector<1x16xf32> to vector<16xf32>
        %parallel_loop3A_750 = vector.shape_cast %parallel_loop3A_745 : vector<16xf32> to vector<1x16xf32>
        tpu.vector_store %arg9[%parallel_loop3A_746, %parallel_loop3A_747], %parallel_loop3A_750 {strides = array<i32>} : memref<16x768xf32, #tpu.memory_space<vmem>>, vector<1x16xf32>,
        %parallel_loop3A_751 = arith.addf %parallel_loop3A_683, %parallel_loop3A_745 : vector<16xf32>
        %parallel_loop3A_752 = arith.mulf %parallel_loop3A_745, %parallel_loop3A_745 : vector<16xf32>
        %parallel_loop3A_753 = arith.addf %parallel_loop3A_685, %parallel_loop3A_752 : vector<16xf32>
        %parallel_loop3A_754 = arith.index_cast %parallel_loop3A_108 : i32 to index
        %parallel_loop3A_755 = arith.constant 592 : index
        %parallel_loop3A_756 = tpu.vector_load %arg9[%parallel_loop3A_754, %parallel_loop3A_755] {strides = array<i32>} : memref<16x768xf32, #tpu.memory_space<vmem>>, vector<1x16xf32>,
        %parallel_loop3A_757 = vector.shape_cast %parallel_loop3A_756 : vector<1x16xf32> to vector<16xf32>
        %parallel_loop3A_758 = arith.index_cast %parallel_loop3A_108 : i32 to index
        %parallel_loop3A_759 = arith.constant 592 : index
        %parallel_loop3A_760 = tpu.vector_load %arg11[%parallel_loop3A_758, %parallel_loop3A_759] {strides = array<i32>} : memref<16x768xf32, #tpu.memory_space<vmem>>, vector<1x16xf32>,
        %parallel_loop3A_761 = vector.shape_cast %parallel_loop3A_760 : vector<1x16xf32> to vector<16xf32>
        %parallel_loop3A_762 = arith.addf %parallel_loop3A_757, %parallel_loop3A_761 : vector<16xf32>
        %parallel_loop3A_763 = arith.index_cast %parallel_loop3A_108 : i32 to index
        %parallel_loop3A_764 = arith.constant 592 : index
        %parallel_loop3A_765 = tpu.vector_load %arg9[%parallel_loop3A_763, %parallel_loop3A_764] {strides = array<i32>} : memref<16x768xf32, #tpu.memory_space<vmem>>, vector<1x16xf32>,
        %parallel_loop3A_766 = vector.shape_cast %parallel_loop3A_765 : vector<1x16xf32> to vector<16xf32>
        %parallel_loop3A_767 = vector.shape_cast %parallel_loop3A_762 : vector<16xf32> to vector<1x16xf32>
        tpu.vector_store %arg9[%parallel_loop3A_763, %parallel_loop3A_764], %parallel_loop3A_767 {strides = array<i32>} : memref<16x768xf32, #tpu.memory_space<vmem>>, vector<1x16xf32>,
        %parallel_loop3A_768 = arith.addf %parallel_loop3A_700, %parallel_loop3A_762 : vector<16xf32>
        %parallel_loop3A_769 = arith.mulf %parallel_loop3A_762, %parallel_loop3A_762 : vector<16xf32>
        %parallel_loop3A_770 = arith.addf %parallel_loop3A_702, %parallel_loop3A_769 : vector<16xf32>
        %parallel_loop3A_771 = arith.index_cast %parallel_loop3A_108 : i32 to index
        %parallel_loop3A_772 = arith.constant 608 : index
        %parallel_loop3A_773 = tpu.vector_load %arg9[%parallel_loop3A_771, %parallel_loop3A_772] {strides = array<i32>} : memref<16x768xf32, #tpu.memory_space<vmem>>, vector<1x16xf32>,
        %parallel_loop3A_774 = vector.shape_cast %parallel_loop3A_773 : vector<1x16xf32> to vector<16xf32>
        %parallel_loop3A_775 = arith.index_cast %parallel_loop3A_108 : i32 to index
        %parallel_loop3A_776 = arith.constant 608 : index
        %parallel_loop3A_777 = tpu.vector_load %arg11[%parallel_loop3A_775, %parallel_loop3A_776] {strides = array<i32>} : memref<16x768xf32, #tpu.memory_space<vmem>>, vector<1x16xf32>,
        %parallel_loop3A_778 = vector.shape_cast %parallel_loop3A_777 : vector<1x16xf32> to vector<16xf32>
        %parallel_loop3A_779 = arith.addf %parallel_loop3A_774, %parallel_loop3A_778 : vector<16xf32>
        %parallel_loop3A_780 = arith.index_cast %parallel_loop3A_108 : i32 to index
        %parallel_loop3A_781 = arith.constant 608 : index
        %parallel_loop3A_782 = tpu.vector_load %arg9[%parallel_loop3A_780, %parallel_loop3A_781] {strides = array<i32>} : memref<16x768xf32, #tpu.memory_space<vmem>>, vector<1x16xf32>,
        %parallel_loop3A_783 = vector.shape_cast %parallel_loop3A_782 : vector<1x16xf32> to vector<16xf32>
        %parallel_loop3A_784 = vector.shape_cast %parallel_loop3A_779 : vector<16xf32> to vector<1x16xf32>
        tpu.vector_store %arg9[%parallel_loop3A_780, %parallel_loop3A_781], %parallel_loop3A_784 {strides = array<i32>} : memref<16x768xf32, #tpu.memory_space<vmem>>, vector<1x16xf32>,
        %parallel_loop3A_785 = arith.addf %parallel_loop3A_717, %parallel_loop3A_779 : vector<16xf32>
        %parallel_loop3A_786 = arith.mulf %parallel_loop3A_779, %parallel_loop3A_779 : vector<16xf32>
        %parallel_loop3A_787 = arith.addf %parallel_loop3A_719, %parallel_loop3A_786 : vector<16xf32>
        %parallel_loop3A_788 = arith.index_cast %parallel_loop3A_108 : i32 to index
        %parallel_loop3A_789 = arith.constant 624 : index
        %parallel_loop3A_790 = tpu.vector_load %arg9[%parallel_loop3A_788, %parallel_loop3A_789] {strides = array<i32>} : memref<16x768xf32, #tpu.memory_space<vmem>>, vector<1x16xf32>,
        %parallel_loop3A_791 = vector.shape_cast %parallel_loop3A_790 : vector<1x16xf32> to vector<16xf32>
        %parallel_loop3A_792 = arith.index_cast %parallel_loop3A_108 : i32 to index
        %parallel_loop3A_793 = arith.constant 624 : index
        %parallel_loop3A_794 = tpu.vector_load %arg11[%parallel_loop3A_792, %parallel_loop3A_793] {strides = array<i32>} : memref<16x768xf32, #tpu.memory_space<vmem>>, vector<1x16xf32>,
        %parallel_loop3A_795 = vector.shape_cast %parallel_loop3A_794 : vector<1x16xf32> to vector<16xf32>
        %parallel_loop3A_796 = arith.addf %parallel_loop3A_791, %parallel_loop3A_795 : vector<16xf32>
        %parallel_loop3A_797 = arith.index_cast %parallel_loop3A_108 : i32 to index
        %parallel_loop3A_798 = arith.constant 624 : index
        %parallel_loop3A_799 = tpu.vector_load %arg9[%parallel_loop3A_797, %parallel_loop3A_798] {strides = array<i32>} : memref<16x768xf32, #tpu.memory_space<vmem>>, vector<1x16xf32>,
        %parallel_loop3A_800 = vector.shape_cast %parallel_loop3A_799 : vector<1x16xf32> to vector<16xf32>
        %parallel_loop3A_801 = vector.shape_cast %parallel_loop3A_796 : vector<16xf32> to vector<1x16xf32>
        tpu.vector_store %arg9[%parallel_loop3A_797, %parallel_loop3A_798], %parallel_loop3A_801 {strides = array<i32>} : memref<16x768xf32, #tpu.memory_space<vmem>>, vector<1x16xf32>,
        %parallel_loop3A_802 = arith.addf %parallel_loop3A_734, %parallel_loop3A_796 : vector<16xf32>
        %parallel_loop3A_803 = arith.mulf %parallel_loop3A_796, %parallel_loop3A_796 : vector<16xf32>
        %parallel_loop3A_804 = arith.addf %parallel_loop3A_736, %parallel_loop3A_803 : vector<16xf32>
        %parallel_loop3A_805 = arith.index_cast %parallel_loop3A_108 : i32 to index
        %parallel_loop3A_806 = arith.constant 640 : index
        %parallel_loop3A_807 = tpu.vector_load %arg9[%parallel_loop3A_805, %parallel_loop3A_806] {strides = array<i32>} : memref<16x768xf32, #tpu.memory_space<vmem>>, vector<1x16xf32>,
        %parallel_loop3A_808 = vector.shape_cast %parallel_loop3A_807 : vector<1x16xf32> to vector<16xf32>
        %parallel_loop3A_809 = arith.index_cast %parallel_loop3A_108 : i32 to index
        %parallel_loop3A_810 = arith.constant 640 : index
        %parallel_loop3A_811 = tpu.vector_load %arg11[%parallel_loop3A_809, %parallel_loop3A_810] {strides = array<i32>} : memref<16x768xf32, #tpu.memory_space<vmem>>, vector<1x16xf32>,
        %parallel_loop3A_812 = vector.shape_cast %parallel_loop3A_811 : vector<1x16xf32> to vector<16xf32>
        %parallel_loop3A_813 = arith.addf %parallel_loop3A_808, %parallel_loop3A_812 : vector<16xf32>
        %parallel_loop3A_814 = arith.index_cast %parallel_loop3A_108 : i32 to index
        %parallel_loop3A_815 = arith.constant 640 : index
        %parallel_loop3A_816 = tpu.vector_load %arg9[%parallel_loop3A_814, %parallel_loop3A_815] {strides = array<i32>} : memref<16x768xf32, #tpu.memory_space<vmem>>, vector<1x16xf32>,
        %parallel_loop3A_817 = vector.shape_cast %parallel_loop3A_816 : vector<1x16xf32> to vector<16xf32>
        %parallel_loop3A_818 = vector.shape_cast %parallel_loop3A_813 : vector<16xf32> to vector<1x16xf32>
        tpu.vector_store %arg9[%parallel_loop3A_814, %parallel_loop3A_815], %parallel_loop3A_818 {strides = array<i32>} : memref<16x768xf32, #tpu.memory_space<vmem>>, vector<1x16xf32>,
        %parallel_loop3A_819 = arith.addf %parallel_loop3A_751, %parallel_loop3A_813 : vector<16xf32>
        %parallel_loop3A_820 = arith.mulf %parallel_loop3A_813, %parallel_loop3A_813 : vector<16xf32>
        %parallel_loop3A_821 = arith.addf %parallel_loop3A_753, %parallel_loop3A_820 : vector<16xf32>
        %parallel_loop3A_822 = arith.index_cast %parallel_loop3A_108 : i32 to index
        %parallel_loop3A_823 = arith.constant 656 : index
        %parallel_loop3A_824 = tpu.vector_load %arg9[%parallel_loop3A_822, %parallel_loop3A_823] {strides = array<i32>} : memref<16x768xf32, #tpu.memory_space<vmem>>, vector<1x16xf32>,
        %parallel_loop3A_825 = vector.shape_cast %parallel_loop3A_824 : vector<1x16xf32> to vector<16xf32>
        %parallel_loop3A_826 = arith.index_cast %parallel_loop3A_108 : i32 to index
        %parallel_loop3A_827 = arith.constant 656 : index
        %parallel_loop3A_828 = tpu.vector_load %arg11[%parallel_loop3A_826, %parallel_loop3A_827] {strides = array<i32>} : memref<16x768xf32, #tpu.memory_space<vmem>>, vector<1x16xf32>,
        %parallel_loop3A_829 = vector.shape_cast %parallel_loop3A_828 : vector<1x16xf32> to vector<16xf32>
        %parallel_loop3A_830 = arith.addf %parallel_loop3A_825, %parallel_loop3A_829 : vector<16xf32>
        %parallel_loop3A_831 = arith.index_cast %parallel_loop3A_108 : i32 to index
        %parallel_loop3A_832 = arith.constant 656 : index
        %parallel_loop3A_833 = tpu.vector_load %arg9[%parallel_loop3A_831, %parallel_loop3A_832] {strides = array<i32>} : memref<16x768xf32, #tpu.memory_space<vmem>>, vector<1x16xf32>,
        %parallel_loop3A_834 = vector.shape_cast %parallel_loop3A_833 : vector<1x16xf32> to vector<16xf32>
        %parallel_loop3A_835 = vector.shape_cast %parallel_loop3A_830 : vector<16xf32> to vector<1x16xf32>
        tpu.vector_store %arg9[%parallel_loop3A_831, %parallel_loop3A_832], %parallel_loop3A_835 {strides = array<i32>} : memref<16x768xf32, #tpu.memory_space<vmem>>, vector<1x16xf32>,
        %parallel_loop3A_836 = arith.addf %parallel_loop3A_768, %parallel_loop3A_830 : vector<16xf32>
        %parallel_loop3A_837 = arith.mulf %parallel_loop3A_830, %parallel_loop3A_830 : vector<16xf32>
        %parallel_loop3A_838 = arith.addf %parallel_loop3A_770, %parallel_loop3A_837 : vector<16xf32>
        %parallel_loop3A_839 = arith.index_cast %parallel_loop3A_108 : i32 to index
        %parallel_loop3A_840 = arith.constant 672 : index
        %parallel_loop3A_841 = tpu.vector_load %arg9[%parallel_loop3A_839, %parallel_loop3A_840] {strides = array<i32>} : memref<16x768xf32, #tpu.memory_space<vmem>>, vector<1x16xf32>,
        %parallel_loop3A_842 = vector.shape_cast %parallel_loop3A_841 : vector<1x16xf32> to vector<16xf32>
        %parallel_loop3A_843 = arith.index_cast %parallel_loop3A_108 : i32 to index
        %parallel_loop3A_844 = arith.constant 672 : index
        %parallel_loop3A_845 = tpu.vector_load %arg11[%parallel_loop3A_843, %parallel_loop3A_844] {strides = array<i32>} : memref<16x768xf32, #tpu.memory_space<vmem>>, vector<1x16xf32>,
        %parallel_loop3A_846 = vector.shape_cast %parallel_loop3A_845 : vector<1x16xf32> to vector<16xf32>
        %parallel_loop3A_847 = arith.addf %parallel_loop3A_842, %parallel_loop3A_846 : vector<16xf32>
        %parallel_loop3A_848 = arith.index_cast %parallel_loop3A_108 : i32 to index
        %parallel_loop3A_849 = arith.constant 672 : index
        %parallel_loop3A_850 = tpu.vector_load %arg9[%parallel_loop3A_848, %parallel_loop3A_849] {strides = array<i32>} : memref<16x768xf32, #tpu.memory_space<vmem>>, vector<1x16xf32>,
        %parallel_loop3A_851 = vector.shape_cast %parallel_loop3A_850 : vector<1x16xf32> to vector<16xf32>
        %parallel_loop3A_852 = vector.shape_cast %parallel_loop3A_847 : vector<16xf32> to vector<1x16xf32>
        tpu.vector_store %arg9[%parallel_loop3A_848, %parallel_loop3A_849], %parallel_loop3A_852 {strides = array<i32>} : memref<16x768xf32, #tpu.memory_space<vmem>>, vector<1x16xf32>,
        %parallel_loop3A_853 = arith.addf %parallel_loop3A_785, %parallel_loop3A_847 : vector<16xf32>
        %parallel_loop3A_854 = arith.mulf %parallel_loop3A_847, %parallel_loop3A_847 : vector<16xf32>
        %parallel_loop3A_855 = arith.addf %parallel_loop3A_787, %parallel_loop3A_854 : vector<16xf32>
        %parallel_loop3A_856 = arith.index_cast %parallel_loop3A_108 : i32 to index
        %parallel_loop3A_857 = arith.constant 688 : index
        %parallel_loop3A_858 = tpu.vector_load %arg9[%parallel_loop3A_856, %parallel_loop3A_857] {strides = array<i32>} : memref<16x768xf32, #tpu.memory_space<vmem>>, vector<1x16xf32>,
        %parallel_loop3A_859 = vector.shape_cast %parallel_loop3A_858 : vector<1x16xf32> to vector<16xf32>
        %parallel_loop3A_860 = arith.index_cast %parallel_loop3A_108 : i32 to index
        %parallel_loop3A_861 = arith.constant 688 : index
        %parallel_loop3A_862 = tpu.vector_load %arg11[%parallel_loop3A_860, %parallel_loop3A_861] {strides = array<i32>} : memref<16x768xf32, #tpu.memory_space<vmem>>, vector<1x16xf32>,
        %parallel_loop3A_863 = vector.shape_cast %parallel_loop3A_862 : vector<1x16xf32> to vector<16xf32>
        %parallel_loop3A_864 = arith.addf %parallel_loop3A_859, %parallel_loop3A_863 : vector<16xf32>
        %parallel_loop3A_865 = arith.index_cast %parallel_loop3A_108 : i32 to index
        %parallel_loop3A_866 = arith.constant 688 : index
        %parallel_loop3A_867 = tpu.vector_load %arg9[%parallel_loop3A_865, %parallel_loop3A_866] {strides = array<i32>} : memref<16x768xf32, #tpu.memory_space<vmem>>, vector<1x16xf32>,
        %parallel_loop3A_868 = vector.shape_cast %parallel_loop3A_867 : vector<1x16xf32> to vector<16xf32>
        %parallel_loop3A_869 = vector.shape_cast %parallel_loop3A_864 : vector<16xf32> to vector<1x16xf32>
        tpu.vector_store %arg9[%parallel_loop3A_865, %parallel_loop3A_866], %parallel_loop3A_869 {strides = array<i32>} : memref<16x768xf32, #tpu.memory_space<vmem>>, vector<1x16xf32>,
        %parallel_loop3A_870 = arith.addf %parallel_loop3A_802, %parallel_loop3A_864 : vector<16xf32>
        %parallel_loop3A_871 = arith.mulf %parallel_loop3A_864, %parallel_loop3A_864 : vector<16xf32>
        %parallel_loop3A_872 = arith.addf %parallel_loop3A_804, %parallel_loop3A_871 : vector<16xf32>
        %parallel_loop3A_873 = arith.index_cast %parallel_loop3A_108 : i32 to index
        %parallel_loop3A_874 = arith.constant 704 : index
        %parallel_loop3A_875 = tpu.vector_load %arg9[%parallel_loop3A_873, %parallel_loop3A_874] {strides = array<i32>} : memref<16x768xf32, #tpu.memory_space<vmem>>, vector<1x16xf32>,
        %parallel_loop3A_876 = vector.shape_cast %parallel_loop3A_875 : vector<1x16xf32> to vector<16xf32>
        %parallel_loop3A_877 = arith.index_cast %parallel_loop3A_108 : i32 to index
        %parallel_loop3A_878 = arith.constant 704 : index
        %parallel_loop3A_879 = tpu.vector_load %arg11[%parallel_loop3A_877, %parallel_loop3A_878] {strides = array<i32>} : memref<16x768xf32, #tpu.memory_space<vmem>>, vector<1x16xf32>,
        %parallel_loop3A_880 = vector.shape_cast %parallel_loop3A_879 : vector<1x16xf32> to vector<16xf32>
        %parallel_loop3A_881 = arith.addf %parallel_loop3A_876, %parallel_loop3A_880 : vector<16xf32>
        %parallel_loop3A_882 = arith.index_cast %parallel_loop3A_108 : i32 to index
        %parallel_loop3A_883 = arith.constant 704 : index
        %parallel_loop3A_884 = tpu.vector_load %arg9[%parallel_loop3A_882, %parallel_loop3A_883] {strides = array<i32>} : memref<16x768xf32, #tpu.memory_space<vmem>>, vector<1x16xf32>,
        %parallel_loop3A_885 = vector.shape_cast %parallel_loop3A_884 : vector<1x16xf32> to vector<16xf32>
        %parallel_loop3A_886 = vector.shape_cast %parallel_loop3A_881 : vector<16xf32> to vector<1x16xf32>
        tpu.vector_store %arg9[%parallel_loop3A_882, %parallel_loop3A_883], %parallel_loop3A_886 {strides = array<i32>} : memref<16x768xf32, #tpu.memory_space<vmem>>, vector<1x16xf32>,
        %parallel_loop3A_887 = arith.addf %parallel_loop3A_819, %parallel_loop3A_881 : vector<16xf32>
        %parallel_loop3A_888 = arith.mulf %parallel_loop3A_881, %parallel_loop3A_881 : vector<16xf32>
        %parallel_loop3A_889 = arith.addf %parallel_loop3A_821, %parallel_loop3A_888 : vector<16xf32>
        %parallel_loop3A_890 = arith.index_cast %parallel_loop3A_108 : i32 to index
        %parallel_loop3A_891 = arith.constant 720 : index
        %parallel_loop3A_892 = tpu.vector_load %arg9[%parallel_loop3A_890, %parallel_loop3A_891] {strides = array<i32>} : memref<16x768xf32, #tpu.memory_space<vmem>>, vector<1x16xf32>,
        %parallel_loop3A_893 = vector.shape_cast %parallel_loop3A_892 : vector<1x16xf32> to vector<16xf32>
        %parallel_loop3A_894 = arith.index_cast %parallel_loop3A_108 : i32 to index
        %parallel_loop3A_895 = arith.constant 720 : index
        %parallel_loop3A_896 = tpu.vector_load %arg11[%parallel_loop3A_894, %parallel_loop3A_895] {strides = array<i32>} : memref<16x768xf32, #tpu.memory_space<vmem>>, vector<1x16xf32>,
        %parallel_loop3A_897 = vector.shape_cast %parallel_loop3A_896 : vector<1x16xf32> to vector<16xf32>
        %parallel_loop3A_898 = arith.addf %parallel_loop3A_893, %parallel_loop3A_897 : vector<16xf32>
        %parallel_loop3A_899 = arith.index_cast %parallel_loop3A_108 : i32 to index
        %parallel_loop3A_900 = arith.constant 720 : index
        %parallel_loop3A_901 = tpu.vector_load %arg9[%parallel_loop3A_899, %parallel_loop3A_900] {strides = array<i32>} : memref<16x768xf32, #tpu.memory_space<vmem>>, vector<1x16xf32>,
        %parallel_loop3A_902 = vector.shape_cast %parallel_loop3A_901 : vector<1x16xf32> to vector<16xf32>
        %parallel_loop3A_903 = vector.shape_cast %parallel_loop3A_898 : vector<16xf32> to vector<1x16xf32>
        tpu.vector_store %arg9[%parallel_loop3A_899, %parallel_loop3A_900], %parallel_loop3A_903 {strides = array<i32>} : memref<16x768xf32, #tpu.memory_space<vmem>>, vector<1x16xf32>,
        %parallel_loop3A_904 = arith.addf %parallel_loop3A_836, %parallel_loop3A_898 : vector<16xf32>
        %parallel_loop3A_905 = arith.mulf %parallel_loop3A_898, %parallel_loop3A_898 : vector<16xf32>
        %parallel_loop3A_906 = arith.addf %parallel_loop3A_838, %parallel_loop3A_905 : vector<16xf32>
        %parallel_loop3A_907 = arith.index_cast %parallel_loop3A_108 : i32 to index
        %parallel_loop3A_908 = arith.constant 736 : index
        %parallel_loop3A_909 = tpu.vector_load %arg9[%parallel_loop3A_907, %parallel_loop3A_908] {strides = array<i32>} : memref<16x768xf32, #tpu.memory_space<vmem>>, vector<1x16xf32>,
        %parallel_loop3A_910 = vector.shape_cast %parallel_loop3A_909 : vector<1x16xf32> to vector<16xf32>
        %parallel_loop3A_911 = arith.index_cast %parallel_loop3A_108 : i32 to index
        %parallel_loop3A_912 = arith.constant 736 : index
        %parallel_loop3A_913 = tpu.vector_load %arg11[%parallel_loop3A_911, %parallel_loop3A_912] {strides = array<i32>} : memref<16x768xf32, #tpu.memory_space<vmem>>, vector<1x16xf32>,
        %parallel_loop3A_914 = vector.shape_cast %parallel_loop3A_913 : vector<1x16xf32> to vector<16xf32>
        %parallel_loop3A_915 = arith.addf %parallel_loop3A_910, %parallel_loop3A_914 : vector<16xf32>
        %parallel_loop3A_916 = arith.index_cast %parallel_loop3A_108 : i32 to index
        %parallel_loop3A_917 = arith.constant 736 : index
        %parallel_loop3A_918 = tpu.vector_load %arg9[%parallel_loop3A_916, %parallel_loop3A_917] {strides = array<i32>} : memref<16x768xf32, #tpu.memory_space<vmem>>, vector<1x16xf32>,
        %parallel_loop3A_919 = vector.shape_cast %parallel_loop3A_918 : vector<1x16xf32> to vector<16xf32>
        %parallel_loop3A_920 = vector.shape_cast %parallel_loop3A_915 : vector<16xf32> to vector<1x16xf32>
        tpu.vector_store %arg9[%parallel_loop3A_916, %parallel_loop3A_917], %parallel_loop3A_920 {strides = array<i32>} : memref<16x768xf32, #tpu.memory_space<vmem>>, vector<1x16xf32>,
        %parallel_loop3A_921 = arith.addf %parallel_loop3A_853, %parallel_loop3A_915 : vector<16xf32>
        %parallel_loop3A_922 = arith.mulf %parallel_loop3A_915, %parallel_loop3A_915 : vector<16xf32>
        %parallel_loop3A_923 = arith.addf %parallel_loop3A_855, %parallel_loop3A_922 : vector<16xf32>
        %parallel_loop3A_924 = arith.index_cast %parallel_loop3A_108 : i32 to index
        %parallel_loop3A_925 = arith.constant 752 : index
        %parallel_loop3A_926 = tpu.vector_load %arg9[%parallel_loop3A_924, %parallel_loop3A_925] {strides = array<i32>} : memref<16x768xf32, #tpu.memory_space<vmem>>, vector<1x16xf32>,
        %parallel_loop3A_927 = vector.shape_cast %parallel_loop3A_926 : vector<1x16xf32> to vector<16xf32>
        %parallel_loop3A_928 = arith.index_cast %parallel_loop3A_108 : i32 to index
        %parallel_loop3A_929 = arith.constant 752 : index
        %parallel_loop3A_930 = tpu.vector_load %arg11[%parallel_loop3A_928, %parallel_loop3A_929] {strides = array<i32>} : memref<16x768xf32, #tpu.memory_space<vmem>>, vector<1x16xf32>,
        %parallel_loop3A_931 = vector.shape_cast %parallel_loop3A_930 : vector<1x16xf32> to vector<16xf32>
        %parallel_loop3A_932 = arith.addf %parallel_loop3A_927, %parallel_loop3A_931 : vector<16xf32>
        %parallel_loop3A_933 = arith.index_cast %parallel_loop3A_108 : i32 to index
        %parallel_loop3A_934 = arith.constant 752 : index
        %parallel_loop3A_935 = tpu.vector_load %arg9[%parallel_loop3A_933, %parallel_loop3A_934] {strides = array<i32>} : memref<16x768xf32, #tpu.memory_space<vmem>>, vector<1x16xf32>,
        %parallel_loop3A_936 = vector.shape_cast %parallel_loop3A_935 : vector<1x16xf32> to vector<16xf32>
        %parallel_loop3A_937 = vector.shape_cast %parallel_loop3A_932 : vector<16xf32> to vector<1x16xf32>
        tpu.vector_store %arg9[%parallel_loop3A_933, %parallel_loop3A_934], %parallel_loop3A_937 {strides = array<i32>} : memref<16x768xf32, #tpu.memory_space<vmem>>, vector<1x16xf32>,
        %parallel_loop3A_938 = arith.addf %parallel_loop3A_870, %parallel_loop3A_932 : vector<16xf32>
        %parallel_loop3A_939 = arith.mulf %parallel_loop3A_932, %parallel_loop3A_932 : vector<16xf32>
        %parallel_loop3A_940 = arith.addf %parallel_loop3A_872, %parallel_loop3A_939 : vector<16xf32>
        %parallel_loop3A_941 = arith.addf %parallel_loop3A_887, %parallel_loop3A_904 : vector<16xf32>
        %parallel_loop3A_942 = arith.addf %parallel_loop3A_921, %parallel_loop3A_938 : vector<16xf32>
        %parallel_loop3A_943 = arith.addf %parallel_loop3A_941, %parallel_loop3A_942 : vector<16xf32>
        %parallel_loop3A_944 = tpu.iota {dimensions = array<i32: 0>} : vector<16xi32>
        %parallel_loop3A_945 = arith.constant 1 : i32
        %parallel_loop3A_946 = vector.broadcast %parallel_loop3A_945 : i32 to vector<16xi32>
        %parallel_loop3A_947 = arith.xori %parallel_loop3A_944, %parallel_loop3A_946 : vector<16xi32>
        %parallel_loop3A_948 = vector.shape_cast %parallel_loop3A_947 : vector<16xi32> to vector<16x1xi32>
        %parallel_loop3A_949 = vector.shape_cast %parallel_loop3A_948 : vector<16x1xi32> to vector<16xi32>
        %parallel_loop3A_950 = tpu.dynamic_gather %parallel_loop3A_943[%parallel_loop3A_949] in [0] : vector<16xf32>, vector<16xi32> -> vector<16xf32>
        %parallel_loop3A_951 = arith.addf %parallel_loop3A_943, %parallel_loop3A_950 : vector<16xf32>
        %parallel_loop3A_952 = arith.constant 2 : i32
        %parallel_loop3A_953 = vector.broadcast %parallel_loop3A_952 : i32 to vector<16xi32>
        %parallel_loop3A_954 = arith.xori %parallel_loop3A_944, %parallel_loop3A_953 : vector<16xi32>
        %parallel_loop3A_955 = vector.shape_cast %parallel_loop3A_954 : vector<16xi32> to vector<16x1xi32>
        %parallel_loop3A_956 = vector.shape_cast %parallel_loop3A_955 : vector<16x1xi32> to vector<16xi32>
        %parallel_loop3A_957 = tpu.dynamic_gather %parallel_loop3A_951[%parallel_loop3A_956] in [0] : vector<16xf32>, vector<16xi32> -> vector<16xf32>
        %parallel_loop3A_958 = arith.addf %parallel_loop3A_951, %parallel_loop3A_957 : vector<16xf32>
        %parallel_loop3A_959 = arith.constant 4 : i32
        %parallel_loop3A_960 = vector.broadcast %parallel_loop3A_959 : i32 to vector<16xi32>
        %parallel_loop3A_961 = arith.xori %parallel_loop3A_944, %parallel_loop3A_960 : vector<16xi32>
        %parallel_loop3A_962 = vector.shape_cast %parallel_loop3A_961 : vector<16xi32> to vector<16x1xi32>
        %parallel_loop3A_963 = vector.shape_cast %parallel_loop3A_962 : vector<16x1xi32> to vector<16xi32>
        %parallel_loop3A_964 = tpu.dynamic_gather %parallel_loop3A_958[%parallel_loop3A_963] in [0] : vector<16xf32>, vector<16xi32> -> vector<16xf32>
        %parallel_loop3A_965 = arith.addf %parallel_loop3A_958, %parallel_loop3A_964 : vector<16xf32>
        %parallel_loop3A_966 = arith.constant 8 : i32
        %parallel_loop3A_967 = vector.broadcast %parallel_loop3A_966 : i32 to vector<16xi32>
        %parallel_loop3A_968 = arith.xori %parallel_loop3A_944, %parallel_loop3A_967 : vector<16xi32>
        %parallel_loop3A_969 = vector.shape_cast %parallel_loop3A_968 : vector<16xi32> to vector<16x1xi32>
        %parallel_loop3A_970 = vector.shape_cast %parallel_loop3A_969 : vector<16x1xi32> to vector<16xi32>
        %parallel_loop3A_971 = tpu.dynamic_gather %parallel_loop3A_965[%parallel_loop3A_970] in [0] : vector<16xf32>, vector<16xi32> -> vector<16xf32>
        %parallel_loop3A_972 = arith.addf %parallel_loop3A_965, %parallel_loop3A_971 : vector<16xf32>
        %parallel_loop3A_973 = arith.addf %parallel_loop3A_889, %parallel_loop3A_906 : vector<16xf32>
        %parallel_loop3A_974 = arith.addf %parallel_loop3A_923, %parallel_loop3A_940 : vector<16xf32>
        %parallel_loop3A_975 = arith.addf %parallel_loop3A_973, %parallel_loop3A_974 : vector<16xf32>
        %parallel_loop3A_976 = tpu.iota {dimensions = array<i32: 0>} : vector<16xi32>
        %parallel_loop3A_977 = arith.constant 1 : i32
        %parallel_loop3A_978 = vector.broadcast %parallel_loop3A_977 : i32 to vector<16xi32>
        %parallel_loop3A_979 = arith.xori %parallel_loop3A_976, %parallel_loop3A_978 : vector<16xi32>
        %parallel_loop3A_980 = vector.shape_cast %parallel_loop3A_979 : vector<16xi32> to vector<16x1xi32>
        %parallel_loop3A_981 = vector.shape_cast %parallel_loop3A_980 : vector<16x1xi32> to vector<16xi32>
        %parallel_loop3A_982 = tpu.dynamic_gather %parallel_loop3A_975[%parallel_loop3A_981] in [0] : vector<16xf32>, vector<16xi32> -> vector<16xf32>
        %parallel_loop3A_983 = arith.addf %parallel_loop3A_975, %parallel_loop3A_982 : vector<16xf32>
        %parallel_loop3A_984 = arith.constant 2 : i32
        %parallel_loop3A_985 = vector.broadcast %parallel_loop3A_984 : i32 to vector<16xi32>
        %parallel_loop3A_986 = arith.xori %parallel_loop3A_976, %parallel_loop3A_985 : vector<16xi32>
        %parallel_loop3A_987 = vector.shape_cast %parallel_loop3A_986 : vector<16xi32> to vector<16x1xi32>
        %parallel_loop3A_988 = vector.shape_cast %parallel_loop3A_987 : vector<16x1xi32> to vector<16xi32>
        %parallel_loop3A_989 = tpu.dynamic_gather %parallel_loop3A_983[%parallel_loop3A_988] in [0] : vector<16xf32>, vector<16xi32> -> vector<16xf32>
        %parallel_loop3A_990 = arith.addf %parallel_loop3A_983, %parallel_loop3A_989 : vector<16xf32>
        %parallel_loop3A_991 = arith.constant 4 : i32
        %parallel_loop3A_992 = vector.broadcast %parallel_loop3A_991 : i32 to vector<16xi32>
        %parallel_loop3A_993 = arith.xori %parallel_loop3A_976, %parallel_loop3A_992 : vector<16xi32>
        %parallel_loop3A_994 = vector.shape_cast %parallel_loop3A_993 : vector<16xi32> to vector<16x1xi32>
        %parallel_loop3A_995 = vector.shape_cast %parallel_loop3A_994 : vector<16x1xi32> to vector<16xi32>
        %parallel_loop3A_996 = tpu.dynamic_gather %parallel_loop3A_990[%parallel_loop3A_995] in [0] : vector<16xf32>, vector<16xi32> -> vector<16xf32>
        %parallel_loop3A_997 = arith.addf %parallel_loop3A_990, %parallel_loop3A_996 : vector<16xf32>
        %parallel_loop3A_998 = arith.constant 8 : i32
        %parallel_loop3A_999 = vector.broadcast %parallel_loop3A_998 : i32 to vector<16xi32>
        %parallel_loop3A_1000 = arith.xori %parallel_loop3A_976, %parallel_loop3A_999 : vector<16xi32>
        %parallel_loop3A_1001 = vector.shape_cast %parallel_loop3A_1000 : vector<16xi32> to vector<16x1xi32>
        %parallel_loop3A_1002 = vector.shape_cast %parallel_loop3A_1001 : vector<16x1xi32> to vector<16xi32>
        %parallel_loop3A_1003 = tpu.dynamic_gather %parallel_loop3A_997[%parallel_loop3A_1002] in [0] : vector<16xf32>, vector<16xi32> -> vector<16xf32>
        %parallel_loop3A_1004 = arith.addf %parallel_loop3A_997, %parallel_loop3A_1003 : vector<16xf32>
        %parallel_loop3A_1005 = arith.constant 0.00130208337 : f32
        %parallel_loop3A_1006 = vector.broadcast %parallel_loop3A_1005 : f32 to vector<16xf32>
        %parallel_loop3A_1007 = arith.mulf %parallel_loop3A_972, %parallel_loop3A_1006 : vector<16xf32>
        %parallel_loop3A_1008 = arith.constant 0.00130208337 : f32
        %parallel_loop3A_1009 = vector.broadcast %parallel_loop3A_1008 : f32 to vector<16xf32>
        %parallel_loop3A_1010 = arith.mulf %parallel_loop3A_1004, %parallel_loop3A_1009 : vector<16xf32>
        %parallel_loop3A_1011 = arith.mulf %parallel_loop3A_1007, %parallel_loop3A_1007 : vector<16xf32>
        %parallel_loop3A_1012 = arith.subf %parallel_loop3A_1010, %parallel_loop3A_1011 : vector<16xf32>
        %parallel_loop3A_1013 = arith.constant 9.99999996E-13 : f32
        %parallel_loop3A_1014 = vector.broadcast %parallel_loop3A_1013 : f32 to vector<16xf32>
        %parallel_loop3A_1015 = arith.addf %parallel_loop3A_1012, %parallel_loop3A_1014 : vector<16xf32>
        %parallel_loop3A_1016 = tpu.bitcast %parallel_loop3A_1015 : vector<16xf32> -> vector<16xi32>
        %parallel_loop3A_1017 = arith.constant 1597463007 : i32
        %parallel_loop3A_1018 = vector.broadcast %parallel_loop3A_1017 : i32 to vector<16xi32>
        %parallel_loop3A_1019 = arith.constant 1 : i32
        %parallel_loop3A_1020 = vector.broadcast %parallel_loop3A_1019 : i32 to vector<16xi32>
        %parallel_loop3A_1021 = arith.shrsi %parallel_loop3A_1016, %parallel_loop3A_1020 : vector<16xi32>
        %parallel_loop3A_1022 = arith.subi %parallel_loop3A_1018, %parallel_loop3A_1021 : vector<16xi32>
        %parallel_loop3A_1023 = tpu.bitcast %parallel_loop3A_1022 : vector<16xi32> -> vector<16xf32>
        %parallel_loop3A_1024 = arith.constant 5.000000e-01 : f32
        %parallel_loop3A_1025 = vector.broadcast %parallel_loop3A_1024 : f32 to vector<16xf32>
        %parallel_loop3A_1026 = arith.mulf %parallel_loop3A_1025, %parallel_loop3A_1015 : vector<16xf32>
        %parallel_loop3A_1027 = arith.mulf %parallel_loop3A_1026, %parallel_loop3A_1023 : vector<16xf32>
        %parallel_loop3A_1028 = arith.mulf %parallel_loop3A_1027, %parallel_loop3A_1023 : vector<16xf32>
        %parallel_loop3A_1029 = arith.constant 1.500000e+00 : f32
        %parallel_loop3A_1030 = vector.broadcast %parallel_loop3A_1029 : f32 to vector<16xf32>
        %parallel_loop3A_1031 = arith.subf %parallel_loop3A_1030, %parallel_loop3A_1028 : vector<16xf32>
        %parallel_loop3A_1032 = arith.mulf %parallel_loop3A_1023, %parallel_loop3A_1031 : vector<16xf32>
        %parallel_loop3A_1033 = arith.constant 5.000000e-01 : f32
        %parallel_loop3A_1034 = vector.broadcast %parallel_loop3A_1033 : f32 to vector<16xf32>
        %parallel_loop3A_1035 = arith.mulf %parallel_loop3A_1034, %parallel_loop3A_1015 : vector<16xf32>
        %parallel_loop3A_1036 = arith.mulf %parallel_loop3A_1035, %parallel_loop3A_1032 : vector<16xf32>
        %parallel_loop3A_1037 = arith.mulf %parallel_loop3A_1036, %parallel_loop3A_1032 : vector<16xf32>
        %parallel_loop3A_1038 = arith.constant 1.500000e+00 : f32
        %parallel_loop3A_1039 = vector.broadcast %parallel_loop3A_1038 : f32 to vector<16xf32>
        %parallel_loop3A_1040 = arith.subf %parallel_loop3A_1039, %parallel_loop3A_1037 : vector<16xf32>
        %parallel_loop3A_1041 = arith.mulf %parallel_loop3A_1032, %parallel_loop3A_1040 : vector<16xf32>
        %parallel_loop3A_1042 = arith.constant 5.000000e-01 : f32
        %parallel_loop3A_1043 = vector.broadcast %parallel_loop3A_1042 : f32 to vector<16xf32>
        %parallel_loop3A_1044 = arith.mulf %parallel_loop3A_1043, %parallel_loop3A_1015 : vector<16xf32>
        %parallel_loop3A_1045 = arith.mulf %parallel_loop3A_1044, %parallel_loop3A_1041 : vector<16xf32>
        %parallel_loop3A_1046 = arith.mulf %parallel_loop3A_1045, %parallel_loop3A_1041 : vector<16xf32>
        %parallel_loop3A_1047 = arith.constant 1.500000e+00 : f32
        %parallel_loop3A_1048 = vector.broadcast %parallel_loop3A_1047 : f32 to vector<16xf32>
        %parallel_loop3A_1049 = arith.subf %parallel_loop3A_1048, %parallel_loop3A_1046 : vector<16xf32>
        %parallel_loop3A_1050 = arith.mulf %parallel_loop3A_1041, %parallel_loop3A_1049 : vector<16xf32>
        %parallel_loop3A_1051 = arith.constant 0.000000e+00 : f32
        %parallel_loop3A_1052 = vector.broadcast %parallel_loop3A_1051 : f32 to vector<16xf32>
        %parallel_loop3A_1053 = arith.subf %parallel_loop3A_1052, %parallel_loop3A_1007 : vector<16xf32>
        %parallel_loop3A_1054 = arith.mulf %parallel_loop3A_1053, %parallel_loop3A_1050 : vector<16xf32>
        %parallel_loop3A_1055 = vector.extract_strided_slice %parallel_loop3A_1050 {offsets = [0], sizes = [1], strides = [1]} : vector<16xf32> to vector<1xf32>
        %parallel_loop3A_1056 = vector.extract %parallel_loop3A_1055[0] : f32 from vector<1xf32>
        %parallel_loop3A_1057 = arith.constant 2 : i32
        %parallel_loop3A_1058 = arith.muli %parallel_loop3A_1057, %parallel_loop3A_108 : i32
        %parallel_loop3A_1059 = arith.index_cast %parallel_loop3A_1058 : i32 to index
        %parallel_loop3A_1060 = memref.load %arg15[%parallel_loop3A_1059] : memref<32xf32, #tpu.memory_space<smem>>
        memref.store %parallel_loop3A_1056, %arg15[%parallel_loop3A_1059] : memref<32xf32, #tpu.memory_space<smem>>
        %parallel_loop3A_1061 = vector.extract_strided_slice %parallel_loop3A_1054 {offsets = [0], sizes = [1], strides = [1]} : vector<16xf32> to vector<1xf32>
        %parallel_loop3A_1062 = vector.extract %parallel_loop3A_1061[0] : f32 from vector<1xf32>
        %parallel_loop3A_1063 = arith.constant 2 : i32
        %parallel_loop3A_1064 = arith.muli %parallel_loop3A_1063, %parallel_loop3A_108 : i32
        %parallel_loop3A_1065 = arith.constant 1 : i32
        %parallel_loop3A_1066 = arith.addi %parallel_loop3A_1064, %parallel_loop3A_1065 : i32
        %parallel_loop3A_1067 = arith.index_cast %parallel_loop3A_1066 : i32 to index
        %parallel_loop3A_1068 = memref.load %arg15[%parallel_loop3A_1067] : memref<32xf32, #tpu.memory_space<smem>>
        memref.store %parallel_loop3A_1062, %arg15[%parallel_loop3A_1067] : memref<32xf32, #tpu.memory_space<smem>>
      } {sc.loop_unroll_factor = 4 : i64, sc.parallel_access}
      %gt3A = arith.constant 0 : i32
      %gt3A_57 = arith.cmpi sgt, %add3A_31, %gt3A : i32
      %convert_element_type3A = arith.extui %gt3A_57 : i1 to i32
      %cond3A = arith.constant 0 : i32
      %cond3A_58 = arith.cmpi ne, %convert_element_type3A, %cond3A : i32
      scf.if %cond3A_58 {
        %dma_wait3A_108 = arith.constant 0 : i32
        %dma_wait3A_109 = arith.constant 0 : i32
        %dma_wait3A_110 = tpu.memref_slice %arg7[%add3A, %dma_wait3A_108, %dma_wait3A_109] : memref<32x1024x768xf32, #tpu.memory_space<hbm>> -> memref<1x16x768xf32, #tpu.memory_space<hbm>>
        %dma_wait3A_111 = tpu.memref_squeeze %dma_wait3A_110 : memref<1x16x768xf32, #tpu.memory_space<hbm>> -> memref<16x768xf32, #tpu.memory_space<hbm>>
        %dma_wait3A_112 = arith.constant 0 : i32
        %dma_wait3A_113 = arith.constant 0 : i32
        %dma_wait3A_114 = tpu.memref_slice %arg7[%add3A, %dma_wait3A_112, %dma_wait3A_113] : memref<32x1024x768xf32, #tpu.memory_space<hbm>> -> memref<1x16x768xf32, #tpu.memory_space<hbm>>
        %dma_wait3A_115 = tpu.memref_squeeze %dma_wait3A_114 : memref<1x16x768xf32, #tpu.memory_space<hbm>> -> memref<16x768xf32, #tpu.memory_space<hbm>>
        tpu.wait_dma2 semaphore(%arg22 : memref<!tpu.dma_semaphore, #tpu.memory_space<semaphore_mem>>) src(%arg13 : memref<16x768xf32, #tpu.memory_space<vmem>>) dst(%dma_wait3A_115 : memref<16x768xf32, #tpu.memory_space<hbm>>)
      } else {
      }
      %parallel_loop3A_59 = arith.constant 0 : i32
      %parallel_loop3A_60 = arith.constant 6 : i32
      %parallel_loop3A_61 = arith.constant 1 : i32
      scf.for %parallel_loop3A_108 = %parallel_loop3A_59 to %parallel_loop3A_60 step %parallel_loop3A_61  : i32 {
        %parallel_loop3A_109 = arith.constant 8 : i32
        %parallel_loop3A_110 = arith.muli %parallel_loop3A_108, %parallel_loop3A_109 : i32
        %parallel_loop3A_111 = arith.constant 0 : i32
        %parallel_loop3A_112 = arith.addi %parallel_loop3A_110, %parallel_loop3A_111 : i32
        %parallel_loop3A_113 = arith.constant 16 : i32
        %parallel_loop3A_114 = arith.muli %parallel_loop3A_112, %parallel_loop3A_113 : i32
        %parallel_loop3A_115 = arith.index_cast %parallel_loop3A_114 : i32 to index
        %parallel_loop3A_116 = tpu.vector_load %arg16[%parallel_loop3A_115] {strides = array<i32>} : memref<768xf32, #tpu.memory_space<vmem>>, vector<16xf32>,
        %parallel_loop3A_117 = vector.shape_cast %parallel_loop3A_116 : vector<16xf32> to vector<16xf32>
        %parallel_loop3A_118 = arith.constant 8 : i32
        %parallel_loop3A_119 = arith.muli %parallel_loop3A_108, %parallel_loop3A_118 : i32
        %parallel_loop3A_120 = arith.constant 1 : i32
        %parallel_loop3A_121 = arith.addi %parallel_loop3A_119, %parallel_loop3A_120 : i32
        %parallel_loop3A_122 = arith.constant 16 : i32
        %parallel_loop3A_123 = arith.muli %parallel_loop3A_121, %parallel_loop3A_122 : i32
        %parallel_loop3A_124 = arith.index_cast %parallel_loop3A_123 : i32 to index
        %parallel_loop3A_125 = tpu.vector_load %arg16[%parallel_loop3A_124] {strides = array<i32>} : memref<768xf32, #tpu.memory_space<vmem>>, vector<16xf32>,
        %parallel_loop3A_126 = vector.shape_cast %parallel_loop3A_125 : vector<16xf32> to vector<16xf32>
        %parallel_loop3A_127 = arith.constant 8 : i32
        %parallel_loop3A_128 = arith.muli %parallel_loop3A_108, %parallel_loop3A_127 : i32
        %parallel_loop3A_129 = arith.constant 2 : i32
        %parallel_loop3A_130 = arith.addi %parallel_loop3A_128, %parallel_loop3A_129 : i32
        %parallel_loop3A_131 = arith.constant 16 : i32
        %parallel_loop3A_132 = arith.muli %parallel_loop3A_130, %parallel_loop3A_131 : i32
        %parallel_loop3A_133 = arith.index_cast %parallel_loop3A_132 : i32 to index
        %parallel_loop3A_134 = tpu.vector_load %arg16[%parallel_loop3A_133] {strides = array<i32>} : memref<768xf32, #tpu.memory_space<vmem>>, vector<16xf32>,
        %parallel_loop3A_135 = vector.shape_cast %parallel_loop3A_134 : vector<16xf32> to vector<16xf32>
        %parallel_loop3A_136 = arith.constant 8 : i32
        %parallel_loop3A_137 = arith.muli %parallel_loop3A_108, %parallel_loop3A_136 : i32
        %parallel_loop3A_138 = arith.constant 3 : i32
        %parallel_loop3A_139 = arith.addi %parallel_loop3A_137, %parallel_loop3A_138 : i32
        %parallel_loop3A_140 = arith.constant 16 : i32
        %parallel_loop3A_141 = arith.muli %parallel_loop3A_139, %parallel_loop3A_140 : i32
        %parallel_loop3A_142 = arith.index_cast %parallel_loop3A_141 : i32 to index
        %parallel_loop3A_143 = tpu.vector_load %arg16[%parallel_loop3A_142] {strides = array<i32>} : memref<768xf32, #tpu.memory_space<vmem>>, vector<16xf32>,
        %parallel_loop3A_144 = vector.shape_cast %parallel_loop3A_143 : vector<16xf32> to vector<16xf32>
        %parallel_loop3A_145 = arith.constant 8 : i32
        %parallel_loop3A_146 = arith.muli %parallel_loop3A_108, %parallel_loop3A_145 : i32
        %parallel_loop3A_147 = arith.constant 4 : i32
        %parallel_loop3A_148 = arith.addi %parallel_loop3A_146, %parallel_loop3A_147 : i32
        %parallel_loop3A_149 = arith.constant 16 : i32
        %parallel_loop3A_150 = arith.muli %parallel_loop3A_148, %parallel_loop3A_149 : i32
        %parallel_loop3A_151 = arith.index_cast %parallel_loop3A_150 : i32 to index
        %parallel_loop3A_152 = tpu.vector_load %arg16[%parallel_loop3A_151] {strides = array<i32>} : memref<768xf32, #tpu.memory_space<vmem>>, vector<16xf32>,
        %parallel_loop3A_153 = vector.shape_cast %parallel_loop3A_152 : vector<16xf32> to vector<16xf32>
        %parallel_loop3A_154 = arith.constant 8 : i32
        %parallel_loop3A_155 = arith.muli %parallel_loop3A_108, %parallel_loop3A_154 : i32
        %parallel_loop3A_156 = arith.constant 5 : i32
        %parallel_loop3A_157 = arith.addi %parallel_loop3A_155, %parallel_loop3A_156 : i32
        %parallel_loop3A_158 = arith.constant 16 : i32
        %parallel_loop3A_159 = arith.muli %parallel_loop3A_157, %parallel_loop3A_158 : i32
        %parallel_loop3A_160 = arith.index_cast %parallel_loop3A_159 : i32 to index
        %parallel_loop3A_161 = tpu.vector_load %arg16[%parallel_loop3A_160] {strides = array<i32>} : memref<768xf32, #tpu.memory_space<vmem>>, vector<16xf32>,
        %parallel_loop3A_162 = vector.shape_cast %parallel_loop3A_161 : vector<16xf32> to vector<16xf32>
        %parallel_loop3A_163 = arith.constant 8 : i32
        %parallel_loop3A_164 = arith.muli %parallel_loop3A_108, %parallel_loop3A_163 : i32
        %parallel_loop3A_165 = arith.constant 6 : i32
        %parallel_loop3A_166 = arith.addi %parallel_loop3A_164, %parallel_loop3A_165 : i32
        %parallel_loop3A_167 = arith.constant 16 : i32
        %parallel_loop3A_168 = arith.muli %parallel_loop3A_166, %parallel_loop3A_167 : i32
        %parallel_loop3A_169 = arith.index_cast %parallel_loop3A_168 : i32 to index
        %parallel_loop3A_170 = tpu.vector_load %arg16[%parallel_loop3A_169] {strides = array<i32>} : memref<768xf32, #tpu.memory_space<vmem>>, vector<16xf32>,
        %parallel_loop3A_171 = vector.shape_cast %parallel_loop3A_170 : vector<16xf32> to vector<16xf32>
        %parallel_loop3A_172 = arith.constant 8 : i32
        %parallel_loop3A_173 = arith.muli %parallel_loop3A_108, %parallel_loop3A_172 : i32
        %parallel_loop3A_174 = arith.constant 7 : i32
        %parallel_loop3A_175 = arith.addi %parallel_loop3A_173, %parallel_loop3A_174 : i32
        %parallel_loop3A_176 = arith.constant 16 : i32
        %parallel_loop3A_177 = arith.muli %parallel_loop3A_175, %parallel_loop3A_176 : i32
        %parallel_loop3A_178 = arith.index_cast %parallel_loop3A_177 : i32 to index
        %parallel_loop3A_179 = tpu.vector_load %arg16[%parallel_loop3A_178] {strides = array<i32>} : memref<768xf32, #tpu.memory_space<vmem>>, vector<16xf32>,
        %parallel_loop3A_180 = vector.shape_cast %parallel_loop3A_179 : vector<16xf32> to vector<16xf32>
        %parallel_loop3A_181 = arith.constant 8 : i32
        %parallel_loop3A_182 = arith.muli %parallel_loop3A_108, %parallel_loop3A_181 : i32
        %parallel_loop3A_183 = arith.constant 0 : i32
        %parallel_loop3A_184 = arith.addi %parallel_loop3A_182, %parallel_loop3A_183 : i32
        %parallel_loop3A_185 = arith.constant 16 : i32
        %parallel_loop3A_186 = arith.muli %parallel_loop3A_184, %parallel_loop3A_185 : i32
        %parallel_loop3A_187 = arith.index_cast %parallel_loop3A_186 : i32 to index
        %parallel_loop3A_188 = tpu.vector_load %arg17[%parallel_loop3A_187] {strides = array<i32>} : memref<768xf32, #tpu.memory_space<vmem>>, vector<16xf32>,
        %parallel_loop3A_189 = vector.shape_cast %parallel_loop3A_188 : vector<16xf32> to vector<16xf32>
        %parallel_loop3A_190 = arith.constant 8 : i32
        %parallel_loop3A_191 = arith.muli %parallel_loop3A_108, %parallel_loop3A_190 : i32
        %parallel_loop3A_192 = arith.constant 1 : i32
        %parallel_loop3A_193 = arith.addi %parallel_loop3A_191, %parallel_loop3A_192 : i32
        %parallel_loop3A_194 = arith.constant 16 : i32
        %parallel_loop3A_195 = arith.muli %parallel_loop3A_193, %parallel_loop3A_194 : i32
        %parallel_loop3A_196 = arith.index_cast %parallel_loop3A_195 : i32 to index
        %parallel_loop3A_197 = tpu.vector_load %arg17[%parallel_loop3A_196] {strides = array<i32>} : memref<768xf32, #tpu.memory_space<vmem>>, vector<16xf32>,
        %parallel_loop3A_198 = vector.shape_cast %parallel_loop3A_197 : vector<16xf32> to vector<16xf32>
        %parallel_loop3A_199 = arith.constant 8 : i32
        %parallel_loop3A_200 = arith.muli %parallel_loop3A_108, %parallel_loop3A_199 : i32
        %parallel_loop3A_201 = arith.constant 2 : i32
        %parallel_loop3A_202 = arith.addi %parallel_loop3A_200, %parallel_loop3A_201 : i32
        %parallel_loop3A_203 = arith.constant 16 : i32
        %parallel_loop3A_204 = arith.muli %parallel_loop3A_202, %parallel_loop3A_203 : i32
        %parallel_loop3A_205 = arith.index_cast %parallel_loop3A_204 : i32 to index
        %parallel_loop3A_206 = tpu.vector_load %arg17[%parallel_loop3A_205] {strides = array<i32>} : memref<768xf32, #tpu.memory_space<vmem>>, vector<16xf32>,
        %parallel_loop3A_207 = vector.shape_cast %parallel_loop3A_206 : vector<16xf32> to vector<16xf32>
        %parallel_loop3A_208 = arith.constant 8 : i32
        %parallel_loop3A_209 = arith.muli %parallel_loop3A_108, %parallel_loop3A_208 : i32
        %parallel_loop3A_210 = arith.constant 3 : i32
        %parallel_loop3A_211 = arith.addi %parallel_loop3A_209, %parallel_loop3A_210 : i32
        %parallel_loop3A_212 = arith.constant 16 : i32
        %parallel_loop3A_213 = arith.muli %parallel_loop3A_211, %parallel_loop3A_212 : i32
        %parallel_loop3A_214 = arith.index_cast %parallel_loop3A_213 : i32 to index
        %parallel_loop3A_215 = tpu.vector_load %arg17[%parallel_loop3A_214] {strides = array<i32>} : memref<768xf32, #tpu.memory_space<vmem>>, vector<16xf32>,
        %parallel_loop3A_216 = vector.shape_cast %parallel_loop3A_215 : vector<16xf32> to vector<16xf32>
        %parallel_loop3A_217 = arith.constant 8 : i32
        %parallel_loop3A_218 = arith.muli %parallel_loop3A_108, %parallel_loop3A_217 : i32
        %parallel_loop3A_219 = arith.constant 4 : i32
        %parallel_loop3A_220 = arith.addi %parallel_loop3A_218, %parallel_loop3A_219 : i32
        %parallel_loop3A_221 = arith.constant 16 : i32
        %parallel_loop3A_222 = arith.muli %parallel_loop3A_220, %parallel_loop3A_221 : i32
        %parallel_loop3A_223 = arith.index_cast %parallel_loop3A_222 : i32 to index
        %parallel_loop3A_224 = tpu.vector_load %arg17[%parallel_loop3A_223] {strides = array<i32>} : memref<768xf32, #tpu.memory_space<vmem>>, vector<16xf32>,
        %parallel_loop3A_225 = vector.shape_cast %parallel_loop3A_224 : vector<16xf32> to vector<16xf32>
        %parallel_loop3A_226 = arith.constant 8 : i32
        %parallel_loop3A_227 = arith.muli %parallel_loop3A_108, %parallel_loop3A_226 : i32
        %parallel_loop3A_228 = arith.constant 5 : i32
        %parallel_loop3A_229 = arith.addi %parallel_loop3A_227, %parallel_loop3A_228 : i32
        %parallel_loop3A_230 = arith.constant 16 : i32
        %parallel_loop3A_231 = arith.muli %parallel_loop3A_229, %parallel_loop3A_230 : i32
        %parallel_loop3A_232 = arith.index_cast %parallel_loop3A_231 : i32 to index
        %parallel_loop3A_233 = tpu.vector_load %arg17[%parallel_loop3A_232] {strides = array<i32>} : memref<768xf32, #tpu.memory_space<vmem>>, vector<16xf32>,
        %parallel_loop3A_234 = vector.shape_cast %parallel_loop3A_233 : vector<16xf32> to vector<16xf32>
        %parallel_loop3A_235 = arith.constant 8 : i32
        %parallel_loop3A_236 = arith.muli %parallel_loop3A_108, %parallel_loop3A_235 : i32
        %parallel_loop3A_237 = arith.constant 6 : i32
        %parallel_loop3A_238 = arith.addi %parallel_loop3A_236, %parallel_loop3A_237 : i32
        %parallel_loop3A_239 = arith.constant 16 : i32
        %parallel_loop3A_240 = arith.muli %parallel_loop3A_238, %parallel_loop3A_239 : i32
        %parallel_loop3A_241 = arith.index_cast %parallel_loop3A_240 : i32 to index
        %parallel_loop3A_242 = tpu.vector_load %arg17[%parallel_loop3A_241] {strides = array<i32>} : memref<768xf32, #tpu.memory_space<vmem>>, vector<16xf32>,
        %parallel_loop3A_243 = vector.shape_cast %parallel_loop3A_242 : vector<16xf32> to vector<16xf32>
        %parallel_loop3A_244 = arith.constant 8 : i32
        %parallel_loop3A_245 = arith.muli %parallel_loop3A_108, %parallel_loop3A_244 : i32
        %parallel_loop3A_246 = arith.constant 7 : i32
        %parallel_loop3A_247 = arith.addi %parallel_loop3A_245, %parallel_loop3A_246 : i32
        %parallel_loop3A_248 = arith.constant 16 : i32
        %parallel_loop3A_249 = arith.muli %parallel_loop3A_247, %parallel_loop3A_248 : i32
        %parallel_loop3A_250 = arith.index_cast %parallel_loop3A_249 : i32 to index
        %parallel_loop3A_251 = tpu.vector_load %arg17[%parallel_loop3A_250] {strides = array<i32>} : memref<768xf32, #tpu.memory_space<vmem>>, vector<16xf32>,
        %parallel_loop3A_252 = vector.shape_cast %parallel_loop3A_251 : vector<16xf32> to vector<16xf32>
        %parallel_loop3A_253 = arith.constant 0 : i32
        %parallel_loop3A_254 = arith.constant 16 : i32
        %parallel_loop3A_255 = arith.constant 1 : i32
        scf.for %parallel_loop3A_256 = %parallel_loop3A_253 to %parallel_loop3A_254 step %parallel_loop3A_255  : i32 {
          %parallel_loop3A_257 = arith.constant 2 : i32
          %parallel_loop3A_258 = arith.muli %parallel_loop3A_257, %parallel_loop3A_256 : i32
          %parallel_loop3A_259 = arith.index_cast %parallel_loop3A_258 : i32 to index
          %parallel_loop3A_260 = memref.load %arg15[%parallel_loop3A_259] : memref<32xf32, #tpu.memory_space<smem>>
          %parallel_loop3A_261 = arith.constant 2 : i32
          %parallel_loop3A_262 = arith.muli %parallel_loop3A_261, %parallel_loop3A_256 : i32
          %parallel_loop3A_263 = arith.constant 1 : i32
          %parallel_loop3A_264 = arith.addi %parallel_loop3A_262, %parallel_loop3A_263 : i32
          %parallel_loop3A_265 = arith.index_cast %parallel_loop3A_264 : i32 to index
          %parallel_loop3A_266 = memref.load %arg15[%parallel_loop3A_265] : memref<32xf32, #tpu.memory_space<smem>>
          %parallel_loop3A_267 = arith.constant 8 : i32
          %parallel_loop3A_268 = arith.muli %parallel_loop3A_108, %parallel_loop3A_267 : i32
          %parallel_loop3A_269 = arith.constant 0 : i32
          %parallel_loop3A_270 = arith.addi %parallel_loop3A_268, %parallel_loop3A_269 : i32
          %parallel_loop3A_271 = arith.constant 16 : i32
          %parallel_loop3A_272 = arith.muli %parallel_loop3A_270, %parallel_loop3A_271 : i32
          %parallel_loop3A_273 = arith.index_cast %parallel_loop3A_256 : i32 to index
          %parallel_loop3A_274 = arith.index_cast %parallel_loop3A_272 : i32 to index
          %parallel_loop3A_275 = tpu.vector_load %arg9[%parallel_loop3A_273, %parallel_loop3A_274] {strides = array<i32>} : memref<16x768xf32, #tpu.memory_space<vmem>>, vector<1x16xf32>,
          %parallel_loop3A_276 = vector.shape_cast %parallel_loop3A_275 : vector<1x16xf32> to vector<16xf32>
          %parallel_loop3A_277 = vector.broadcast %parallel_loop3A_260 : f32 to vector<16xf32>
          %parallel_loop3A_278 = arith.mulf %parallel_loop3A_276, %parallel_loop3A_277 : vector<16xf32>
          %parallel_loop3A_279 = vector.broadcast %parallel_loop3A_266 : f32 to vector<16xf32>
          %parallel_loop3A_280 = arith.addf %parallel_loop3A_278, %parallel_loop3A_279 : vector<16xf32>
          %parallel_loop3A_281 = arith.mulf %parallel_loop3A_280, %parallel_loop3A_117 : vector<16xf32>
          %parallel_loop3A_282 = arith.addf %parallel_loop3A_281, %parallel_loop3A_189 : vector<16xf32>
          %parallel_loop3A_283 = arith.constant 8 : i32
          %parallel_loop3A_284 = arith.muli %parallel_loop3A_108, %parallel_loop3A_283 : i32
          %parallel_loop3A_285 = arith.constant 0 : i32
          %parallel_loop3A_286 = arith.addi %parallel_loop3A_284, %parallel_loop3A_285 : i32
          %parallel_loop3A_287 = arith.constant 16 : i32
          %parallel_loop3A_288 = arith.muli %parallel_loop3A_286, %parallel_loop3A_287 : i32
          %parallel_loop3A_289 = arith.index_cast %parallel_loop3A_256 : i32 to index
          %parallel_loop3A_290 = arith.index_cast %parallel_loop3A_288 : i32 to index
          %parallel_loop3A_291 = tpu.vector_load %arg13[%parallel_loop3A_289, %parallel_loop3A_290] {strides = array<i32>} : memref<16x768xf32, #tpu.memory_space<vmem>>, vector<1x16xf32>,
          %parallel_loop3A_292 = vector.shape_cast %parallel_loop3A_291 : vector<1x16xf32> to vector<16xf32>
          %parallel_loop3A_293 = vector.shape_cast %parallel_loop3A_282 : vector<16xf32> to vector<1x16xf32>
          tpu.vector_store %arg13[%parallel_loop3A_289, %parallel_loop3A_290], %parallel_loop3A_293 {strides = array<i32>} : memref<16x768xf32, #tpu.memory_space<vmem>>, vector<1x16xf32>,
          %parallel_loop3A_294 = arith.constant 8 : i32
          %parallel_loop3A_295 = arith.muli %parallel_loop3A_108, %parallel_loop3A_294 : i32
          %parallel_loop3A_296 = arith.constant 1 : i32
          %parallel_loop3A_297 = arith.addi %parallel_loop3A_295, %parallel_loop3A_296 : i32
          %parallel_loop3A_298 = arith.constant 16 : i32
          %parallel_loop3A_299 = arith.muli %parallel_loop3A_297, %parallel_loop3A_298 : i32
          %parallel_loop3A_300 = arith.index_cast %parallel_loop3A_256 : i32 to index
          %parallel_loop3A_301 = arith.index_cast %parallel_loop3A_299 : i32 to index
          %parallel_loop3A_302 = tpu.vector_load %arg9[%parallel_loop3A_300, %parallel_loop3A_301] {strides = array<i32>} : memref<16x768xf32, #tpu.memory_space<vmem>>, vector<1x16xf32>,
          %parallel_loop3A_303 = vector.shape_cast %parallel_loop3A_302 : vector<1x16xf32> to vector<16xf32>
          %parallel_loop3A_304 = vector.broadcast %parallel_loop3A_260 : f32 to vector<16xf32>
          %parallel_loop3A_305 = arith.mulf %parallel_loop3A_303, %parallel_loop3A_304 : vector<16xf32>
          %parallel_loop3A_306 = vector.broadcast %parallel_loop3A_266 : f32 to vector<16xf32>
          %parallel_loop3A_307 = arith.addf %parallel_loop3A_305, %parallel_loop3A_306 : vector<16xf32>
          %parallel_loop3A_308 = arith.mulf %parallel_loop3A_307, %parallel_loop3A_126 : vector<16xf32>
          %parallel_loop3A_309 = arith.addf %parallel_loop3A_308, %parallel_loop3A_198 : vector<16xf32>
          %parallel_loop3A_310 = arith.constant 8 : i32
          %parallel_loop3A_311 = arith.muli %parallel_loop3A_108, %parallel_loop3A_310 : i32
          %parallel_loop3A_312 = arith.constant 1 : i32
          %parallel_loop3A_313 = arith.addi %parallel_loop3A_311, %parallel_loop3A_312 : i32
          %parallel_loop3A_314 = arith.constant 16 : i32
          %parallel_loop3A_315 = arith.muli %parallel_loop3A_313, %parallel_loop3A_314 : i32
          %parallel_loop3A_316 = arith.index_cast %parallel_loop3A_256 : i32 to index
          %parallel_loop3A_317 = arith.index_cast %parallel_loop3A_315 : i32 to index
          %parallel_loop3A_318 = tpu.vector_load %arg13[%parallel_loop3A_316, %parallel_loop3A_317] {strides = array<i32>} : memref<16x768xf32, #tpu.memory_space<vmem>>, vector<1x16xf32>,
          %parallel_loop3A_319 = vector.shape_cast %parallel_loop3A_318 : vector<1x16xf32> to vector<16xf32>
          %parallel_loop3A_320 = vector.shape_cast %parallel_loop3A_309 : vector<16xf32> to vector<1x16xf32>
          tpu.vector_store %arg13[%parallel_loop3A_316, %parallel_loop3A_317], %parallel_loop3A_320 {strides = array<i32>} : memref<16x768xf32, #tpu.memory_space<vmem>>, vector<1x16xf32>,
          %parallel_loop3A_321 = arith.constant 8 : i32
          %parallel_loop3A_322 = arith.muli %parallel_loop3A_108, %parallel_loop3A_321 : i32
          %parallel_loop3A_323 = arith.constant 2 : i32
          %parallel_loop3A_324 = arith.addi %parallel_loop3A_322, %parallel_loop3A_323 : i32
          %parallel_loop3A_325 = arith.constant 16 : i32
          %parallel_loop3A_326 = arith.muli %parallel_loop3A_324, %parallel_loop3A_325 : i32
          %parallel_loop3A_327 = arith.index_cast %parallel_loop3A_256 : i32 to index
          %parallel_loop3A_328 = arith.index_cast %parallel_loop3A_326 : i32 to index
          %parallel_loop3A_329 = tpu.vector_load %arg9[%parallel_loop3A_327, %parallel_loop3A_328] {strides = array<i32>} : memref<16x768xf32, #tpu.memory_space<vmem>>, vector<1x16xf32>,
          %parallel_loop3A_330 = vector.shape_cast %parallel_loop3A_329 : vector<1x16xf32> to vector<16xf32>
          %parallel_loop3A_331 = vector.broadcast %parallel_loop3A_260 : f32 to vector<16xf32>
          %parallel_loop3A_332 = arith.mulf %parallel_loop3A_330, %parallel_loop3A_331 : vector<16xf32>
          %parallel_loop3A_333 = vector.broadcast %parallel_loop3A_266 : f32 to vector<16xf32>
          %parallel_loop3A_334 = arith.addf %parallel_loop3A_332, %parallel_loop3A_333 : vector<16xf32>
          %parallel_loop3A_335 = arith.mulf %parallel_loop3A_334, %parallel_loop3A_135 : vector<16xf32>
          %parallel_loop3A_336 = arith.addf %parallel_loop3A_335, %parallel_loop3A_207 : vector<16xf32>
          %parallel_loop3A_337 = arith.constant 8 : i32
          %parallel_loop3A_338 = arith.muli %parallel_loop3A_108, %parallel_loop3A_337 : i32
          %parallel_loop3A_339 = arith.constant 2 : i32
          %parallel_loop3A_340 = arith.addi %parallel_loop3A_338, %parallel_loop3A_339 : i32
          %parallel_loop3A_341 = arith.constant 16 : i32
          %parallel_loop3A_342 = arith.muli %parallel_loop3A_340, %parallel_loop3A_341 : i32
          %parallel_loop3A_343 = arith.index_cast %parallel_loop3A_256 : i32 to index
          %parallel_loop3A_344 = arith.index_cast %parallel_loop3A_342 : i32 to index
          %parallel_loop3A_345 = tpu.vector_load %arg13[%parallel_loop3A_343, %parallel_loop3A_344] {strides = array<i32>} : memref<16x768xf32, #tpu.memory_space<vmem>>, vector<1x16xf32>,
          %parallel_loop3A_346 = vector.shape_cast %parallel_loop3A_345 : vector<1x16xf32> to vector<16xf32>
          %parallel_loop3A_347 = vector.shape_cast %parallel_loop3A_336 : vector<16xf32> to vector<1x16xf32>
          tpu.vector_store %arg13[%parallel_loop3A_343, %parallel_loop3A_344], %parallel_loop3A_347 {strides = array<i32>} : memref<16x768xf32, #tpu.memory_space<vmem>>, vector<1x16xf32>,
          %parallel_loop3A_348 = arith.constant 8 : i32
          %parallel_loop3A_349 = arith.muli %parallel_loop3A_108, %parallel_loop3A_348 : i32
          %parallel_loop3A_350 = arith.constant 3 : i32
          %parallel_loop3A_351 = arith.addi %parallel_loop3A_349, %parallel_loop3A_350 : i32
          %parallel_loop3A_352 = arith.constant 16 : i32
          %parallel_loop3A_353 = arith.muli %parallel_loop3A_351, %parallel_loop3A_352 : i32
          %parallel_loop3A_354 = arith.index_cast %parallel_loop3A_256 : i32 to index
          %parallel_loop3A_355 = arith.index_cast %parallel_loop3A_353 : i32 to index
          %parallel_loop3A_356 = tpu.vector_load %arg9[%parallel_loop3A_354, %parallel_loop3A_355] {strides = array<i32>} : memref<16x768xf32, #tpu.memory_space<vmem>>, vector<1x16xf32>,
          %parallel_loop3A_357 = vector.shape_cast %parallel_loop3A_356 : vector<1x16xf32> to vector<16xf32>
          %parallel_loop3A_358 = vector.broadcast %parallel_loop3A_260 : f32 to vector<16xf32>
          %parallel_loop3A_359 = arith.mulf %parallel_loop3A_357, %parallel_loop3A_358 : vector<16xf32>
          %parallel_loop3A_360 = vector.broadcast %parallel_loop3A_266 : f32 to vector<16xf32>
          %parallel_loop3A_361 = arith.addf %parallel_loop3A_359, %parallel_loop3A_360 : vector<16xf32>
          %parallel_loop3A_362 = arith.mulf %parallel_loop3A_361, %parallel_loop3A_144 : vector<16xf32>
          %parallel_loop3A_363 = arith.addf %parallel_loop3A_362, %parallel_loop3A_216 : vector<16xf32>
          %parallel_loop3A_364 = arith.constant 8 : i32
          %parallel_loop3A_365 = arith.muli %parallel_loop3A_108, %parallel_loop3A_364 : i32
          %parallel_loop3A_366 = arith.constant 3 : i32
          %parallel_loop3A_367 = arith.addi %parallel_loop3A_365, %parallel_loop3A_366 : i32
          %parallel_loop3A_368 = arith.constant 16 : i32
          %parallel_loop3A_369 = arith.muli %parallel_loop3A_367, %parallel_loop3A_368 : i32
          %parallel_loop3A_370 = arith.index_cast %parallel_loop3A_256 : i32 to index
          %parallel_loop3A_371 = arith.index_cast %parallel_loop3A_369 : i32 to index
          %parallel_loop3A_372 = tpu.vector_load %arg13[%parallel_loop3A_370, %parallel_loop3A_371] {strides = array<i32>} : memref<16x768xf32, #tpu.memory_space<vmem>>, vector<1x16xf32>,
          %parallel_loop3A_373 = vector.shape_cast %parallel_loop3A_372 : vector<1x16xf32> to vector<16xf32>
          %parallel_loop3A_374 = vector.shape_cast %parallel_loop3A_363 : vector<16xf32> to vector<1x16xf32>
          tpu.vector_store %arg13[%parallel_loop3A_370, %parallel_loop3A_371], %parallel_loop3A_374 {strides = array<i32>} : memref<16x768xf32, #tpu.memory_space<vmem>>, vector<1x16xf32>,
          %parallel_loop3A_375 = arith.constant 8 : i32
          %parallel_loop3A_376 = arith.muli %parallel_loop3A_108, %parallel_loop3A_375 : i32
          %parallel_loop3A_377 = arith.constant 4 : i32
          %parallel_loop3A_378 = arith.addi %parallel_loop3A_376, %parallel_loop3A_377 : i32
          %parallel_loop3A_379 = arith.constant 16 : i32
          %parallel_loop3A_380 = arith.muli %parallel_loop3A_378, %parallel_loop3A_379 : i32
          %parallel_loop3A_381 = arith.index_cast %parallel_loop3A_256 : i32 to index
          %parallel_loop3A_382 = arith.index_cast %parallel_loop3A_380 : i32 to index
          %parallel_loop3A_383 = tpu.vector_load %arg9[%parallel_loop3A_381, %parallel_loop3A_382] {strides = array<i32>} : memref<16x768xf32, #tpu.memory_space<vmem>>, vector<1x16xf32>,
          %parallel_loop3A_384 = vector.shape_cast %parallel_loop3A_383 : vector<1x16xf32> to vector<16xf32>
          %parallel_loop3A_385 = vector.broadcast %parallel_loop3A_260 : f32 to vector<16xf32>
          %parallel_loop3A_386 = arith.mulf %parallel_loop3A_384, %parallel_loop3A_385 : vector<16xf32>
          %parallel_loop3A_387 = vector.broadcast %parallel_loop3A_266 : f32 to vector<16xf32>
          %parallel_loop3A_388 = arith.addf %parallel_loop3A_386, %parallel_loop3A_387 : vector<16xf32>
          %parallel_loop3A_389 = arith.mulf %parallel_loop3A_388, %parallel_loop3A_153 : vector<16xf32>
          %parallel_loop3A_390 = arith.addf %parallel_loop3A_389, %parallel_loop3A_225 : vector<16xf32>
          %parallel_loop3A_391 = arith.constant 8 : i32
          %parallel_loop3A_392 = arith.muli %parallel_loop3A_108, %parallel_loop3A_391 : i32
          %parallel_loop3A_393 = arith.constant 4 : i32
          %parallel_loop3A_394 = arith.addi %parallel_loop3A_392, %parallel_loop3A_393 : i32
          %parallel_loop3A_395 = arith.constant 16 : i32
          %parallel_loop3A_396 = arith.muli %parallel_loop3A_394, %parallel_loop3A_395 : i32
          %parallel_loop3A_397 = arith.index_cast %parallel_loop3A_256 : i32 to index
          %parallel_loop3A_398 = arith.index_cast %parallel_loop3A_396 : i32 to index
          %parallel_loop3A_399 = tpu.vector_load %arg13[%parallel_loop3A_397, %parallel_loop3A_398] {strides = array<i32>} : memref<16x768xf32, #tpu.memory_space<vmem>>, vector<1x16xf32>,
          %parallel_loop3A_400 = vector.shape_cast %parallel_loop3A_399 : vector<1x16xf32> to vector<16xf32>
          %parallel_loop3A_401 = vector.shape_cast %parallel_loop3A_390 : vector<16xf32> to vector<1x16xf32>
          tpu.vector_store %arg13[%parallel_loop3A_397, %parallel_loop3A_398], %parallel_loop3A_401 {strides = array<i32>} : memref<16x768xf32, #tpu.memory_space<vmem>>, vector<1x16xf32>,
          %parallel_loop3A_402 = arith.constant 8 : i32
          %parallel_loop3A_403 = arith.muli %parallel_loop3A_108, %parallel_loop3A_402 : i32
          %parallel_loop3A_404 = arith.constant 5 : i32
          %parallel_loop3A_405 = arith.addi %parallel_loop3A_403, %parallel_loop3A_404 : i32
          %parallel_loop3A_406 = arith.constant 16 : i32
          %parallel_loop3A_407 = arith.muli %parallel_loop3A_405, %parallel_loop3A_406 : i32
          %parallel_loop3A_408 = arith.index_cast %parallel_loop3A_256 : i32 to index
          %parallel_loop3A_409 = arith.index_cast %parallel_loop3A_407 : i32 to index
          %parallel_loop3A_410 = tpu.vector_load %arg9[%parallel_loop3A_408, %parallel_loop3A_409] {strides = array<i32>} : memref<16x768xf32, #tpu.memory_space<vmem>>, vector<1x16xf32>,
          %parallel_loop3A_411 = vector.shape_cast %parallel_loop3A_410 : vector<1x16xf32> to vector<16xf32>
          %parallel_loop3A_412 = vector.broadcast %parallel_loop3A_260 : f32 to vector<16xf32>
          %parallel_loop3A_413 = arith.mulf %parallel_loop3A_411, %parallel_loop3A_412 : vector<16xf32>
          %parallel_loop3A_414 = vector.broadcast %parallel_loop3A_266 : f32 to vector<16xf32>
          %parallel_loop3A_415 = arith.addf %parallel_loop3A_413, %parallel_loop3A_414 : vector<16xf32>
          %parallel_loop3A_416 = arith.mulf %parallel_loop3A_415, %parallel_loop3A_162 : vector<16xf32>
          %parallel_loop3A_417 = arith.addf %parallel_loop3A_416, %parallel_loop3A_234 : vector<16xf32>
          %parallel_loop3A_418 = arith.constant 8 : i32
          %parallel_loop3A_419 = arith.muli %parallel_loop3A_108, %parallel_loop3A_418 : i32
          %parallel_loop3A_420 = arith.constant 5 : i32
          %parallel_loop3A_421 = arith.addi %parallel_loop3A_419, %parallel_loop3A_420 : i32
          %parallel_loop3A_422 = arith.constant 16 : i32
          %parallel_loop3A_423 = arith.muli %parallel_loop3A_421, %parallel_loop3A_422 : i32
          %parallel_loop3A_424 = arith.index_cast %parallel_loop3A_256 : i32 to index
          %parallel_loop3A_425 = arith.index_cast %parallel_loop3A_423 : i32 to index
          %parallel_loop3A_426 = tpu.vector_load %arg13[%parallel_loop3A_424, %parallel_loop3A_425] {strides = array<i32>} : memref<16x768xf32, #tpu.memory_space<vmem>>, vector<1x16xf32>,
          %parallel_loop3A_427 = vector.shape_cast %parallel_loop3A_426 : vector<1x16xf32> to vector<16xf32>
          %parallel_loop3A_428 = vector.shape_cast %parallel_loop3A_417 : vector<16xf32> to vector<1x16xf32>
          tpu.vector_store %arg13[%parallel_loop3A_424, %parallel_loop3A_425], %parallel_loop3A_428 {strides = array<i32>} : memref<16x768xf32, #tpu.memory_space<vmem>>, vector<1x16xf32>,
          %parallel_loop3A_429 = arith.constant 8 : i32
          %parallel_loop3A_430 = arith.muli %parallel_loop3A_108, %parallel_loop3A_429 : i32
          %parallel_loop3A_431 = arith.constant 6 : i32
          %parallel_loop3A_432 = arith.addi %parallel_loop3A_430, %parallel_loop3A_431 : i32
          %parallel_loop3A_433 = arith.constant 16 : i32
          %parallel_loop3A_434 = arith.muli %parallel_loop3A_432, %parallel_loop3A_433 : i32
          %parallel_loop3A_435 = arith.index_cast %parallel_loop3A_256 : i32 to index
          %parallel_loop3A_436 = arith.index_cast %parallel_loop3A_434 : i32 to index
          %parallel_loop3A_437 = tpu.vector_load %arg9[%parallel_loop3A_435, %parallel_loop3A_436] {strides = array<i32>} : memref<16x768xf32, #tpu.memory_space<vmem>>, vector<1x16xf32>,
          %parallel_loop3A_438 = vector.shape_cast %parallel_loop3A_437 : vector<1x16xf32> to vector<16xf32>
          %parallel_loop3A_439 = vector.broadcast %parallel_loop3A_260 : f32 to vector<16xf32>
          %parallel_loop3A_440 = arith.mulf %parallel_loop3A_438, %parallel_loop3A_439 : vector<16xf32>
          %parallel_loop3A_441 = vector.broadcast %parallel_loop3A_266 : f32 to vector<16xf32>
          %parallel_loop3A_442 = arith.addf %parallel_loop3A_440, %parallel_loop3A_441 : vector<16xf32>
          %parallel_loop3A_443 = arith.mulf %parallel_loop3A_442, %parallel_loop3A_171 : vector<16xf32>
          %parallel_loop3A_444 = arith.addf %parallel_loop3A_443, %parallel_loop3A_243 : vector<16xf32>
          %parallel_loop3A_445 = arith.constant 8 : i32
          %parallel_loop3A_446 = arith.muli %parallel_loop3A_108, %parallel_loop3A_445 : i32
          %parallel_loop3A_447 = arith.constant 6 : i32
          %parallel_loop3A_448 = arith.addi %parallel_loop3A_446, %parallel_loop3A_447 : i32
          %parallel_loop3A_449 = arith.constant 16 : i32
          %parallel_loop3A_450 = arith.muli %parallel_loop3A_448, %parallel_loop3A_449 : i32
          %parallel_loop3A_451 = arith.index_cast %parallel_loop3A_256 : i32 to index
          %parallel_loop3A_452 = arith.index_cast %parallel_loop3A_450 : i32 to index
          %parallel_loop3A_453 = tpu.vector_load %arg13[%parallel_loop3A_451, %parallel_loop3A_452] {strides = array<i32>} : memref<16x768xf32, #tpu.memory_space<vmem>>, vector<1x16xf32>,
          %parallel_loop3A_454 = vector.shape_cast %parallel_loop3A_453 : vector<1x16xf32> to vector<16xf32>
          %parallel_loop3A_455 = vector.shape_cast %parallel_loop3A_444 : vector<16xf32> to vector<1x16xf32>
          tpu.vector_store %arg13[%parallel_loop3A_451, %parallel_loop3A_452], %parallel_loop3A_455 {strides = array<i32>} : memref<16x768xf32, #tpu.memory_space<vmem>>, vector<1x16xf32>,
          %parallel_loop3A_456 = arith.constant 8 : i32
          %parallel_loop3A_457 = arith.muli %parallel_loop3A_108, %parallel_loop3A_456 : i32
          %parallel_loop3A_458 = arith.constant 7 : i32
          %parallel_loop3A_459 = arith.addi %parallel_loop3A_457, %parallel_loop3A_458 : i32
          %parallel_loop3A_460 = arith.constant 16 : i32
          %parallel_loop3A_461 = arith.muli %parallel_loop3A_459, %parallel_loop3A_460 : i32
          %parallel_loop3A_462 = arith.index_cast %parallel_loop3A_256 : i32 to index
          %parallel_loop3A_463 = arith.index_cast %parallel_loop3A_461 : i32 to index
          %parallel_loop3A_464 = tpu.vector_load %arg9[%parallel_loop3A_462, %parallel_loop3A_463] {strides = array<i32>} : memref<16x768xf32, #tpu.memory_space<vmem>>, vector<1x16xf32>,
          %parallel_loop3A_465 = vector.shape_cast %parallel_loop3A_464 : vector<1x16xf32> to vector<16xf32>
          %parallel_loop3A_466 = vector.broadcast %parallel_loop3A_260 : f32 to vector<16xf32>
          %parallel_loop3A_467 = arith.mulf %parallel_loop3A_465, %parallel_loop3A_466 : vector<16xf32>
          %parallel_loop3A_468 = vector.broadcast %parallel_loop3A_266 : f32 to vector<16xf32>
          %parallel_loop3A_469 = arith.addf %parallel_loop3A_467, %parallel_loop3A_468 : vector<16xf32>
          %parallel_loop3A_470 = arith.mulf %parallel_loop3A_469, %parallel_loop3A_180 : vector<16xf32>
          %parallel_loop3A_471 = arith.addf %parallel_loop3A_470, %parallel_loop3A_252 : vector<16xf32>
          %parallel_loop3A_472 = arith.constant 8 : i32
          %parallel_loop3A_473 = arith.muli %parallel_loop3A_108, %parallel_loop3A_472 : i32
          %parallel_loop3A_474 = arith.constant 7 : i32
          %parallel_loop3A_475 = arith.addi %parallel_loop3A_473, %parallel_loop3A_474 : i32
          %parallel_loop3A_476 = arith.constant 16 : i32
          %parallel_loop3A_477 = arith.muli %parallel_loop3A_475, %parallel_loop3A_476 : i32
          %parallel_loop3A_478 = arith.index_cast %parallel_loop3A_256 : i32 to index
          %parallel_loop3A_479 = arith.index_cast %parallel_loop3A_477 : i32 to index
          %parallel_loop3A_480 = tpu.vector_load %arg13[%parallel_loop3A_478, %parallel_loop3A_479] {strides = array<i32>} : memref<16x768xf32, #tpu.memory_space<vmem>>, vector<1x16xf32>,
          %parallel_loop3A_481 = vector.shape_cast %parallel_loop3A_480 : vector<1x16xf32> to vector<16xf32>
          %parallel_loop3A_482 = vector.shape_cast %parallel_loop3A_471 : vector<16xf32> to vector<1x16xf32>
          tpu.vector_store %arg13[%parallel_loop3A_478, %parallel_loop3A_479], %parallel_loop3A_482 {strides = array<i32>} : memref<16x768xf32, #tpu.memory_space<vmem>>, vector<1x16xf32>,
        } {sc.loop_unroll_factor = 4 : i64, sc.parallel_access}
      } {sc.loop_unroll_factor = 1 : i64, sc.parallel_access}
      %mul3A_62 = arith.constant 16 : i32
      %mul3A_63 = arith.muli %add3A_31, %mul3A_62 : i32
      %dma_start3A_64 = arith.constant 0 : i32
      %dma_start3A_65 = tpu.memref_slice %arg7[%add3A, %mul3A_63, %dma_start3A_64] : memref<32x1024x768xf32, #tpu.memory_space<hbm>> -> memref<1x16x768xf32, #tpu.memory_space<hbm>>
      %dma_start3A_66 = tpu.memref_squeeze %dma_start3A_65 : memref<1x16x768xf32, #tpu.memory_space<hbm>> -> memref<16x768xf32, #tpu.memory_space<hbm>>
      %dma_start3A_67 = arith.constant 0 : i32
      %dma_start3A_68 = tpu.memref_slice %arg7[%add3A, %mul3A_63, %dma_start3A_67] : memref<32x1024x768xf32, #tpu.memory_space<hbm>> -> memref<1x16x768xf32, #tpu.memory_space<hbm>>
      %dma_start3A_69 = tpu.memref_squeeze %dma_start3A_68 : memref<1x16x768xf32, #tpu.memory_space<hbm>> -> memref<16x768xf32, #tpu.memory_space<hbm>>
      tpu.enqueue_dma source(%arg13 : memref<16x768xf32, #tpu.memory_space<vmem>>) target(%dma_start3A_69 : memref<16x768xf32, #tpu.memory_space<hbm>>) target_semaphore(%arg22 : memref<!tpu.dma_semaphore, #tpu.memory_space<semaphore_mem>>)
      %mul3A_70 = arith.constant 2 : i32
      %mul3A_71 = arith.muli %scan3A_27, %mul3A_70 : i32
      %add3A_72 = arith.constant 1 : i32
      %add3A_73 = arith.addi %mul3A_71, %add3A_72 : i32
      %dma_wait3A_74 = arith.constant 0 : i32
      %dma_wait3A_75 = tpu.memref_slice %arg8[%dma_wait3A_74] : memref<1024xi32, #tpu.memory_space<vmem>> -> memref<16xi32, #tpu.memory_space<vmem>>
      %dma_wait3A_76 = arith.constant 0 : i32
      %dma_wait3A_77 = arith.constant 0 : i32
      %dma_wait3A_78 = tpu.memref_slice %arg3[%dma_wait3A_76, %dma_wait3A_77] : memref<50257x768xf32, #tpu.memory_space<hbm>> -> memref<50257x768xf32, #tpu.memory_space<hbm>>
      tpu.wait_indirect_dma semaphore(%arg19 : memref<!tpu.dma_semaphore, #tpu.memory_space<semaphore_mem>>) src(%dma_wait3A_78 : memref<50257x768xf32, #tpu.memory_space<hbm>>) dst(%arg10 : memref<16x768xf32, #tpu.memory_space<vmem>>)
      %dma_wait3A_79 = arith.constant 0 : i32
      %dma_wait3A_80 = arith.constant 0 : i32
      %dma_wait3A_81 = tpu.memref_slice %arg14[%dma_wait3A_79, %dma_wait3A_80] : memref<1024x768xf32, #tpu.memory_space<vmem_shared>> -> memref<16x768xf32, #tpu.memory_space<vmem_shared>>
      %dma_wait3A_82 = arith.constant 0 : i32
      %dma_wait3A_83 = arith.constant 0 : i32
      %dma_wait3A_84 = tpu.memref_slice %arg14[%dma_wait3A_82, %dma_wait3A_83] : memref<1024x768xf32, #tpu.memory_space<vmem_shared>> -> memref<16x768xf32, #tpu.memory_space<vmem_shared>>
      tpu.wait_dma2 semaphore(%arg21 : memref<!tpu.dma_semaphore, #tpu.memory_space<semaphore_mem>>) src(%dma_wait3A_84 : memref<16x768xf32, #tpu.memory_space<vmem_shared>>) dst(%arg12 : memref<16x768xf32, #tpu.memory_space<vmem>>)
      %lt3A = arith.constant 31 : i32
      %lt3A_85 = arith.cmpi slt, %scan3A_27, %lt3A : i32
      %convert_element_type3A_86 = arith.extui %lt3A_85 : i1 to i32
      %cond3A_87 = arith.constant 0 : i32
      %cond3A_88 = arith.cmpi ne, %convert_element_type3A_86, %cond3A_87 : i32
      scf.if %cond3A_88 {
        %add3A_108 = arith.constant 1 : i32
        %add3A_109 = arith.addi %add3A_73, %add3A_108 : i32
        %mul3A_110 = arith.constant 16 : i32
        %mul3A_111 = arith.muli %add3A_109, %mul3A_110 : i32
        %dma_start3A_112 = tpu.memref_slice %arg8[%mul3A_111] : memref<1024xi32, #tpu.memory_space<vmem>> -> memref<16xi32, #tpu.memory_space<vmem>>
        %dma_start3A_113 = arith.constant 0 : i32
        %dma_start3A_114 = arith.constant 0 : i32
        %dma_start3A_115 = tpu.memref_slice %arg3[%dma_start3A_113, %dma_start3A_114] : memref<50257x768xf32, #tpu.memory_space<hbm>> -> memref<50257x768xf32, #tpu.memory_space<hbm>>
        tpu.enqueue_indirect_dma source(%dma_start3A_115 : memref<50257x768xf32, #tpu.memory_space<hbm>>) target(%arg9 : memref<16x768xf32, #tpu.memory_space<vmem>>) offsets(%dma_start3A_112 : memref<16xi32, #tpu.memory_space<vmem>>) semaphore(%arg18 : memref<!tpu.dma_semaphore, #tpu.memory_space<semaphore_mem>>)
        %dma_start3A_116 = arith.constant 0 : i32
        %dma_start3A_117 = tpu.memref_slice %arg14[%mul3A_111, %dma_start3A_116] : memref<1024x768xf32, #tpu.memory_space<vmem_shared>> -> memref<16x768xf32, #tpu.memory_space<vmem_shared>>
        %dma_start3A_118 = arith.constant 0 : i32
        %dma_start3A_119 = tpu.memref_slice %arg14[%mul3A_111, %dma_start3A_118] : memref<1024x768xf32, #tpu.memory_space<vmem_shared>> -> memref<16x768xf32, #tpu.memory_space<vmem_shared>>
        tpu.enqueue_dma source(%dma_start3A_119 : memref<16x768xf32, #tpu.memory_space<vmem_shared>>) target(%arg11 : memref<16x768xf32, #tpu.memory_space<vmem>>) target_semaphore(%arg20 : memref<!tpu.dma_semaphore, #tpu.memory_space<semaphore_mem>>)
      } else {
      }
      %parallel_loop3A_89 = arith.constant 0 : i32
      %parallel_loop3A_90 = arith.constant 16 : i32
      %parallel_loop3A_91 = arith.constant 1 : i32
      scf.for %parallel_loop3A_108 = %parallel_loop3A_89 to %parallel_loop3A_90 step %parallel_loop3A_91  : i32 {
        %parallel_loop3A_109 = arith.constant 0.000000e+00 : f32
        %parallel_loop3A_110 = vector.broadcast %parallel_loop3A_109 : f32 to vector<16xf32>
        %parallel_loop3A_111 = arith.constant 0.000000e+00 : f32
        %parallel_loop3A_112 = vector.broadcast %parallel_loop3A_111 : f32 to vector<16xf32>
        %parallel_loop3A_113 = arith.constant 0.000000e+00 : f32
        %parallel_loop3A_114 = vector.broadcast %parallel_loop3A_113 : f32 to vector<16xf32>
        %parallel_loop3A_115 = arith.constant 0.000000e+00 : f32
        %parallel_loop3A_116 = vector.broadcast %parallel_loop3A_115 : f32 to vector<16xf32>
        %parallel_loop3A_117 = arith.constant 0.000000e+00 : f32
        %parallel_loop3A_118 = vector.broadcast %parallel_loop3A_117 : f32 to vector<16xf32>
        %parallel_loop3A_119 = arith.constant 0.000000e+00 : f32
        %parallel_loop3A_120 = vector.broadcast %parallel_loop3A_119 : f32 to vector<16xf32>
        %parallel_loop3A_121 = arith.constant 0.000000e+00 : f32
        %parallel_loop3A_122 = vector.broadcast %parallel_loop3A_121 : f32 to vector<16xf32>
        %parallel_loop3A_123 = arith.constant 0.000000e+00 : f32
        %parallel_loop3A_124 = vector.broadcast %parallel_loop3A_123 : f32 to vector<16xf32>
        %parallel_loop3A_125 = arith.index_cast %parallel_loop3A_108 : i32 to index
        %parallel_loop3A_126 = arith.constant 0 : index
        %parallel_loop3A_127 = tpu.vector_load %arg10[%parallel_loop3A_125, %parallel_loop3A_126] {strides = array<i32>} : memref<16x768xf32, #tpu.memory_space<vmem>>, vector<1x16xf32>,
        %parallel_loop3A_128 = vector.shape_cast %parallel_loop3A_127 : vector<1x16xf32> to vector<16xf32>
        %parallel_loop3A_129 = arith.index_cast %parallel_loop3A_108 : i32 to index
        %parallel_loop3A_130 = arith.constant 0 : index
        %parallel_loop3A_131 = tpu.vector_load %arg12[%parallel_loop3A_129, %parallel_loop3A_130] {strides = array<i32>} : memref<16x768xf32, #tpu.memory_space<vmem>>, vector<1x16xf32>,
        %parallel_loop3A_132 = vector.shape_cast %parallel_loop3A_131 : vector<1x16xf32> to vector<16xf32>
        %parallel_loop3A_133 = arith.addf %parallel_loop3A_128, %parallel_loop3A_132 : vector<16xf32>
        %parallel_loop3A_134 = arith.index_cast %parallel_loop3A_108 : i32 to index
        %parallel_loop3A_135 = arith.constant 0 : index
        %parallel_loop3A_136 = tpu.vector_load %arg10[%parallel_loop3A_134, %parallel_loop3A_135] {strides = array<i32>} : memref<16x768xf32, #tpu.memory_space<vmem>>, vector<1x16xf32>,
        %parallel_loop3A_137 = vector.shape_cast %parallel_loop3A_136 : vector<1x16xf32> to vector<16xf32>
        %parallel_loop3A_138 = vector.shape_cast %parallel_loop3A_133 : vector<16xf32> to vector<1x16xf32>
        tpu.vector_store %arg10[%parallel_loop3A_134, %parallel_loop3A_135], %parallel_loop3A_138 {strides = array<i32>} : memref<16x768xf32, #tpu.memory_space<vmem>>, vector<1x16xf32>,
        %parallel_loop3A_139 = arith.addf %parallel_loop3A_110, %parallel_loop3A_133 : vector<16xf32>
        %parallel_loop3A_140 = arith.mulf %parallel_loop3A_133, %parallel_loop3A_133 : vector<16xf32>
        %parallel_loop3A_141 = arith.addf %parallel_loop3A_118, %parallel_loop3A_140 : vector<16xf32>
        %parallel_loop3A_142 = arith.index_cast %parallel_loop3A_108 : i32 to index
        %parallel_loop3A_143 = arith.constant 16 : index
        %parallel_loop3A_144 = tpu.vector_load %arg10[%parallel_loop3A_142, %parallel_loop3A_143] {strides = array<i32>} : memref<16x768xf32, #tpu.memory_space<vmem>>, vector<1x16xf32>,
        %parallel_loop3A_145 = vector.shape_cast %parallel_loop3A_144 : vector<1x16xf32> to vector<16xf32>
        %parallel_loop3A_146 = arith.index_cast %parallel_loop3A_108 : i32 to index
        %parallel_loop3A_147 = arith.constant 16 : index
        %parallel_loop3A_148 = tpu.vector_load %arg12[%parallel_loop3A_146, %parallel_loop3A_147] {strides = array<i32>} : memref<16x768xf32, #tpu.memory_space<vmem>>, vector<1x16xf32>,
        %parallel_loop3A_149 = vector.shape_cast %parallel_loop3A_148 : vector<1x16xf32> to vector<16xf32>
        %parallel_loop3A_150 = arith.addf %parallel_loop3A_145, %parallel_loop3A_149 : vector<16xf32>
        %parallel_loop3A_151 = arith.index_cast %parallel_loop3A_108 : i32 to index
        %parallel_loop3A_152 = arith.constant 16 : index
        %parallel_loop3A_153 = tpu.vector_load %arg10[%parallel_loop3A_151, %parallel_loop3A_152] {strides = array<i32>} : memref<16x768xf32, #tpu.memory_space<vmem>>, vector<1x16xf32>,
        %parallel_loop3A_154 = vector.shape_cast %parallel_loop3A_153 : vector<1x16xf32> to vector<16xf32>
        %parallel_loop3A_155 = vector.shape_cast %parallel_loop3A_150 : vector<16xf32> to vector<1x16xf32>
        tpu.vector_store %arg10[%parallel_loop3A_151, %parallel_loop3A_152], %parallel_loop3A_155 {strides = array<i32>} : memref<16x768xf32, #tpu.memory_space<vmem>>, vector<1x16xf32>,
        %parallel_loop3A_156 = arith.addf %parallel_loop3A_112, %parallel_loop3A_150 : vector<16xf32>
        %parallel_loop3A_157 = arith.mulf %parallel_loop3A_150, %parallel_loop3A_150 : vector<16xf32>
        %parallel_loop3A_158 = arith.addf %parallel_loop3A_120, %parallel_loop3A_157 : vector<16xf32>
        %parallel_loop3A_159 = arith.index_cast %parallel_loop3A_108 : i32 to index
        %parallel_loop3A_160 = arith.constant 32 : index
        %parallel_loop3A_161 = tpu.vector_load %arg10[%parallel_loop3A_159, %parallel_loop3A_160] {strides = array<i32>} : memref<16x768xf32, #tpu.memory_space<vmem>>, vector<1x16xf32>,
        %parallel_loop3A_162 = vector.shape_cast %parallel_loop3A_161 : vector<1x16xf32> to vector<16xf32>
        %parallel_loop3A_163 = arith.index_cast %parallel_loop3A_108 : i32 to index
        %parallel_loop3A_164 = arith.constant 32 : index
        %parallel_loop3A_165 = tpu.vector_load %arg12[%parallel_loop3A_163, %parallel_loop3A_164] {strides = array<i32>} : memref<16x768xf32, #tpu.memory_space<vmem>>, vector<1x16xf32>,
        %parallel_loop3A_166 = vector.shape_cast %parallel_loop3A_165 : vector<1x16xf32> to vector<16xf32>
        %parallel_loop3A_167 = arith.addf %parallel_loop3A_162, %parallel_loop3A_166 : vector<16xf32>
        %parallel_loop3A_168 = arith.index_cast %parallel_loop3A_108 : i32 to index
        %parallel_loop3A_169 = arith.constant 32 : index
        %parallel_loop3A_170 = tpu.vector_load %arg10[%parallel_loop3A_168, %parallel_loop3A_169] {strides = array<i32>} : memref<16x768xf32, #tpu.memory_space<vmem>>, vector<1x16xf32>,
        %parallel_loop3A_171 = vector.shape_cast %parallel_loop3A_170 : vector<1x16xf32> to vector<16xf32>
        %parallel_loop3A_172 = vector.shape_cast %parallel_loop3A_167 : vector<16xf32> to vector<1x16xf32>
        tpu.vector_store %arg10[%parallel_loop3A_168, %parallel_loop3A_169], %parallel_loop3A_172 {strides = array<i32>} : memref<16x768xf32, #tpu.memory_space<vmem>>, vector<1x16xf32>,
        %parallel_loop3A_173 = arith.addf %parallel_loop3A_114, %parallel_loop3A_167 : vector<16xf32>
        %parallel_loop3A_174 = arith.mulf %parallel_loop3A_167, %parallel_loop3A_167 : vector<16xf32>
        %parallel_loop3A_175 = arith.addf %parallel_loop3A_122, %parallel_loop3A_174 : vector<16xf32>
        %parallel_loop3A_176 = arith.index_cast %parallel_loop3A_108 : i32 to index
        %parallel_loop3A_177 = arith.constant 48 : index
        %parallel_loop3A_178 = tpu.vector_load %arg10[%parallel_loop3A_176, %parallel_loop3A_177] {strides = array<i32>} : memref<16x768xf32, #tpu.memory_space<vmem>>, vector<1x16xf32>,
        %parallel_loop3A_179 = vector.shape_cast %parallel_loop3A_178 : vector<1x16xf32> to vector<16xf32>
        %parallel_loop3A_180 = arith.index_cast %parallel_loop3A_108 : i32 to index
        %parallel_loop3A_181 = arith.constant 48 : index
        %parallel_loop3A_182 = tpu.vector_load %arg12[%parallel_loop3A_180, %parallel_loop3A_181] {strides = array<i32>} : memref<16x768xf32, #tpu.memory_space<vmem>>, vector<1x16xf32>,
        %parallel_loop3A_183 = vector.shape_cast %parallel_loop3A_182 : vector<1x16xf32> to vector<16xf32>
        %parallel_loop3A_184 = arith.addf %parallel_loop3A_179, %parallel_loop3A_183 : vector<16xf32>
        %parallel_loop3A_185 = arith.index_cast %parallel_loop3A_108 : i32 to index
        %parallel_loop3A_186 = arith.constant 48 : index
        %parallel_loop3A_187 = tpu.vector_load %arg10[%parallel_loop3A_185, %parallel_loop3A_186] {strides = array<i32>} : memref<16x768xf32, #tpu.memory_space<vmem>>, vector<1x16xf32>,
        %parallel_loop3A_188 = vector.shape_cast %parallel_loop3A_187 : vector<1x16xf32> to vector<16xf32>
        %parallel_loop3A_189 = vector.shape_cast %parallel_loop3A_184 : vector<16xf32> to vector<1x16xf32>
        tpu.vector_store %arg10[%parallel_loop3A_185, %parallel_loop3A_186], %parallel_loop3A_189 {strides = array<i32>} : memref<16x768xf32, #tpu.memory_space<vmem>>, vector<1x16xf32>,
        %parallel_loop3A_190 = arith.addf %parallel_loop3A_116, %parallel_loop3A_184 : vector<16xf32>
        %parallel_loop3A_191 = arith.mulf %parallel_loop3A_184, %parallel_loop3A_184 : vector<16xf32>
        %parallel_loop3A_192 = arith.addf %parallel_loop3A_124, %parallel_loop3A_191 : vector<16xf32>
        %parallel_loop3A_193 = arith.index_cast %parallel_loop3A_108 : i32 to index
        %parallel_loop3A_194 = arith.constant 64 : index
        %parallel_loop3A_195 = tpu.vector_load %arg10[%parallel_loop3A_193, %parallel_loop3A_194] {strides = array<i32>} : memref<16x768xf32, #tpu.memory_space<vmem>>, vector<1x16xf32>,
        %parallel_loop3A_196 = vector.shape_cast %parallel_loop3A_195 : vector<1x16xf32> to vector<16xf32>
        %parallel_loop3A_197 = arith.index_cast %parallel_loop3A_108 : i32 to index
        %parallel_loop3A_198 = arith.constant 64 : index
        %parallel_loop3A_199 = tpu.vector_load %arg12[%parallel_loop3A_197, %parallel_loop3A_198] {strides = array<i32>} : memref<16x768xf32, #tpu.memory_space<vmem>>, vector<1x16xf32>,
        %parallel_loop3A_200 = vector.shape_cast %parallel_loop3A_199 : vector<1x16xf32> to vector<16xf32>
        %parallel_loop3A_201 = arith.addf %parallel_loop3A_196, %parallel_loop3A_200 : vector<16xf32>
        %parallel_loop3A_202 = arith.index_cast %parallel_loop3A_108 : i32 to index
        %parallel_loop3A_203 = arith.constant 64 : index
        %parallel_loop3A_204 = tpu.vector_load %arg10[%parallel_loop3A_202, %parallel_loop3A_203] {strides = array<i32>} : memref<16x768xf32, #tpu.memory_space<vmem>>, vector<1x16xf32>,
        %parallel_loop3A_205 = vector.shape_cast %parallel_loop3A_204 : vector<1x16xf32> to vector<16xf32>
        %parallel_loop3A_206 = vector.shape_cast %parallel_loop3A_201 : vector<16xf32> to vector<1x16xf32>
        tpu.vector_store %arg10[%parallel_loop3A_202, %parallel_loop3A_203], %parallel_loop3A_206 {strides = array<i32>} : memref<16x768xf32, #tpu.memory_space<vmem>>, vector<1x16xf32>,
        %parallel_loop3A_207 = arith.addf %parallel_loop3A_139, %parallel_loop3A_201 : vector<16xf32>
        %parallel_loop3A_208 = arith.mulf %parallel_loop3A_201, %parallel_loop3A_201 : vector<16xf32>
        %parallel_loop3A_209 = arith.addf %parallel_loop3A_141, %parallel_loop3A_208 : vector<16xf32>
        %parallel_loop3A_210 = arith.index_cast %parallel_loop3A_108 : i32 to index
        %parallel_loop3A_211 = arith.constant 80 : index
        %parallel_loop3A_212 = tpu.vector_load %arg10[%parallel_loop3A_210, %parallel_loop3A_211] {strides = array<i32>} : memref<16x768xf32, #tpu.memory_space<vmem>>, vector<1x16xf32>,
        %parallel_loop3A_213 = vector.shape_cast %parallel_loop3A_212 : vector<1x16xf32> to vector<16xf32>
        %parallel_loop3A_214 = arith.index_cast %parallel_loop3A_108 : i32 to index
        %parallel_loop3A_215 = arith.constant 80 : index
        %parallel_loop3A_216 = tpu.vector_load %arg12[%parallel_loop3A_214, %parallel_loop3A_215] {strides = array<i32>} : memref<16x768xf32, #tpu.memory_space<vmem>>, vector<1x16xf32>,
        %parallel_loop3A_217 = vector.shape_cast %parallel_loop3A_216 : vector<1x16xf32> to vector<16xf32>
        %parallel_loop3A_218 = arith.addf %parallel_loop3A_213, %parallel_loop3A_217 : vector<16xf32>
        %parallel_loop3A_219 = arith.index_cast %parallel_loop3A_108 : i32 to index
        %parallel_loop3A_220 = arith.constant 80 : index
        %parallel_loop3A_221 = tpu.vector_load %arg10[%parallel_loop3A_219, %parallel_loop3A_220] {strides = array<i32>} : memref<16x768xf32, #tpu.memory_space<vmem>>, vector<1x16xf32>,
        %parallel_loop3A_222 = vector.shape_cast %parallel_loop3A_221 : vector<1x16xf32> to vector<16xf32>
        %parallel_loop3A_223 = vector.shape_cast %parallel_loop3A_218 : vector<16xf32> to vector<1x16xf32>
        tpu.vector_store %arg10[%parallel_loop3A_219, %parallel_loop3A_220], %parallel_loop3A_223 {strides = array<i32>} : memref<16x768xf32, #tpu.memory_space<vmem>>, vector<1x16xf32>,
        %parallel_loop3A_224 = arith.addf %parallel_loop3A_156, %parallel_loop3A_218 : vector<16xf32>
        %parallel_loop3A_225 = arith.mulf %parallel_loop3A_218, %parallel_loop3A_218 : vector<16xf32>
        %parallel_loop3A_226 = arith.addf %parallel_loop3A_158, %parallel_loop3A_225 : vector<16xf32>
        %parallel_loop3A_227 = arith.index_cast %parallel_loop3A_108 : i32 to index
        %parallel_loop3A_228 = arith.constant 96 : index
        %parallel_loop3A_229 = tpu.vector_load %arg10[%parallel_loop3A_227, %parallel_loop3A_228] {strides = array<i32>} : memref<16x768xf32, #tpu.memory_space<vmem>>, vector<1x16xf32>,
        %parallel_loop3A_230 = vector.shape_cast %parallel_loop3A_229 : vector<1x16xf32> to vector<16xf32>
        %parallel_loop3A_231 = arith.index_cast %parallel_loop3A_108 : i32 to index
        %parallel_loop3A_232 = arith.constant 96 : index
        %parallel_loop3A_233 = tpu.vector_load %arg12[%parallel_loop3A_231, %parallel_loop3A_232] {strides = array<i32>} : memref<16x768xf32, #tpu.memory_space<vmem>>, vector<1x16xf32>,
        %parallel_loop3A_234 = vector.shape_cast %parallel_loop3A_233 : vector<1x16xf32> to vector<16xf32>
        %parallel_loop3A_235 = arith.addf %parallel_loop3A_230, %parallel_loop3A_234 : vector<16xf32>
        %parallel_loop3A_236 = arith.index_cast %parallel_loop3A_108 : i32 to index
        %parallel_loop3A_237 = arith.constant 96 : index
        %parallel_loop3A_238 = tpu.vector_load %arg10[%parallel_loop3A_236, %parallel_loop3A_237] {strides = array<i32>} : memref<16x768xf32, #tpu.memory_space<vmem>>, vector<1x16xf32>,
        %parallel_loop3A_239 = vector.shape_cast %parallel_loop3A_238 : vector<1x16xf32> to vector<16xf32>
        %parallel_loop3A_240 = vector.shape_cast %parallel_loop3A_235 : vector<16xf32> to vector<1x16xf32>
        tpu.vector_store %arg10[%parallel_loop3A_236, %parallel_loop3A_237], %parallel_loop3A_240 {strides = array<i32>} : memref<16x768xf32, #tpu.memory_space<vmem>>, vector<1x16xf32>,
        %parallel_loop3A_241 = arith.addf %parallel_loop3A_173, %parallel_loop3A_235 : vector<16xf32>
        %parallel_loop3A_242 = arith.mulf %parallel_loop3A_235, %parallel_loop3A_235 : vector<16xf32>
        %parallel_loop3A_243 = arith.addf %parallel_loop3A_175, %parallel_loop3A_242 : vector<16xf32>
        %parallel_loop3A_244 = arith.index_cast %parallel_loop3A_108 : i32 to index
        %parallel_loop3A_245 = arith.constant 112 : index
        %parallel_loop3A_246 = tpu.vector_load %arg10[%parallel_loop3A_244, %parallel_loop3A_245] {strides = array<i32>} : memref<16x768xf32, #tpu.memory_space<vmem>>, vector<1x16xf32>,
        %parallel_loop3A_247 = vector.shape_cast %parallel_loop3A_246 : vector<1x16xf32> to vector<16xf32>
        %parallel_loop3A_248 = arith.index_cast %parallel_loop3A_108 : i32 to index
        %parallel_loop3A_249 = arith.constant 112 : index
        %parallel_loop3A_250 = tpu.vector_load %arg12[%parallel_loop3A_248, %parallel_loop3A_249] {strides = array<i32>} : memref<16x768xf32, #tpu.memory_space<vmem>>, vector<1x16xf32>,
        %parallel_loop3A_251 = vector.shape_cast %parallel_loop3A_250 : vector<1x16xf32> to vector<16xf32>
        %parallel_loop3A_252 = arith.addf %parallel_loop3A_247, %parallel_loop3A_251 : vector<16xf32>
        %parallel_loop3A_253 = arith.index_cast %parallel_loop3A_108 : i32 to index
        %parallel_loop3A_254 = arith.constant 112 : index
        %parallel_loop3A_255 = tpu.vector_load %arg10[%parallel_loop3A_253, %parallel_loop3A_254] {strides = array<i32>} : memref<16x768xf32, #tpu.memory_space<vmem>>, vector<1x16xf32>,
        %parallel_loop3A_256 = vector.shape_cast %parallel_loop3A_255 : vector<1x16xf32> to vector<16xf32>
        %parallel_loop3A_257 = vector.shape_cast %parallel_loop3A_252 : vector<16xf32> to vector<1x16xf32>
        tpu.vector_store %arg10[%parallel_loop3A_253, %parallel_loop3A_254], %parallel_loop3A_257 {strides = array<i32>} : memref<16x768xf32, #tpu.memory_space<vmem>>, vector<1x16xf32>,
        %parallel_loop3A_258 = arith.addf %parallel_loop3A_190, %parallel_loop3A_252 : vector<16xf32>
        %parallel_loop3A_259 = arith.mulf %parallel_loop3A_252, %parallel_loop3A_252 : vector<16xf32>
        %parallel_loop3A_260 = arith.addf %parallel_loop3A_192, %parallel_loop3A_259 : vector<16xf32>
        %parallel_loop3A_261 = arith.index_cast %parallel_loop3A_108 : i32 to index
        %parallel_loop3A_262 = arith.constant 128 : index
        %parallel_loop3A_263 = tpu.vector_load %arg10[%parallel_loop3A_261, %parallel_loop3A_262] {strides = array<i32>} : memref<16x768xf32, #tpu.memory_space<vmem>>, vector<1x16xf32>,
        %parallel_loop3A_264 = vector.shape_cast %parallel_loop3A_263 : vector<1x16xf32> to vector<16xf32>
        %parallel_loop3A_265 = arith.index_cast %parallel_loop3A_108 : i32 to index
        %parallel_loop3A_266 = arith.constant 128 : index
        %parallel_loop3A_267 = tpu.vector_load %arg12[%parallel_loop3A_265, %parallel_loop3A_266] {strides = array<i32>} : memref<16x768xf32, #tpu.memory_space<vmem>>, vector<1x16xf32>,
        %parallel_loop3A_268 = vector.shape_cast %parallel_loop3A_267 : vector<1x16xf32> to vector<16xf32>
        %parallel_loop3A_269 = arith.addf %parallel_loop3A_264, %parallel_loop3A_268 : vector<16xf32>
        %parallel_loop3A_270 = arith.index_cast %parallel_loop3A_108 : i32 to index
        %parallel_loop3A_271 = arith.constant 128 : index
        %parallel_loop3A_272 = tpu.vector_load %arg10[%parallel_loop3A_270, %parallel_loop3A_271] {strides = array<i32>} : memref<16x768xf32, #tpu.memory_space<vmem>>, vector<1x16xf32>,
        %parallel_loop3A_273 = vector.shape_cast %parallel_loop3A_272 : vector<1x16xf32> to vector<16xf32>
        %parallel_loop3A_274 = vector.shape_cast %parallel_loop3A_269 : vector<16xf32> to vector<1x16xf32>
        tpu.vector_store %arg10[%parallel_loop3A_270, %parallel_loop3A_271], %parallel_loop3A_274 {strides = array<i32>} : memref<16x768xf32, #tpu.memory_space<vmem>>, vector<1x16xf32>,
        %parallel_loop3A_275 = arith.addf %parallel_loop3A_207, %parallel_loop3A_269 : vector<16xf32>
        %parallel_loop3A_276 = arith.mulf %parallel_loop3A_269, %parallel_loop3A_269 : vector<16xf32>
        %parallel_loop3A_277 = arith.addf %parallel_loop3A_209, %parallel_loop3A_276 : vector<16xf32>
        %parallel_loop3A_278 = arith.index_cast %parallel_loop3A_108 : i32 to index
        %parallel_loop3A_279 = arith.constant 144 : index
        %parallel_loop3A_280 = tpu.vector_load %arg10[%parallel_loop3A_278, %parallel_loop3A_279] {strides = array<i32>} : memref<16x768xf32, #tpu.memory_space<vmem>>, vector<1x16xf32>,
        %parallel_loop3A_281 = vector.shape_cast %parallel_loop3A_280 : vector<1x16xf32> to vector<16xf32>
        %parallel_loop3A_282 = arith.index_cast %parallel_loop3A_108 : i32 to index
        %parallel_loop3A_283 = arith.constant 144 : index
        %parallel_loop3A_284 = tpu.vector_load %arg12[%parallel_loop3A_282, %parallel_loop3A_283] {strides = array<i32>} : memref<16x768xf32, #tpu.memory_space<vmem>>, vector<1x16xf32>,
        %parallel_loop3A_285 = vector.shape_cast %parallel_loop3A_284 : vector<1x16xf32> to vector<16xf32>
        %parallel_loop3A_286 = arith.addf %parallel_loop3A_281, %parallel_loop3A_285 : vector<16xf32>
        %parallel_loop3A_287 = arith.index_cast %parallel_loop3A_108 : i32 to index
        %parallel_loop3A_288 = arith.constant 144 : index
        %parallel_loop3A_289 = tpu.vector_load %arg10[%parallel_loop3A_287, %parallel_loop3A_288] {strides = array<i32>} : memref<16x768xf32, #tpu.memory_space<vmem>>, vector<1x16xf32>,
        %parallel_loop3A_290 = vector.shape_cast %parallel_loop3A_289 : vector<1x16xf32> to vector<16xf32>
        %parallel_loop3A_291 = vector.shape_cast %parallel_loop3A_286 : vector<16xf32> to vector<1x16xf32>
        tpu.vector_store %arg10[%parallel_loop3A_287, %parallel_loop3A_288], %parallel_loop3A_291 {strides = array<i32>} : memref<16x768xf32, #tpu.memory_space<vmem>>, vector<1x16xf32>,
        %parallel_loop3A_292 = arith.addf %parallel_loop3A_224, %parallel_loop3A_286 : vector<16xf32>
        %parallel_loop3A_293 = arith.mulf %parallel_loop3A_286, %parallel_loop3A_286 : vector<16xf32>
        %parallel_loop3A_294 = arith.addf %parallel_loop3A_226, %parallel_loop3A_293 : vector<16xf32>
        %parallel_loop3A_295 = arith.index_cast %parallel_loop3A_108 : i32 to index
        %parallel_loop3A_296 = arith.constant 160 : index
        %parallel_loop3A_297 = tpu.vector_load %arg10[%parallel_loop3A_295, %parallel_loop3A_296] {strides = array<i32>} : memref<16x768xf32, #tpu.memory_space<vmem>>, vector<1x16xf32>,
        %parallel_loop3A_298 = vector.shape_cast %parallel_loop3A_297 : vector<1x16xf32> to vector<16xf32>
        %parallel_loop3A_299 = arith.index_cast %parallel_loop3A_108 : i32 to index
        %parallel_loop3A_300 = arith.constant 160 : index
        %parallel_loop3A_301 = tpu.vector_load %arg12[%parallel_loop3A_299, %parallel_loop3A_300] {strides = array<i32>} : memref<16x768xf32, #tpu.memory_space<vmem>>, vector<1x16xf32>,
        %parallel_loop3A_302 = vector.shape_cast %parallel_loop3A_301 : vector<1x16xf32> to vector<16xf32>
        %parallel_loop3A_303 = arith.addf %parallel_loop3A_298, %parallel_loop3A_302 : vector<16xf32>
        %parallel_loop3A_304 = arith.index_cast %parallel_loop3A_108 : i32 to index
        %parallel_loop3A_305 = arith.constant 160 : index
        %parallel_loop3A_306 = tpu.vector_load %arg10[%parallel_loop3A_304, %parallel_loop3A_305] {strides = array<i32>} : memref<16x768xf32, #tpu.memory_space<vmem>>, vector<1x16xf32>,
        %parallel_loop3A_307 = vector.shape_cast %parallel_loop3A_306 : vector<1x16xf32> to vector<16xf32>
        %parallel_loop3A_308 = vector.shape_cast %parallel_loop3A_303 : vector<16xf32> to vector<1x16xf32>
        tpu.vector_store %arg10[%parallel_loop3A_304, %parallel_loop3A_305], %parallel_loop3A_308 {strides = array<i32>} : memref<16x768xf32, #tpu.memory_space<vmem>>, vector<1x16xf32>,
        %parallel_loop3A_309 = arith.addf %parallel_loop3A_241, %parallel_loop3A_303 : vector<16xf32>
        %parallel_loop3A_310 = arith.mulf %parallel_loop3A_303, %parallel_loop3A_303 : vector<16xf32>
        %parallel_loop3A_311 = arith.addf %parallel_loop3A_243, %parallel_loop3A_310 : vector<16xf32>
        %parallel_loop3A_312 = arith.index_cast %parallel_loop3A_108 : i32 to index
        %parallel_loop3A_313 = arith.constant 176 : index
        %parallel_loop3A_314 = tpu.vector_load %arg10[%parallel_loop3A_312, %parallel_loop3A_313] {strides = array<i32>} : memref<16x768xf32, #tpu.memory_space<vmem>>, vector<1x16xf32>,
        %parallel_loop3A_315 = vector.shape_cast %parallel_loop3A_314 : vector<1x16xf32> to vector<16xf32>
        %parallel_loop3A_316 = arith.index_cast %parallel_loop3A_108 : i32 to index
        %parallel_loop3A_317 = arith.constant 176 : index
        %parallel_loop3A_318 = tpu.vector_load %arg12[%parallel_loop3A_316, %parallel_loop3A_317] {strides = array<i32>} : memref<16x768xf32, #tpu.memory_space<vmem>>, vector<1x16xf32>,
        %parallel_loop3A_319 = vector.shape_cast %parallel_loop3A_318 : vector<1x16xf32> to vector<16xf32>
        %parallel_loop3A_320 = arith.addf %parallel_loop3A_315, %parallel_loop3A_319 : vector<16xf32>
        %parallel_loop3A_321 = arith.index_cast %parallel_loop3A_108 : i32 to index
        %parallel_loop3A_322 = arith.constant 176 : index
        %parallel_loop3A_323 = tpu.vector_load %arg10[%parallel_loop3A_321, %parallel_loop3A_322] {strides = array<i32>} : memref<16x768xf32, #tpu.memory_space<vmem>>, vector<1x16xf32>,
        %parallel_loop3A_324 = vector.shape_cast %parallel_loop3A_323 : vector<1x16xf32> to vector<16xf32>
        %parallel_loop3A_325 = vector.shape_cast %parallel_loop3A_320 : vector<16xf32> to vector<1x16xf32>
        tpu.vector_store %arg10[%parallel_loop3A_321, %parallel_loop3A_322], %parallel_loop3A_325 {strides = array<i32>} : memref<16x768xf32, #tpu.memory_space<vmem>>, vector<1x16xf32>,
        %parallel_loop3A_326 = arith.addf %parallel_loop3A_258, %parallel_loop3A_320 : vector<16xf32>
        %parallel_loop3A_327 = arith.mulf %parallel_loop3A_320, %parallel_loop3A_320 : vector<16xf32>
        %parallel_loop3A_328 = arith.addf %parallel_loop3A_260, %parallel_loop3A_327 : vector<16xf32>
        %parallel_loop3A_329 = arith.index_cast %parallel_loop3A_108 : i32 to index
        %parallel_loop3A_330 = arith.constant 192 : index
        %parallel_loop3A_331 = tpu.vector_load %arg10[%parallel_loop3A_329, %parallel_loop3A_330] {strides = array<i32>} : memref<16x768xf32, #tpu.memory_space<vmem>>, vector<1x16xf32>,
        %parallel_loop3A_332 = vector.shape_cast %parallel_loop3A_331 : vector<1x16xf32> to vector<16xf32>
        %parallel_loop3A_333 = arith.index_cast %parallel_loop3A_108 : i32 to index
        %parallel_loop3A_334 = arith.constant 192 : index
        %parallel_loop3A_335 = tpu.vector_load %arg12[%parallel_loop3A_333, %parallel_loop3A_334] {strides = array<i32>} : memref<16x768xf32, #tpu.memory_space<vmem>>, vector<1x16xf32>,
        %parallel_loop3A_336 = vector.shape_cast %parallel_loop3A_335 : vector<1x16xf32> to vector<16xf32>
        %parallel_loop3A_337 = arith.addf %parallel_loop3A_332, %parallel_loop3A_336 : vector<16xf32>
        %parallel_loop3A_338 = arith.index_cast %parallel_loop3A_108 : i32 to index
        %parallel_loop3A_339 = arith.constant 192 : index
        %parallel_loop3A_340 = tpu.vector_load %arg10[%parallel_loop3A_338, %parallel_loop3A_339] {strides = array<i32>} : memref<16x768xf32, #tpu.memory_space<vmem>>, vector<1x16xf32>,
        %parallel_loop3A_341 = vector.shape_cast %parallel_loop3A_340 : vector<1x16xf32> to vector<16xf32>
        %parallel_loop3A_342 = vector.shape_cast %parallel_loop3A_337 : vector<16xf32> to vector<1x16xf32>
        tpu.vector_store %arg10[%parallel_loop3A_338, %parallel_loop3A_339], %parallel_loop3A_342 {strides = array<i32>} : memref<16x768xf32, #tpu.memory_space<vmem>>, vector<1x16xf32>,
        %parallel_loop3A_343 = arith.addf %parallel_loop3A_275, %parallel_loop3A_337 : vector<16xf32>
        %parallel_loop3A_344 = arith.mulf %parallel_loop3A_337, %parallel_loop3A_337 : vector<16xf32>
        %parallel_loop3A_345 = arith.addf %parallel_loop3A_277, %parallel_loop3A_344 : vector<16xf32>
        %parallel_loop3A_346 = arith.index_cast %parallel_loop3A_108 : i32 to index
        %parallel_loop3A_347 = arith.constant 208 : index
        %parallel_loop3A_348 = tpu.vector_load %arg10[%parallel_loop3A_346, %parallel_loop3A_347] {strides = array<i32>} : memref<16x768xf32, #tpu.memory_space<vmem>>, vector<1x16xf32>,
        %parallel_loop3A_349 = vector.shape_cast %parallel_loop3A_348 : vector<1x16xf32> to vector<16xf32>
        %parallel_loop3A_350 = arith.index_cast %parallel_loop3A_108 : i32 to index
        %parallel_loop3A_351 = arith.constant 208 : index
        %parallel_loop3A_352 = tpu.vector_load %arg12[%parallel_loop3A_350, %parallel_loop3A_351] {strides = array<i32>} : memref<16x768xf32, #tpu.memory_space<vmem>>, vector<1x16xf32>,
        %parallel_loop3A_353 = vector.shape_cast %parallel_loop3A_352 : vector<1x16xf32> to vector<16xf32>
        %parallel_loop3A_354 = arith.addf %parallel_loop3A_349, %parallel_loop3A_353 : vector<16xf32>
        %parallel_loop3A_355 = arith.index_cast %parallel_loop3A_108 : i32 to index
        %parallel_loop3A_356 = arith.constant 208 : index
        %parallel_loop3A_357 = tpu.vector_load %arg10[%parallel_loop3A_355, %parallel_loop3A_356] {strides = array<i32>} : memref<16x768xf32, #tpu.memory_space<vmem>>, vector<1x16xf32>,
        %parallel_loop3A_358 = vector.shape_cast %parallel_loop3A_357 : vector<1x16xf32> to vector<16xf32>
        %parallel_loop3A_359 = vector.shape_cast %parallel_loop3A_354 : vector<16xf32> to vector<1x16xf32>
        tpu.vector_store %arg10[%parallel_loop3A_355, %parallel_loop3A_356], %parallel_loop3A_359 {strides = array<i32>} : memref<16x768xf32, #tpu.memory_space<vmem>>, vector<1x16xf32>,
        %parallel_loop3A_360 = arith.addf %parallel_loop3A_292, %parallel_loop3A_354 : vector<16xf32>
        %parallel_loop3A_361 = arith.mulf %parallel_loop3A_354, %parallel_loop3A_354 : vector<16xf32>
        %parallel_loop3A_362 = arith.addf %parallel_loop3A_294, %parallel_loop3A_361 : vector<16xf32>
        %parallel_loop3A_363 = arith.index_cast %parallel_loop3A_108 : i32 to index
        %parallel_loop3A_364 = arith.constant 224 : index
        %parallel_loop3A_365 = tpu.vector_load %arg10[%parallel_loop3A_363, %parallel_loop3A_364] {strides = array<i32>} : memref<16x768xf32, #tpu.memory_space<vmem>>, vector<1x16xf32>,
        %parallel_loop3A_366 = vector.shape_cast %parallel_loop3A_365 : vector<1x16xf32> to vector<16xf32>
        %parallel_loop3A_367 = arith.index_cast %parallel_loop3A_108 : i32 to index
        %parallel_loop3A_368 = arith.constant 224 : index
        %parallel_loop3A_369 = tpu.vector_load %arg12[%parallel_loop3A_367, %parallel_loop3A_368] {strides = array<i32>} : memref<16x768xf32, #tpu.memory_space<vmem>>, vector<1x16xf32>,
        %parallel_loop3A_370 = vector.shape_cast %parallel_loop3A_369 : vector<1x16xf32> to vector<16xf32>
        %parallel_loop3A_371 = arith.addf %parallel_loop3A_366, %parallel_loop3A_370 : vector<16xf32>
        %parallel_loop3A_372 = arith.index_cast %parallel_loop3A_108 : i32 to index
        %parallel_loop3A_373 = arith.constant 224 : index
        %parallel_loop3A_374 = tpu.vector_load %arg10[%parallel_loop3A_372, %parallel_loop3A_373] {strides = array<i32>} : memref<16x768xf32, #tpu.memory_space<vmem>>, vector<1x16xf32>,
        %parallel_loop3A_375 = vector.shape_cast %parallel_loop3A_374 : vector<1x16xf32> to vector<16xf32>
        %parallel_loop3A_376 = vector.shape_cast %parallel_loop3A_371 : vector<16xf32> to vector<1x16xf32>
        tpu.vector_store %arg10[%parallel_loop3A_372, %parallel_loop3A_373], %parallel_loop3A_376 {strides = array<i32>} : memref<16x768xf32, #tpu.memory_space<vmem>>, vector<1x16xf32>,
        %parallel_loop3A_377 = arith.addf %parallel_loop3A_309, %parallel_loop3A_371 : vector<16xf32>
        %parallel_loop3A_378 = arith.mulf %parallel_loop3A_371, %parallel_loop3A_371 : vector<16xf32>
        %parallel_loop3A_379 = arith.addf %parallel_loop3A_311, %parallel_loop3A_378 : vector<16xf32>
        %parallel_loop3A_380 = arith.index_cast %parallel_loop3A_108 : i32 to index
        %parallel_loop3A_381 = arith.constant 240 : index
        %parallel_loop3A_382 = tpu.vector_load %arg10[%parallel_loop3A_380, %parallel_loop3A_381] {strides = array<i32>} : memref<16x768xf32, #tpu.memory_space<vmem>>, vector<1x16xf32>,
        %parallel_loop3A_383 = vector.shape_cast %parallel_loop3A_382 : vector<1x16xf32> to vector<16xf32>
        %parallel_loop3A_384 = arith.index_cast %parallel_loop3A_108 : i32 to index
        %parallel_loop3A_385 = arith.constant 240 : index
        %parallel_loop3A_386 = tpu.vector_load %arg12[%parallel_loop3A_384, %parallel_loop3A_385] {strides = array<i32>} : memref<16x768xf32, #tpu.memory_space<vmem>>, vector<1x16xf32>,
        %parallel_loop3A_387 = vector.shape_cast %parallel_loop3A_386 : vector<1x16xf32> to vector<16xf32>
        %parallel_loop3A_388 = arith.addf %parallel_loop3A_383, %parallel_loop3A_387 : vector<16xf32>
        %parallel_loop3A_389 = arith.index_cast %parallel_loop3A_108 : i32 to index
        %parallel_loop3A_390 = arith.constant 240 : index
        %parallel_loop3A_391 = tpu.vector_load %arg10[%parallel_loop3A_389, %parallel_loop3A_390] {strides = array<i32>} : memref<16x768xf32, #tpu.memory_space<vmem>>, vector<1x16xf32>,
        %parallel_loop3A_392 = vector.shape_cast %parallel_loop3A_391 : vector<1x16xf32> to vector<16xf32>
        %parallel_loop3A_393 = vector.shape_cast %parallel_loop3A_388 : vector<16xf32> to vector<1x16xf32>
        tpu.vector_store %arg10[%parallel_loop3A_389, %parallel_loop3A_390], %parallel_loop3A_393 {strides = array<i32>} : memref<16x768xf32, #tpu.memory_space<vmem>>, vector<1x16xf32>,
        %parallel_loop3A_394 = arith.addf %parallel_loop3A_326, %parallel_loop3A_388 : vector<16xf32>
        %parallel_loop3A_395 = arith.mulf %parallel_loop3A_388, %parallel_loop3A_388 : vector<16xf32>
        %parallel_loop3A_396 = arith.addf %parallel_loop3A_328, %parallel_loop3A_395 : vector<16xf32>
        %parallel_loop3A_397 = arith.index_cast %parallel_loop3A_108 : i32 to index
        %parallel_loop3A_398 = arith.constant 256 : index
        %parallel_loop3A_399 = tpu.vector_load %arg10[%parallel_loop3A_397, %parallel_loop3A_398] {strides = array<i32>} : memref<16x768xf32, #tpu.memory_space<vmem>>, vector<1x16xf32>,
        %parallel_loop3A_400 = vector.shape_cast %parallel_loop3A_399 : vector<1x16xf32> to vector<16xf32>
        %parallel_loop3A_401 = arith.index_cast %parallel_loop3A_108 : i32 to index
        %parallel_loop3A_402 = arith.constant 256 : index
        %parallel_loop3A_403 = tpu.vector_load %arg12[%parallel_loop3A_401, %parallel_loop3A_402] {strides = array<i32>} : memref<16x768xf32, #tpu.memory_space<vmem>>, vector<1x16xf32>,
        %parallel_loop3A_404 = vector.shape_cast %parallel_loop3A_403 : vector<1x16xf32> to vector<16xf32>
        %parallel_loop3A_405 = arith.addf %parallel_loop3A_400, %parallel_loop3A_404 : vector<16xf32>
        %parallel_loop3A_406 = arith.index_cast %parallel_loop3A_108 : i32 to index
        %parallel_loop3A_407 = arith.constant 256 : index
        %parallel_loop3A_408 = tpu.vector_load %arg10[%parallel_loop3A_406, %parallel_loop3A_407] {strides = array<i32>} : memref<16x768xf32, #tpu.memory_space<vmem>>, vector<1x16xf32>,
        %parallel_loop3A_409 = vector.shape_cast %parallel_loop3A_408 : vector<1x16xf32> to vector<16xf32>
        %parallel_loop3A_410 = vector.shape_cast %parallel_loop3A_405 : vector<16xf32> to vector<1x16xf32>
        tpu.vector_store %arg10[%parallel_loop3A_406, %parallel_loop3A_407], %parallel_loop3A_410 {strides = array<i32>} : memref<16x768xf32, #tpu.memory_space<vmem>>, vector<1x16xf32>,
        %parallel_loop3A_411 = arith.addf %parallel_loop3A_343, %parallel_loop3A_405 : vector<16xf32>
        %parallel_loop3A_412 = arith.mulf %parallel_loop3A_405, %parallel_loop3A_405 : vector<16xf32>
        %parallel_loop3A_413 = arith.addf %parallel_loop3A_345, %parallel_loop3A_412 : vector<16xf32>
        %parallel_loop3A_414 = arith.index_cast %parallel_loop3A_108 : i32 to index
        %parallel_loop3A_415 = arith.constant 272 : index
        %parallel_loop3A_416 = tpu.vector_load %arg10[%parallel_loop3A_414, %parallel_loop3A_415] {strides = array<i32>} : memref<16x768xf32, #tpu.memory_space<vmem>>, vector<1x16xf32>,
        %parallel_loop3A_417 = vector.shape_cast %parallel_loop3A_416 : vector<1x16xf32> to vector<16xf32>
        %parallel_loop3A_418 = arith.index_cast %parallel_loop3A_108 : i32 to index
        %parallel_loop3A_419 = arith.constant 272 : index
        %parallel_loop3A_420 = tpu.vector_load %arg12[%parallel_loop3A_418, %parallel_loop3A_419] {strides = array<i32>} : memref<16x768xf32, #tpu.memory_space<vmem>>, vector<1x16xf32>,
        %parallel_loop3A_421 = vector.shape_cast %parallel_loop3A_420 : vector<1x16xf32> to vector<16xf32>
        %parallel_loop3A_422 = arith.addf %parallel_loop3A_417, %parallel_loop3A_421 : vector<16xf32>
        %parallel_loop3A_423 = arith.index_cast %parallel_loop3A_108 : i32 to index
        %parallel_loop3A_424 = arith.constant 272 : index
        %parallel_loop3A_425 = tpu.vector_load %arg10[%parallel_loop3A_423, %parallel_loop3A_424] {strides = array<i32>} : memref<16x768xf32, #tpu.memory_space<vmem>>, vector<1x16xf32>,
        %parallel_loop3A_426 = vector.shape_cast %parallel_loop3A_425 : vector<1x16xf32> to vector<16xf32>
        %parallel_loop3A_427 = vector.shape_cast %parallel_loop3A_422 : vector<16xf32> to vector<1x16xf32>
        tpu.vector_store %arg10[%parallel_loop3A_423, %parallel_loop3A_424], %parallel_loop3A_427 {strides = array<i32>} : memref<16x768xf32, #tpu.memory_space<vmem>>, vector<1x16xf32>,
        %parallel_loop3A_428 = arith.addf %parallel_loop3A_360, %parallel_loop3A_422 : vector<16xf32>
        %parallel_loop3A_429 = arith.mulf %parallel_loop3A_422, %parallel_loop3A_422 : vector<16xf32>
        %parallel_loop3A_430 = arith.addf %parallel_loop3A_362, %parallel_loop3A_429 : vector<16xf32>
        %parallel_loop3A_431 = arith.index_cast %parallel_loop3A_108 : i32 to index
        %parallel_loop3A_432 = arith.constant 288 : index
        %parallel_loop3A_433 = tpu.vector_load %arg10[%parallel_loop3A_431, %parallel_loop3A_432] {strides = array<i32>} : memref<16x768xf32, #tpu.memory_space<vmem>>, vector<1x16xf32>,
        %parallel_loop3A_434 = vector.shape_cast %parallel_loop3A_433 : vector<1x16xf32> to vector<16xf32>
        %parallel_loop3A_435 = arith.index_cast %parallel_loop3A_108 : i32 to index
        %parallel_loop3A_436 = arith.constant 288 : index
        %parallel_loop3A_437 = tpu.vector_load %arg12[%parallel_loop3A_435, %parallel_loop3A_436] {strides = array<i32>} : memref<16x768xf32, #tpu.memory_space<vmem>>, vector<1x16xf32>,
        %parallel_loop3A_438 = vector.shape_cast %parallel_loop3A_437 : vector<1x16xf32> to vector<16xf32>
        %parallel_loop3A_439 = arith.addf %parallel_loop3A_434, %parallel_loop3A_438 : vector<16xf32>
        %parallel_loop3A_440 = arith.index_cast %parallel_loop3A_108 : i32 to index
        %parallel_loop3A_441 = arith.constant 288 : index
        %parallel_loop3A_442 = tpu.vector_load %arg10[%parallel_loop3A_440, %parallel_loop3A_441] {strides = array<i32>} : memref<16x768xf32, #tpu.memory_space<vmem>>, vector<1x16xf32>,
        %parallel_loop3A_443 = vector.shape_cast %parallel_loop3A_442 : vector<1x16xf32> to vector<16xf32>
        %parallel_loop3A_444 = vector.shape_cast %parallel_loop3A_439 : vector<16xf32> to vector<1x16xf32>
        tpu.vector_store %arg10[%parallel_loop3A_440, %parallel_loop3A_441], %parallel_loop3A_444 {strides = array<i32>} : memref<16x768xf32, #tpu.memory_space<vmem>>, vector<1x16xf32>,
        %parallel_loop3A_445 = arith.addf %parallel_loop3A_377, %parallel_loop3A_439 : vector<16xf32>
        %parallel_loop3A_446 = arith.mulf %parallel_loop3A_439, %parallel_loop3A_439 : vector<16xf32>
        %parallel_loop3A_447 = arith.addf %parallel_loop3A_379, %parallel_loop3A_446 : vector<16xf32>
        %parallel_loop3A_448 = arith.index_cast %parallel_loop3A_108 : i32 to index
        %parallel_loop3A_449 = arith.constant 304 : index
        %parallel_loop3A_450 = tpu.vector_load %arg10[%parallel_loop3A_448, %parallel_loop3A_449] {strides = array<i32>} : memref<16x768xf32, #tpu.memory_space<vmem>>, vector<1x16xf32>,
        %parallel_loop3A_451 = vector.shape_cast %parallel_loop3A_450 : vector<1x16xf32> to vector<16xf32>
        %parallel_loop3A_452 = arith.index_cast %parallel_loop3A_108 : i32 to index
        %parallel_loop3A_453 = arith.constant 304 : index
        %parallel_loop3A_454 = tpu.vector_load %arg12[%parallel_loop3A_452, %parallel_loop3A_453] {strides = array<i32>} : memref<16x768xf32, #tpu.memory_space<vmem>>, vector<1x16xf32>,
        %parallel_loop3A_455 = vector.shape_cast %parallel_loop3A_454 : vector<1x16xf32> to vector<16xf32>
        %parallel_loop3A_456 = arith.addf %parallel_loop3A_451, %parallel_loop3A_455 : vector<16xf32>
        %parallel_loop3A_457 = arith.index_cast %parallel_loop3A_108 : i32 to index
        %parallel_loop3A_458 = arith.constant 304 : index
        %parallel_loop3A_459 = tpu.vector_load %arg10[%parallel_loop3A_457, %parallel_loop3A_458] {strides = array<i32>} : memref<16x768xf32, #tpu.memory_space<vmem>>, vector<1x16xf32>,
        %parallel_loop3A_460 = vector.shape_cast %parallel_loop3A_459 : vector<1x16xf32> to vector<16xf32>
        %parallel_loop3A_461 = vector.shape_cast %parallel_loop3A_456 : vector<16xf32> to vector<1x16xf32>
        tpu.vector_store %arg10[%parallel_loop3A_457, %parallel_loop3A_458], %parallel_loop3A_461 {strides = array<i32>} : memref<16x768xf32, #tpu.memory_space<vmem>>, vector<1x16xf32>,
        %parallel_loop3A_462 = arith.addf %parallel_loop3A_394, %parallel_loop3A_456 : vector<16xf32>
        %parallel_loop3A_463 = arith.mulf %parallel_loop3A_456, %parallel_loop3A_456 : vector<16xf32>
        %parallel_loop3A_464 = arith.addf %parallel_loop3A_396, %parallel_loop3A_463 : vector<16xf32>
        %parallel_loop3A_465 = arith.index_cast %parallel_loop3A_108 : i32 to index
        %parallel_loop3A_466 = arith.constant 320 : index
        %parallel_loop3A_467 = tpu.vector_load %arg10[%parallel_loop3A_465, %parallel_loop3A_466] {strides = array<i32>} : memref<16x768xf32, #tpu.memory_space<vmem>>, vector<1x16xf32>,
        %parallel_loop3A_468 = vector.shape_cast %parallel_loop3A_467 : vector<1x16xf32> to vector<16xf32>
        %parallel_loop3A_469 = arith.index_cast %parallel_loop3A_108 : i32 to index
        %parallel_loop3A_470 = arith.constant 320 : index
        %parallel_loop3A_471 = tpu.vector_load %arg12[%parallel_loop3A_469, %parallel_loop3A_470] {strides = array<i32>} : memref<16x768xf32, #tpu.memory_space<vmem>>, vector<1x16xf32>,
        %parallel_loop3A_472 = vector.shape_cast %parallel_loop3A_471 : vector<1x16xf32> to vector<16xf32>
        %parallel_loop3A_473 = arith.addf %parallel_loop3A_468, %parallel_loop3A_472 : vector<16xf32>
        %parallel_loop3A_474 = arith.index_cast %parallel_loop3A_108 : i32 to index
        %parallel_loop3A_475 = arith.constant 320 : index
        %parallel_loop3A_476 = tpu.vector_load %arg10[%parallel_loop3A_474, %parallel_loop3A_475] {strides = array<i32>} : memref<16x768xf32, #tpu.memory_space<vmem>>, vector<1x16xf32>,
        %parallel_loop3A_477 = vector.shape_cast %parallel_loop3A_476 : vector<1x16xf32> to vector<16xf32>
        %parallel_loop3A_478 = vector.shape_cast %parallel_loop3A_473 : vector<16xf32> to vector<1x16xf32>
        tpu.vector_store %arg10[%parallel_loop3A_474, %parallel_loop3A_475], %parallel_loop3A_478 {strides = array<i32>} : memref<16x768xf32, #tpu.memory_space<vmem>>, vector<1x16xf32>,
        %parallel_loop3A_479 = arith.addf %parallel_loop3A_411, %parallel_loop3A_473 : vector<16xf32>
        %parallel_loop3A_480 = arith.mulf %parallel_loop3A_473, %parallel_loop3A_473 : vector<16xf32>
        %parallel_loop3A_481 = arith.addf %parallel_loop3A_413, %parallel_loop3A_480 : vector<16xf32>
        %parallel_loop3A_482 = arith.index_cast %parallel_loop3A_108 : i32 to index
        %parallel_loop3A_483 = arith.constant 336 : index
        %parallel_loop3A_484 = tpu.vector_load %arg10[%parallel_loop3A_482, %parallel_loop3A_483] {strides = array<i32>} : memref<16x768xf32, #tpu.memory_space<vmem>>, vector<1x16xf32>,
        %parallel_loop3A_485 = vector.shape_cast %parallel_loop3A_484 : vector<1x16xf32> to vector<16xf32>
        %parallel_loop3A_486 = arith.index_cast %parallel_loop3A_108 : i32 to index
        %parallel_loop3A_487 = arith.constant 336 : index
        %parallel_loop3A_488 = tpu.vector_load %arg12[%parallel_loop3A_486, %parallel_loop3A_487] {strides = array<i32>} : memref<16x768xf32, #tpu.memory_space<vmem>>, vector<1x16xf32>,
        %parallel_loop3A_489 = vector.shape_cast %parallel_loop3A_488 : vector<1x16xf32> to vector<16xf32>
        %parallel_loop3A_490 = arith.addf %parallel_loop3A_485, %parallel_loop3A_489 : vector<16xf32>
        %parallel_loop3A_491 = arith.index_cast %parallel_loop3A_108 : i32 to index
        %parallel_loop3A_492 = arith.constant 336 : index
        %parallel_loop3A_493 = tpu.vector_load %arg10[%parallel_loop3A_491, %parallel_loop3A_492] {strides = array<i32>} : memref<16x768xf32, #tpu.memory_space<vmem>>, vector<1x16xf32>,
        %parallel_loop3A_494 = vector.shape_cast %parallel_loop3A_493 : vector<1x16xf32> to vector<16xf32>
        %parallel_loop3A_495 = vector.shape_cast %parallel_loop3A_490 : vector<16xf32> to vector<1x16xf32>
        tpu.vector_store %arg10[%parallel_loop3A_491, %parallel_loop3A_492], %parallel_loop3A_495 {strides = array<i32>} : memref<16x768xf32, #tpu.memory_space<vmem>>, vector<1x16xf32>,
        %parallel_loop3A_496 = arith.addf %parallel_loop3A_428, %parallel_loop3A_490 : vector<16xf32>
        %parallel_loop3A_497 = arith.mulf %parallel_loop3A_490, %parallel_loop3A_490 : vector<16xf32>
        %parallel_loop3A_498 = arith.addf %parallel_loop3A_430, %parallel_loop3A_497 : vector<16xf32>
        %parallel_loop3A_499 = arith.index_cast %parallel_loop3A_108 : i32 to index
        %parallel_loop3A_500 = arith.constant 352 : index
        %parallel_loop3A_501 = tpu.vector_load %arg10[%parallel_loop3A_499, %parallel_loop3A_500] {strides = array<i32>} : memref<16x768xf32, #tpu.memory_space<vmem>>, vector<1x16xf32>,
        %parallel_loop3A_502 = vector.shape_cast %parallel_loop3A_501 : vector<1x16xf32> to vector<16xf32>
        %parallel_loop3A_503 = arith.index_cast %parallel_loop3A_108 : i32 to index
        %parallel_loop3A_504 = arith.constant 352 : index
        %parallel_loop3A_505 = tpu.vector_load %arg12[%parallel_loop3A_503, %parallel_loop3A_504] {strides = array<i32>} : memref<16x768xf32, #tpu.memory_space<vmem>>, vector<1x16xf32>,
        %parallel_loop3A_506 = vector.shape_cast %parallel_loop3A_505 : vector<1x16xf32> to vector<16xf32>
        %parallel_loop3A_507 = arith.addf %parallel_loop3A_502, %parallel_loop3A_506 : vector<16xf32>
        %parallel_loop3A_508 = arith.index_cast %parallel_loop3A_108 : i32 to index
        %parallel_loop3A_509 = arith.constant 352 : index
        %parallel_loop3A_510 = tpu.vector_load %arg10[%parallel_loop3A_508, %parallel_loop3A_509] {strides = array<i32>} : memref<16x768xf32, #tpu.memory_space<vmem>>, vector<1x16xf32>,
        %parallel_loop3A_511 = vector.shape_cast %parallel_loop3A_510 : vector<1x16xf32> to vector<16xf32>
        %parallel_loop3A_512 = vector.shape_cast %parallel_loop3A_507 : vector<16xf32> to vector<1x16xf32>
        tpu.vector_store %arg10[%parallel_loop3A_508, %parallel_loop3A_509], %parallel_loop3A_512 {strides = array<i32>} : memref<16x768xf32, #tpu.memory_space<vmem>>, vector<1x16xf32>,
        %parallel_loop3A_513 = arith.addf %parallel_loop3A_445, %parallel_loop3A_507 : vector<16xf32>
        %parallel_loop3A_514 = arith.mulf %parallel_loop3A_507, %parallel_loop3A_507 : vector<16xf32>
        %parallel_loop3A_515 = arith.addf %parallel_loop3A_447, %parallel_loop3A_514 : vector<16xf32>
        %parallel_loop3A_516 = arith.index_cast %parallel_loop3A_108 : i32 to index
        %parallel_loop3A_517 = arith.constant 368 : index
        %parallel_loop3A_518 = tpu.vector_load %arg10[%parallel_loop3A_516, %parallel_loop3A_517] {strides = array<i32>} : memref<16x768xf32, #tpu.memory_space<vmem>>, vector<1x16xf32>,
        %parallel_loop3A_519 = vector.shape_cast %parallel_loop3A_518 : vector<1x16xf32> to vector<16xf32>
        %parallel_loop3A_520 = arith.index_cast %parallel_loop3A_108 : i32 to index
        %parallel_loop3A_521 = arith.constant 368 : index
        %parallel_loop3A_522 = tpu.vector_load %arg12[%parallel_loop3A_520, %parallel_loop3A_521] {strides = array<i32>} : memref<16x768xf32, #tpu.memory_space<vmem>>, vector<1x16xf32>,
        %parallel_loop3A_523 = vector.shape_cast %parallel_loop3A_522 : vector<1x16xf32> to vector<16xf32>
        %parallel_loop3A_524 = arith.addf %parallel_loop3A_519, %parallel_loop3A_523 : vector<16xf32>
        %parallel_loop3A_525 = arith.index_cast %parallel_loop3A_108 : i32 to index
        %parallel_loop3A_526 = arith.constant 368 : index
        %parallel_loop3A_527 = tpu.vector_load %arg10[%parallel_loop3A_525, %parallel_loop3A_526] {strides = array<i32>} : memref<16x768xf32, #tpu.memory_space<vmem>>, vector<1x16xf32>,
        %parallel_loop3A_528 = vector.shape_cast %parallel_loop3A_527 : vector<1x16xf32> to vector<16xf32>
        %parallel_loop3A_529 = vector.shape_cast %parallel_loop3A_524 : vector<16xf32> to vector<1x16xf32>
        tpu.vector_store %arg10[%parallel_loop3A_525, %parallel_loop3A_526], %parallel_loop3A_529 {strides = array<i32>} : memref<16x768xf32, #tpu.memory_space<vmem>>, vector<1x16xf32>,
        %parallel_loop3A_530 = arith.addf %parallel_loop3A_462, %parallel_loop3A_524 : vector<16xf32>
        %parallel_loop3A_531 = arith.mulf %parallel_loop3A_524, %parallel_loop3A_524 : vector<16xf32>
        %parallel_loop3A_532 = arith.addf %parallel_loop3A_464, %parallel_loop3A_531 : vector<16xf32>
        %parallel_loop3A_533 = arith.index_cast %parallel_loop3A_108 : i32 to index
        %parallel_loop3A_534 = arith.constant 384 : index
        %parallel_loop3A_535 = tpu.vector_load %arg10[%parallel_loop3A_533, %parallel_loop3A_534] {strides = array<i32>} : memref<16x768xf32, #tpu.memory_space<vmem>>, vector<1x16xf32>,
        %parallel_loop3A_536 = vector.shape_cast %parallel_loop3A_535 : vector<1x16xf32> to vector<16xf32>
        %parallel_loop3A_537 = arith.index_cast %parallel_loop3A_108 : i32 to index
        %parallel_loop3A_538 = arith.constant 384 : index
        %parallel_loop3A_539 = tpu.vector_load %arg12[%parallel_loop3A_537, %parallel_loop3A_538] {strides = array<i32>} : memref<16x768xf32, #tpu.memory_space<vmem>>, vector<1x16xf32>,
        %parallel_loop3A_540 = vector.shape_cast %parallel_loop3A_539 : vector<1x16xf32> to vector<16xf32>
        %parallel_loop3A_541 = arith.addf %parallel_loop3A_536, %parallel_loop3A_540 : vector<16xf32>
        %parallel_loop3A_542 = arith.index_cast %parallel_loop3A_108 : i32 to index
        %parallel_loop3A_543 = arith.constant 384 : index
        %parallel_loop3A_544 = tpu.vector_load %arg10[%parallel_loop3A_542, %parallel_loop3A_543] {strides = array<i32>} : memref<16x768xf32, #tpu.memory_space<vmem>>, vector<1x16xf32>,
        %parallel_loop3A_545 = vector.shape_cast %parallel_loop3A_544 : vector<1x16xf32> to vector<16xf32>
        %parallel_loop3A_546 = vector.shape_cast %parallel_loop3A_541 : vector<16xf32> to vector<1x16xf32>
        tpu.vector_store %arg10[%parallel_loop3A_542, %parallel_loop3A_543], %parallel_loop3A_546 {strides = array<i32>} : memref<16x768xf32, #tpu.memory_space<vmem>>, vector<1x16xf32>,
        %parallel_loop3A_547 = arith.addf %parallel_loop3A_479, %parallel_loop3A_541 : vector<16xf32>
        %parallel_loop3A_548 = arith.mulf %parallel_loop3A_541, %parallel_loop3A_541 : vector<16xf32>
        %parallel_loop3A_549 = arith.addf %parallel_loop3A_481, %parallel_loop3A_548 : vector<16xf32>
        %parallel_loop3A_550 = arith.index_cast %parallel_loop3A_108 : i32 to index
        %parallel_loop3A_551 = arith.constant 400 : index
        %parallel_loop3A_552 = tpu.vector_load %arg10[%parallel_loop3A_550, %parallel_loop3A_551] {strides = array<i32>} : memref<16x768xf32, #tpu.memory_space<vmem>>, vector<1x16xf32>,
        %parallel_loop3A_553 = vector.shape_cast %parallel_loop3A_552 : vector<1x16xf32> to vector<16xf32>
        %parallel_loop3A_554 = arith.index_cast %parallel_loop3A_108 : i32 to index
        %parallel_loop3A_555 = arith.constant 400 : index
        %parallel_loop3A_556 = tpu.vector_load %arg12[%parallel_loop3A_554, %parallel_loop3A_555] {strides = array<i32>} : memref<16x768xf32, #tpu.memory_space<vmem>>, vector<1x16xf32>,
        %parallel_loop3A_557 = vector.shape_cast %parallel_loop3A_556 : vector<1x16xf32> to vector<16xf32>
        %parallel_loop3A_558 = arith.addf %parallel_loop3A_553, %parallel_loop3A_557 : vector<16xf32>
        %parallel_loop3A_559 = arith.index_cast %parallel_loop3A_108 : i32 to index
        %parallel_loop3A_560 = arith.constant 400 : index
        %parallel_loop3A_561 = tpu.vector_load %arg10[%parallel_loop3A_559, %parallel_loop3A_560] {strides = array<i32>} : memref<16x768xf32, #tpu.memory_space<vmem>>, vector<1x16xf32>,
        %parallel_loop3A_562 = vector.shape_cast %parallel_loop3A_561 : vector<1x16xf32> to vector<16xf32>
        %parallel_loop3A_563 = vector.shape_cast %parallel_loop3A_558 : vector<16xf32> to vector<1x16xf32>
        tpu.vector_store %arg10[%parallel_loop3A_559, %parallel_loop3A_560], %parallel_loop3A_563 {strides = array<i32>} : memref<16x768xf32, #tpu.memory_space<vmem>>, vector<1x16xf32>,
        %parallel_loop3A_564 = arith.addf %parallel_loop3A_496, %parallel_loop3A_558 : vector<16xf32>
        %parallel_loop3A_565 = arith.mulf %parallel_loop3A_558, %parallel_loop3A_558 : vector<16xf32>
        %parallel_loop3A_566 = arith.addf %parallel_loop3A_498, %parallel_loop3A_565 : vector<16xf32>
        %parallel_loop3A_567 = arith.index_cast %parallel_loop3A_108 : i32 to index
        %parallel_loop3A_568 = arith.constant 416 : index
        %parallel_loop3A_569 = tpu.vector_load %arg10[%parallel_loop3A_567, %parallel_loop3A_568] {strides = array<i32>} : memref<16x768xf32, #tpu.memory_space<vmem>>, vector<1x16xf32>,
        %parallel_loop3A_570 = vector.shape_cast %parallel_loop3A_569 : vector<1x16xf32> to vector<16xf32>
        %parallel_loop3A_571 = arith.index_cast %parallel_loop3A_108 : i32 to index
        %parallel_loop3A_572 = arith.constant 416 : index
        %parallel_loop3A_573 = tpu.vector_load %arg12[%parallel_loop3A_571, %parallel_loop3A_572] {strides = array<i32>} : memref<16x768xf32, #tpu.memory_space<vmem>>, vector<1x16xf32>,
        %parallel_loop3A_574 = vector.shape_cast %parallel_loop3A_573 : vector<1x16xf32> to vector<16xf32>
        %parallel_loop3A_575 = arith.addf %parallel_loop3A_570, %parallel_loop3A_574 : vector<16xf32>
        %parallel_loop3A_576 = arith.index_cast %parallel_loop3A_108 : i32 to index
        %parallel_loop3A_577 = arith.constant 416 : index
        %parallel_loop3A_578 = tpu.vector_load %arg10[%parallel_loop3A_576, %parallel_loop3A_577] {strides = array<i32>} : memref<16x768xf32, #tpu.memory_space<vmem>>, vector<1x16xf32>,
        %parallel_loop3A_579 = vector.shape_cast %parallel_loop3A_578 : vector<1x16xf32> to vector<16xf32>
        %parallel_loop3A_580 = vector.shape_cast %parallel_loop3A_575 : vector<16xf32> to vector<1x16xf32>
        tpu.vector_store %arg10[%parallel_loop3A_576, %parallel_loop3A_577], %parallel_loop3A_580 {strides = array<i32>} : memref<16x768xf32, #tpu.memory_space<vmem>>, vector<1x16xf32>,
        %parallel_loop3A_581 = arith.addf %parallel_loop3A_513, %parallel_loop3A_575 : vector<16xf32>
        %parallel_loop3A_582 = arith.mulf %parallel_loop3A_575, %parallel_loop3A_575 : vector<16xf32>
        %parallel_loop3A_583 = arith.addf %parallel_loop3A_515, %parallel_loop3A_582 : vector<16xf32>
        %parallel_loop3A_584 = arith.index_cast %parallel_loop3A_108 : i32 to index
        %parallel_loop3A_585 = arith.constant 432 : index
        %parallel_loop3A_586 = tpu.vector_load %arg10[%parallel_loop3A_584, %parallel_loop3A_585] {strides = array<i32>} : memref<16x768xf32, #tpu.memory_space<vmem>>, vector<1x16xf32>,
        %parallel_loop3A_587 = vector.shape_cast %parallel_loop3A_586 : vector<1x16xf32> to vector<16xf32>
        %parallel_loop3A_588 = arith.index_cast %parallel_loop3A_108 : i32 to index
        %parallel_loop3A_589 = arith.constant 432 : index
        %parallel_loop3A_590 = tpu.vector_load %arg12[%parallel_loop3A_588, %parallel_loop3A_589] {strides = array<i32>} : memref<16x768xf32, #tpu.memory_space<vmem>>, vector<1x16xf32>,
        %parallel_loop3A_591 = vector.shape_cast %parallel_loop3A_590 : vector<1x16xf32> to vector<16xf32>
        %parallel_loop3A_592 = arith.addf %parallel_loop3A_587, %parallel_loop3A_591 : vector<16xf32>
        %parallel_loop3A_593 = arith.index_cast %parallel_loop3A_108 : i32 to index
        %parallel_loop3A_594 = arith.constant 432 : index
        %parallel_loop3A_595 = tpu.vector_load %arg10[%parallel_loop3A_593, %parallel_loop3A_594] {strides = array<i32>} : memref<16x768xf32, #tpu.memory_space<vmem>>, vector<1x16xf32>,
        %parallel_loop3A_596 = vector.shape_cast %parallel_loop3A_595 : vector<1x16xf32> to vector<16xf32>
        %parallel_loop3A_597 = vector.shape_cast %parallel_loop3A_592 : vector<16xf32> to vector<1x16xf32>
        tpu.vector_store %arg10[%parallel_loop3A_593, %parallel_loop3A_594], %parallel_loop3A_597 {strides = array<i32>} : memref<16x768xf32, #tpu.memory_space<vmem>>, vector<1x16xf32>,
        %parallel_loop3A_598 = arith.addf %parallel_loop3A_530, %parallel_loop3A_592 : vector<16xf32>
        %parallel_loop3A_599 = arith.mulf %parallel_loop3A_592, %parallel_loop3A_592 : vector<16xf32>
        %parallel_loop3A_600 = arith.addf %parallel_loop3A_532, %parallel_loop3A_599 : vector<16xf32>
        %parallel_loop3A_601 = arith.index_cast %parallel_loop3A_108 : i32 to index
        %parallel_loop3A_602 = arith.constant 448 : index
        %parallel_loop3A_603 = tpu.vector_load %arg10[%parallel_loop3A_601, %parallel_loop3A_602] {strides = array<i32>} : memref<16x768xf32, #tpu.memory_space<vmem>>, vector<1x16xf32>,
        %parallel_loop3A_604 = vector.shape_cast %parallel_loop3A_603 : vector<1x16xf32> to vector<16xf32>
        %parallel_loop3A_605 = arith.index_cast %parallel_loop3A_108 : i32 to index
        %parallel_loop3A_606 = arith.constant 448 : index
        %parallel_loop3A_607 = tpu.vector_load %arg12[%parallel_loop3A_605, %parallel_loop3A_606] {strides = array<i32>} : memref<16x768xf32, #tpu.memory_space<vmem>>, vector<1x16xf32>,
        %parallel_loop3A_608 = vector.shape_cast %parallel_loop3A_607 : vector<1x16xf32> to vector<16xf32>
        %parallel_loop3A_609 = arith.addf %parallel_loop3A_604, %parallel_loop3A_608 : vector<16xf32>
        %parallel_loop3A_610 = arith.index_cast %parallel_loop3A_108 : i32 to index
        %parallel_loop3A_611 = arith.constant 448 : index
        %parallel_loop3A_612 = tpu.vector_load %arg10[%parallel_loop3A_610, %parallel_loop3A_611] {strides = array<i32>} : memref<16x768xf32, #tpu.memory_space<vmem>>, vector<1x16xf32>,
        %parallel_loop3A_613 = vector.shape_cast %parallel_loop3A_612 : vector<1x16xf32> to vector<16xf32>
        %parallel_loop3A_614 = vector.shape_cast %parallel_loop3A_609 : vector<16xf32> to vector<1x16xf32>
        tpu.vector_store %arg10[%parallel_loop3A_610, %parallel_loop3A_611], %parallel_loop3A_614 {strides = array<i32>} : memref<16x768xf32, #tpu.memory_space<vmem>>, vector<1x16xf32>,
        %parallel_loop3A_615 = arith.addf %parallel_loop3A_547, %parallel_loop3A_609 : vector<16xf32>
        %parallel_loop3A_616 = arith.mulf %parallel_loop3A_609, %parallel_loop3A_609 : vector<16xf32>
        %parallel_loop3A_617 = arith.addf %parallel_loop3A_549, %parallel_loop3A_616 : vector<16xf32>
        %parallel_loop3A_618 = arith.index_cast %parallel_loop3A_108 : i32 to index
        %parallel_loop3A_619 = arith.constant 464 : index
        %parallel_loop3A_620 = tpu.vector_load %arg10[%parallel_loop3A_618, %parallel_loop3A_619] {strides = array<i32>} : memref<16x768xf32, #tpu.memory_space<vmem>>, vector<1x16xf32>,
        %parallel_loop3A_621 = vector.shape_cast %parallel_loop3A_620 : vector<1x16xf32> to vector<16xf32>
        %parallel_loop3A_622 = arith.index_cast %parallel_loop3A_108 : i32 to index
        %parallel_loop3A_623 = arith.constant 464 : index
        %parallel_loop3A_624 = tpu.vector_load %arg12[%parallel_loop3A_622, %parallel_loop3A_623] {strides = array<i32>} : memref<16x768xf32, #tpu.memory_space<vmem>>, vector<1x16xf32>,
        %parallel_loop3A_625 = vector.shape_cast %parallel_loop3A_624 : vector<1x16xf32> to vector<16xf32>
        %parallel_loop3A_626 = arith.addf %parallel_loop3A_621, %parallel_loop3A_625 : vector<16xf32>
        %parallel_loop3A_627 = arith.index_cast %parallel_loop3A_108 : i32 to index
        %parallel_loop3A_628 = arith.constant 464 : index
        %parallel_loop3A_629 = tpu.vector_load %arg10[%parallel_loop3A_627, %parallel_loop3A_628] {strides = array<i32>} : memref<16x768xf32, #tpu.memory_space<vmem>>, vector<1x16xf32>,
        %parallel_loop3A_630 = vector.shape_cast %parallel_loop3A_629 : vector<1x16xf32> to vector<16xf32>
        %parallel_loop3A_631 = vector.shape_cast %parallel_loop3A_626 : vector<16xf32> to vector<1x16xf32>
        tpu.vector_store %arg10[%parallel_loop3A_627, %parallel_loop3A_628], %parallel_loop3A_631 {strides = array<i32>} : memref<16x768xf32, #tpu.memory_space<vmem>>, vector<1x16xf32>,
        %parallel_loop3A_632 = arith.addf %parallel_loop3A_564, %parallel_loop3A_626 : vector<16xf32>
        %parallel_loop3A_633 = arith.mulf %parallel_loop3A_626, %parallel_loop3A_626 : vector<16xf32>
        %parallel_loop3A_634 = arith.addf %parallel_loop3A_566, %parallel_loop3A_633 : vector<16xf32>
        %parallel_loop3A_635 = arith.index_cast %parallel_loop3A_108 : i32 to index
        %parallel_loop3A_636 = arith.constant 480 : index
        %parallel_loop3A_637 = tpu.vector_load %arg10[%parallel_loop3A_635, %parallel_loop3A_636] {strides = array<i32>} : memref<16x768xf32, #tpu.memory_space<vmem>>, vector<1x16xf32>,
        %parallel_loop3A_638 = vector.shape_cast %parallel_loop3A_637 : vector<1x16xf32> to vector<16xf32>
        %parallel_loop3A_639 = arith.index_cast %parallel_loop3A_108 : i32 to index
        %parallel_loop3A_640 = arith.constant 480 : index
        %parallel_loop3A_641 = tpu.vector_load %arg12[%parallel_loop3A_639, %parallel_loop3A_640] {strides = array<i32>} : memref<16x768xf32, #tpu.memory_space<vmem>>, vector<1x16xf32>,
        %parallel_loop3A_642 = vector.shape_cast %parallel_loop3A_641 : vector<1x16xf32> to vector<16xf32>
        %parallel_loop3A_643 = arith.addf %parallel_loop3A_638, %parallel_loop3A_642 : vector<16xf32>
        %parallel_loop3A_644 = arith.index_cast %parallel_loop3A_108 : i32 to index
        %parallel_loop3A_645 = arith.constant 480 : index
        %parallel_loop3A_646 = tpu.vector_load %arg10[%parallel_loop3A_644, %parallel_loop3A_645] {strides = array<i32>} : memref<16x768xf32, #tpu.memory_space<vmem>>, vector<1x16xf32>,
        %parallel_loop3A_647 = vector.shape_cast %parallel_loop3A_646 : vector<1x16xf32> to vector<16xf32>
        %parallel_loop3A_648 = vector.shape_cast %parallel_loop3A_643 : vector<16xf32> to vector<1x16xf32>
        tpu.vector_store %arg10[%parallel_loop3A_644, %parallel_loop3A_645], %parallel_loop3A_648 {strides = array<i32>} : memref<16x768xf32, #tpu.memory_space<vmem>>, vector<1x16xf32>,
        %parallel_loop3A_649 = arith.addf %parallel_loop3A_581, %parallel_loop3A_643 : vector<16xf32>
        %parallel_loop3A_650 = arith.mulf %parallel_loop3A_643, %parallel_loop3A_643 : vector<16xf32>
        %parallel_loop3A_651 = arith.addf %parallel_loop3A_583, %parallel_loop3A_650 : vector<16xf32>
        %parallel_loop3A_652 = arith.index_cast %parallel_loop3A_108 : i32 to index
        %parallel_loop3A_653 = arith.constant 496 : index
        %parallel_loop3A_654 = tpu.vector_load %arg10[%parallel_loop3A_652, %parallel_loop3A_653] {strides = array<i32>} : memref<16x768xf32, #tpu.memory_space<vmem>>, vector<1x16xf32>,
        %parallel_loop3A_655 = vector.shape_cast %parallel_loop3A_654 : vector<1x16xf32> to vector<16xf32>
        %parallel_loop3A_656 = arith.index_cast %parallel_loop3A_108 : i32 to index
        %parallel_loop3A_657 = arith.constant 496 : index
        %parallel_loop3A_658 = tpu.vector_load %arg12[%parallel_loop3A_656, %parallel_loop3A_657] {strides = array<i32>} : memref<16x768xf32, #tpu.memory_space<vmem>>, vector<1x16xf32>,
        %parallel_loop3A_659 = vector.shape_cast %parallel_loop3A_658 : vector<1x16xf32> to vector<16xf32>
        %parallel_loop3A_660 = arith.addf %parallel_loop3A_655, %parallel_loop3A_659 : vector<16xf32>
        %parallel_loop3A_661 = arith.index_cast %parallel_loop3A_108 : i32 to index
        %parallel_loop3A_662 = arith.constant 496 : index
        %parallel_loop3A_663 = tpu.vector_load %arg10[%parallel_loop3A_661, %parallel_loop3A_662] {strides = array<i32>} : memref<16x768xf32, #tpu.memory_space<vmem>>, vector<1x16xf32>,
        %parallel_loop3A_664 = vector.shape_cast %parallel_loop3A_663 : vector<1x16xf32> to vector<16xf32>
        %parallel_loop3A_665 = vector.shape_cast %parallel_loop3A_660 : vector<16xf32> to vector<1x16xf32>
        tpu.vector_store %arg10[%parallel_loop3A_661, %parallel_loop3A_662], %parallel_loop3A_665 {strides = array<i32>} : memref<16x768xf32, #tpu.memory_space<vmem>>, vector<1x16xf32>,
        %parallel_loop3A_666 = arith.addf %parallel_loop3A_598, %parallel_loop3A_660 : vector<16xf32>
        %parallel_loop3A_667 = arith.mulf %parallel_loop3A_660, %parallel_loop3A_660 : vector<16xf32>
        %parallel_loop3A_668 = arith.addf %parallel_loop3A_600, %parallel_loop3A_667 : vector<16xf32>
        %parallel_loop3A_669 = arith.index_cast %parallel_loop3A_108 : i32 to index
        %parallel_loop3A_670 = arith.constant 512 : index
        %parallel_loop3A_671 = tpu.vector_load %arg10[%parallel_loop3A_669, %parallel_loop3A_670] {strides = array<i32>} : memref<16x768xf32, #tpu.memory_space<vmem>>, vector<1x16xf32>,
        %parallel_loop3A_672 = vector.shape_cast %parallel_loop3A_671 : vector<1x16xf32> to vector<16xf32>
        %parallel_loop3A_673 = arith.index_cast %parallel_loop3A_108 : i32 to index
        %parallel_loop3A_674 = arith.constant 512 : index
        %parallel_loop3A_675 = tpu.vector_load %arg12[%parallel_loop3A_673, %parallel_loop3A_674] {strides = array<i32>} : memref<16x768xf32, #tpu.memory_space<vmem>>, vector<1x16xf32>,
        %parallel_loop3A_676 = vector.shape_cast %parallel_loop3A_675 : vector<1x16xf32> to vector<16xf32>
        %parallel_loop3A_677 = arith.addf %parallel_loop3A_672, %parallel_loop3A_676 : vector<16xf32>
        %parallel_loop3A_678 = arith.index_cast %parallel_loop3A_108 : i32 to index
        %parallel_loop3A_679 = arith.constant 512 : index
        %parallel_loop3A_680 = tpu.vector_load %arg10[%parallel_loop3A_678, %parallel_loop3A_679] {strides = array<i32>} : memref<16x768xf32, #tpu.memory_space<vmem>>, vector<1x16xf32>,
        %parallel_loop3A_681 = vector.shape_cast %parallel_loop3A_680 : vector<1x16xf32> to vector<16xf32>
        %parallel_loop3A_682 = vector.shape_cast %parallel_loop3A_677 : vector<16xf32> to vector<1x16xf32>
        tpu.vector_store %arg10[%parallel_loop3A_678, %parallel_loop3A_679], %parallel_loop3A_682 {strides = array<i32>} : memref<16x768xf32, #tpu.memory_space<vmem>>, vector<1x16xf32>,
        %parallel_loop3A_683 = arith.addf %parallel_loop3A_615, %parallel_loop3A_677 : vector<16xf32>
        %parallel_loop3A_684 = arith.mulf %parallel_loop3A_677, %parallel_loop3A_677 : vector<16xf32>
        %parallel_loop3A_685 = arith.addf %parallel_loop3A_617, %parallel_loop3A_684 : vector<16xf32>
        %parallel_loop3A_686 = arith.index_cast %parallel_loop3A_108 : i32 to index
        %parallel_loop3A_687 = arith.constant 528 : index
        %parallel_loop3A_688 = tpu.vector_load %arg10[%parallel_loop3A_686, %parallel_loop3A_687] {strides = array<i32>} : memref<16x768xf32, #tpu.memory_space<vmem>>, vector<1x16xf32>,
        %parallel_loop3A_689 = vector.shape_cast %parallel_loop3A_688 : vector<1x16xf32> to vector<16xf32>
        %parallel_loop3A_690 = arith.index_cast %parallel_loop3A_108 : i32 to index
        %parallel_loop3A_691 = arith.constant 528 : index
        %parallel_loop3A_692 = tpu.vector_load %arg12[%parallel_loop3A_690, %parallel_loop3A_691] {strides = array<i32>} : memref<16x768xf32, #tpu.memory_space<vmem>>, vector<1x16xf32>,
        %parallel_loop3A_693 = vector.shape_cast %parallel_loop3A_692 : vector<1x16xf32> to vector<16xf32>
        %parallel_loop3A_694 = arith.addf %parallel_loop3A_689, %parallel_loop3A_693 : vector<16xf32>
        %parallel_loop3A_695 = arith.index_cast %parallel_loop3A_108 : i32 to index
        %parallel_loop3A_696 = arith.constant 528 : index
        %parallel_loop3A_697 = tpu.vector_load %arg10[%parallel_loop3A_695, %parallel_loop3A_696] {strides = array<i32>} : memref<16x768xf32, #tpu.memory_space<vmem>>, vector<1x16xf32>,
        %parallel_loop3A_698 = vector.shape_cast %parallel_loop3A_697 : vector<1x16xf32> to vector<16xf32>
        %parallel_loop3A_699 = vector.shape_cast %parallel_loop3A_694 : vector<16xf32> to vector<1x16xf32>
        tpu.vector_store %arg10[%parallel_loop3A_695, %parallel_loop3A_696], %parallel_loop3A_699 {strides = array<i32>} : memref<16x768xf32, #tpu.memory_space<vmem>>, vector<1x16xf32>,
        %parallel_loop3A_700 = arith.addf %parallel_loop3A_632, %parallel_loop3A_694 : vector<16xf32>
        %parallel_loop3A_701 = arith.mulf %parallel_loop3A_694, %parallel_loop3A_694 : vector<16xf32>
        %parallel_loop3A_702 = arith.addf %parallel_loop3A_634, %parallel_loop3A_701 : vector<16xf32>
        %parallel_loop3A_703 = arith.index_cast %parallel_loop3A_108 : i32 to index
        %parallel_loop3A_704 = arith.constant 544 : index
        %parallel_loop3A_705 = tpu.vector_load %arg10[%parallel_loop3A_703, %parallel_loop3A_704] {strides = array<i32>} : memref<16x768xf32, #tpu.memory_space<vmem>>, vector<1x16xf32>,
        %parallel_loop3A_706 = vector.shape_cast %parallel_loop3A_705 : vector<1x16xf32> to vector<16xf32>
        %parallel_loop3A_707 = arith.index_cast %parallel_loop3A_108 : i32 to index
        %parallel_loop3A_708 = arith.constant 544 : index
        %parallel_loop3A_709 = tpu.vector_load %arg12[%parallel_loop3A_707, %parallel_loop3A_708] {strides = array<i32>} : memref<16x768xf32, #tpu.memory_space<vmem>>, vector<1x16xf32>,
        %parallel_loop3A_710 = vector.shape_cast %parallel_loop3A_709 : vector<1x16xf32> to vector<16xf32>
        %parallel_loop3A_711 = arith.addf %parallel_loop3A_706, %parallel_loop3A_710 : vector<16xf32>
        %parallel_loop3A_712 = arith.index_cast %parallel_loop3A_108 : i32 to index
        %parallel_loop3A_713 = arith.constant 544 : index
        %parallel_loop3A_714 = tpu.vector_load %arg10[%parallel_loop3A_712, %parallel_loop3A_713] {strides = array<i32>} : memref<16x768xf32, #tpu.memory_space<vmem>>, vector<1x16xf32>,
        %parallel_loop3A_715 = vector.shape_cast %parallel_loop3A_714 : vector<1x16xf32> to vector<16xf32>
        %parallel_loop3A_716 = vector.shape_cast %parallel_loop3A_711 : vector<16xf32> to vector<1x16xf32>
        tpu.vector_store %arg10[%parallel_loop3A_712, %parallel_loop3A_713], %parallel_loop3A_716 {strides = array<i32>} : memref<16x768xf32, #tpu.memory_space<vmem>>, vector<1x16xf32>,
        %parallel_loop3A_717 = arith.addf %parallel_loop3A_649, %parallel_loop3A_711 : vector<16xf32>
        %parallel_loop3A_718 = arith.mulf %parallel_loop3A_711, %parallel_loop3A_711 : vector<16xf32>
        %parallel_loop3A_719 = arith.addf %parallel_loop3A_651, %parallel_loop3A_718 : vector<16xf32>
        %parallel_loop3A_720 = arith.index_cast %parallel_loop3A_108 : i32 to index
        %parallel_loop3A_721 = arith.constant 560 : index
        %parallel_loop3A_722 = tpu.vector_load %arg10[%parallel_loop3A_720, %parallel_loop3A_721] {strides = array<i32>} : memref<16x768xf32, #tpu.memory_space<vmem>>, vector<1x16xf32>,
        %parallel_loop3A_723 = vector.shape_cast %parallel_loop3A_722 : vector<1x16xf32> to vector<16xf32>
        %parallel_loop3A_724 = arith.index_cast %parallel_loop3A_108 : i32 to index
        %parallel_loop3A_725 = arith.constant 560 : index
        %parallel_loop3A_726 = tpu.vector_load %arg12[%parallel_loop3A_724, %parallel_loop3A_725] {strides = array<i32>} : memref<16x768xf32, #tpu.memory_space<vmem>>, vector<1x16xf32>,
        %parallel_loop3A_727 = vector.shape_cast %parallel_loop3A_726 : vector<1x16xf32> to vector<16xf32>
        %parallel_loop3A_728 = arith.addf %parallel_loop3A_723, %parallel_loop3A_727 : vector<16xf32>
        %parallel_loop3A_729 = arith.index_cast %parallel_loop3A_108 : i32 to index
        %parallel_loop3A_730 = arith.constant 560 : index
        %parallel_loop3A_731 = tpu.vector_load %arg10[%parallel_loop3A_729, %parallel_loop3A_730] {strides = array<i32>} : memref<16x768xf32, #tpu.memory_space<vmem>>, vector<1x16xf32>,
        %parallel_loop3A_732 = vector.shape_cast %parallel_loop3A_731 : vector<1x16xf32> to vector<16xf32>
        %parallel_loop3A_733 = vector.shape_cast %parallel_loop3A_728 : vector<16xf32> to vector<1x16xf32>
        tpu.vector_store %arg10[%parallel_loop3A_729, %parallel_loop3A_730], %parallel_loop3A_733 {strides = array<i32>} : memref<16x768xf32, #tpu.memory_space<vmem>>, vector<1x16xf32>,
        %parallel_loop3A_734 = arith.addf %parallel_loop3A_666, %parallel_loop3A_728 : vector<16xf32>
        %parallel_loop3A_735 = arith.mulf %parallel_loop3A_728, %parallel_loop3A_728 : vector<16xf32>
        %parallel_loop3A_736 = arith.addf %parallel_loop3A_668, %parallel_loop3A_735 : vector<16xf32>
        %parallel_loop3A_737 = arith.index_cast %parallel_loop3A_108 : i32 to index
        %parallel_loop3A_738 = arith.constant 576 : index
        %parallel_loop3A_739 = tpu.vector_load %arg10[%parallel_loop3A_737, %parallel_loop3A_738] {strides = array<i32>} : memref<16x768xf32, #tpu.memory_space<vmem>>, vector<1x16xf32>,
        %parallel_loop3A_740 = vector.shape_cast %parallel_loop3A_739 : vector<1x16xf32> to vector<16xf32>
        %parallel_loop3A_741 = arith.index_cast %parallel_loop3A_108 : i32 to index
        %parallel_loop3A_742 = arith.constant 576 : index
        %parallel_loop3A_743 = tpu.vector_load %arg12[%parallel_loop3A_741, %parallel_loop3A_742] {strides = array<i32>} : memref<16x768xf32, #tpu.memory_space<vmem>>, vector<1x16xf32>,
        %parallel_loop3A_744 = vector.shape_cast %parallel_loop3A_743 : vector<1x16xf32> to vector<16xf32>
        %parallel_loop3A_745 = arith.addf %parallel_loop3A_740, %parallel_loop3A_744 : vector<16xf32>
        %parallel_loop3A_746 = arith.index_cast %parallel_loop3A_108 : i32 to index
        %parallel_loop3A_747 = arith.constant 576 : index
        %parallel_loop3A_748 = tpu.vector_load %arg10[%parallel_loop3A_746, %parallel_loop3A_747] {strides = array<i32>} : memref<16x768xf32, #tpu.memory_space<vmem>>, vector<1x16xf32>,
        %parallel_loop3A_749 = vector.shape_cast %parallel_loop3A_748 : vector<1x16xf32> to vector<16xf32>
        %parallel_loop3A_750 = vector.shape_cast %parallel_loop3A_745 : vector<16xf32> to vector<1x16xf32>
        tpu.vector_store %arg10[%parallel_loop3A_746, %parallel_loop3A_747], %parallel_loop3A_750 {strides = array<i32>} : memref<16x768xf32, #tpu.memory_space<vmem>>, vector<1x16xf32>,
        %parallel_loop3A_751 = arith.addf %parallel_loop3A_683, %parallel_loop3A_745 : vector<16xf32>
        %parallel_loop3A_752 = arith.mulf %parallel_loop3A_745, %parallel_loop3A_745 : vector<16xf32>
        %parallel_loop3A_753 = arith.addf %parallel_loop3A_685, %parallel_loop3A_752 : vector<16xf32>
        %parallel_loop3A_754 = arith.index_cast %parallel_loop3A_108 : i32 to index
        %parallel_loop3A_755 = arith.constant 592 : index
        %parallel_loop3A_756 = tpu.vector_load %arg10[%parallel_loop3A_754, %parallel_loop3A_755] {strides = array<i32>} : memref<16x768xf32, #tpu.memory_space<vmem>>, vector<1x16xf32>,
        %parallel_loop3A_757 = vector.shape_cast %parallel_loop3A_756 : vector<1x16xf32> to vector<16xf32>
        %parallel_loop3A_758 = arith.index_cast %parallel_loop3A_108 : i32 to index
        %parallel_loop3A_759 = arith.constant 592 : index
        %parallel_loop3A_760 = tpu.vector_load %arg12[%parallel_loop3A_758, %parallel_loop3A_759] {strides = array<i32>} : memref<16x768xf32, #tpu.memory_space<vmem>>, vector<1x16xf32>,
        %parallel_loop3A_761 = vector.shape_cast %parallel_loop3A_760 : vector<1x16xf32> to vector<16xf32>
        %parallel_loop3A_762 = arith.addf %parallel_loop3A_757, %parallel_loop3A_761 : vector<16xf32>
        %parallel_loop3A_763 = arith.index_cast %parallel_loop3A_108 : i32 to index
        %parallel_loop3A_764 = arith.constant 592 : index
        %parallel_loop3A_765 = tpu.vector_load %arg10[%parallel_loop3A_763, %parallel_loop3A_764] {strides = array<i32>} : memref<16x768xf32, #tpu.memory_space<vmem>>, vector<1x16xf32>,
        %parallel_loop3A_766 = vector.shape_cast %parallel_loop3A_765 : vector<1x16xf32> to vector<16xf32>
        %parallel_loop3A_767 = vector.shape_cast %parallel_loop3A_762 : vector<16xf32> to vector<1x16xf32>
        tpu.vector_store %arg10[%parallel_loop3A_763, %parallel_loop3A_764], %parallel_loop3A_767 {strides = array<i32>} : memref<16x768xf32, #tpu.memory_space<vmem>>, vector<1x16xf32>,
        %parallel_loop3A_768 = arith.addf %parallel_loop3A_700, %parallel_loop3A_762 : vector<16xf32>
        %parallel_loop3A_769 = arith.mulf %parallel_loop3A_762, %parallel_loop3A_762 : vector<16xf32>
        %parallel_loop3A_770 = arith.addf %parallel_loop3A_702, %parallel_loop3A_769 : vector<16xf32>
        %parallel_loop3A_771 = arith.index_cast %parallel_loop3A_108 : i32 to index
        %parallel_loop3A_772 = arith.constant 608 : index
        %parallel_loop3A_773 = tpu.vector_load %arg10[%parallel_loop3A_771, %parallel_loop3A_772] {strides = array<i32>} : memref<16x768xf32, #tpu.memory_space<vmem>>, vector<1x16xf32>,
        %parallel_loop3A_774 = vector.shape_cast %parallel_loop3A_773 : vector<1x16xf32> to vector<16xf32>
        %parallel_loop3A_775 = arith.index_cast %parallel_loop3A_108 : i32 to index
        %parallel_loop3A_776 = arith.constant 608 : index
        %parallel_loop3A_777 = tpu.vector_load %arg12[%parallel_loop3A_775, %parallel_loop3A_776] {strides = array<i32>} : memref<16x768xf32, #tpu.memory_space<vmem>>, vector<1x16xf32>,
        %parallel_loop3A_778 = vector.shape_cast %parallel_loop3A_777 : vector<1x16xf32> to vector<16xf32>
        %parallel_loop3A_779 = arith.addf %parallel_loop3A_774, %parallel_loop3A_778 : vector<16xf32>
        %parallel_loop3A_780 = arith.index_cast %parallel_loop3A_108 : i32 to index
        %parallel_loop3A_781 = arith.constant 608 : index
        %parallel_loop3A_782 = tpu.vector_load %arg10[%parallel_loop3A_780, %parallel_loop3A_781] {strides = array<i32>} : memref<16x768xf32, #tpu.memory_space<vmem>>, vector<1x16xf32>,
        %parallel_loop3A_783 = vector.shape_cast %parallel_loop3A_782 : vector<1x16xf32> to vector<16xf32>
        %parallel_loop3A_784 = vector.shape_cast %parallel_loop3A_779 : vector<16xf32> to vector<1x16xf32>
        tpu.vector_store %arg10[%parallel_loop3A_780, %parallel_loop3A_781], %parallel_loop3A_784 {strides = array<i32>} : memref<16x768xf32, #tpu.memory_space<vmem>>, vector<1x16xf32>,
        %parallel_loop3A_785 = arith.addf %parallel_loop3A_717, %parallel_loop3A_779 : vector<16xf32>
        %parallel_loop3A_786 = arith.mulf %parallel_loop3A_779, %parallel_loop3A_779 : vector<16xf32>
        %parallel_loop3A_787 = arith.addf %parallel_loop3A_719, %parallel_loop3A_786 : vector<16xf32>
        %parallel_loop3A_788 = arith.index_cast %parallel_loop3A_108 : i32 to index
        %parallel_loop3A_789 = arith.constant 624 : index
        %parallel_loop3A_790 = tpu.vector_load %arg10[%parallel_loop3A_788, %parallel_loop3A_789] {strides = array<i32>} : memref<16x768xf32, #tpu.memory_space<vmem>>, vector<1x16xf32>,
        %parallel_loop3A_791 = vector.shape_cast %parallel_loop3A_790 : vector<1x16xf32> to vector<16xf32>
        %parallel_loop3A_792 = arith.index_cast %parallel_loop3A_108 : i32 to index
        %parallel_loop3A_793 = arith.constant 624 : index
        %parallel_loop3A_794 = tpu.vector_load %arg12[%parallel_loop3A_792, %parallel_loop3A_793] {strides = array<i32>} : memref<16x768xf32, #tpu.memory_space<vmem>>, vector<1x16xf32>,
        %parallel_loop3A_795 = vector.shape_cast %parallel_loop3A_794 : vector<1x16xf32> to vector<16xf32>
        %parallel_loop3A_796 = arith.addf %parallel_loop3A_791, %parallel_loop3A_795 : vector<16xf32>
        %parallel_loop3A_797 = arith.index_cast %parallel_loop3A_108 : i32 to index
        %parallel_loop3A_798 = arith.constant 624 : index
        %parallel_loop3A_799 = tpu.vector_load %arg10[%parallel_loop3A_797, %parallel_loop3A_798] {strides = array<i32>} : memref<16x768xf32, #tpu.memory_space<vmem>>, vector<1x16xf32>,
        %parallel_loop3A_800 = vector.shape_cast %parallel_loop3A_799 : vector<1x16xf32> to vector<16xf32>
        %parallel_loop3A_801 = vector.shape_cast %parallel_loop3A_796 : vector<16xf32> to vector<1x16xf32>
        tpu.vector_store %arg10[%parallel_loop3A_797, %parallel_loop3A_798], %parallel_loop3A_801 {strides = array<i32>} : memref<16x768xf32, #tpu.memory_space<vmem>>, vector<1x16xf32>,
        %parallel_loop3A_802 = arith.addf %parallel_loop3A_734, %parallel_loop3A_796 : vector<16xf32>
        %parallel_loop3A_803 = arith.mulf %parallel_loop3A_796, %parallel_loop3A_796 : vector<16xf32>
        %parallel_loop3A_804 = arith.addf %parallel_loop3A_736, %parallel_loop3A_803 : vector<16xf32>
        %parallel_loop3A_805 = arith.index_cast %parallel_loop3A_108 : i32 to index
        %parallel_loop3A_806 = arith.constant 640 : index
        %parallel_loop3A_807 = tpu.vector_load %arg10[%parallel_loop3A_805, %parallel_loop3A_806] {strides = array<i32>} : memref<16x768xf32, #tpu.memory_space<vmem>>, vector<1x16xf32>,
        %parallel_loop3A_808 = vector.shape_cast %parallel_loop3A_807 : vector<1x16xf32> to vector<16xf32>
        %parallel_loop3A_809 = arith.index_cast %parallel_loop3A_108 : i32 to index
        %parallel_loop3A_810 = arith.constant 640 : index
        %parallel_loop3A_811 = tpu.vector_load %arg12[%parallel_loop3A_809, %parallel_loop3A_810] {strides = array<i32>} : memref<16x768xf32, #tpu.memory_space<vmem>>, vector<1x16xf32>,
        %parallel_loop3A_812 = vector.shape_cast %parallel_loop3A_811 : vector<1x16xf32> to vector<16xf32>
        %parallel_loop3A_813 = arith.addf %parallel_loop3A_808, %parallel_loop3A_812 : vector<16xf32>
        %parallel_loop3A_814 = arith.index_cast %parallel_loop3A_108 : i32 to index
        %parallel_loop3A_815 = arith.constant 640 : index
        %parallel_loop3A_816 = tpu.vector_load %arg10[%parallel_loop3A_814, %parallel_loop3A_815] {strides = array<i32>} : memref<16x768xf32, #tpu.memory_space<vmem>>, vector<1x16xf32>,
        %parallel_loop3A_817 = vector.shape_cast %parallel_loop3A_816 : vector<1x16xf32> to vector<16xf32>
        %parallel_loop3A_818 = vector.shape_cast %parallel_loop3A_813 : vector<16xf32> to vector<1x16xf32>
        tpu.vector_store %arg10[%parallel_loop3A_814, %parallel_loop3A_815], %parallel_loop3A_818 {strides = array<i32>} : memref<16x768xf32, #tpu.memory_space<vmem>>, vector<1x16xf32>,
        %parallel_loop3A_819 = arith.addf %parallel_loop3A_751, %parallel_loop3A_813 : vector<16xf32>
        %parallel_loop3A_820 = arith.mulf %parallel_loop3A_813, %parallel_loop3A_813 : vector<16xf32>
        %parallel_loop3A_821 = arith.addf %parallel_loop3A_753, %parallel_loop3A_820 : vector<16xf32>
        %parallel_loop3A_822 = arith.index_cast %parallel_loop3A_108 : i32 to index
        %parallel_loop3A_823 = arith.constant 656 : index
        %parallel_loop3A_824 = tpu.vector_load %arg10[%parallel_loop3A_822, %parallel_loop3A_823] {strides = array<i32>} : memref<16x768xf32, #tpu.memory_space<vmem>>, vector<1x16xf32>,
        %parallel_loop3A_825 = vector.shape_cast %parallel_loop3A_824 : vector<1x16xf32> to vector<16xf32>
        %parallel_loop3A_826 = arith.index_cast %parallel_loop3A_108 : i32 to index
        %parallel_loop3A_827 = arith.constant 656 : index
        %parallel_loop3A_828 = tpu.vector_load %arg12[%parallel_loop3A_826, %parallel_loop3A_827] {strides = array<i32>} : memref<16x768xf32, #tpu.memory_space<vmem>>, vector<1x16xf32>,
        %parallel_loop3A_829 = vector.shape_cast %parallel_loop3A_828 : vector<1x16xf32> to vector<16xf32>
        %parallel_loop3A_830 = arith.addf %parallel_loop3A_825, %parallel_loop3A_829 : vector<16xf32>
        %parallel_loop3A_831 = arith.index_cast %parallel_loop3A_108 : i32 to index
        %parallel_loop3A_832 = arith.constant 656 : index
        %parallel_loop3A_833 = tpu.vector_load %arg10[%parallel_loop3A_831, %parallel_loop3A_832] {strides = array<i32>} : memref<16x768xf32, #tpu.memory_space<vmem>>, vector<1x16xf32>,
        %parallel_loop3A_834 = vector.shape_cast %parallel_loop3A_833 : vector<1x16xf32> to vector<16xf32>
        %parallel_loop3A_835 = vector.shape_cast %parallel_loop3A_830 : vector<16xf32> to vector<1x16xf32>
        tpu.vector_store %arg10[%parallel_loop3A_831, %parallel_loop3A_832], %parallel_loop3A_835 {strides = array<i32>} : memref<16x768xf32, #tpu.memory_space<vmem>>, vector<1x16xf32>,
        %parallel_loop3A_836 = arith.addf %parallel_loop3A_768, %parallel_loop3A_830 : vector<16xf32>
        %parallel_loop3A_837 = arith.mulf %parallel_loop3A_830, %parallel_loop3A_830 : vector<16xf32>
        %parallel_loop3A_838 = arith.addf %parallel_loop3A_770, %parallel_loop3A_837 : vector<16xf32>
        %parallel_loop3A_839 = arith.index_cast %parallel_loop3A_108 : i32 to index
        %parallel_loop3A_840 = arith.constant 672 : index
        %parallel_loop3A_841 = tpu.vector_load %arg10[%parallel_loop3A_839, %parallel_loop3A_840] {strides = array<i32>} : memref<16x768xf32, #tpu.memory_space<vmem>>, vector<1x16xf32>,
        %parallel_loop3A_842 = vector.shape_cast %parallel_loop3A_841 : vector<1x16xf32> to vector<16xf32>
        %parallel_loop3A_843 = arith.index_cast %parallel_loop3A_108 : i32 to index
        %parallel_loop3A_844 = arith.constant 672 : index
        %parallel_loop3A_845 = tpu.vector_load %arg12[%parallel_loop3A_843, %parallel_loop3A_844] {strides = array<i32>} : memref<16x768xf32, #tpu.memory_space<vmem>>, vector<1x16xf32>,
        %parallel_loop3A_846 = vector.shape_cast %parallel_loop3A_845 : vector<1x16xf32> to vector<16xf32>
        %parallel_loop3A_847 = arith.addf %parallel_loop3A_842, %parallel_loop3A_846 : vector<16xf32>
        %parallel_loop3A_848 = arith.index_cast %parallel_loop3A_108 : i32 to index
        %parallel_loop3A_849 = arith.constant 672 : index
        %parallel_loop3A_850 = tpu.vector_load %arg10[%parallel_loop3A_848, %parallel_loop3A_849] {strides = array<i32>} : memref<16x768xf32, #tpu.memory_space<vmem>>, vector<1x16xf32>,
        %parallel_loop3A_851 = vector.shape_cast %parallel_loop3A_850 : vector<1x16xf32> to vector<16xf32>
        %parallel_loop3A_852 = vector.shape_cast %parallel_loop3A_847 : vector<16xf32> to vector<1x16xf32>
        tpu.vector_store %arg10[%parallel_loop3A_848, %parallel_loop3A_849], %parallel_loop3A_852 {strides = array<i32>} : memref<16x768xf32, #tpu.memory_space<vmem>>, vector<1x16xf32>,
        %parallel_loop3A_853 = arith.addf %parallel_loop3A_785, %parallel_loop3A_847 : vector<16xf32>
        %parallel_loop3A_854 = arith.mulf %parallel_loop3A_847, %parallel_loop3A_847 : vector<16xf32>
        %parallel_loop3A_855 = arith.addf %parallel_loop3A_787, %parallel_loop3A_854 : vector<16xf32>
        %parallel_loop3A_856 = arith.index_cast %parallel_loop3A_108 : i32 to index
        %parallel_loop3A_857 = arith.constant 688 : index
        %parallel_loop3A_858 = tpu.vector_load %arg10[%parallel_loop3A_856, %parallel_loop3A_857] {strides = array<i32>} : memref<16x768xf32, #tpu.memory_space<vmem>>, vector<1x16xf32>,
        %parallel_loop3A_859 = vector.shape_cast %parallel_loop3A_858 : vector<1x16xf32> to vector<16xf32>
        %parallel_loop3A_860 = arith.index_cast %parallel_loop3A_108 : i32 to index
        %parallel_loop3A_861 = arith.constant 688 : index
        %parallel_loop3A_862 = tpu.vector_load %arg12[%parallel_loop3A_860, %parallel_loop3A_861] {strides = array<i32>} : memref<16x768xf32, #tpu.memory_space<vmem>>, vector<1x16xf32>,
        %parallel_loop3A_863 = vector.shape_cast %parallel_loop3A_862 : vector<1x16xf32> to vector<16xf32>
        %parallel_loop3A_864 = arith.addf %parallel_loop3A_859, %parallel_loop3A_863 : vector<16xf32>
        %parallel_loop3A_865 = arith.index_cast %parallel_loop3A_108 : i32 to index
        %parallel_loop3A_866 = arith.constant 688 : index
        %parallel_loop3A_867 = tpu.vector_load %arg10[%parallel_loop3A_865, %parallel_loop3A_866] {strides = array<i32>} : memref<16x768xf32, #tpu.memory_space<vmem>>, vector<1x16xf32>,
        %parallel_loop3A_868 = vector.shape_cast %parallel_loop3A_867 : vector<1x16xf32> to vector<16xf32>
        %parallel_loop3A_869 = vector.shape_cast %parallel_loop3A_864 : vector<16xf32> to vector<1x16xf32>
        tpu.vector_store %arg10[%parallel_loop3A_865, %parallel_loop3A_866], %parallel_loop3A_869 {strides = array<i32>} : memref<16x768xf32, #tpu.memory_space<vmem>>, vector<1x16xf32>,
        %parallel_loop3A_870 = arith.addf %parallel_loop3A_802, %parallel_loop3A_864 : vector<16xf32>
        %parallel_loop3A_871 = arith.mulf %parallel_loop3A_864, %parallel_loop3A_864 : vector<16xf32>
        %parallel_loop3A_872 = arith.addf %parallel_loop3A_804, %parallel_loop3A_871 : vector<16xf32>
        %parallel_loop3A_873 = arith.index_cast %parallel_loop3A_108 : i32 to index
        %parallel_loop3A_874 = arith.constant 704 : index
        %parallel_loop3A_875 = tpu.vector_load %arg10[%parallel_loop3A_873, %parallel_loop3A_874] {strides = array<i32>} : memref<16x768xf32, #tpu.memory_space<vmem>>, vector<1x16xf32>,
        %parallel_loop3A_876 = vector.shape_cast %parallel_loop3A_875 : vector<1x16xf32> to vector<16xf32>
        %parallel_loop3A_877 = arith.index_cast %parallel_loop3A_108 : i32 to index
        %parallel_loop3A_878 = arith.constant 704 : index
        %parallel_loop3A_879 = tpu.vector_load %arg12[%parallel_loop3A_877, %parallel_loop3A_878] {strides = array<i32>} : memref<16x768xf32, #tpu.memory_space<vmem>>, vector<1x16xf32>,
        %parallel_loop3A_880 = vector.shape_cast %parallel_loop3A_879 : vector<1x16xf32> to vector<16xf32>
        %parallel_loop3A_881 = arith.addf %parallel_loop3A_876, %parallel_loop3A_880 : vector<16xf32>
        %parallel_loop3A_882 = arith.index_cast %parallel_loop3A_108 : i32 to index
        %parallel_loop3A_883 = arith.constant 704 : index
        %parallel_loop3A_884 = tpu.vector_load %arg10[%parallel_loop3A_882, %parallel_loop3A_883] {strides = array<i32>} : memref<16x768xf32, #tpu.memory_space<vmem>>, vector<1x16xf32>,
        %parallel_loop3A_885 = vector.shape_cast %parallel_loop3A_884 : vector<1x16xf32> to vector<16xf32>
        %parallel_loop3A_886 = vector.shape_cast %parallel_loop3A_881 : vector<16xf32> to vector<1x16xf32>
        tpu.vector_store %arg10[%parallel_loop3A_882, %parallel_loop3A_883], %parallel_loop3A_886 {strides = array<i32>} : memref<16x768xf32, #tpu.memory_space<vmem>>, vector<1x16xf32>,
        %parallel_loop3A_887 = arith.addf %parallel_loop3A_819, %parallel_loop3A_881 : vector<16xf32>
        %parallel_loop3A_888 = arith.mulf %parallel_loop3A_881, %parallel_loop3A_881 : vector<16xf32>
        %parallel_loop3A_889 = arith.addf %parallel_loop3A_821, %parallel_loop3A_888 : vector<16xf32>
        %parallel_loop3A_890 = arith.index_cast %parallel_loop3A_108 : i32 to index
        %parallel_loop3A_891 = arith.constant 720 : index
        %parallel_loop3A_892 = tpu.vector_load %arg10[%parallel_loop3A_890, %parallel_loop3A_891] {strides = array<i32>} : memref<16x768xf32, #tpu.memory_space<vmem>>, vector<1x16xf32>,
        %parallel_loop3A_893 = vector.shape_cast %parallel_loop3A_892 : vector<1x16xf32> to vector<16xf32>
        %parallel_loop3A_894 = arith.index_cast %parallel_loop3A_108 : i32 to index
        %parallel_loop3A_895 = arith.constant 720 : index
        %parallel_loop3A_896 = tpu.vector_load %arg12[%parallel_loop3A_894, %parallel_loop3A_895] {strides = array<i32>} : memref<16x768xf32, #tpu.memory_space<vmem>>, vector<1x16xf32>,
        %parallel_loop3A_897 = vector.shape_cast %parallel_loop3A_896 : vector<1x16xf32> to vector<16xf32>
        %parallel_loop3A_898 = arith.addf %parallel_loop3A_893, %parallel_loop3A_897 : vector<16xf32>
        %parallel_loop3A_899 = arith.index_cast %parallel_loop3A_108 : i32 to index
        %parallel_loop3A_900 = arith.constant 720 : index
        %parallel_loop3A_901 = tpu.vector_load %arg10[%parallel_loop3A_899, %parallel_loop3A_900] {strides = array<i32>} : memref<16x768xf32, #tpu.memory_space<vmem>>, vector<1x16xf32>,
        %parallel_loop3A_902 = vector.shape_cast %parallel_loop3A_901 : vector<1x16xf32> to vector<16xf32>
        %parallel_loop3A_903 = vector.shape_cast %parallel_loop3A_898 : vector<16xf32> to vector<1x16xf32>
        tpu.vector_store %arg10[%parallel_loop3A_899, %parallel_loop3A_900], %parallel_loop3A_903 {strides = array<i32>} : memref<16x768xf32, #tpu.memory_space<vmem>>, vector<1x16xf32>,
        %parallel_loop3A_904 = arith.addf %parallel_loop3A_836, %parallel_loop3A_898 : vector<16xf32>
        %parallel_loop3A_905 = arith.mulf %parallel_loop3A_898, %parallel_loop3A_898 : vector<16xf32>
        %parallel_loop3A_906 = arith.addf %parallel_loop3A_838, %parallel_loop3A_905 : vector<16xf32>
        %parallel_loop3A_907 = arith.index_cast %parallel_loop3A_108 : i32 to index
        %parallel_loop3A_908 = arith.constant 736 : index
        %parallel_loop3A_909 = tpu.vector_load %arg10[%parallel_loop3A_907, %parallel_loop3A_908] {strides = array<i32>} : memref<16x768xf32, #tpu.memory_space<vmem>>, vector<1x16xf32>,
        %parallel_loop3A_910 = vector.shape_cast %parallel_loop3A_909 : vector<1x16xf32> to vector<16xf32>
        %parallel_loop3A_911 = arith.index_cast %parallel_loop3A_108 : i32 to index
        %parallel_loop3A_912 = arith.constant 736 : index
        %parallel_loop3A_913 = tpu.vector_load %arg12[%parallel_loop3A_911, %parallel_loop3A_912] {strides = array<i32>} : memref<16x768xf32, #tpu.memory_space<vmem>>, vector<1x16xf32>,
        %parallel_loop3A_914 = vector.shape_cast %parallel_loop3A_913 : vector<1x16xf32> to vector<16xf32>
        %parallel_loop3A_915 = arith.addf %parallel_loop3A_910, %parallel_loop3A_914 : vector<16xf32>
        %parallel_loop3A_916 = arith.index_cast %parallel_loop3A_108 : i32 to index
        %parallel_loop3A_917 = arith.constant 736 : index
        %parallel_loop3A_918 = tpu.vector_load %arg10[%parallel_loop3A_916, %parallel_loop3A_917] {strides = array<i32>} : memref<16x768xf32, #tpu.memory_space<vmem>>, vector<1x16xf32>,
        %parallel_loop3A_919 = vector.shape_cast %parallel_loop3A_918 : vector<1x16xf32> to vector<16xf32>
        %parallel_loop3A_920 = vector.shape_cast %parallel_loop3A_915 : vector<16xf32> to vector<1x16xf32>
        tpu.vector_store %arg10[%parallel_loop3A_916, %parallel_loop3A_917], %parallel_loop3A_920 {strides = array<i32>} : memref<16x768xf32, #tpu.memory_space<vmem>>, vector<1x16xf32>,
        %parallel_loop3A_921 = arith.addf %parallel_loop3A_853, %parallel_loop3A_915 : vector<16xf32>
        %parallel_loop3A_922 = arith.mulf %parallel_loop3A_915, %parallel_loop3A_915 : vector<16xf32>
        %parallel_loop3A_923 = arith.addf %parallel_loop3A_855, %parallel_loop3A_922 : vector<16xf32>
        %parallel_loop3A_924 = arith.index_cast %parallel_loop3A_108 : i32 to index
        %parallel_loop3A_925 = arith.constant 752 : index
        %parallel_loop3A_926 = tpu.vector_load %arg10[%parallel_loop3A_924, %parallel_loop3A_925] {strides = array<i32>} : memref<16x768xf32, #tpu.memory_space<vmem>>, vector<1x16xf32>,
        %parallel_loop3A_927 = vector.shape_cast %parallel_loop3A_926 : vector<1x16xf32> to vector<16xf32>
        %parallel_loop3A_928 = arith.index_cast %parallel_loop3A_108 : i32 to index
        %parallel_loop3A_929 = arith.constant 752 : index
        %parallel_loop3A_930 = tpu.vector_load %arg12[%parallel_loop3A_928, %parallel_loop3A_929] {strides = array<i32>} : memref<16x768xf32, #tpu.memory_space<vmem>>, vector<1x16xf32>,
        %parallel_loop3A_931 = vector.shape_cast %parallel_loop3A_930 : vector<1x16xf32> to vector<16xf32>
        %parallel_loop3A_932 = arith.addf %parallel_loop3A_927, %parallel_loop3A_931 : vector<16xf32>
        %parallel_loop3A_933 = arith.index_cast %parallel_loop3A_108 : i32 to index
        %parallel_loop3A_934 = arith.constant 752 : index
        %parallel_loop3A_935 = tpu.vector_load %arg10[%parallel_loop3A_933, %parallel_loop3A_934] {strides = array<i32>} : memref<16x768xf32, #tpu.memory_space<vmem>>, vector<1x16xf32>,
        %parallel_loop3A_936 = vector.shape_cast %parallel_loop3A_935 : vector<1x16xf32> to vector<16xf32>
        %parallel_loop3A_937 = vector.shape_cast %parallel_loop3A_932 : vector<16xf32> to vector<1x16xf32>
        tpu.vector_store %arg10[%parallel_loop3A_933, %parallel_loop3A_934], %parallel_loop3A_937 {strides = array<i32>} : memref<16x768xf32, #tpu.memory_space<vmem>>, vector<1x16xf32>,
        %parallel_loop3A_938 = arith.addf %parallel_loop3A_870, %parallel_loop3A_932 : vector<16xf32>
        %parallel_loop3A_939 = arith.mulf %parallel_loop3A_932, %parallel_loop3A_932 : vector<16xf32>
        %parallel_loop3A_940 = arith.addf %parallel_loop3A_872, %parallel_loop3A_939 : vector<16xf32>
        %parallel_loop3A_941 = arith.addf %parallel_loop3A_887, %parallel_loop3A_904 : vector<16xf32>
        %parallel_loop3A_942 = arith.addf %parallel_loop3A_921, %parallel_loop3A_938 : vector<16xf32>
        %parallel_loop3A_943 = arith.addf %parallel_loop3A_941, %parallel_loop3A_942 : vector<16xf32>
        %parallel_loop3A_944 = tpu.iota {dimensions = array<i32: 0>} : vector<16xi32>
        %parallel_loop3A_945 = arith.constant 1 : i32
        %parallel_loop3A_946 = vector.broadcast %parallel_loop3A_945 : i32 to vector<16xi32>
        %parallel_loop3A_947 = arith.xori %parallel_loop3A_944, %parallel_loop3A_946 : vector<16xi32>
        %parallel_loop3A_948 = vector.shape_cast %parallel_loop3A_947 : vector<16xi32> to vector<16x1xi32>
        %parallel_loop3A_949 = vector.shape_cast %parallel_loop3A_948 : vector<16x1xi32> to vector<16xi32>
        %parallel_loop3A_950 = tpu.dynamic_gather %parallel_loop3A_943[%parallel_loop3A_949] in [0] : vector<16xf32>, vector<16xi32> -> vector<16xf32>
        %parallel_loop3A_951 = arith.addf %parallel_loop3A_943, %parallel_loop3A_950 : vector<16xf32>
        %parallel_loop3A_952 = arith.constant 2 : i32
        %parallel_loop3A_953 = vector.broadcast %parallel_loop3A_952 : i32 to vector<16xi32>
        %parallel_loop3A_954 = arith.xori %parallel_loop3A_944, %parallel_loop3A_953 : vector<16xi32>
        %parallel_loop3A_955 = vector.shape_cast %parallel_loop3A_954 : vector<16xi32> to vector<16x1xi32>
        %parallel_loop3A_956 = vector.shape_cast %parallel_loop3A_955 : vector<16x1xi32> to vector<16xi32>
        %parallel_loop3A_957 = tpu.dynamic_gather %parallel_loop3A_951[%parallel_loop3A_956] in [0] : vector<16xf32>, vector<16xi32> -> vector<16xf32>
        %parallel_loop3A_958 = arith.addf %parallel_loop3A_951, %parallel_loop3A_957 : vector<16xf32>
        %parallel_loop3A_959 = arith.constant 4 : i32
        %parallel_loop3A_960 = vector.broadcast %parallel_loop3A_959 : i32 to vector<16xi32>
        %parallel_loop3A_961 = arith.xori %parallel_loop3A_944, %parallel_loop3A_960 : vector<16xi32>
        %parallel_loop3A_962 = vector.shape_cast %parallel_loop3A_961 : vector<16xi32> to vector<16x1xi32>
        %parallel_loop3A_963 = vector.shape_cast %parallel_loop3A_962 : vector<16x1xi32> to vector<16xi32>
        %parallel_loop3A_964 = tpu.dynamic_gather %parallel_loop3A_958[%parallel_loop3A_963] in [0] : vector<16xf32>, vector<16xi32> -> vector<16xf32>
        %parallel_loop3A_965 = arith.addf %parallel_loop3A_958, %parallel_loop3A_964 : vector<16xf32>
        %parallel_loop3A_966 = arith.constant 8 : i32
        %parallel_loop3A_967 = vector.broadcast %parallel_loop3A_966 : i32 to vector<16xi32>
        %parallel_loop3A_968 = arith.xori %parallel_loop3A_944, %parallel_loop3A_967 : vector<16xi32>
        %parallel_loop3A_969 = vector.shape_cast %parallel_loop3A_968 : vector<16xi32> to vector<16x1xi32>
        %parallel_loop3A_970 = vector.shape_cast %parallel_loop3A_969 : vector<16x1xi32> to vector<16xi32>
        %parallel_loop3A_971 = tpu.dynamic_gather %parallel_loop3A_965[%parallel_loop3A_970] in [0] : vector<16xf32>, vector<16xi32> -> vector<16xf32>
        %parallel_loop3A_972 = arith.addf %parallel_loop3A_965, %parallel_loop3A_971 : vector<16xf32>
        %parallel_loop3A_973 = arith.addf %parallel_loop3A_889, %parallel_loop3A_906 : vector<16xf32>
        %parallel_loop3A_974 = arith.addf %parallel_loop3A_923, %parallel_loop3A_940 : vector<16xf32>
        %parallel_loop3A_975 = arith.addf %parallel_loop3A_973, %parallel_loop3A_974 : vector<16xf32>
        %parallel_loop3A_976 = tpu.iota {dimensions = array<i32: 0>} : vector<16xi32>
        %parallel_loop3A_977 = arith.constant 1 : i32
        %parallel_loop3A_978 = vector.broadcast %parallel_loop3A_977 : i32 to vector<16xi32>
        %parallel_loop3A_979 = arith.xori %parallel_loop3A_976, %parallel_loop3A_978 : vector<16xi32>
        %parallel_loop3A_980 = vector.shape_cast %parallel_loop3A_979 : vector<16xi32> to vector<16x1xi32>
        %parallel_loop3A_981 = vector.shape_cast %parallel_loop3A_980 : vector<16x1xi32> to vector<16xi32>
        %parallel_loop3A_982 = tpu.dynamic_gather %parallel_loop3A_975[%parallel_loop3A_981] in [0] : vector<16xf32>, vector<16xi32> -> vector<16xf32>
        %parallel_loop3A_983 = arith.addf %parallel_loop3A_975, %parallel_loop3A_982 : vector<16xf32>
        %parallel_loop3A_984 = arith.constant 2 : i32
        %parallel_loop3A_985 = vector.broadcast %parallel_loop3A_984 : i32 to vector<16xi32>
        %parallel_loop3A_986 = arith.xori %parallel_loop3A_976, %parallel_loop3A_985 : vector<16xi32>
        %parallel_loop3A_987 = vector.shape_cast %parallel_loop3A_986 : vector<16xi32> to vector<16x1xi32>
        %parallel_loop3A_988 = vector.shape_cast %parallel_loop3A_987 : vector<16x1xi32> to vector<16xi32>
        %parallel_loop3A_989 = tpu.dynamic_gather %parallel_loop3A_983[%parallel_loop3A_988] in [0] : vector<16xf32>, vector<16xi32> -> vector<16xf32>
        %parallel_loop3A_990 = arith.addf %parallel_loop3A_983, %parallel_loop3A_989 : vector<16xf32>
        %parallel_loop3A_991 = arith.constant 4 : i32
        %parallel_loop3A_992 = vector.broadcast %parallel_loop3A_991 : i32 to vector<16xi32>
        %parallel_loop3A_993 = arith.xori %parallel_loop3A_976, %parallel_loop3A_992 : vector<16xi32>
        %parallel_loop3A_994 = vector.shape_cast %parallel_loop3A_993 : vector<16xi32> to vector<16x1xi32>
        %parallel_loop3A_995 = vector.shape_cast %parallel_loop3A_994 : vector<16x1xi32> to vector<16xi32>
        %parallel_loop3A_996 = tpu.dynamic_gather %parallel_loop3A_990[%parallel_loop3A_995] in [0] : vector<16xf32>, vector<16xi32> -> vector<16xf32>
        %parallel_loop3A_997 = arith.addf %parallel_loop3A_990, %parallel_loop3A_996 : vector<16xf32>
        %parallel_loop3A_998 = arith.constant 8 : i32
        %parallel_loop3A_999 = vector.broadcast %parallel_loop3A_998 : i32 to vector<16xi32>
        %parallel_loop3A_1000 = arith.xori %parallel_loop3A_976, %parallel_loop3A_999 : vector<16xi32>
        %parallel_loop3A_1001 = vector.shape_cast %parallel_loop3A_1000 : vector<16xi32> to vector<16x1xi32>
        %parallel_loop3A_1002 = vector.shape_cast %parallel_loop3A_1001 : vector<16x1xi32> to vector<16xi32>
        %parallel_loop3A_1003 = tpu.dynamic_gather %parallel_loop3A_997[%parallel_loop3A_1002] in [0] : vector<16xf32>, vector<16xi32> -> vector<16xf32>
        %parallel_loop3A_1004 = arith.addf %parallel_loop3A_997, %parallel_loop3A_1003 : vector<16xf32>
        %parallel_loop3A_1005 = arith.constant 0.00130208337 : f32
        %parallel_loop3A_1006 = vector.broadcast %parallel_loop3A_1005 : f32 to vector<16xf32>
        %parallel_loop3A_1007 = arith.mulf %parallel_loop3A_972, %parallel_loop3A_1006 : vector<16xf32>
        %parallel_loop3A_1008 = arith.constant 0.00130208337 : f32
        %parallel_loop3A_1009 = vector.broadcast %parallel_loop3A_1008 : f32 to vector<16xf32>
        %parallel_loop3A_1010 = arith.mulf %parallel_loop3A_1004, %parallel_loop3A_1009 : vector<16xf32>
        %parallel_loop3A_1011 = arith.mulf %parallel_loop3A_1007, %parallel_loop3A_1007 : vector<16xf32>
        %parallel_loop3A_1012 = arith.subf %parallel_loop3A_1010, %parallel_loop3A_1011 : vector<16xf32>
        %parallel_loop3A_1013 = arith.constant 9.99999996E-13 : f32
        %parallel_loop3A_1014 = vector.broadcast %parallel_loop3A_1013 : f32 to vector<16xf32>
        %parallel_loop3A_1015 = arith.addf %parallel_loop3A_1012, %parallel_loop3A_1014 : vector<16xf32>
        %parallel_loop3A_1016 = tpu.bitcast %parallel_loop3A_1015 : vector<16xf32> -> vector<16xi32>
        %parallel_loop3A_1017 = arith.constant 1597463007 : i32
        %parallel_loop3A_1018 = vector.broadcast %parallel_loop3A_1017 : i32 to vector<16xi32>
        %parallel_loop3A_1019 = arith.constant 1 : i32
        %parallel_loop3A_1020 = vector.broadcast %parallel_loop3A_1019 : i32 to vector<16xi32>
        %parallel_loop3A_1021 = arith.shrsi %parallel_loop3A_1016, %parallel_loop3A_1020 : vector<16xi32>
        %parallel_loop3A_1022 = arith.subi %parallel_loop3A_1018, %parallel_loop3A_1021 : vector<16xi32>
        %parallel_loop3A_1023 = tpu.bitcast %parallel_loop3A_1022 : vector<16xi32> -> vector<16xf32>
        %parallel_loop3A_1024 = arith.constant 5.000000e-01 : f32
        %parallel_loop3A_1025 = vector.broadcast %parallel_loop3A_1024 : f32 to vector<16xf32>
        %parallel_loop3A_1026 = arith.mulf %parallel_loop3A_1025, %parallel_loop3A_1015 : vector<16xf32>
        %parallel_loop3A_1027 = arith.mulf %parallel_loop3A_1026, %parallel_loop3A_1023 : vector<16xf32>
        %parallel_loop3A_1028 = arith.mulf %parallel_loop3A_1027, %parallel_loop3A_1023 : vector<16xf32>
        %parallel_loop3A_1029 = arith.constant 1.500000e+00 : f32
        %parallel_loop3A_1030 = vector.broadcast %parallel_loop3A_1029 : f32 to vector<16xf32>
        %parallel_loop3A_1031 = arith.subf %parallel_loop3A_1030, %parallel_loop3A_1028 : vector<16xf32>
        %parallel_loop3A_1032 = arith.mulf %parallel_loop3A_1023, %parallel_loop3A_1031 : vector<16xf32>
        %parallel_loop3A_1033 = arith.constant 5.000000e-01 : f32
        %parallel_loop3A_1034 = vector.broadcast %parallel_loop3A_1033 : f32 to vector<16xf32>
        %parallel_loop3A_1035 = arith.mulf %parallel_loop3A_1034, %parallel_loop3A_1015 : vector<16xf32>
        %parallel_loop3A_1036 = arith.mulf %parallel_loop3A_1035, %parallel_loop3A_1032 : vector<16xf32>
        %parallel_loop3A_1037 = arith.mulf %parallel_loop3A_1036, %parallel_loop3A_1032 : vector<16xf32>
        %parallel_loop3A_1038 = arith.constant 1.500000e+00 : f32
        %parallel_loop3A_1039 = vector.broadcast %parallel_loop3A_1038 : f32 to vector<16xf32>
        %parallel_loop3A_1040 = arith.subf %parallel_loop3A_1039, %parallel_loop3A_1037 : vector<16xf32>
        %parallel_loop3A_1041 = arith.mulf %parallel_loop3A_1032, %parallel_loop3A_1040 : vector<16xf32>
        %parallel_loop3A_1042 = arith.constant 5.000000e-01 : f32
        %parallel_loop3A_1043 = vector.broadcast %parallel_loop3A_1042 : f32 to vector<16xf32>
        %parallel_loop3A_1044 = arith.mulf %parallel_loop3A_1043, %parallel_loop3A_1015 : vector<16xf32>
        %parallel_loop3A_1045 = arith.mulf %parallel_loop3A_1044, %parallel_loop3A_1041 : vector<16xf32>
        %parallel_loop3A_1046 = arith.mulf %parallel_loop3A_1045, %parallel_loop3A_1041 : vector<16xf32>
        %parallel_loop3A_1047 = arith.constant 1.500000e+00 : f32
        %parallel_loop3A_1048 = vector.broadcast %parallel_loop3A_1047 : f32 to vector<16xf32>
        %parallel_loop3A_1049 = arith.subf %parallel_loop3A_1048, %parallel_loop3A_1046 : vector<16xf32>
        %parallel_loop3A_1050 = arith.mulf %parallel_loop3A_1041, %parallel_loop3A_1049 : vector<16xf32>
        %parallel_loop3A_1051 = arith.constant 0.000000e+00 : f32
        %parallel_loop3A_1052 = vector.broadcast %parallel_loop3A_1051 : f32 to vector<16xf32>
        %parallel_loop3A_1053 = arith.subf %parallel_loop3A_1052, %parallel_loop3A_1007 : vector<16xf32>
        %parallel_loop3A_1054 = arith.mulf %parallel_loop3A_1053, %parallel_loop3A_1050 : vector<16xf32>
        %parallel_loop3A_1055 = vector.extract_strided_slice %parallel_loop3A_1050 {offsets = [0], sizes = [1], strides = [1]} : vector<16xf32> to vector<1xf32>
        %parallel_loop3A_1056 = vector.extract %parallel_loop3A_1055[0] : f32 from vector<1xf32>
        %parallel_loop3A_1057 = arith.constant 2 : i32
        %parallel_loop3A_1058 = arith.muli %parallel_loop3A_1057, %parallel_loop3A_108 : i32
        %parallel_loop3A_1059 = arith.index_cast %parallel_loop3A_1058 : i32 to index
        %parallel_loop3A_1060 = memref.load %arg15[%parallel_loop3A_1059] : memref<32xf32, #tpu.memory_space<smem>>
        memref.store %parallel_loop3A_1056, %arg15[%parallel_loop3A_1059] : memref<32xf32, #tpu.memory_space<smem>>
        %parallel_loop3A_1061 = vector.extract_strided_slice %parallel_loop3A_1054 {offsets = [0], sizes = [1], strides = [1]} : vector<16xf32> to vector<1xf32>
        %parallel_loop3A_1062 = vector.extract %parallel_loop3A_1061[0] : f32 from vector<1xf32>
        %parallel_loop3A_1063 = arith.constant 2 : i32
        %parallel_loop3A_1064 = arith.muli %parallel_loop3A_1063, %parallel_loop3A_108 : i32
        %parallel_loop3A_1065 = arith.constant 1 : i32
        %parallel_loop3A_1066 = arith.addi %parallel_loop3A_1064, %parallel_loop3A_1065 : i32
        %parallel_loop3A_1067 = arith.index_cast %parallel_loop3A_1066 : i32 to index
        %parallel_loop3A_1068 = memref.load %arg15[%parallel_loop3A_1067] : memref<32xf32, #tpu.memory_space<smem>>
        memref.store %parallel_loop3A_1062, %arg15[%parallel_loop3A_1067] : memref<32xf32, #tpu.memory_space<smem>>
      } {sc.loop_unroll_factor = 4 : i64, sc.parallel_access}
      %gt3A_92 = arith.constant 0 : i32
      %gt3A_93 = arith.cmpi sgt, %add3A_73, %gt3A_92 : i32
      %convert_element_type3A_94 = arith.extui %gt3A_93 : i1 to i32
      %cond3A_95 = arith.constant 0 : i32
      %cond3A_96 = arith.cmpi ne, %convert_element_type3A_94, %cond3A_95 : i32
      scf.if %cond3A_96 {
        %dma_wait3A_108 = arith.constant 0 : i32
        %dma_wait3A_109 = arith.constant 0 : i32
        %dma_wait3A_110 = tpu.memref_slice %arg7[%add3A, %dma_wait3A_108, %dma_wait3A_109] : memref<32x1024x768xf32, #tpu.memory_space<hbm>> -> memref<1x16x768xf32, #tpu.memory_space<hbm>>
        %dma_wait3A_111 = tpu.memref_squeeze %dma_wait3A_110 : memref<1x16x768xf32, #tpu.memory_space<hbm>> -> memref<16x768xf32, #tpu.memory_space<hbm>>
        %dma_wait3A_112 = arith.constant 0 : i32
        %dma_wait3A_113 = arith.constant 0 : i32
        %dma_wait3A_114 = tpu.memref_slice %arg7[%add3A, %dma_wait3A_112, %dma_wait3A_113] : memref<32x1024x768xf32, #tpu.memory_space<hbm>> -> memref<1x16x768xf32, #tpu.memory_space<hbm>>
        %dma_wait3A_115 = tpu.memref_squeeze %dma_wait3A_114 : memref<1x16x768xf32, #tpu.memory_space<hbm>> -> memref<16x768xf32, #tpu.memory_space<hbm>>
        tpu.wait_dma2 semaphore(%arg22 : memref<!tpu.dma_semaphore, #tpu.memory_space<semaphore_mem>>) src(%arg13 : memref<16x768xf32, #tpu.memory_space<vmem>>) dst(%dma_wait3A_115 : memref<16x768xf32, #tpu.memory_space<hbm>>)
      } else {
      }
      %parallel_loop3A_97 = arith.constant 0 : i32
      %parallel_loop3A_98 = arith.constant 6 : i32
      %parallel_loop3A_99 = arith.constant 1 : i32
      scf.for %parallel_loop3A_108 = %parallel_loop3A_97 to %parallel_loop3A_98 step %parallel_loop3A_99  : i32 {
        %parallel_loop3A_109 = arith.constant 8 : i32
        %parallel_loop3A_110 = arith.muli %parallel_loop3A_108, %parallel_loop3A_109 : i32
        %parallel_loop3A_111 = arith.constant 0 : i32
        %parallel_loop3A_112 = arith.addi %parallel_loop3A_110, %parallel_loop3A_111 : i32
        %parallel_loop3A_113 = arith.constant 16 : i32
        %parallel_loop3A_114 = arith.muli %parallel_loop3A_112, %parallel_loop3A_113 : i32
        %parallel_loop3A_115 = arith.index_cast %parallel_loop3A_114 : i32 to index
        %parallel_loop3A_116 = tpu.vector_load %arg16[%parallel_loop3A_115] {strides = array<i32>} : memref<768xf32, #tpu.memory_space<vmem>>, vector<16xf32>,
        %parallel_loop3A_117 = vector.shape_cast %parallel_loop3A_116 : vector<16xf32> to vector<16xf32>
        %parallel_loop3A_118 = arith.constant 8 : i32
        %parallel_loop3A_119 = arith.muli %parallel_loop3A_108, %parallel_loop3A_118 : i32
        %parallel_loop3A_120 = arith.constant 1 : i32
        %parallel_loop3A_121 = arith.addi %parallel_loop3A_119, %parallel_loop3A_120 : i32
        %parallel_loop3A_122 = arith.constant 16 : i32
        %parallel_loop3A_123 = arith.muli %parallel_loop3A_121, %parallel_loop3A_122 : i32
        %parallel_loop3A_124 = arith.index_cast %parallel_loop3A_123 : i32 to index
        %parallel_loop3A_125 = tpu.vector_load %arg16[%parallel_loop3A_124] {strides = array<i32>} : memref<768xf32, #tpu.memory_space<vmem>>, vector<16xf32>,
        %parallel_loop3A_126 = vector.shape_cast %parallel_loop3A_125 : vector<16xf32> to vector<16xf32>
        %parallel_loop3A_127 = arith.constant 8 : i32
        %parallel_loop3A_128 = arith.muli %parallel_loop3A_108, %parallel_loop3A_127 : i32
        %parallel_loop3A_129 = arith.constant 2 : i32
        %parallel_loop3A_130 = arith.addi %parallel_loop3A_128, %parallel_loop3A_129 : i32
        %parallel_loop3A_131 = arith.constant 16 : i32
        %parallel_loop3A_132 = arith.muli %parallel_loop3A_130, %parallel_loop3A_131 : i32
        %parallel_loop3A_133 = arith.index_cast %parallel_loop3A_132 : i32 to index
        %parallel_loop3A_134 = tpu.vector_load %arg16[%parallel_loop3A_133] {strides = array<i32>} : memref<768xf32, #tpu.memory_space<vmem>>, vector<16xf32>,
        %parallel_loop3A_135 = vector.shape_cast %parallel_loop3A_134 : vector<16xf32> to vector<16xf32>
        %parallel_loop3A_136 = arith.constant 8 : i32
        %parallel_loop3A_137 = arith.muli %parallel_loop3A_108, %parallel_loop3A_136 : i32
        %parallel_loop3A_138 = arith.constant 3 : i32
        %parallel_loop3A_139 = arith.addi %parallel_loop3A_137, %parallel_loop3A_138 : i32
        %parallel_loop3A_140 = arith.constant 16 : i32
        %parallel_loop3A_141 = arith.muli %parallel_loop3A_139, %parallel_loop3A_140 : i32
        %parallel_loop3A_142 = arith.index_cast %parallel_loop3A_141 : i32 to index
        %parallel_loop3A_143 = tpu.vector_load %arg16[%parallel_loop3A_142] {strides = array<i32>} : memref<768xf32, #tpu.memory_space<vmem>>, vector<16xf32>,
        %parallel_loop3A_144 = vector.shape_cast %parallel_loop3A_143 : vector<16xf32> to vector<16xf32>
        %parallel_loop3A_145 = arith.constant 8 : i32
        %parallel_loop3A_146 = arith.muli %parallel_loop3A_108, %parallel_loop3A_145 : i32
        %parallel_loop3A_147 = arith.constant 4 : i32
        %parallel_loop3A_148 = arith.addi %parallel_loop3A_146, %parallel_loop3A_147 : i32
        %parallel_loop3A_149 = arith.constant 16 : i32
        %parallel_loop3A_150 = arith.muli %parallel_loop3A_148, %parallel_loop3A_149 : i32
        %parallel_loop3A_151 = arith.index_cast %parallel_loop3A_150 : i32 to index
        %parallel_loop3A_152 = tpu.vector_load %arg16[%parallel_loop3A_151] {strides = array<i32>} : memref<768xf32, #tpu.memory_space<vmem>>, vector<16xf32>,
        %parallel_loop3A_153 = vector.shape_cast %parallel_loop3A_152 : vector<16xf32> to vector<16xf32>
        %parallel_loop3A_154 = arith.constant 8 : i32
        %parallel_loop3A_155 = arith.muli %parallel_loop3A_108, %parallel_loop3A_154 : i32
        %parallel_loop3A_156 = arith.constant 5 : i32
        %parallel_loop3A_157 = arith.addi %parallel_loop3A_155, %parallel_loop3A_156 : i32
        %parallel_loop3A_158 = arith.constant 16 : i32
        %parallel_loop3A_159 = arith.muli %parallel_loop3A_157, %parallel_loop3A_158 : i32
        %parallel_loop3A_160 = arith.index_cast %parallel_loop3A_159 : i32 to index
        %parallel_loop3A_161 = tpu.vector_load %arg16[%parallel_loop3A_160] {strides = array<i32>} : memref<768xf32, #tpu.memory_space<vmem>>, vector<16xf32>,
        %parallel_loop3A_162 = vector.shape_cast %parallel_loop3A_161 : vector<16xf32> to vector<16xf32>
        %parallel_loop3A_163 = arith.constant 8 : i32
        %parallel_loop3A_164 = arith.muli %parallel_loop3A_108, %parallel_loop3A_163 : i32
        %parallel_loop3A_165 = arith.constant 6 : i32
        %parallel_loop3A_166 = arith.addi %parallel_loop3A_164, %parallel_loop3A_165 : i32
        %parallel_loop3A_167 = arith.constant 16 : i32
        %parallel_loop3A_168 = arith.muli %parallel_loop3A_166, %parallel_loop3A_167 : i32
        %parallel_loop3A_169 = arith.index_cast %parallel_loop3A_168 : i32 to index
        %parallel_loop3A_170 = tpu.vector_load %arg16[%parallel_loop3A_169] {strides = array<i32>} : memref<768xf32, #tpu.memory_space<vmem>>, vector<16xf32>,
        %parallel_loop3A_171 = vector.shape_cast %parallel_loop3A_170 : vector<16xf32> to vector<16xf32>
        %parallel_loop3A_172 = arith.constant 8 : i32
        %parallel_loop3A_173 = arith.muli %parallel_loop3A_108, %parallel_loop3A_172 : i32
        %parallel_loop3A_174 = arith.constant 7 : i32
        %parallel_loop3A_175 = arith.addi %parallel_loop3A_173, %parallel_loop3A_174 : i32
        %parallel_loop3A_176 = arith.constant 16 : i32
        %parallel_loop3A_177 = arith.muli %parallel_loop3A_175, %parallel_loop3A_176 : i32
        %parallel_loop3A_178 = arith.index_cast %parallel_loop3A_177 : i32 to index
        %parallel_loop3A_179 = tpu.vector_load %arg16[%parallel_loop3A_178] {strides = array<i32>} : memref<768xf32, #tpu.memory_space<vmem>>, vector<16xf32>,
        %parallel_loop3A_180 = vector.shape_cast %parallel_loop3A_179 : vector<16xf32> to vector<16xf32>
        %parallel_loop3A_181 = arith.constant 8 : i32
        %parallel_loop3A_182 = arith.muli %parallel_loop3A_108, %parallel_loop3A_181 : i32
        %parallel_loop3A_183 = arith.constant 0 : i32
        %parallel_loop3A_184 = arith.addi %parallel_loop3A_182, %parallel_loop3A_183 : i32
        %parallel_loop3A_185 = arith.constant 16 : i32
        %parallel_loop3A_186 = arith.muli %parallel_loop3A_184, %parallel_loop3A_185 : i32
        %parallel_loop3A_187 = arith.index_cast %parallel_loop3A_186 : i32 to index
        %parallel_loop3A_188 = tpu.vector_load %arg17[%parallel_loop3A_187] {strides = array<i32>} : memref<768xf32, #tpu.memory_space<vmem>>, vector<16xf32>,
        %parallel_loop3A_189 = vector.shape_cast %parallel_loop3A_188 : vector<16xf32> to vector<16xf32>
        %parallel_loop3A_190 = arith.constant 8 : i32
        %parallel_loop3A_191 = arith.muli %parallel_loop3A_108, %parallel_loop3A_190 : i32
        %parallel_loop3A_192 = arith.constant 1 : i32
        %parallel_loop3A_193 = arith.addi %parallel_loop3A_191, %parallel_loop3A_192 : i32
        %parallel_loop3A_194 = arith.constant 16 : i32
        %parallel_loop3A_195 = arith.muli %parallel_loop3A_193, %parallel_loop3A_194 : i32
        %parallel_loop3A_196 = arith.index_cast %parallel_loop3A_195 : i32 to index
        %parallel_loop3A_197 = tpu.vector_load %arg17[%parallel_loop3A_196] {strides = array<i32>} : memref<768xf32, #tpu.memory_space<vmem>>, vector<16xf32>,
        %parallel_loop3A_198 = vector.shape_cast %parallel_loop3A_197 : vector<16xf32> to vector<16xf32>
        %parallel_loop3A_199 = arith.constant 8 : i32
        %parallel_loop3A_200 = arith.muli %parallel_loop3A_108, %parallel_loop3A_199 : i32
        %parallel_loop3A_201 = arith.constant 2 : i32
        %parallel_loop3A_202 = arith.addi %parallel_loop3A_200, %parallel_loop3A_201 : i32
        %parallel_loop3A_203 = arith.constant 16 : i32
        %parallel_loop3A_204 = arith.muli %parallel_loop3A_202, %parallel_loop3A_203 : i32
        %parallel_loop3A_205 = arith.index_cast %parallel_loop3A_204 : i32 to index
        %parallel_loop3A_206 = tpu.vector_load %arg17[%parallel_loop3A_205] {strides = array<i32>} : memref<768xf32, #tpu.memory_space<vmem>>, vector<16xf32>,
        %parallel_loop3A_207 = vector.shape_cast %parallel_loop3A_206 : vector<16xf32> to vector<16xf32>
        %parallel_loop3A_208 = arith.constant 8 : i32
        %parallel_loop3A_209 = arith.muli %parallel_loop3A_108, %parallel_loop3A_208 : i32
        %parallel_loop3A_210 = arith.constant 3 : i32
        %parallel_loop3A_211 = arith.addi %parallel_loop3A_209, %parallel_loop3A_210 : i32
        %parallel_loop3A_212 = arith.constant 16 : i32
        %parallel_loop3A_213 = arith.muli %parallel_loop3A_211, %parallel_loop3A_212 : i32
        %parallel_loop3A_214 = arith.index_cast %parallel_loop3A_213 : i32 to index
        %parallel_loop3A_215 = tpu.vector_load %arg17[%parallel_loop3A_214] {strides = array<i32>} : memref<768xf32, #tpu.memory_space<vmem>>, vector<16xf32>,
        %parallel_loop3A_216 = vector.shape_cast %parallel_loop3A_215 : vector<16xf32> to vector<16xf32>
        %parallel_loop3A_217 = arith.constant 8 : i32
        %parallel_loop3A_218 = arith.muli %parallel_loop3A_108, %parallel_loop3A_217 : i32
        %parallel_loop3A_219 = arith.constant 4 : i32
        %parallel_loop3A_220 = arith.addi %parallel_loop3A_218, %parallel_loop3A_219 : i32
        %parallel_loop3A_221 = arith.constant 16 : i32
        %parallel_loop3A_222 = arith.muli %parallel_loop3A_220, %parallel_loop3A_221 : i32
        %parallel_loop3A_223 = arith.index_cast %parallel_loop3A_222 : i32 to index
        %parallel_loop3A_224 = tpu.vector_load %arg17[%parallel_loop3A_223] {strides = array<i32>} : memref<768xf32, #tpu.memory_space<vmem>>, vector<16xf32>,
        %parallel_loop3A_225 = vector.shape_cast %parallel_loop3A_224 : vector<16xf32> to vector<16xf32>
        %parallel_loop3A_226 = arith.constant 8 : i32
        %parallel_loop3A_227 = arith.muli %parallel_loop3A_108, %parallel_loop3A_226 : i32
        %parallel_loop3A_228 = arith.constant 5 : i32
        %parallel_loop3A_229 = arith.addi %parallel_loop3A_227, %parallel_loop3A_228 : i32
        %parallel_loop3A_230 = arith.constant 16 : i32
        %parallel_loop3A_231 = arith.muli %parallel_loop3A_229, %parallel_loop3A_230 : i32
        %parallel_loop3A_232 = arith.index_cast %parallel_loop3A_231 : i32 to index
        %parallel_loop3A_233 = tpu.vector_load %arg17[%parallel_loop3A_232] {strides = array<i32>} : memref<768xf32, #tpu.memory_space<vmem>>, vector<16xf32>,
        %parallel_loop3A_234 = vector.shape_cast %parallel_loop3A_233 : vector<16xf32> to vector<16xf32>
        %parallel_loop3A_235 = arith.constant 8 : i32
        %parallel_loop3A_236 = arith.muli %parallel_loop3A_108, %parallel_loop3A_235 : i32
        %parallel_loop3A_237 = arith.constant 6 : i32
        %parallel_loop3A_238 = arith.addi %parallel_loop3A_236, %parallel_loop3A_237 : i32
        %parallel_loop3A_239 = arith.constant 16 : i32
        %parallel_loop3A_240 = arith.muli %parallel_loop3A_238, %parallel_loop3A_239 : i32
        %parallel_loop3A_241 = arith.index_cast %parallel_loop3A_240 : i32 to index
        %parallel_loop3A_242 = tpu.vector_load %arg17[%parallel_loop3A_241] {strides = array<i32>} : memref<768xf32, #tpu.memory_space<vmem>>, vector<16xf32>,
        %parallel_loop3A_243 = vector.shape_cast %parallel_loop3A_242 : vector<16xf32> to vector<16xf32>
        %parallel_loop3A_244 = arith.constant 8 : i32
        %parallel_loop3A_245 = arith.muli %parallel_loop3A_108, %parallel_loop3A_244 : i32
        %parallel_loop3A_246 = arith.constant 7 : i32
        %parallel_loop3A_247 = arith.addi %parallel_loop3A_245, %parallel_loop3A_246 : i32
        %parallel_loop3A_248 = arith.constant 16 : i32
        %parallel_loop3A_249 = arith.muli %parallel_loop3A_247, %parallel_loop3A_248 : i32
        %parallel_loop3A_250 = arith.index_cast %parallel_loop3A_249 : i32 to index
        %parallel_loop3A_251 = tpu.vector_load %arg17[%parallel_loop3A_250] {strides = array<i32>} : memref<768xf32, #tpu.memory_space<vmem>>, vector<16xf32>,
        %parallel_loop3A_252 = vector.shape_cast %parallel_loop3A_251 : vector<16xf32> to vector<16xf32>
        %parallel_loop3A_253 = arith.constant 0 : i32
        %parallel_loop3A_254 = arith.constant 16 : i32
        %parallel_loop3A_255 = arith.constant 1 : i32
        scf.for %parallel_loop3A_256 = %parallel_loop3A_253 to %parallel_loop3A_254 step %parallel_loop3A_255  : i32 {
          %parallel_loop3A_257 = arith.constant 2 : i32
          %parallel_loop3A_258 = arith.muli %parallel_loop3A_257, %parallel_loop3A_256 : i32
          %parallel_loop3A_259 = arith.index_cast %parallel_loop3A_258 : i32 to index
          %parallel_loop3A_260 = memref.load %arg15[%parallel_loop3A_259] : memref<32xf32, #tpu.memory_space<smem>>
          %parallel_loop3A_261 = arith.constant 2 : i32
          %parallel_loop3A_262 = arith.muli %parallel_loop3A_261, %parallel_loop3A_256 : i32
          %parallel_loop3A_263 = arith.constant 1 : i32
          %parallel_loop3A_264 = arith.addi %parallel_loop3A_262, %parallel_loop3A_263 : i32
          %parallel_loop3A_265 = arith.index_cast %parallel_loop3A_264 : i32 to index
          %parallel_loop3A_266 = memref.load %arg15[%parallel_loop3A_265] : memref<32xf32, #tpu.memory_space<smem>>
          %parallel_loop3A_267 = arith.constant 8 : i32
          %parallel_loop3A_268 = arith.muli %parallel_loop3A_108, %parallel_loop3A_267 : i32
          %parallel_loop3A_269 = arith.constant 0 : i32
          %parallel_loop3A_270 = arith.addi %parallel_loop3A_268, %parallel_loop3A_269 : i32
          %parallel_loop3A_271 = arith.constant 16 : i32
          %parallel_loop3A_272 = arith.muli %parallel_loop3A_270, %parallel_loop3A_271 : i32
          %parallel_loop3A_273 = arith.index_cast %parallel_loop3A_256 : i32 to index
          %parallel_loop3A_274 = arith.index_cast %parallel_loop3A_272 : i32 to index
          %parallel_loop3A_275 = tpu.vector_load %arg10[%parallel_loop3A_273, %parallel_loop3A_274] {strides = array<i32>} : memref<16x768xf32, #tpu.memory_space<vmem>>, vector<1x16xf32>,
          %parallel_loop3A_276 = vector.shape_cast %parallel_loop3A_275 : vector<1x16xf32> to vector<16xf32>
          %parallel_loop3A_277 = vector.broadcast %parallel_loop3A_260 : f32 to vector<16xf32>
          %parallel_loop3A_278 = arith.mulf %parallel_loop3A_276, %parallel_loop3A_277 : vector<16xf32>
          %parallel_loop3A_279 = vector.broadcast %parallel_loop3A_266 : f32 to vector<16xf32>
          %parallel_loop3A_280 = arith.addf %parallel_loop3A_278, %parallel_loop3A_279 : vector<16xf32>
          %parallel_loop3A_281 = arith.mulf %parallel_loop3A_280, %parallel_loop3A_117 : vector<16xf32>
          %parallel_loop3A_282 = arith.addf %parallel_loop3A_281, %parallel_loop3A_189 : vector<16xf32>
          %parallel_loop3A_283 = arith.constant 8 : i32
          %parallel_loop3A_284 = arith.muli %parallel_loop3A_108, %parallel_loop3A_283 : i32
          %parallel_loop3A_285 = arith.constant 0 : i32
          %parallel_loop3A_286 = arith.addi %parallel_loop3A_284, %parallel_loop3A_285 : i32
          %parallel_loop3A_287 = arith.constant 16 : i32
          %parallel_loop3A_288 = arith.muli %parallel_loop3A_286, %parallel_loop3A_287 : i32
          %parallel_loop3A_289 = arith.index_cast %parallel_loop3A_256 : i32 to index
          %parallel_loop3A_290 = arith.index_cast %parallel_loop3A_288 : i32 to index
          %parallel_loop3A_291 = tpu.vector_load %arg13[%parallel_loop3A_289, %parallel_loop3A_290] {strides = array<i32>} : memref<16x768xf32, #tpu.memory_space<vmem>>, vector<1x16xf32>,
          %parallel_loop3A_292 = vector.shape_cast %parallel_loop3A_291 : vector<1x16xf32> to vector<16xf32>
          %parallel_loop3A_293 = vector.shape_cast %parallel_loop3A_282 : vector<16xf32> to vector<1x16xf32>
          tpu.vector_store %arg13[%parallel_loop3A_289, %parallel_loop3A_290], %parallel_loop3A_293 {strides = array<i32>} : memref<16x768xf32, #tpu.memory_space<vmem>>, vector<1x16xf32>,
          %parallel_loop3A_294 = arith.constant 8 : i32
          %parallel_loop3A_295 = arith.muli %parallel_loop3A_108, %parallel_loop3A_294 : i32
          %parallel_loop3A_296 = arith.constant 1 : i32
          %parallel_loop3A_297 = arith.addi %parallel_loop3A_295, %parallel_loop3A_296 : i32
          %parallel_loop3A_298 = arith.constant 16 : i32
          %parallel_loop3A_299 = arith.muli %parallel_loop3A_297, %parallel_loop3A_298 : i32
          %parallel_loop3A_300 = arith.index_cast %parallel_loop3A_256 : i32 to index
          %parallel_loop3A_301 = arith.index_cast %parallel_loop3A_299 : i32 to index
          %parallel_loop3A_302 = tpu.vector_load %arg10[%parallel_loop3A_300, %parallel_loop3A_301] {strides = array<i32>} : memref<16x768xf32, #tpu.memory_space<vmem>>, vector<1x16xf32>,
          %parallel_loop3A_303 = vector.shape_cast %parallel_loop3A_302 : vector<1x16xf32> to vector<16xf32>
          %parallel_loop3A_304 = vector.broadcast %parallel_loop3A_260 : f32 to vector<16xf32>
          %parallel_loop3A_305 = arith.mulf %parallel_loop3A_303, %parallel_loop3A_304 : vector<16xf32>
          %parallel_loop3A_306 = vector.broadcast %parallel_loop3A_266 : f32 to vector<16xf32>
          %parallel_loop3A_307 = arith.addf %parallel_loop3A_305, %parallel_loop3A_306 : vector<16xf32>
          %parallel_loop3A_308 = arith.mulf %parallel_loop3A_307, %parallel_loop3A_126 : vector<16xf32>
          %parallel_loop3A_309 = arith.addf %parallel_loop3A_308, %parallel_loop3A_198 : vector<16xf32>
          %parallel_loop3A_310 = arith.constant 8 : i32
          %parallel_loop3A_311 = arith.muli %parallel_loop3A_108, %parallel_loop3A_310 : i32
          %parallel_loop3A_312 = arith.constant 1 : i32
          %parallel_loop3A_313 = arith.addi %parallel_loop3A_311, %parallel_loop3A_312 : i32
          %parallel_loop3A_314 = arith.constant 16 : i32
          %parallel_loop3A_315 = arith.muli %parallel_loop3A_313, %parallel_loop3A_314 : i32
          %parallel_loop3A_316 = arith.index_cast %parallel_loop3A_256 : i32 to index
          %parallel_loop3A_317 = arith.index_cast %parallel_loop3A_315 : i32 to index
          %parallel_loop3A_318 = tpu.vector_load %arg13[%parallel_loop3A_316, %parallel_loop3A_317] {strides = array<i32>} : memref<16x768xf32, #tpu.memory_space<vmem>>, vector<1x16xf32>,
          %parallel_loop3A_319 = vector.shape_cast %parallel_loop3A_318 : vector<1x16xf32> to vector<16xf32>
          %parallel_loop3A_320 = vector.shape_cast %parallel_loop3A_309 : vector<16xf32> to vector<1x16xf32>
          tpu.vector_store %arg13[%parallel_loop3A_316, %parallel_loop3A_317], %parallel_loop3A_320 {strides = array<i32>} : memref<16x768xf32, #tpu.memory_space<vmem>>, vector<1x16xf32>,
          %parallel_loop3A_321 = arith.constant 8 : i32
          %parallel_loop3A_322 = arith.muli %parallel_loop3A_108, %parallel_loop3A_321 : i32
          %parallel_loop3A_323 = arith.constant 2 : i32
          %parallel_loop3A_324 = arith.addi %parallel_loop3A_322, %parallel_loop3A_323 : i32
          %parallel_loop3A_325 = arith.constant 16 : i32
          %parallel_loop3A_326 = arith.muli %parallel_loop3A_324, %parallel_loop3A_325 : i32
          %parallel_loop3A_327 = arith.index_cast %parallel_loop3A_256 : i32 to index
          %parallel_loop3A_328 = arith.index_cast %parallel_loop3A_326 : i32 to index
          %parallel_loop3A_329 = tpu.vector_load %arg10[%parallel_loop3A_327, %parallel_loop3A_328] {strides = array<i32>} : memref<16x768xf32, #tpu.memory_space<vmem>>, vector<1x16xf32>,
          %parallel_loop3A_330 = vector.shape_cast %parallel_loop3A_329 : vector<1x16xf32> to vector<16xf32>
          %parallel_loop3A_331 = vector.broadcast %parallel_loop3A_260 : f32 to vector<16xf32>
          %parallel_loop3A_332 = arith.mulf %parallel_loop3A_330, %parallel_loop3A_331 : vector<16xf32>
          %parallel_loop3A_333 = vector.broadcast %parallel_loop3A_266 : f32 to vector<16xf32>
          %parallel_loop3A_334 = arith.addf %parallel_loop3A_332, %parallel_loop3A_333 : vector<16xf32>
          %parallel_loop3A_335 = arith.mulf %parallel_loop3A_334, %parallel_loop3A_135 : vector<16xf32>
          %parallel_loop3A_336 = arith.addf %parallel_loop3A_335, %parallel_loop3A_207 : vector<16xf32>
          %parallel_loop3A_337 = arith.constant 8 : i32
          %parallel_loop3A_338 = arith.muli %parallel_loop3A_108, %parallel_loop3A_337 : i32
          %parallel_loop3A_339 = arith.constant 2 : i32
          %parallel_loop3A_340 = arith.addi %parallel_loop3A_338, %parallel_loop3A_339 : i32
          %parallel_loop3A_341 = arith.constant 16 : i32
          %parallel_loop3A_342 = arith.muli %parallel_loop3A_340, %parallel_loop3A_341 : i32
          %parallel_loop3A_343 = arith.index_cast %parallel_loop3A_256 : i32 to index
          %parallel_loop3A_344 = arith.index_cast %parallel_loop3A_342 : i32 to index
          %parallel_loop3A_345 = tpu.vector_load %arg13[%parallel_loop3A_343, %parallel_loop3A_344] {strides = array<i32>} : memref<16x768xf32, #tpu.memory_space<vmem>>, vector<1x16xf32>,
          %parallel_loop3A_346 = vector.shape_cast %parallel_loop3A_345 : vector<1x16xf32> to vector<16xf32>
          %parallel_loop3A_347 = vector.shape_cast %parallel_loop3A_336 : vector<16xf32> to vector<1x16xf32>
          tpu.vector_store %arg13[%parallel_loop3A_343, %parallel_loop3A_344], %parallel_loop3A_347 {strides = array<i32>} : memref<16x768xf32, #tpu.memory_space<vmem>>, vector<1x16xf32>,
          %parallel_loop3A_348 = arith.constant 8 : i32
          %parallel_loop3A_349 = arith.muli %parallel_loop3A_108, %parallel_loop3A_348 : i32
          %parallel_loop3A_350 = arith.constant 3 : i32
          %parallel_loop3A_351 = arith.addi %parallel_loop3A_349, %parallel_loop3A_350 : i32
          %parallel_loop3A_352 = arith.constant 16 : i32
          %parallel_loop3A_353 = arith.muli %parallel_loop3A_351, %parallel_loop3A_352 : i32
          %parallel_loop3A_354 = arith.index_cast %parallel_loop3A_256 : i32 to index
          %parallel_loop3A_355 = arith.index_cast %parallel_loop3A_353 : i32 to index
          %parallel_loop3A_356 = tpu.vector_load %arg10[%parallel_loop3A_354, %parallel_loop3A_355] {strides = array<i32>} : memref<16x768xf32, #tpu.memory_space<vmem>>, vector<1x16xf32>,
          %parallel_loop3A_357 = vector.shape_cast %parallel_loop3A_356 : vector<1x16xf32> to vector<16xf32>
          %parallel_loop3A_358 = vector.broadcast %parallel_loop3A_260 : f32 to vector<16xf32>
          %parallel_loop3A_359 = arith.mulf %parallel_loop3A_357, %parallel_loop3A_358 : vector<16xf32>
          %parallel_loop3A_360 = vector.broadcast %parallel_loop3A_266 : f32 to vector<16xf32>
          %parallel_loop3A_361 = arith.addf %parallel_loop3A_359, %parallel_loop3A_360 : vector<16xf32>
          %parallel_loop3A_362 = arith.mulf %parallel_loop3A_361, %parallel_loop3A_144 : vector<16xf32>
          %parallel_loop3A_363 = arith.addf %parallel_loop3A_362, %parallel_loop3A_216 : vector<16xf32>
          %parallel_loop3A_364 = arith.constant 8 : i32
          %parallel_loop3A_365 = arith.muli %parallel_loop3A_108, %parallel_loop3A_364 : i32
          %parallel_loop3A_366 = arith.constant 3 : i32
          %parallel_loop3A_367 = arith.addi %parallel_loop3A_365, %parallel_loop3A_366 : i32
          %parallel_loop3A_368 = arith.constant 16 : i32
          %parallel_loop3A_369 = arith.muli %parallel_loop3A_367, %parallel_loop3A_368 : i32
          %parallel_loop3A_370 = arith.index_cast %parallel_loop3A_256 : i32 to index
          %parallel_loop3A_371 = arith.index_cast %parallel_loop3A_369 : i32 to index
          %parallel_loop3A_372 = tpu.vector_load %arg13[%parallel_loop3A_370, %parallel_loop3A_371] {strides = array<i32>} : memref<16x768xf32, #tpu.memory_space<vmem>>, vector<1x16xf32>,
          %parallel_loop3A_373 = vector.shape_cast %parallel_loop3A_372 : vector<1x16xf32> to vector<16xf32>
          %parallel_loop3A_374 = vector.shape_cast %parallel_loop3A_363 : vector<16xf32> to vector<1x16xf32>
          tpu.vector_store %arg13[%parallel_loop3A_370, %parallel_loop3A_371], %parallel_loop3A_374 {strides = array<i32>} : memref<16x768xf32, #tpu.memory_space<vmem>>, vector<1x16xf32>,
          %parallel_loop3A_375 = arith.constant 8 : i32
          %parallel_loop3A_376 = arith.muli %parallel_loop3A_108, %parallel_loop3A_375 : i32
          %parallel_loop3A_377 = arith.constant 4 : i32
          %parallel_loop3A_378 = arith.addi %parallel_loop3A_376, %parallel_loop3A_377 : i32
          %parallel_loop3A_379 = arith.constant 16 : i32
          %parallel_loop3A_380 = arith.muli %parallel_loop3A_378, %parallel_loop3A_379 : i32
          %parallel_loop3A_381 = arith.index_cast %parallel_loop3A_256 : i32 to index
          %parallel_loop3A_382 = arith.index_cast %parallel_loop3A_380 : i32 to index
          %parallel_loop3A_383 = tpu.vector_load %arg10[%parallel_loop3A_381, %parallel_loop3A_382] {strides = array<i32>} : memref<16x768xf32, #tpu.memory_space<vmem>>, vector<1x16xf32>,
          %parallel_loop3A_384 = vector.shape_cast %parallel_loop3A_383 : vector<1x16xf32> to vector<16xf32>
          %parallel_loop3A_385 = vector.broadcast %parallel_loop3A_260 : f32 to vector<16xf32>
          %parallel_loop3A_386 = arith.mulf %parallel_loop3A_384, %parallel_loop3A_385 : vector<16xf32>
          %parallel_loop3A_387 = vector.broadcast %parallel_loop3A_266 : f32 to vector<16xf32>
          %parallel_loop3A_388 = arith.addf %parallel_loop3A_386, %parallel_loop3A_387 : vector<16xf32>
          %parallel_loop3A_389 = arith.mulf %parallel_loop3A_388, %parallel_loop3A_153 : vector<16xf32>
          %parallel_loop3A_390 = arith.addf %parallel_loop3A_389, %parallel_loop3A_225 : vector<16xf32>
          %parallel_loop3A_391 = arith.constant 8 : i32
          %parallel_loop3A_392 = arith.muli %parallel_loop3A_108, %parallel_loop3A_391 : i32
          %parallel_loop3A_393 = arith.constant 4 : i32
          %parallel_loop3A_394 = arith.addi %parallel_loop3A_392, %parallel_loop3A_393 : i32
          %parallel_loop3A_395 = arith.constant 16 : i32
          %parallel_loop3A_396 = arith.muli %parallel_loop3A_394, %parallel_loop3A_395 : i32
          %parallel_loop3A_397 = arith.index_cast %parallel_loop3A_256 : i32 to index
          %parallel_loop3A_398 = arith.index_cast %parallel_loop3A_396 : i32 to index
          %parallel_loop3A_399 = tpu.vector_load %arg13[%parallel_loop3A_397, %parallel_loop3A_398] {strides = array<i32>} : memref<16x768xf32, #tpu.memory_space<vmem>>, vector<1x16xf32>,
          %parallel_loop3A_400 = vector.shape_cast %parallel_loop3A_399 : vector<1x16xf32> to vector<16xf32>
          %parallel_loop3A_401 = vector.shape_cast %parallel_loop3A_390 : vector<16xf32> to vector<1x16xf32>
          tpu.vector_store %arg13[%parallel_loop3A_397, %parallel_loop3A_398], %parallel_loop3A_401 {strides = array<i32>} : memref<16x768xf32, #tpu.memory_space<vmem>>, vector<1x16xf32>,
          %parallel_loop3A_402 = arith.constant 8 : i32
          %parallel_loop3A_403 = arith.muli %parallel_loop3A_108, %parallel_loop3A_402 : i32
          %parallel_loop3A_404 = arith.constant 5 : i32
          %parallel_loop3A_405 = arith.addi %parallel_loop3A_403, %parallel_loop3A_404 : i32
          %parallel_loop3A_406 = arith.constant 16 : i32
          %parallel_loop3A_407 = arith.muli %parallel_loop3A_405, %parallel_loop3A_406 : i32
          %parallel_loop3A_408 = arith.index_cast %parallel_loop3A_256 : i32 to index
          %parallel_loop3A_409 = arith.index_cast %parallel_loop3A_407 : i32 to index
          %parallel_loop3A_410 = tpu.vector_load %arg10[%parallel_loop3A_408, %parallel_loop3A_409] {strides = array<i32>} : memref<16x768xf32, #tpu.memory_space<vmem>>, vector<1x16xf32>,
          %parallel_loop3A_411 = vector.shape_cast %parallel_loop3A_410 : vector<1x16xf32> to vector<16xf32>
          %parallel_loop3A_412 = vector.broadcast %parallel_loop3A_260 : f32 to vector<16xf32>
          %parallel_loop3A_413 = arith.mulf %parallel_loop3A_411, %parallel_loop3A_412 : vector<16xf32>
          %parallel_loop3A_414 = vector.broadcast %parallel_loop3A_266 : f32 to vector<16xf32>
          %parallel_loop3A_415 = arith.addf %parallel_loop3A_413, %parallel_loop3A_414 : vector<16xf32>
          %parallel_loop3A_416 = arith.mulf %parallel_loop3A_415, %parallel_loop3A_162 : vector<16xf32>
          %parallel_loop3A_417 = arith.addf %parallel_loop3A_416, %parallel_loop3A_234 : vector<16xf32>
          %parallel_loop3A_418 = arith.constant 8 : i32
          %parallel_loop3A_419 = arith.muli %parallel_loop3A_108, %parallel_loop3A_418 : i32
          %parallel_loop3A_420 = arith.constant 5 : i32
          %parallel_loop3A_421 = arith.addi %parallel_loop3A_419, %parallel_loop3A_420 : i32
          %parallel_loop3A_422 = arith.constant 16 : i32
          %parallel_loop3A_423 = arith.muli %parallel_loop3A_421, %parallel_loop3A_422 : i32
          %parallel_loop3A_424 = arith.index_cast %parallel_loop3A_256 : i32 to index
          %parallel_loop3A_425 = arith.index_cast %parallel_loop3A_423 : i32 to index
          %parallel_loop3A_426 = tpu.vector_load %arg13[%parallel_loop3A_424, %parallel_loop3A_425] {strides = array<i32>} : memref<16x768xf32, #tpu.memory_space<vmem>>, vector<1x16xf32>,
          %parallel_loop3A_427 = vector.shape_cast %parallel_loop3A_426 : vector<1x16xf32> to vector<16xf32>
          %parallel_loop3A_428 = vector.shape_cast %parallel_loop3A_417 : vector<16xf32> to vector<1x16xf32>
          tpu.vector_store %arg13[%parallel_loop3A_424, %parallel_loop3A_425], %parallel_loop3A_428 {strides = array<i32>} : memref<16x768xf32, #tpu.memory_space<vmem>>, vector<1x16xf32>,
          %parallel_loop3A_429 = arith.constant 8 : i32
          %parallel_loop3A_430 = arith.muli %parallel_loop3A_108, %parallel_loop3A_429 : i32
          %parallel_loop3A_431 = arith.constant 6 : i32
          %parallel_loop3A_432 = arith.addi %parallel_loop3A_430, %parallel_loop3A_431 : i32
          %parallel_loop3A_433 = arith.constant 16 : i32
          %parallel_loop3A_434 = arith.muli %parallel_loop3A_432, %parallel_loop3A_433 : i32
          %parallel_loop3A_435 = arith.index_cast %parallel_loop3A_256 : i32 to index
          %parallel_loop3A_436 = arith.index_cast %parallel_loop3A_434 : i32 to index
          %parallel_loop3A_437 = tpu.vector_load %arg10[%parallel_loop3A_435, %parallel_loop3A_436] {strides = array<i32>} : memref<16x768xf32, #tpu.memory_space<vmem>>, vector<1x16xf32>,
          %parallel_loop3A_438 = vector.shape_cast %parallel_loop3A_437 : vector<1x16xf32> to vector<16xf32>
          %parallel_loop3A_439 = vector.broadcast %parallel_loop3A_260 : f32 to vector<16xf32>
          %parallel_loop3A_440 = arith.mulf %parallel_loop3A_438, %parallel_loop3A_439 : vector<16xf32>
          %parallel_loop3A_441 = vector.broadcast %parallel_loop3A_266 : f32 to vector<16xf32>
          %parallel_loop3A_442 = arith.addf %parallel_loop3A_440, %parallel_loop3A_441 : vector<16xf32>
          %parallel_loop3A_443 = arith.mulf %parallel_loop3A_442, %parallel_loop3A_171 : vector<16xf32>
          %parallel_loop3A_444 = arith.addf %parallel_loop3A_443, %parallel_loop3A_243 : vector<16xf32>
          %parallel_loop3A_445 = arith.constant 8 : i32
          %parallel_loop3A_446 = arith.muli %parallel_loop3A_108, %parallel_loop3A_445 : i32
          %parallel_loop3A_447 = arith.constant 6 : i32
          %parallel_loop3A_448 = arith.addi %parallel_loop3A_446, %parallel_loop3A_447 : i32
          %parallel_loop3A_449 = arith.constant 16 : i32
          %parallel_loop3A_450 = arith.muli %parallel_loop3A_448, %parallel_loop3A_449 : i32
          %parallel_loop3A_451 = arith.index_cast %parallel_loop3A_256 : i32 to index
          %parallel_loop3A_452 = arith.index_cast %parallel_loop3A_450 : i32 to index
          %parallel_loop3A_453 = tpu.vector_load %arg13[%parallel_loop3A_451, %parallel_loop3A_452] {strides = array<i32>} : memref<16x768xf32, #tpu.memory_space<vmem>>, vector<1x16xf32>,
          %parallel_loop3A_454 = vector.shape_cast %parallel_loop3A_453 : vector<1x16xf32> to vector<16xf32>
          %parallel_loop3A_455 = vector.shape_cast %parallel_loop3A_444 : vector<16xf32> to vector<1x16xf32>
          tpu.vector_store %arg13[%parallel_loop3A_451, %parallel_loop3A_452], %parallel_loop3A_455 {strides = array<i32>} : memref<16x768xf32, #tpu.memory_space<vmem>>, vector<1x16xf32>,
          %parallel_loop3A_456 = arith.constant 8 : i32
          %parallel_loop3A_457 = arith.muli %parallel_loop3A_108, %parallel_loop3A_456 : i32
          %parallel_loop3A_458 = arith.constant 7 : i32
          %parallel_loop3A_459 = arith.addi %parallel_loop3A_457, %parallel_loop3A_458 : i32
          %parallel_loop3A_460 = arith.constant 16 : i32
          %parallel_loop3A_461 = arith.muli %parallel_loop3A_459, %parallel_loop3A_460 : i32
          %parallel_loop3A_462 = arith.index_cast %parallel_loop3A_256 : i32 to index
          %parallel_loop3A_463 = arith.index_cast %parallel_loop3A_461 : i32 to index
          %parallel_loop3A_464 = tpu.vector_load %arg10[%parallel_loop3A_462, %parallel_loop3A_463] {strides = array<i32>} : memref<16x768xf32, #tpu.memory_space<vmem>>, vector<1x16xf32>,
          %parallel_loop3A_465 = vector.shape_cast %parallel_loop3A_464 : vector<1x16xf32> to vector<16xf32>
          %parallel_loop3A_466 = vector.broadcast %parallel_loop3A_260 : f32 to vector<16xf32>
          %parallel_loop3A_467 = arith.mulf %parallel_loop3A_465, %parallel_loop3A_466 : vector<16xf32>
          %parallel_loop3A_468 = vector.broadcast %parallel_loop3A_266 : f32 to vector<16xf32>
          %parallel_loop3A_469 = arith.addf %parallel_loop3A_467, %parallel_loop3A_468 : vector<16xf32>
          %parallel_loop3A_470 = arith.mulf %parallel_loop3A_469, %parallel_loop3A_180 : vector<16xf32>
          %parallel_loop3A_471 = arith.addf %parallel_loop3A_470, %parallel_loop3A_252 : vector<16xf32>
          %parallel_loop3A_472 = arith.constant 8 : i32
          %parallel_loop3A_473 = arith.muli %parallel_loop3A_108, %parallel_loop3A_472 : i32
          %parallel_loop3A_474 = arith.constant 7 : i32
          %parallel_loop3A_475 = arith.addi %parallel_loop3A_473, %parallel_loop3A_474 : i32
          %parallel_loop3A_476 = arith.constant 16 : i32
          %parallel_loop3A_477 = arith.muli %parallel_loop3A_475, %parallel_loop3A_476 : i32
          %parallel_loop3A_478 = arith.index_cast %parallel_loop3A_256 : i32 to index
          %parallel_loop3A_479 = arith.index_cast %parallel_loop3A_477 : i32 to index
          %parallel_loop3A_480 = tpu.vector_load %arg13[%parallel_loop3A_478, %parallel_loop3A_479] {strides = array<i32>} : memref<16x768xf32, #tpu.memory_space<vmem>>, vector<1x16xf32>,
          %parallel_loop3A_481 = vector.shape_cast %parallel_loop3A_480 : vector<1x16xf32> to vector<16xf32>
          %parallel_loop3A_482 = vector.shape_cast %parallel_loop3A_471 : vector<16xf32> to vector<1x16xf32>
          tpu.vector_store %arg13[%parallel_loop3A_478, %parallel_loop3A_479], %parallel_loop3A_482 {strides = array<i32>} : memref<16x768xf32, #tpu.memory_space<vmem>>, vector<1x16xf32>,
        } {sc.loop_unroll_factor = 4 : i64, sc.parallel_access}
      } {sc.loop_unroll_factor = 1 : i64, sc.parallel_access}
      %mul3A_100 = arith.constant 16 : i32
      %mul3A_101 = arith.muli %add3A_73, %mul3A_100 : i32
      %dma_start3A_102 = arith.constant 0 : i32
      %dma_start3A_103 = tpu.memref_slice %arg7[%add3A, %mul3A_101, %dma_start3A_102] : memref<32x1024x768xf32, #tpu.memory_space<hbm>> -> memref<1x16x768xf32, #tpu.memory_space<hbm>>
      %dma_start3A_104 = tpu.memref_squeeze %dma_start3A_103 : memref<1x16x768xf32, #tpu.memory_space<hbm>> -> memref<16x768xf32, #tpu.memory_space<hbm>>
      %dma_start3A_105 = arith.constant 0 : i32
      %dma_start3A_106 = tpu.memref_slice %arg7[%add3A, %mul3A_101, %dma_start3A_105] : memref<32x1024x768xf32, #tpu.memory_space<hbm>> -> memref<1x16x768xf32, #tpu.memory_space<hbm>>
      %dma_start3A_107 = tpu.memref_squeeze %dma_start3A_106 : memref<1x16x768xf32, #tpu.memory_space<hbm>> -> memref<16x768xf32, #tpu.memory_space<hbm>>
      tpu.enqueue_dma source(%arg13 : memref<16x768xf32, #tpu.memory_space<vmem>>) target(%dma_start3A_107 : memref<16x768xf32, #tpu.memory_space<hbm>>) target_semaphore(%arg22 : memref<!tpu.dma_semaphore, #tpu.memory_space<semaphore_mem>>)
    }
    %scan3A_19 = arith.constant 32 : i32
    %dma_wait3A = arith.constant 0 : i32
    %dma_wait3A_20 = arith.constant 0 : i32
    %dma_wait3A_21 = tpu.memref_slice %arg7[%add3A, %dma_wait3A, %dma_wait3A_20] : memref<32x1024x768xf32, #tpu.memory_space<hbm>> -> memref<1x16x768xf32, #tpu.memory_space<hbm>>
    %dma_wait3A_22 = tpu.memref_squeeze %dma_wait3A_21 : memref<1x16x768xf32, #tpu.memory_space<hbm>> -> memref<16x768xf32, #tpu.memory_space<hbm>>
    %dma_wait3A_23 = arith.constant 0 : i32
    %dma_wait3A_24 = arith.constant 0 : i32
    %dma_wait3A_25 = tpu.memref_slice %arg7[%add3A, %dma_wait3A_23, %dma_wait3A_24] : memref<32x1024x768xf32, #tpu.memory_space<hbm>> -> memref<1x16x768xf32, #tpu.memory_space<hbm>>
    %dma_wait3A_26 = tpu.memref_squeeze %dma_wait3A_25 : memref<1x16x768xf32, #tpu.memory_space<hbm>> -> memref<16x768xf32, #tpu.memory_space<hbm>>
    tpu.wait_dma2 semaphore(%arg22 : memref<!tpu.dma_semaphore, #tpu.memory_space<semaphore_mem>>) src(%arg13 : memref<16x768xf32, #tpu.memory_space<vmem>>) dst(%dma_wait3A_26 : memref<16x768xf32, #tpu.memory_space<hbm>>)
    return
  }
}

</mosaic_0001>

<sc_bundles>
// kernel: kernel.3.cloned.1.call-start
scs
__scs_entry_jumppad:
0x0: {  	(pc) =	sbr.rel $0x88, $3  }
0x1: {  	(tag) =	ssettag $0x0;
	lr =	simm.s32 $0x1  }
0x2: {  	[smem:$0x3F9C] =	sst lr;
	_ =	strace $0xD0000000  }
0x3: {  	_ = 	snop  }
0x4: {  	_ = 	snop  }
0x5: {  	_ = 	snop  }
0x6: {  	_ = 	snop  }
0x7: {  	_ = 	snop  }
__scs_overlays_trampoline_lowered:
0x8: {  	[smem:$0x3FAB] =	sst s0  }
0x9: {  	[smem:$0x3FAC] =	sst s1  }
0xa: {  	[smem:$0x3FAD] =	sst s2  }
0xb: {  	[smem:$0x3FAE] =	sst s3  }
0xc: {  	[smem:$0x3FAF] =	sst s4  }
0xd: {  	[smem:$0x3FB0] =	sst s5  }
0xe: {  	[smem:$0x3FB1] =	sst s6  }
0xf: {  	[smem:$0x3FB2] =	sst s7  }
0x10: {  	[smem:$0x3FB3] =	sst s8  }
0x11: {  	[smem:$0x3FB4] =	sst s9;
	s0 =	simm.s32 @!p0 $0x0  }
0x12: {  	s1 =	sld [smem:$0x3F9A];
	s0 =	simm.s32 @p0 $0x1  }
0x13: {  	[smem:$0x3FB5] =	sst s0;
	s0 =	simm.s32 @!p1 $0x0  }
0x14: {  	s2 =	sld [smem:$0x3F99];
	s0 =	simm.s32 @p1 $0x1  }
0x15: {  	[smem:$0x3FB6] =	sst s0;
	s0 =	simm.s32 @!p2 $0x0  }
0x16: {  	s3 =	sld [smem:$0x3FDB];
	s0 =	simm.s32 @p2 $0x1  }
0x17: {  	s4 =	simm.s32 $0x1BF5;
	[smem:$0x3FB8] =	sst s0  }
0x18: {  	s0 =	sld [smem:$0x3F9B];
	_ =	swait.ge [sflag:s4], $0x0  }
0x19: {  	s7 =	sld [smem:$0x3F9C]  }
0x1a: {  	s8 =	sadd.s32 $0xFFFFE003, lr  }
0x1b: {  	s9 =	sadd.s32 $0xFFFFFEF7, lr;
	s5 =	simm.s32 $0xFFFFFFFF;
	p2 =	slt.u32 s8, $0xFFFFF086  }
0x1c: {  	p1 =	slt.u32 s9, $0xF7A;
	s5 =	simm.s32 @!p2 $0x0  }
0x1d: {  	s5 =	simm.s32 @p1 $0x1;
	p0 =	seq.s32 s7, s2  }
0x1e: {  	s7 =	smul.u32 @!p0 $0xF7A, s2;
	p2 =	seq.s32 @!p0 s5, $0x0  }
0x1f: {  	s9 =	smul.u32 $0xF7A, s1;
	s8 =	simm.s32 @!p0 $0x1BF5;
	p2 =	por !p2, p0  }
0x20: {  	[sflag:s8] =	ssyncset.s32 @!p0 $0xFFFFF086;
	s6 =	sadd.s32 @!p0 s3, s7;
	s7 =	simm.s32 @!p0 $0x108  }
0x21: {  	s3 =	sadd.s32 s3, s9;
	s6 =	sadd.s32 @!p0 $0x88, s6;
	s7 =	simm.s32 @p2 $0x1082  }
0x22: {  	[simem:s7], [sflag:s8] =	dma.local @!p0 [hbm:s6], $0xF7A  }
0x23: {  	s9 =	sor.u32 $0xD0000000, s2;
	s6 =	simm.s32 $0x108;
	_ =	swait.ge @!p0 [sflag:s8], $0x0  }
0x24: {  	s3 =	sadd.s32 $0x88, s3;
	s6 =	simm.s32 @!p1 $0x1082;
	[sflag:s4] =	ssyncset.s32 $0xFFFFF086  }
0x25: {  	[simem:s6], [sflag:s4] =	dma.local [hbm:s3], $0xF7A  }
0x26: {  	[smem:$0x3F9C] =	sst s1;
	(tag) =	ssettag s2;
	_ =	strace s9  }
0x27: {  	s1 =	sld [smem:$0x3FAC]  }
0x28: {  	s2 =	sld [smem:$0x3FAD]  }
0x29: {  	s4 =	sld [smem:$0x3FAF]  }
0x2a: {  	p0 =	seq.s32 s5, $0x0;
	s5 =	sld [smem:$0x3FB0]  }
0x2b: {  	s6 =	sld [smem:$0x3FB1]  }
0x2c: {  	s7 =	sld [smem:$0x3FB2]  }
0x2d: {  	s3 =	simm.s32 $0x108;
	s8 =	sld [smem:$0x3FB3]  }
0x2e: {  	s3 =	simm.s32 @!p0 $0x1082;
	s9 =	sld [smem:$0x3FB4]  }
0x2f: {  	lr =	sadd.s32 s0, s3;
	s0 =	sld [smem:$0x3FAB]  }
0x30: {  	s3 =	sld [smem:$0x3FAE]  }
0x31: {  	[smem:$0x3FB7] =	sst s10  }
0x32: {  	s10 =	sld [smem:$0x3FB5];
	_ =	sdelay $0x3  }
0x33: {  	p0 =	seq.s32 s10, $0x1;
	s10 =	sld [smem:$0x3FB7];
	_ =	sdelay $0x3  }
0x34: {  	[smem:$0x3FB7] =	sst s10  }
0x35: {  	s10 =	sld [smem:$0x3FB6];
	_ =	sdelay $0x3  }
0x36: {  	p1 =	seq.s32 s10, $0x1;
	s10 =	sld [smem:$0x3FB7];
	_ =	sdelay $0x3  }
0x37: {  	[smem:$0x3FB7] =	sst s10  }
0x38: {  	s10 =	sld [smem:$0x3FB8]  }
0x39: {  	_ = 	snop;
	(pc) =	sbr.ind lr, $3  }
0x3a: {  	_ = 	snop  }
0x3b: {  	_ = 	snop  }
0x3c: {  	p2 =	seq.s32 s10, $0x1;
	s10 =	sld [smem:$0x3FB7]  }
0x3d: {  	_ =	shalt  }
0x3e: {  	_ =	shalt  }
0x3f: {  	_ =	shalt  }
0x40: {  	_ =	shalt  }
0x41: {  	_ =	shalt  }
0x42: {  	_ =	shalt  }
0x43: {  	_ =	shalt  }
0x44: {  	_ =	shalt  }
0x45: {  	_ =	shalt  }
0x46: {  	_ =	shalt  }
0x47: {  	_ =	shalt  }
0x48: {  	_ =	shalt  }
0x49: {  	_ =	shalt  }
0x4a: {  	_ =	shalt  }
0x4b: {  	_ =	shalt  }
0x4c: {  	_ =	shalt  }
0x4d: {  	_ =	shalt  }
0x4e: {  	_ =	shalt  }
0x4f: {  	_ =	shalt  }
0x50: {  	_ =	shalt  }
0x51: {  	_ =	shalt  }
0x52: {  	_ =	shalt  }
0x53: {  	_ =	shalt  }
0x54: {  	_ =	shalt  }
0x55: {  	_ =	shalt  }
0x56: {  	_ =	shalt  }
0x57: {  	_ =	shalt  }
0x58: {  	_ =	shalt  }
0x59: {  	_ =	shalt  }
0x5a: {  	_ =	shalt  }
0x5b: {  	_ =	shalt  }
0x5c: {  	_ =	shalt  }
0x5d: {  	_ =	shalt  }
0x5e: {  	_ =	shalt  }
0x5f: {  	_ =	shalt  }
0x60: {  	_ =	shalt  }
0x61: {  	_ =	shalt  }
0x62: {  	_ =	shalt  }
0x63: {  	_ =	shalt  }
0x64: {  	_ =	shalt  }
0x65: {  	_ =	shalt  }
0x66: {  	_ =	shalt  }
0x67: {  	_ =	shalt  }
0x68: {  	_ =	shalt  }
0x69: {  	_ =	shalt  }
0x6a: {  	_ =	shalt  }
0x6b: {  	_ =	shalt  }
0x6c: {  	_ =	shalt  }
0x6d: {  	_ =	shalt  }
0x6e: {  	_ =	shalt  }
0x6f: {  	_ =	shalt  }
0x70: {  	_ =	shalt  }
0x71: {  	_ =	shalt  }
0x72: {  	_ =	shalt  }
0x73: {  	_ =	shalt  }
0x74: {  	_ =	shalt  }
0x75: {  	_ =	shalt  }
0x76: {  	_ =	shalt  }
0x77: {  	_ =	shalt  }
0x78: {  	_ =	shalt  }
0x79: {  	_ =	shalt  }
0x7a: {  	_ =	shalt  }
0x7b: {  	_ =	shalt  }
0x7c: {  	_ =	shalt  }
0x7d: {  	_ =	shalt  }
0x7e: {  	_ =	shalt  }
0x7f: {  	_ =	shalt  }
0x80: {  	_ =	shalt  }
0x81: {  	_ =	shalt  }
0x82: {  	_ =	shalt  }
0x83: {  	_ =	shalt  }
0x84: {  	_ =	shalt  }
0x85: {  	_ =	shalt  }
0x86: {  	_ =	shalt  }
0x87: {  	_ =	shalt  }
.Lfunc_end0:
.L_simem_size_0:
called_computation_lowered:
.L_overlay_start_0:
0x88: {  	s2 =	sld [smem:$0x3FD9]  }
0x89: {  	s3 =	sld [smem:$0x3FFE];
	_ =	sdelay $0x1  }
0x8a: {  	s1 =	srdreg.scid  }
0x8b: {  	s0 =	sand.u32 $0x1, s1  }
0x8c: {  	s18 =	sshll.u32 s0, $0xA;
	s2 =	sadd.s32 s3, s2  }
0x8d: {  	s2 =	sadd.s32 s2, s18  }
0x8e: {  	[smem:$0x3FC3] =	sst s2  }
0x8f: {  	_ = 	snop  }
0x90: {  	s2 =	sld [smem:$0x3FC9]  }
0x91: {  	s19 =	sld [smem:$0x3FC8]  }
0x92: {  	s4 =	sld [smem:$0x3FC7]  }
0x93: {  	s5 =	sld [smem:$0x3FC6]  }
0x94: {  	s6 =	sld [smem:$0x3FC5]  }
0x95: {  	s7 =	sld [smem:$0x3FD0];
	(tm) =	ssettm $0x1  }
0x96: {  	s8 =	sld [smem:$0x3FFB];
	_ =	sdelay $0x3  }
0x97: {  	_ =	strace s8  }
0x98: {  	s8 =	sld [smem:$0x3FFC];
	_ =	sdelay $0x3  }
0x99: {  	_ =	strace s8  }
0x9a: {  	s8 =	sld [smem:$0x3FFD];
	_ =	sdelay $0x3  }
0x9b: {  	_ =	strace s8  }
0x9c: {  	_ =	strace $0x8FFFFFFF  }
0x9d: {  	s20 =	sld [smem:$0x3FDB];
	_ =	sdelay $0x1  }
0x9e: {  	s9 =	simm.s32 $_scs_section_size  }
0x9f: {  	s10 =	simm.s32 $_size__tile_overlayer_lowered;
	s11 =	simm.s32 $_tile_overlayer_lowered  }
0xa0: {  	s23 =	simm.s32 $0x1BFF;
	s22 =	sshll.u32 s11, $0x1;
	s8 =	sadd.s32 s9, s20  }
0xa1: {  	s12 =	simm.s32 $0x0;
	s21 =	sshll.u32 s10, $0x1;
	s10 =	sadd.s32 s22, s8  }
0xa2: {  	[timem:s12], [sflag:s23] =	dma.local [hbm:s10], s21  }
0xa3: {  	_ =	swait.ge [sflag:s23], s21  }
0xa4: {  	s9 =	ssub.s32 $0x0, s21;
	[sflag:s23] =	ssyncset.done $0x0  }
0xa5: {  	[sflag:s23] =	ssyncadd.s32 s9;
	_ =	sdelay $0x1  }
0xa6: {  	s24 =	simm.s32 $0x1B8B  }
0xa7: {  	_ =	swait.ge [sflag:s24], $0x1  }
0xa8: {  	[sflag:s24] =	ssyncset.done $0x0  }
0xa9: {  	s25 =	simm.s32 $0x1B8E;
	[sflag:s24] =	ssyncadd.s32 $0xFFFFFFFF  }
0xaa: {  	s26 =	simm.s32 $execute0_lowered;
	[smem:$0x3FD2] =	sst s25  }
0xab: {  	s9 =	sshll.u32 s26, $0x1;
	_ =	strace $0x80000046;
	[dreg:$0x1] =	wrdreg $0xFFFFFFFF  }
0xac: {  	s28 =	simm.s32 $_size_execute0_lowered;
	s8 =	sadd.s32 s8, s9;
	[dreg:$0x0] =	wrdreg $0x0  }
0xad: {  	s9 =	sshll.u32 s28, $0x1;
	[dreg:$0x2] =	wrdreg s8  }
0xae: {  	[dreg:$0x3] =	wrdreg s9  }
0xaf: {  	[dreg:$0x4] =	wrdreg $0xC0  }
0xb0: {  	_ =	task [dreg:s12], $0x5FFFF  }
0xb1: {  	[dreg:$0x1] =	wrdreg $0xFFFFFFFF  }
0xb2: {  	[dreg:$0x0] =	wrdreg $0x60  }
0xb3: {  	[dreg:$0x2] =	wrdreg s2  }
0xb4: {  	[dreg:$0x3] =	wrdreg s19  }
0xb5: {  	[dreg:$0x4] =	wrdreg s4  }
0xb6: {  	[dreg:$0x5] =	wrdreg s5  }
0xb7: {  	[dreg:$0x6] =	wrdreg s6  }
0xb8: {  	[dreg:$0x7] =	wrdreg s7  }
0xb9: {  	[dreg:$0x8] =	wrdreg $0xF4000  }
0xba: {  	[dreg:$0x9] =	wrdreg $0x9  }
0xbb: {  	_ =	task.clear_ibuf [dreg:s12], $0xAFFFF;
	_ =	strace $0x90000046  }
0xbc: {  	s29 =	simm.s32 $0x9;
	_ =	strace $0x80000048  }
0xbd: {  	_ =	swait.ge [sflag:s29], $0x1  }
0xbe: {  	[sflag:s29] =	ssyncadd.s32 $0xFFFFFFFF  }
0xbf: {  	_ =	strace $0x90000048  }
0xc0: {  	_ =	sfence  }
0xc1: {  	s30 =	sld [smem:$0x0];
	_ =	sdelay $0x2  }
0xc2: {  	s31 =	sshll.u32 s1, $0xD;
	s1 =	sshrl.u32 s1, $0x2  }
0xc3: {  	s3 =	sand.u32 $0x4000, s31;
	s1 =	sadd.s32 s1, s30  }
0xc4: {  	s0 =	sor.u32 s3, s0;
	s1 =	sshll.u32 s1, $0x11  }
0xc5: {  	s0 =	sor.u32 s1, s0  }
0xc6: {  	s0 =	sadd.s32 $0x8F2B, s0  }
0xc7: {  	[sflag:s0] =	ssyncadd.remote.s32 $0x1  }
0xc8: {  	_ =	sfence.sel $0xFFFF  }
0xc9: {  	[dreg:$0x0] =	wrdreg $0xFFFFFFFF;
	(pc) =	sbr.abs _section_cstart, $3  }
0xca: {  	[dreg:$0x1] =	wrdreg $0xFFFFFFFF  }
0xcb: {  	_ =	task.clear_ibuf [dreg:s12], $0x2FFFF;
	_ =	strace $0x9FFFFFFF  }
0xcc: {  	(tm) =	ssettm $0x7FFFFFFF  }
0xcd: {  	_ =	shalt  }
tec
execute0_lowered:
.L_overlay_start_1:
0x0: {  	(tag) =	ssettag $0x1  }
0x1: {  	s0 =	rddreg [dreg:$0x0]  }
0x2: {  	s1 =	rddreg [dreg:$0x1];
	v0 =	vimm.s32 $0xEFCDAB89;
	v1 =	vimm.s32 $0x67452301  }
0x3: {  	s2 =	rddreg [dreg:$0x2];
	v2 =	vlaneseq.u32;
	v3 =	vimm.s32 $0xDCFE98BA;
	v4 =	vimm.s32 $0x54761032  }
0x4: {  	s31 =	rddreg [dreg:$0x5];
	v5 =	vimm.s32 $0xBA98FEDC;
	v6 =	vimm.s32 $0x32107654;
	v59 =	vimm.s32 $0xFEDCBA98  }
0x5: {  	s9 =	rddreg [dreg:$0x6];
	v7 =	vimm.s32 $0x76543210;
	v0 =	vunpack.c.l.s4.s8 v0;
	v1 =	vunpack.c.l.s4.s8 v1  }
0x6: {  	s20 =	simm.s32 $0x0;
	s3 =	srdreg.scid;
	s13 =	stileid.u32;
	v3 =	vunpack.c.l.s4.s8 v3;
	v4 =	vunpack.c.l.s4.s8 v4;
	v5 =	vunpack.c.l.s4.s8 v5  }
0x7: {  	s21 =	simm.s32 $0x4;
	s22 =	simm.s32 $0x5;
	[smem:$0x7FF] =	sst s20;
	v58 =	vunpack.c.l.s4.s8 v6;
	v6 =	vunpack.c.l.s4.s8 v59;
	v60 =	vand.u32 $0x7, v2  }
0x8: {  	s3 =	sand.u32 $0x1, s3;
	s5 =	sshll.u32 s13, $0x1;
	s24 =	sshll.u32 s13, $0x8;
	v61 =	vunpack.c.l.s4.s8 v7;
	v0 =	vunpack.c.0.s8.s32 v0;
	v1 =	vunpack.c.0.s8.s32 v1  }
0x9: {  	s6 =	smul.u32 $0xC000, s13;
	s10 =	sadd.s32 $0x100, s1;
	s30 =	sshll.u32 s13, $0x6;
	v57 =	vunpack.c.0.s8.s32 v3;
	v5 =	vunpack.c.0.s8.s32 v5;
	v3 =	vunpack.c.0.s8.s32 v58  }
0xa: {  	v62 =	vshrl.u32 v2, $0x3;
	v2 =	vor.u32 $0x8, v2;
	_ =	strace $0x80000047;
	s4 =	ssub.s32 $0x2, s3;
	s3 =	sor.u32 s3, s5;
	v4 =	vunpack.c.0.s8.s32 v4  }
0xb: {  	s5 =	sand.u32 $0xC00, s24;
	[tilespmem:$0x1FF90] =	vst v60;
	s7 =	sshrl.u32 s4, $0x1;
	s25 =	sshrl.u32 s6, $0x3;
	v0 =	vcombine.low v1, v0;
	v3 =	vcombine.low v3, v5;
	v5 =	vmul.u32 $0x8, v62  }
0xc: {  	[tilespmem:$0x1FFB0] =	vst v2;
	s8 =	sshll.u32 s3, $0x4;
	s0 =	sadd.s32 s0, s5;
	v6 =	vunpack.c.0.s8.s32 v6;
	s26 =	sadd.s32 s2, s25;
	v1 =	vcombine.low v4, v57  }
0xd: {  	s8 =	sand.u32 $0x70, s8;
	s2 =	sor.u32 $0x1C06, s30;
	[dreg:$0x9] =	wrdreg s26;
	v4 =	vunpack.c.0.s8.s32 v61;
	[tilespmem:$0x1FFA0] =	vst v5;
	v42 =	vand.u32 $0xF, v0  }
0xe: {  	s4 =	ssub.s32 s4, s7;
	s0 =	sadd.s32 s8, s0;
	[dreg:$0xb] =	wrdreg s2;
	v63 =	vand.u32 $0xF, v6;
	v43 =	vand.u32 $0xF, v1;
	[tilespmem:$0x1FFC0] =	vst v42  }
0xf: {  	s28 =	sadd.s32 s6, s9;
	s29 =	smax.u32 s4, $0x1;
	[dreg:$0x8] =	wrdreg s0;
	v44 =	vand.u32 $0xF, v3;
	v45 =	vcombine.low v63, v4;
	[tilespmem:$0x1FFD0] =	vst v43  }
0x10: {  	s11 =	sadd.s32 $0x200, s1;
	[dreg:$0xa] =	wrdreg s29;
	s0 =	sshrl.u32 s28, $0x3;
	[tilespmem:$0x1FFE0] =	vst v44  }
0x11: {  	vm0 =	vmmov $0xffff;
	s12 =	smul.u32 $0xC0000, s3;
	s2 =	simm.s32 $0x0;
	[dreg:$0xc] =	wrdreg s0;
	[tilespmem:$0x1FFF0] =	vst v45  }
.LBB2_1:
0x12: {  	[dreg:$0xd] =	wrdreg s2  }
0x13: {  	s0 =	rddreg [dreg:$0x8]  }
0x14: {  	s13 =	simm.s32 $0x80;
	s3 =	simm.s32 $0x400;
	s14 =	simm.s32 $0x6  }
0x15: {  	[tilespmem:s20], [sflag:$0x6] =	stream.strided.gather [hbm4b:s0+s13], $0x400, s3, s13, $0x38;
	[tilespmem:$0x1BA00] =	vst v63  }
0x16: {  	_ =	swait.ge [sflag:s14], $0x400  }
0x17: {  	s15 =	rddreg [dreg:$0x9]  }
0x18: {  	[sflag:s14] =	ssyncset.done $0x0;
	s4 =	rddreg [dreg:$0xb]  }
0x19: {  	s5 =	rddreg [dreg:$0xc];
	[sflag:s14] =	ssyncadd.s32 $0xFFFFFC00  }
0x1a: {  	[spmem:s5], [sflag:s4] =	dma.local [hbm:s15], $0x1800  }
0x1b: {  	_ =	swait.ge [sflag:s14], $0x1800  }
0x1c: {  	[sflag:s14] =	ssyncset.done $0x0  }
0x1d: {  	[sflag:s14] =	ssyncadd.s32 $0xFFFFE800  }
0x1e: {  	[bflag:$0x0] =	sbarrier.arrive $0xFFFF  }
0x1f: {  	v0 =	vld [tilespmem:$0x0];
	_ =	sdelay $0x3  }
0x20: {  	v63 =	vld [tilespmem:$0x1FF90]  }
0x21: {  	v1 =	vshrl.u32 v0, $0x3  }
0x22: {  	v2 =	vld [tilespmem:$0x1FFA0];
	v1 =	vmul.u32 $0x30, v1  }
0x23: {  	v0 =	vand.u32 $0x7, v0  }
0x24: {  	v0 =	vor.u32 v0, v1  }
0x25: {  	v1 =	vperm.xlane v0, v63  }
0x26: {  	v3 =	vld [tilespmem:$0x1FFB0]  }
0x27: {  	v1 =	vadd.s32 v2, v1;
	_ =	sdelay $0x3  }
0x28: {  	v0 =	vperm.xlane v0, v3  }
0x29: {  	[tilespmem:s3], [sflag:$0x1] =	stream.indirect_vreg.gather [hbm4b:s1+s20], $0x80, v1, vm0, $0xb8;
	[tilespmem:$0x1BA00] =	vst v63  }
0x2a: {  	s16 =	simm.s32 $0xC00;
	v0 =	vadd.s32 v2, v0  }
0x2b: {  	[tilespmem:s16], [sflag:$0x1] =	stream.indirect_vreg.gather [hbm4b:s10+s20], $0x80, v1, vm0, $0xb8;
	[tilespmem:$0x1BA00] =	vst v63  }
0x2c: {  	s17 =	simm.s32 $0x1400  }
0x2d: {  	[tilespmem:s17], [sflag:$0x1] =	stream.indirect_vreg.gather [hbm4b:s11+s20], $0x80, v1, vm0, $0xb8;
	[tilespmem:$0x1BA00] =	vst v63  }
0x2e: {  	s18 =	simm.s32 $0x1C00  }
0x2f: {  	[tilespmem:s18], [sflag:$0x1] =	stream.indirect_vreg.gather [hbm4b:s1+s20], $0x80, v0, vm0, $0xb8;
	[tilespmem:$0x1BA00] =	vst v63  }
0x30: {  	s19 =	simm.s32 $0x2400  }
0x31: {  	[tilespmem:s19], [sflag:$0x1] =	stream.indirect_vreg.gather [hbm4b:s10+s20], $0x80, v0, vm0, $0xb8;
	[tilespmem:$0x1BA00] =	vst v63  }
0x32: {  	s23 =	simm.s32 $0x2C00  }
0x33: {  	[tilespmem:s23], [sflag:$0x1] =	stream.indirect_vreg.gather [hbm4b:s11+s20], $0x80, v0, vm0, $0xb8;
	[tilespmem:$0x1BA00] =	vst v63  }
0x34: {  	s25 =	simm.s32 $0x6400;
	s24 =	rddreg [dreg:$0x6]  }
0x35: {  	[tilespmem:s25], [sflag:$0x3] =	stream.linear.gather [spmem:s24], $0x3000, $0x38;
	[tilespmem:$0x1BA00] =	vst v63  }
0x36: {  	s28 =	simm.s32 $0x1B400;
	s26 =	rddreg [dreg:$0x3]  }
0x37: {  	[tilespmem:s28], [sflag:$0x6] =	stream.linear.gather [hbm4b:s26+s20], $0x300, $0x38;
	[tilespmem:$0x1BA00] =	vst v63  }
0x38: {  	_ =	swait.ge [sflag:s14], $0x300  }
0x39: {  	[sflag:s14] =	ssyncset.done $0x0  }
0x3a: {  	[sflag:s14] =	ssyncadd.s32 $0xFFFFFD00  }
0x3b: {  	s30 =	simm.s32 $0x1B700;
	s29 =	rddreg [dreg:$0x4]  }
0x3c: {  	[tilespmem:s30], [sflag:$0x6] =	stream.linear.gather [hbm4b:s29+s20], $0x300, $0x38;
	[tilespmem:$0x1BA00] =	vst v63  }
0x3d: {  	_ =	swait.ge [sflag:s14], $0x300  }
0x3e: {  	[sflag:s14] =	ssyncset.done $0x0  }
0x3f: {  	s24 =	simm.s32 $0x0;
	[sflag:s14] =	ssyncadd.s32 $0xFFFFFD00  }
.LBB2_2:
0x40: {  	s0 =	simm.s32 $0x1  }
0x41: {  	_ =	swait.ge [sflag:s0], $0x3000  }
0x42: {  	[sflag:s0] =	ssyncset.done $0x0  }
0x43: {  	s17 =	simm.s32 $0x3;
	[sflag:s0] =	ssyncadd.s32 $0xFFFFD000  }
0x44: {  	_ =	swait.ge [sflag:s17], $0x3000  }
0x45: {  	[sflag:s17] =	ssyncset.done $0x0  }
0x46: {  	s26 =	sshll.u32 s24, $0x5;
	[sflag:s17] =	ssyncadd.s32 $0xFFFFD000  }
0x47: {  	v0 =	vld [tilespmem:s26+$0x10];
	_ =	sdelay $0x3  }
0x48: {  	v63 =	vld [tilespmem:$0x1FF90]  }
0x49: {  	v1 =	vshrl.u32 v0, $0x3  }
0x4a: {  	v2 =	vld [tilespmem:$0x1FFA0];
	v1 =	vmul.u32 $0x30, v1  }
0x4b: {  	v0 =	vand.u32 $0x7, v0  }
0x4c: {  	v0 =	vor.u32 v0, v1  }
0x4d: {  	v1 =	vperm.xlane v0, v63  }
0x4e: {  	v3 =	vld [tilespmem:$0x1FFB0]  }
0x4f: {  	v1 =	vadd.s32 v2, v1;
	_ =	sdelay $0x3  }
0x50: {  	s15 =	simm.s32 $0x0;
	s18 =	simm.s32 $0x3400;
	v0 =	vperm.xlane v0, v3  }
0x51: {  	[tilespmem:s18], [sflag:$0x2] =	stream.indirect_vreg.gather [hbm4b:s1+s15], $0x80, v1, vm0, $0xb8;
	[tilespmem:$0x1BA00] =	vst v63  }
0x52: {  	s19 =	simm.s32 $0x3C00;
	v0 =	vadd.s32 v2, v0  }
0x53: {  	[tilespmem:s19], [sflag:$0x2] =	stream.indirect_vreg.gather [hbm4b:s10+s15], $0x80, v1, vm0, $0xb8;
	[tilespmem:$0x1BA00] =	vst v63  }
0x54: {  	s23 =	simm.s32 $0x4400  }
0x55: {  	[tilespmem:s23], [sflag:$0x2] =	stream.indirect_vreg.gather [hbm4b:s11+s15], $0x80, v1, vm0, $0xb8;
	[tilespmem:$0x1BA00] =	vst v63  }
0x56: {  	s20 =	smov.u32 s31;
	s25 =	simm.s32 $0x4C00;
	s28 =	sor.u32 $0x10, s26  }
0x57: {  	[tilespmem:s25], [sflag:$0x2] =	stream.indirect_vreg.gather [hbm4b:s1+s15], $0x80, v0, vm0, $0xb8;
	[tilespmem:$0x1BA00] =	vst v63  }
0x58: {  	s2 =	simm.s32 $0x5400;
	s29 =	simm.s32 $0x5C00;
	s0 =	sshrl.u32 s28, $0x3  }
0x59: {  	[tilespmem:s2], [sflag:$0x2] =	stream.indirect_vreg.gather [hbm4b:s10+s15], $0x80, v0, vm0, $0xb8;
	[tilespmem:$0x1BA00] =	vst v63  }
0x5a: {  	s31 =	simm.s32 $0x9400;
	s30 =	rddreg [dreg:$0x6];
	s25 =	smul.u32 $0x1800, s0  }
0x5b: {  	[tilespmem:s29], [sflag:$0x2] =	stream.indirect_vreg.gather [hbm4b:s11+s15], $0x80, v0, vm0, $0xb8;
	[tilespmem:$0x1BA00] =	vst v63  }
0x5c: {  	s8 =	simm.s32 $0xFFFFFFFC;
	s9 =	simm.s32 $0x4;
	s0 =	sadd.s32 s25, s30  }
0x5d: {  	[tilespmem:s31], [sflag:$0x4] =	stream.linear.gather [spmem:s0], $0x3000, $0x38;
	[tilespmem:$0x1BA00] =	vst v63  }
.LBB2_3:
0x5e: {  	s8 =	sadd.s32 $0x4, s8  }
0x5f: {  	s0 =	sshrl.u32 s8, $0x3  }
0x60: {  	s31 =	smul.u32 $0x1800, s0  }
0x61: {  	s29 =	sand.u32 $0x200, s15  }
0x62: {  	s2 =	sor.u32 s29, s31  }
0x63: {  	v0 =	vld [tilespmem:s2+$0x400]  }
0x64: {  	v1 =	vld [tilespmem:s2+$0x6400]  }
0x65: {  	v2 =	vld [tilespmem:s2+$0x410]  }
0x66: {  	v3 =	vld [tilespmem:s2+$0x6410]  }
0x67: {  	v5 =	vld [tilespmem:s2+$0x420]  }
0x68: {  	v6 =	vld [tilespmem:s2+$0x6420]  }
0x69: {  	v7 =	vld [tilespmem:s2+$0x430]  }
0x6a: {  	v8 =	vld [tilespmem:s2+$0x6430]  }
0x6b: {  	v9 =	vld [tilespmem:s2+$0x440]  }
0x6c: {  	v10 =	vld [tilespmem:s2+$0x6440]  }
0x6d: {  	v11 =	vld [tilespmem:s2+$0x450]  }
0x6e: {  	v12 =	vld [tilespmem:s2+$0x6450]  }
0x6f: {  	v13 =	vld [tilespmem:s2+$0x460]  }
0x70: {  	v14 =	vld [tilespmem:s2+$0x6460]  }
0x71: {  	v15 =	vld [tilespmem:s2+$0x470]  }
0x72: {  	v16 =	vld [tilespmem:s2+$0x6470]  }
0x73: {  	v17 =	vld [tilespmem:s2+$0x800]  }
0x74: {  	v18 =	vld [tilespmem:s2+$0x6800]  }
0x75: {  	v19 =	vld [tilespmem:s2+$0x810]  }
0x76: {  	v20 =	vld [tilespmem:s2+$0x6810]  }
0x77: {  	v21 =	vld [tilespmem:s2+$0x820]  }
0x78: {  	v52 =	vld [tilespmem:s2+$0x6820];
	v37 =	vadd.f32 v1, v0  }
0x79: {  	v22 =	vld [tilespmem:s2+$0x830];
	v39 =	vadd.f32 v3, v2  }
0x7a: {  	v23 =	vld [tilespmem:s2+$0x6830];
	v43 =	vadd.f32 v6, v5;
	[tilespmem:s2+$0x400] =	vst v37  }
0x7b: {  	v53 =	vld [tilespmem:s2+$0x840];
	v41 =	vadd.f32 v8, v7;
	[tilespmem:s2+$0x410] =	vst v39  }
0x7c: {  	v54 =	vld [tilespmem:s2+$0x6840];
	v34 =	vadd.f32 v10, v9;
	[tilespmem:s2+$0x420] =	vst v43  }
0x7d: {  	v55 =	vld [tilespmem:s2+$0x850];
	v36 =	vadd.f32 v12, v11;
	[tilespmem:s2+$0x430] =	vst v41  }
0x7e: {  	v56 =	vld [tilespmem:s2+$0x6850];
	v38 =	vadd.f32 v14, v13;
	[tilespmem:s2+$0x440] =	vst v34  }
0x7f: {  	v57 =	vld [tilespmem:s2+$0x860];
	v40 =	vadd.f32 v16, v15;
	[tilespmem:s2+$0x450] =	vst v36  }
0x80: {  	v58 =	vld [tilespmem:s2+$0x6860];
	v63 =	vadd.f32 v18, v17;
	[tilespmem:s2+$0x460] =	vst v38  }
0x81: {  	v59 =	vld [tilespmem:s2+$0x870];
	v62 =	vadd.f32 v20, v19;
	[tilespmem:s2+$0x470] =	vst v40  }
0x82: {  	v61 =	vld [tilespmem:s2+$0x6870];
	v60 =	vadd.f32 v52, v21;
	[tilespmem:s2+$0x800] =	vst v63  }
0x83: {  	v45 =	vadd.f32 v23, v22;
	[tilespmem:s2+$0x810] =	vst v62  }
0x84: {  	v44 =	vadd.f32 v54, v53;
	[tilespmem:s2+$0x820] =	vst v60  }
0x85: {  	v42 =	vadd.f32 v56, v55;
	[tilespmem:s2+$0x830] =	vst v45  }
0x86: {  	v46 =	vadd.f32 v58, v57;
	[tilespmem:s2+$0x840] =	vst v44  }
0x87: {  	s23 =	sadd.s32 $0x800, s31;
	v48 =	vadd.f32 v61, v59;
	[tilespmem:s2+$0x850] =	vst v42  }
0x88: {  	s3 =	sor.u32 s29, s23;
	[tilespmem:s2+$0x860] =	vst v46  }
0x89: {  	[tilespmem:s2+$0x870] =	vst v48;
	v3 =	vld [tilespmem:s3+$0x400]  }
0x8a: {  	v5 =	vld [tilespmem:s3+$0x6400]  }
0x8b: {  	v21 =	vld [tilespmem:s3+$0x410]  }
0x8c: {  	v22 =	vld [tilespmem:s3+$0x6410]  }
0x8d: {  	v23 =	vld [tilespmem:s3+$0x420]  }
0x8e: {  	v24 =	vld [tilespmem:s3+$0x6420]  }
0x8f: {  	v25 =	vld [tilespmem:s3+$0x430]  }
0x90: {  	v26 =	vld [tilespmem:s3+$0x6430]  }
0x91: {  	v27 =	vld [tilespmem:s3+$0x440]  }
0x92: {  	v28 =	vld [tilespmem:s3+$0x6440]  }
0x93: {  	v29 =	vld [tilespmem:s3+$0x450]  }
0x94: {  	v30 =	vld [tilespmem:s3+$0x6450]  }
0x95: {  	v31 =	vld [tilespmem:s3+$0x460]  }
0x96: {  	v32 =	vld [tilespmem:s3+$0x6460];
	v58 =	vadd.f32 v5, v3  }
0x97: {  	v33 =	vld [tilespmem:s3+$0x470];
	v47 =	vadd.f32 v22, v21  }
0x98: {  	v35 =	vld [tilespmem:s3+$0x6470];
	v54 =	vadd.f32 v24, v23;
	[tilespmem:s3+$0x400] =	vst v58  }
0x99: {  	v50 =	vadd.f32 v26, v25;
	[tilespmem:s3+$0x410] =	vst v47  }
0x9a: {  	v49 =	vadd.f32 v28, v27;
	[tilespmem:s3+$0x420] =	vst v54  }
0x9b: {  	v51 =	vadd.f32 v30, v29;
	[tilespmem:s3+$0x430] =	vst v50  }
0x9c: {  	v52 =	vadd.f32 v32, v31;
	[tilespmem:s3+$0x440] =	vst v49  }
0x9d: {  	s16 =	sadd.s32 $0xC00, s31;
	v53 =	vadd.f32 v35, v33;
	[tilespmem:s3+$0x450] =	vst v51  }
0x9e: {  	s30 =	sor.u32 s29, s16;
	[tilespmem:s3+$0x460] =	vst v52  }
0x9f: {  	[tilespmem:s3+$0x470] =	vst v53;
	v55 =	vld [tilespmem:s30+$0x400]  }
0xa0: {  	v56 =	vld [tilespmem:s30+$0x6400]  }
0xa1: {  	v57 =	vld [tilespmem:s30+$0x410]  }
0xa2: {  	v59 =	vld [tilespmem:s30+$0x6410]  }
0xa3: {  	v61 =	vld [tilespmem:s30+$0x420]  }
0xa4: {  	v0 =	vld [tilespmem:s30+$0x6420]  }
0xa5: {  	v1 =	vld [tilespmem:s30+$0x430]  }
0xa6: {  	v2 =	vld [tilespmem:s30+$0x6430]  }
0xa7: {  	v3 =	vld [tilespmem:s30+$0x440]  }
0xa8: {  	v4 =	vld [tilespmem:s30+$0x6440]  }
0xa9: {  	v5 =	vld [tilespmem:s30+$0x450]  }
0xaa: {  	v6 =	vld [tilespmem:s30+$0x6450]  }
0xab: {  	[tilespmem:$0x1FC70] =	vst v49;
	v7 =	vld [tilespmem:s30+$0x460]  }
0xac: {  	[tilespmem:$0x1FC80] =	vst v51;
	v23 =	vld [tilespmem:s30+$0x6460];
	v55 =	vadd.f32 v56, v55  }
0xad: {  	[tilespmem:$0x1FCA0] =	vst v53;
	v24 =	vld [tilespmem:s30+$0x470];
	v53 =	vadd.f32 v59, v57  }
0xae: {  	v25 =	vld [tilespmem:s30+$0x6470];
	v51 =	vadd.f32 v0, v61;
	[tilespmem:s30+$0x400] =	vst v55  }
0xaf: {  	v49 =	vadd.f32 v2, v1;
	[tilespmem:s30+$0x410] =	vst v53  }
0xb0: {  	v14 =	vadd.f32 v4, v3;
	[tilespmem:s30+$0x420] =	vst v51  }
0xb1: {  	v26 =	vadd.f32 v6, v5;
	[tilespmem:s30+$0x430] =	vst v49  }
0xb2: {  	v27 =	vadd.f32 v23, v7;
	[tilespmem:s30+$0x440] =	vst v14  }
0xb3: {  	s17 =	sadd.s32 $0x1000, s31;
	v28 =	vadd.f32 v25, v24;
	[tilespmem:s30+$0x450] =	vst v26  }
0xb4: {  	s4 =	sor.u32 s29, s17;
	[tilespmem:s30+$0x460] =	vst v27  }
0xb5: {  	[tilespmem:s30+$0x470] =	vst v28;
	v29 =	vld [tilespmem:s4+$0x400]  }
0xb6: {  	v30 =	vld [tilespmem:s4+$0x6400]  }
0xb7: {  	v31 =	vld [tilespmem:s4+$0x410]  }
0xb8: {  	v32 =	vld [tilespmem:s4+$0x6410]  }
0xb9: {  	v33 =	vld [tilespmem:s4+$0x420]  }
0xba: {  	v35 =	vld [tilespmem:s4+$0x6420]  }
0xbb: {  	v56 =	vld [tilespmem:s4+$0x430]  }
0xbc: {  	v57 =	vld [tilespmem:s4+$0x6430]  }
0xbd: {  	v61 =	vld [tilespmem:s4+$0x440]  }
0xbe: {  	v19 =	vld [tilespmem:s4+$0x460]  }
0xbf: {  	s5 =	sadd.s32 $0x80, s15;
	v20 =	vld [tilespmem:s4+$0x6460]  }
0xc0: {  	s30 =	sand.u32 $0x280, s5;
	v9 =	vld [tilespmem:s4+$0x470]  }
0xc1: {  	v10 =	vld [tilespmem:s4+$0x6470];
	s2 =	sor.u32 s31, s30  }
0xc2: {  	v11 =	vld [tilespmem:s2+$0x400]  }
0xc3: {  	v24 =	vld [tilespmem:s2+$0x6400]  }
0xc4: {  	v25 =	vld [tilespmem:s2+$0x410]  }
0xc5: {  	[tilespmem:$0x1FCB0] =	vst v26;
	v26 =	vld [tilespmem:s2+$0x6410]  }
0xc6: {  	[tilespmem:$0x1FCC0] =	vst v27;
	v27 =	vld [tilespmem:s2+$0x420]  }
0xc7: {  	[tilespmem:$0x1FCD0] =	vst v28;
	v28 =	vld [tilespmem:s2+$0x6420]  }
0xc8: {  	v1 =	vld [tilespmem:s2+$0x460]  }
0xc9: {  	v0 =	vld [tilespmem:s2+$0x6460]  }
0xca: {  	v4 =	vld [tilespmem:s2+$0x470]  }
0xcb: {  	v2 =	vld [tilespmem:s2+$0x6470]  }
0xcc: {  	v7 =	vld [tilespmem:s2+$0x800]  }
0xcd: {  	[tilespmem:$0x1FC90] =	vst v52;
	v3 =	vld [tilespmem:s2+$0x6800];
	v52 =	vadd.f32 v30, v29  }
0xce: {  	v5 =	vld [tilespmem:s2+$0x810];
	v12 =	vadd.f32 v32, v31  }
0xcf: {  	v21 =	vld [tilespmem:s2+$0x6820];
	v59 =	vadd.f32 v57, v56;
	[tilespmem:s4+$0x400] =	vst v52  }
0xd0: {  	v22 =	vld [tilespmem:s2+$0x830];
	v13 =	vadd.f32 v35, v33;
	[tilespmem:s4+$0x410] =	vst v12  }
0xd1: {  	v6 =	vld [tilespmem:s2+$0x840];
	[tilespmem:$0x1FCE0] =	vst v59  }
0xd2: {  	v23 =	vld [tilespmem:s2+$0x860];
	v17 =	vadd.f32 v24, v11;
	[tilespmem:s4+$0x420] =	vst v13  }
0xd3: {  	v56 =	vld [tilespmem:s4+$0x6440];
	v18 =	vadd.f32 v26, v25;
	[tilespmem:s4+$0x430] =	vst v59  }
0xd4: {  	v29 =	vld [tilespmem:s2+$0x430];
	[tilespmem:$0x1FD30] =	vst v17  }
0xd5: {  	v30 =	vld [tilespmem:s2+$0x6430];
	v15 =	vadd.f32 v28, v27;
	[tilespmem:$0x1FD40] =	vst v18  }
0xd6: {  	v31 =	vld [tilespmem:s2+$0x440];
	[tilespmem:s2+$0x400] =	vst v17  }
0xd7: {  	v32 =	vld [tilespmem:s2+$0x6440];
	[tilespmem:$0x1FD50] =	vst v15  }
0xd8: {  	v33 =	vld [tilespmem:s2+$0x450];
	v28 =	vadd.f32 v3, v7;
	[tilespmem:s2+$0x410] =	vst v18  }
0xd9: {  	v35 =	vld [tilespmem:s2+$0x6450];
	[tilespmem:s2+$0x420] =	vst v15  }
0xda: {  	v57 =	vld [tilespmem:s4+$0x450];
	[tilespmem:$0x1FD70] =	vst v28;
	v61 =	vadd.f32 v56, v61  }
0xdb: {  	v25 =	vld [tilespmem:s2+$0x6830];
	[tilespmem:s2+$0x800] =	vst v28;
	v56 =	vadd.f32 v10, v9  }
0xdc: {  	v24 =	vld [tilespmem:s2+$0x6860];
	v16 =	vadd.f32 v30, v29;
	[tilespmem:s4+$0x440] =	vst v61  }
0xdd: {  	v59 =	vld [tilespmem:s4+$0x6450];
	v27 =	vadd.f32 v32, v31;
	[tilespmem:s4+$0x470] =	vst v56  }
0xde: {  	v17 =	vld [tilespmem:s2+$0x850];
	v29 =	vadd.f32 v35, v33;
	[tilespmem:s2+$0x430] =	vst v16  }
0xdf: {  	v18 =	vld [tilespmem:s2+$0x6850];
	v31 =	vadd.f32 v0, v1;
	[tilespmem:s2+$0x440] =	vst v27  }
0xe0: {  	v30 =	vadd.f32 v2, v4;
	v35 =	vld [tilespmem:s2+$0x870];
	[tilespmem:s2+$0x450] =	vst v29  }
0xe1: {  	v10 =	vld [tilespmem:s2+$0x6870];
	v25 =	vadd.f32 v25, v22;
	v1 =	vadd.f32 v24, v23;
	[tilespmem:s2+$0x460] =	vst v31  }
0xe2: {  	v59 =	vadd.f32 v59, v57;
	v57 =	vadd.f32 v20, v19;
	v19 =	vld [tilespmem:s2+$0x6810];
	[tilespmem:s2+$0x470] =	vst v30  }
0xe3: {  	v20 =	vld [tilespmem:s2+$0x820];
	[tilespmem:s2+$0x830] =	vst v25  }
0xe4: {  	v15 =	vld [tilespmem:s2+$0x6840];
	[tilespmem:s2+$0x860] =	vst v1  }
0xe5: {  	v26 =	vadd.f32 v18, v17;
	[tilespmem:s4+$0x450] =	vst v59  }
0xe6: {  	[tilespmem:s4+$0x460] =	vst v57;
	v28 =	vadd.f32 v10, v35  }
0xe7: {  	[tilespmem:s2+$0x850] =	vst v26;
	v9 =	vadd.f32 v19, v5  }
0xe8: {  	s18 =	sadd.s32 $0x1400, s31;
	v11 =	vadd.f32 v21, v20;
	[tilespmem:s2+$0x870] =	vst v28  }
0xe9: {  	s13 =	sor.u32 s29, s18;
	v33 =	vadd.f32 v15, v6;
	[tilespmem:s2+$0x810] =	vst v9  }
0xea: {  	s6 =	sor.u32 s30, s23;
	v32 =	vld [tilespmem:s13+$0x6410];
	[tilespmem:s2+$0x820] =	vst v11  }
0xeb: {  	[tilespmem:s2+$0x840] =	vst v33;
	v0 =	vld [tilespmem:s6+$0x400]  }
0xec: {  	v35 =	vld [tilespmem:s6+$0x6400]  }
0xed: {  	v15 =	vld [tilespmem:s6+$0x410]  }
0xee: {  	[tilespmem:$0x1FD60] =	vst v16;
	v16 =	vld [tilespmem:s6+$0x6410]  }
0xef: {  	v17 =	vld [tilespmem:s6+$0x420]  }
0xf0: {  	[tilespmem:$0x1FDA0] =	vst v25;
	v5 =	vld [tilespmem:s6+$0x6420]  }
0xf1: {  	[tilespmem:$0x1FD80] =	vst v9;
	v9 =	vld [tilespmem:s6+$0x430]  }
0xf2: {  	[tilespmem:$0x1FDC0] =	vst v1;
	v7 =	vld [tilespmem:s6+$0x6430]  }
0xf3: {  	[tilespmem:$0x1FDB0] =	vst v26;
	v8 =	vld [tilespmem:s6+$0x450]  }
0xf4: {  	[tilespmem:$0x1FDD0] =	vst v28;
	v19 =	vld [tilespmem:s6+$0x6450]  }
0xf5: {  	[tilespmem:$0x1FD90] =	vst v11;
	v20 =	vld [tilespmem:s6+$0x460];
	v4 =	vadd.f32 v5, v17  }
0xf6: {  	[tilespmem:$0x1FCF0] =	vst v32;
	v21 =	vld [tilespmem:s6+$0x6460];
	v35 =	vadd.f32 v35, v0  }
0xf7: {  	v24 =	vld [tilespmem:s6+$0x470];
	v32 =	vadd.f32 v16, v15;
	v15 =	vadd.f32 v7, v9;
	[tilespmem:$0x1FDE0] =	vst v4  }
0xf8: {  	v26 =	vld [tilespmem:s6+$0x6470];
	[tilespmem:s6+$0x400] =	vst v35  }
0xf9: {  	v17 =	vadd.f32 v19, v8;
	[tilespmem:$0x1FDF0] =	vst v15  }
0xfa: {  	[tilespmem:s6+$0x410] =	vst v32  }
0xfb: {  	v20 =	vadd.f32 v21, v20;
	[tilespmem:$0x1FE10] =	vst v17  }
0xfc: {  	v16 =	vld [tilespmem:s13+$0x420];
	[tilespmem:s6+$0x420] =	vst v4  }
0xfd: {  	v19 =	vld [tilespmem:s13+$0x6420];
	v1 =	vadd.f32 v26, v24;
	[tilespmem:$0x1FE20] =	vst v20  }
0xfe: {  	v21 =	vld [tilespmem:s13+$0x430];
	[tilespmem:s6+$0x430] =	vst v15  }
0xff: {  	v22 =	vld [tilespmem:s6+$0x440];
	[tilespmem:$0x1FE30] =	vst v1  }
0x100: {  	v28 =	vld [tilespmem:s6+$0x6440];
	[tilespmem:s6+$0x450] =	vst v17  }
0x101: {  	v18 =	vld [tilespmem:s13+$0x400];
	[tilespmem:$0x1FD00] =	vst v16  }
0x102: {  	v25 =	vld [tilespmem:s13+$0x410];
	[tilespmem:$0x1FD10] =	vst v19  }
0x103: {  	v23 =	vld [tilespmem:s13+$0x6400];
	[tilespmem:$0x1FD20] =	vst v21  }
0x104: {  	v2 =	vld [tilespmem:s13+$0x6430]  }
0x105: {  	v24 =	vadd.f32 v28, v22;
	[tilespmem:s6+$0x460] =	vst v20;
	v20 =	vld [tilespmem:s13+$0x440]  }
0x106: {  	s7 =	sor.u32 s30, s16;
	[tilespmem:s6+$0x470] =	vst v1;
	v19 =	vld [tilespmem:s13+$0x6440]  }
0x107: {  	[tilespmem:s6+$0x440] =	vst v24;
	v10 =	vld [tilespmem:s7+$0x400]  }
0x108: {  	v26 =	vadd.f32 $0.0e+00, v37;
	v28 =	vmul.f32 v37, v37;
	v7 =	vld [tilespmem:s7+$0x6400]  }
0x109: {  	v37 =	vadd.f32 $0.0e+00, v39;
	v22 =	vmul.f32 v43, v43;
	v15 =	vmul.f32 v34, v34;
	v11 =	vld [tilespmem:s7+$0x410]  }
0x10a: {  	v3 =	vadd.f32 v34, v26;
	v17 =	vmul.f32 v36, v36;
	v16 =	vmul.f32 v39, v39;
	v39 =	vld [tilespmem:s7+$0x6410]  }
0x10b: {  	v6 =	vadd.f32 v36, v37;
	v26 =	vmul.f32 v38, v38;
	v4 =	vmul.f32 v40, v40;
	v0 =	vld [tilespmem:s7+$0x420]  }
0x10c: {  	v5 =	vadd.f32 v15, v28;
	v15 =	vmul.f32 v63, v63;
	v3 =	vadd.f32 v63, v3;
	v63 =	vld [tilespmem:s7+$0x430]  }
0x10d: {  	v6 =	vadd.f32 v62, v6;
	v8 =	vadd.f32 v17, v16;
	v16 =	vmul.f32 v62, v62;
	v62 =	vld [tilespmem:s7+$0x6430]  }
0x10e: {  	v28 =	vmul.f32 v41, v41;
	v34 =	vadd.f32 v26, v22;
	v21 =	vadd.f32 $0.0e+00, v43;
	v43 =	vld [tilespmem:s7+$0x450]  }
0x10f: {  	v22 =	vmul.f32 v44, v44;
	[tilespmem:$0x1FE00] =	vst v24;
	v24 =	vadd.f32 $0.0e+00, v41;
	v3 =	vadd.f32 v44, v3;
	v44 =	vld [tilespmem:s7+$0x6450]  }
0x110: {  	v9 =	vadd.f32 v38, v21;
	v38 =	vadd.f32 v4, v28;
	v28 =	vld [tilespmem:s7+$0x6460]  }
0x111: {  	v36 =	vadd.f32 v40, v24;
	v40 =	vld [tilespmem:s7+$0x6420]  }
0x112: {  	v5 =	vadd.f32 v15, v5;
	v6 =	vadd.f32 v42, v6;
	v24 =	vmul.f32 v42, v42;
	v42 =	vld [tilespmem:s7+$0x460]  }
0x113: {  	v17 =	vmul.f32 v60, v60;
	v21 =	vmul.f32 v45, v45;
	v9 =	vadd.f32 v60, v9;
	v60 =	vld [tilespmem:s7+$0x440]  }
0x114: {  	v6 =	vadd.f32 v47, v6;
	v8 =	vadd.f32 v16, v8;
	v16 =	vld [tilespmem:s7+$0x470]  }
0x115: {  	v26 =	vmul.f32 v46, v46;
	v34 =	vadd.f32 v17, v34;
	v38 =	vadd.f32 v21, v38;
	v21 =	vld [tilespmem:s7+$0x6470]  }
0x116: {  	v36 =	vadd.f32 v45, v36;
	v8 =	vadd.f32 v24, v8;
	v24 =	vld [tilespmem:s7+$0x6440]  }
0x117: {  	v34 =	vadd.f32 v26, v34;
	v26 =	vmul.f32 v47, v47;
	v47 =	vld [tilespmem:s13+$0x6470];
	v37 =	vadd.f32 v7, v10  }
0x118: {  	v17 =	vadd.f32 v48, v36;
	v45 =	vadd.f32 v62, v63;
	v62 =	vld [tilespmem:s13+$0x450]  }
0x119: {  	v15 =	vmul.f32 v48, v48;
	v36 =	vadd.f32 v39, v11;
	v39 =	vadd.f32 v44, v43;
	v43 =	vld [tilespmem:s13+$0x6450]  }
0x11a: {  	v5 =	vadd.f32 v22, v5;
	v3 =	vadd.f32 v58, v3;
	v44 =	vld [tilespmem:s13+$0x470];
	[tilespmem:s7+$0x400] =	vst v37  }
0x11b: {  	v22 =	vmul.f32 v58, v58;
	v9 =	vadd.f32 v46, v9;
	v7 =	vadd.f32 v15, v38;
	v15 =	vld [tilespmem:$0x1FC80];
	[tilespmem:s7+$0x410] =	vst v36  }
0x11c: {  	v38 =	vadd.f32 v40, v0;
	v40 =	vadd.f32 v28, v42;
	v42 =	vld [tilespmem:s13+$0x460];
	v28 =	vmul.f32 v54, v54;
	[tilespmem:s7+$0x430] =	vst v45  }
0x11d: {  	v0 =	vadd.f32 v22, v5;
	v5 =	vadd.f32 v26, v8;
	v22 =	vld [tilespmem:s13+$0x6460];
	[tilespmem:s7+$0x450] =	vst v39  }
0x11e: {  	v26 =	vld [tilespmem:$0x1FCA0];
	v41 =	vadd.f32 v21, v16;
	[tilespmem:s7+$0x420] =	vst v38;
	v8 =	vadd.f32 v28, v34  }
0x11f: {  	[tilespmem:s7+$0x460] =	vst v40;
	v34 =	vadd.f32 v50, v17;
	v17 =	vld [tilespmem:$0x1FC90];
	v58 =	vadd.f32 v24, v60  }
0x120: {  	s14 =	sor.u32 s30, s17;
	[tilespmem:s7+$0x470] =	vst v41;
	v60 =	vld [tilespmem:$0x1FC70]  }
0x121: {  	v9 =	vadd.f32 v54, v9;
	v54 =	vmul.f32 v50, v50;
	v24 =	vld [tilespmem:s14+$0x400];
	[tilespmem:s7+$0x440] =	vst v58  }
0x122: {  	v50 =	vld [tilespmem:s14+$0x6400]  }
0x123: {  	v7 =	vadd.f32 v54, v7;
	v34 =	vadd.f32 v26, v34;
	v54 =	vld [tilespmem:s14+$0x410]  }
0x124: {  	v16 =	vmul.f32 v15, v15;
	v6 =	vadd.f32 v15, v6;
	v46 =	vld [tilespmem:s14+$0x6440]  }
0x125: {  	v15 =	vmul.f32 v49, v49;
	v28 =	vmul.f32 v26, v26;
	v34 =	vadd.f32 v49, v34;
	v49 =	vld [tilespmem:s14+$0x6430]  }
0x126: {  	v21 =	vmul.f32 v17, v17;
	v9 =	vadd.f32 v17, v9;
	v17 =	vld [tilespmem:$0x1FCB0]  }
0x127: {  	v7 =	vadd.f32 v28, v7;
	v28 =	vld [tilespmem:$0x1FCC0]  }
0x128: {  	v63 =	vmul.f32 v60, v60;
	v3 =	vadd.f32 v60, v3;
	v60 =	vld [tilespmem:s14+$0x6410]  }
0x129: {  	v8 =	vadd.f32 v21, v8;
	v21 =	vld [tilespmem:s14+$0x6420]  }
0x12a: {  	v1 =	vmul.f32 v51, v51;
	v9 =	vadd.f32 v51, v9;
	v51 =	vld [tilespmem:s14+$0x430]  }
0x12b: {  	v48 =	vmul.f32 v55, v55;
	v5 =	vadd.f32 v16, v5;
	v7 =	vadd.f32 v15, v7;
	v15 =	vld [tilespmem:s14+$0x6470]  }
0x12c: {  	v0 =	vadd.f32 v63, v0;
	v3 =	vadd.f32 v55, v3;
	v63 =	vmul.f32 v53, v53;
	v55 =	vld [tilespmem:s14+$0x420]  }
0x12d: {  	v6 =	vadd.f32 v53, v6;
	v16 =	vmul.f32 v14, v14;
	v53 =	vld [tilespmem:$0x1FCD0];
	v8 =	vadd.f32 v1, v8  }
0x12e: {  	v0 =	vadd.f32 v48, v0;
	v5 =	vadd.f32 v63, v5;
	v26 =	vmul.f32 v17, v17;
	v63 =	vld [tilespmem:s14+$0x440]  }
0x12f: {  	v3 =	vadd.f32 v14, v3;
	v48 =	vmul.f32 v28, v28;
	v9 =	vadd.f32 v28, v9;
	v28 =	vld [tilespmem:s14+$0x6450]  }
0x130: {  	v6 =	vadd.f32 v17, v6;
	v5 =	vadd.f32 v26, v5;
	v26 =	vld [tilespmem:s14+$0x450]  }
0x131: {  	v0 =	vadd.f32 v16, v0;
	v16 =	vmul.f32 v52, v52;
	v3 =	vadd.f32 v52, v3;
	v52 =	vld [tilespmem:s14+$0x460]  }
0x132: {  	v8 =	vadd.f32 v48, v8;
	v48 =	vmul.f32 v13, v13;
	v9 =	vadd.f32 v13, v9;
	v13 =	vld [tilespmem:$0x1FD00]  }
0x133: {  	s19 =	sadd.s32 $0x100, s15;
	v17 =	vmul.f32 v12, v12;
	v4 =	vmul.f32 v53, v53;
	v14 =	vadd.f32 v53, v34;
	v53 =	vld [tilespmem:$0x1FCE0]  }
0x134: {  	s0 =	sand.u32 $0x300, s19;
	v6 =	vadd.f32 v12, v6;
	v34 =	vld [tilespmem:s14+$0x6460]  }
0x135: {  	s28 =	sor.u32 s31, s0;
	v10 =	vmul.f32 v61, v61;
	v0 =	vadd.f32 v16, v0;
	v5 =	vadd.f32 v17, v5;
	v17 =	vld [tilespmem:s14+$0x470]  }
0x136: {  	v8 =	vadd.f32 v48, v8;
	v61 =	vadd.f32 v61, v3;
	v16 =	vld [tilespmem:s28+$0x400]  }
0x137: {  	v48 =	vmul.f32 v57, v57;
	v7 =	vadd.f32 v4, v7;
	v11 =	vadd.f32 v10, v0;
	v10 =	vld [tilespmem:$0x1FCF0]  }
0x138: {  	v4 =	vmul.f32 v53, v53;
	v12 =	vadd.f32 v53, v14;
	v14 =	vmul.f32 v59, v59;
	v53 =	vld [tilespmem:s28+$0x6400]  }
0x139: {  	v59 =	vadd.f32 v59, v6;
	v6 =	vadd.f32 v48, v8;
	v48 =	vld [tilespmem:s28+$0x6420]  }
0x13a: {  	v3 =	vadd.f32 v14, v5;
	v5 =	vadd.f32 v57, v9;
	v57 =	vld [tilespmem:s28+$0x410]  }
0x13b: {  	v1 =	vmul.f32 v56, v56;
	v14 =	vld [tilespmem:$0x1FD10]  }
0x13c: {  	v8 =	vadd.f32 v56, v12;
	v12 =	vadd.f32 v23, v18;
	v18 =	vld [tilespmem:$0x1FD20]  }
0x13d: {  	v7 =	vadd.f32 v4, v7;
	v56 =	vld [tilespmem:s28+$0x6410];
	v25 =	vadd.f32 v10, v25  }
0x13e: {  	v23 =	vld [tilespmem:s28+$0x420];
	v4 =	vadd.f32 v19, v20  }
0x13f: {  	v19 =	vld [tilespmem:s28+$0x430];
	v7 =	vadd.f32 v1, v7;
	[tilespmem:$0x1FEB0] =	vst v12;
	v1 =	vmov v25  }
0x140: {  	[tilespmem:$0x1FEF0] =	vst v4;
	v59 =	vadd.f32 v1, v59;
	v1 =	vld [tilespmem:s28+$0x810];
	v10 =	vadd.f32 v14, v13  }
0x141: {  	v9 =	vadd.f32 v2, v18;
	v13 =	vmul.f32 v12, v12;
	v2 =	vmovc v12;
	v12 =	vadd.f32 v43, v62;
	v62 =	vld [tilespmem:s28+$0x6430]  }
0x142: {  	[tilespmem:$0x1FEC0] =	vst v25;
	v14 =	vmul.f32 v25, v25;
	v43 =	vmul.f32 v4, v4;
	v18 =	vld [tilespmem:s28+$0x440]  }
0x143: {  	v25 =	vmovc v4;
	v4 =	vld [tilespmem:s28+$0x6440];
	v20 =	vmul.f32 v10, v10;
	v11 =	vadd.f32 v13, v11;
	v13 =	vmul.f32 v9, v9  }
0x144: {  	[tilespmem:$0x1FEE0] =	vst v9;
	v3 =	vadd.f32 v14, v3;
	v0 =	vmul.f32 v12, v12;
	v8 =	vadd.f32 v9, v8;
	v9 =	vld [tilespmem:$0x1FFC0]  }
0x145: {  	v20 =	vadd.f32 v20, v6;
	v43 =	vadd.f32 v43, v11;
	v11 =	vld [tilespmem:s28+$0x450]  }
0x146: {  	v6 =	vadd.f32 v0, v3;
	v3 =	vadd.f32 v22, v42;
	v22 =	vld [tilespmem:s28+$0x6450]  }
0x147: {  	[tilespmem:$0x1FF00] =	vst v12;
	v14 =	vmov v12;
	v12 =	vadd.f32 v50, v24;
	v50 =	vld [tilespmem:s28+$0x460]  }
0x148: {  	v0 =	vadd.f32 v47, v44;
	v47 =	vadd.f32 v60, v54;
	v54 =	vld [tilespmem:s28+$0x6460]  }
0x149: {  	v7 =	vadd.f32 v13, v7;
	v13 =	vadd.f32 v21, v55;
	v55 =	vld [tilespmem:s28+$0x470]  }
0x14a: {  	v60 =	vld [tilespmem:s28+$0x6470]  }
0x14b: {  	v24 =	vadd.f32 v2, v61;
	v2 =	vld [tilespmem:s28+$0x6800];
	v44 =	vadd.f32 v14, v59  }
0x14c: {  	[tilespmem:$0x1FED0] =	vst v10;
	v14 =	vadd.f32 v28, v26;
	v26 =	vadd.f32 v62, v19;
	v19 =	vld [tilespmem:s28+$0x850]  }
0x14d: {  	[tilespmem:$0x1FF10] =	vst v3;
	v42 =	vadd.f32 v25, v24;
	v24 =	vld [tilespmem:s28+$0x800]  }
0x14e: {  	[tilespmem:$0x1FF20] =	vst v0;
	v59 =	vadd.f32 v6, v43;
	v43 =	vld [tilespmem:$0x1FFD0]  }
0x14f: {  	[tilespmem:s14+$0x400] =	vst v12;
	v6 =	vld [tilespmem:s28+$0x6860]  }
0x150: {  	[tilespmem:s14+$0x410] =	vst v47;
	v25 =	vmul.f32 v3, v3;
	v61 =	vadd.f32 v44, v42;
	v42 =	vadd.f32 v46, v63;
	v46 =	vld [tilespmem:s28+$0x6810]  }
0x151: {  	v5 =	vadd.f32 v10, v5;
	[tilespmem:s14+$0x420] =	vst v13;
	v28 =	vmul.f32 v0, v0;
	v44 =	vadd.f32 v49, v51;
	v49 =	vld [tilespmem:s28+$0x820]  }
0x152: {  	[tilespmem:s14+$0x450] =	vst v14;
	v20 =	vadd.f32 v25, v20;
	v25 =	vadd.f32 v34, v52;
	v34 =	vld [tilespmem:s28+$0x6820]  }
0x153: {  	[tilespmem:$0x1FE70] =	vst v26;
	v21 =	vadd.f32 v28, v7;
	v28 =	vadd.f32 v15, v17;
	v15 =	vld [tilespmem:s28+$0x830]  }
0x154: {  	[tilespmem:s28+$0x430] =	vst v26;
	v17 =	vld [tilespmem:s28+$0x6830]  }
0x155: {  	v5 =	vadd.f32 v3, v5;
	v51 =	vadd.f32 v53, v16;
	v16 =	vld [tilespmem:s28+$0x6840];
	[tilespmem:s14+$0x430] =	vst v44  }
0x156: {  	v8 =	vadd.f32 v0, v8;
	v63 =	vadd.f32 v48, v23;
	v48 =	vld [tilespmem:s28+$0x6850];
	[tilespmem:s14+$0x440] =	vst v42  }
0x157: {  	v23 =	vld [tilespmem:$0x1FFC0];
	[tilespmem:s14+$0x460] =	vst v25  }
0x158: {  	v8 =	vadd.f32 v8, v5;
	v53 =	vadd.f32 v56, v57;
	v7 =	vld [tilespmem:s28+$0x870];
	[tilespmem:s14+$0x470] =	vst v28  }
0x159: {  	v62 =	vadd.f32 v22, v11;
	v11 =	vld [tilespmem:s28+$0x6870];
	[tilespmem:s28+$0x400] =	vst v51  }
0x15a: {  	v22 =	vld [tilespmem:$0x1FD30];
	v8 =	vadd.f32 v8, v61;
	[tilespmem:s28+$0x410] =	vst v53  }
0x15b: {  	v60 =	vadd.f32 v60, v55;
	v20 =	vadd.f32 v21, v20;
	v21 =	vld [tilespmem:s28+$0x840];
	[tilespmem:s28+$0x420] =	vst v63  }
0x15c: {  	s30 =	sor.u32 s30, s18;
	v61 =	vadd.f32 v4, v18;
	v18 =	vld [tilespmem:$0x1FFD0];
	[tilespmem:s28+$0x450] =	vst v62;
	v55 =	vadd.f32 v2, v24;
	v10 =	vperm.xlane v8, v9  }
0x15d: {  	[tilespmem:s28+$0x470] =	vst v60;
	v0 =	vadd.f32 v20, v59;
	v9 =	vld [tilespmem:s30+$0x410];
	v56 =	vadd.f32 v46, v1  }
0x15e: {  	[tilespmem:s28+$0x440] =	vst v61;
	v57 =	vadd.f32 v34, v49;
	v34 =	vld [tilespmem:$0x1FD40];
	v8 =	vadd.f32 v8, v10  }
0x15f: {  	v59 =	vadd.f32 v54, v50;
	[tilespmem:s28+$0x800] =	vst v55;
	v54 =	vadd.f32 v17, v15;
	v17 =	vld [tilespmem:s30+$0x6410]  }
0x160: {  	[tilespmem:s28+$0x810] =	vst v56;
	v4 =	vperm.xlane v8, v43;
	v43 =	vld [tilespmem:s28+$0x860]  }
0x161: {  	v26 =	vperm.xlane v0, v23;
	v10 =	vld [tilespmem:s30+$0x6400];
	[tilespmem:s28+$0x820] =	vst v57  }
0x162: {  	s29 =	sor.u32 s0, s23;
	v50 =	vadd.f32 v48, v19;
	v52 =	vadd.f32 v16, v21;
	[tilespmem:s28+$0x830] =	vst v54;
	v21 =	vld [tilespmem:s30+$0x400]  }
0x163: {  	[tilespmem:s28+$0x460] =	vst v59;
	v20 =	vadd.f32 v11, v7;
	v0 =	vadd.f32 v26, v0;
	v15 =	vld [tilespmem:s29+$0x400]  }
0x164: {  	[tilespmem:s28+$0x850] =	vst v50;
	v4 =	vadd.f32 v8, v4;
	v8 =	vld [tilespmem:$0x1FFE0]  }
0x165: {  	[tilespmem:s28+$0x870] =	vst v20;
	v1 =	vperm.xlane v0, v18;
	v18 =	vld [tilespmem:$0x1FDE0];
	v49 =	vadd.f32 v6, v43;
	v43 =	vadd.f32 $0.0e+00, v34  }
0x166: {  	v23 =	vadd.f32 $0.0e+00, v22;
	[tilespmem:s28+$0x840] =	vst v52;
	v6 =	vld [tilespmem:$0x1FD50]  }
0x167: {  	v48 =	vmul.f32 v29, v29;
	v0 =	vadd.f32 v1, v0;
	[tilespmem:s28+$0x860] =	vst v49;
	v3 =	vadd.f32 v29, v43;
	v29 =	vld [tilespmem:$0x1FD60]  }
0x168: {  	[tilespmem:$0x1FE40] =	vst v21;
	v21 =	vld [tilespmem:s29+$0x6400]  }
0x169: {  	v26 =	vmul.f32 v27, v27;
	[tilespmem:$0x1FE50] =	vst v0;
	v0 =	vadd.f32 v27, v23;
	v27 =	vld [tilespmem:s29+$0x440]  }
0x16a: {  	v46 =	vmul.f32 v34, v34;
	v2 =	vperm.xlane v4, v8;
	v5 =	vld [tilespmem:s29+$0x450]  }
0x16b: {  	v11 =	vmul.f32 v31, v31;
	v1 =	vld [tilespmem:s29+$0x460]  }
0x16c: {  	v2 =	vadd.f32 v4, v2;
	v4 =	vadd.f32 v48, v46;
	v48 =	vld [tilespmem:$0x1FD70];
	v8 =	vmul.f32 v6, v6  }
0x16d: {  	v24 =	vmul.f32 v22, v22;
	v7 =	vadd.f32 $0.0e+00, v6;
	v6 =	vld [tilespmem:s29+$0x6440]  }
0x16e: {  	v46 =	vmul.f32 v30, v30;
	v43 =	vmul.f32 v29, v29;
	v19 =	vadd.f32 v11, v8;
	v11 =	vld [tilespmem:$0x1FD80]  }
0x16f: {  	[tilespmem:$0x1FE60] =	vst v2;
	v2 =	vadd.f32 v26, v24;
	v26 =	vld [tilespmem:s29+$0x410]  }
0x170: {  	v23 =	vadd.f32 v46, v43;
	v43 =	vld [tilespmem:$0x1FD90]  }
0x171: {  	v24 =	vld [tilespmem:s29+$0x6470];
	v34 =	vadd.f32 $0.0e+00, v29  }
0x172: {  	v8 =	vmul.f32 v48, v48;
	v0 =	vadd.f32 v48, v0;
	v48 =	vld [tilespmem:$0x1FDA0]  }
0x173: {  	v16 =	vadd.f32 v31, v7;
	v31 =	vld [tilespmem:s29+$0x6410];
	v22 =	vadd.f32 v30, v34;
	v34 =	vmul.f32 v11, v11  }
0x174: {  	v29 =	vld [tilespmem:s29+$0x6420];
	v2 =	vadd.f32 v8, v2;
	v3 =	vadd.f32 v11, v3;
	v11 =	vmul.f32 v33, v33  }
0x175: {  	v46 =	vmul.f32 v43, v43;
	v4 =	vadd.f32 v34, v4;
	v34 =	vld [tilespmem:s29+$0x430]  }
0x176: {  	v2 =	vadd.f32 v11, v2;
	v11 =	vld [tilespmem:$0x1FDC0]  }
0x177: {  	v8 =	vmul.f32 v48, v48;
	v19 =	vadd.f32 v46, v19;
	v46 =	vld [tilespmem:$0x1FDB0]  }
0x178: {  	v0 =	vadd.f32 v33, v0;
	v16 =	vadd.f32 v43, v16;
	v43 =	vld [tilespmem:s29+$0x6430]  }
0x179: {  	v30 =	vld [tilespmem:s29+$0x420];
	v23 =	vadd.f32 v8, v23;
	v8 =	vmul.f32 v35, v35  }
0x17a: {  	v35 =	vadd.f32 v35, v0;
	v0 =	vld [tilespmem:$0x1FE10]  }
0x17b: {  	v22 =	vadd.f32 v48, v22;
	v2 =	vadd.f32 v8, v2;
	v8 =	vld [tilespmem:s30+$0x420]  }
0x17c: {  	v33 =	vmul.f32 v11, v11;
	v48 =	vmul.f32 v46, v46;
	v3 =	vadd.f32 v46, v3;
	v46 =	vld [tilespmem:$0x1FDD0]  }
0x17d: {  	v16 =	vadd.f32 v11, v16;
	v7 =	vadd.f32 v43, v34;
	v43 =	vld [tilespmem:s30+$0x6420]  }
0x17e: {  	[tilespmem:$0x1FE80] =	vst v20;
	v20 =	vadd.f32 v33, v19;
	v19 =	vld [tilespmem:s29+$0x6450];
	v33 =	vadd.f32 v21, v15  }
0x17f: {  	v11 =	vmul.f32 v32, v32;
	v21 =	vld [tilespmem:s29+$0x470];
	v4 =	vadd.f32 v48, v4;
	v3 =	vadd.f32 v32, v3  }
0x180: {  	v15 =	vld [tilespmem:s29+$0x6460];
	[tilespmem:$0x1FE90] =	vst v7;
	v16 =	vadd.f32 v18, v16;
	v32 =	vadd.f32 v6, v27  }
0x181: {  	[tilespmem:s29+$0x430] =	vst v7;
	v27 =	vld [tilespmem:$0x1FE00];
	v4 =	vadd.f32 v11, v4;
	v3 =	vadd.f32 v0, v3;
	v48 =	vmul.f32 v46, v46  }
0x182: {  	[tilespmem:s29+$0x400] =	vst v33;
	v11 =	vld [tilespmem:s30+$0x6430];
	v22 =	vadd.f32 v46, v22;
	v46 =	vadd.f32 v31, v26  }
0x183: {  	[tilespmem:s29+$0x440] =	vst v32;
	v23 =	vadd.f32 v48, v23;
	v48 =	vadd.f32 v29, v30;
	v29 =	vmul.f32 v18, v18;
	v30 =	vld [tilespmem:s30+$0x430]  }
0x184: {  	v34 =	vadd.f32 v19, v5;
	[tilespmem:s29+$0x410] =	vst v46;
	v18 =	vadd.f32 v24, v21;
	v24 =	vld [tilespmem:s30+$0x6440]  }
0x185: {  	s4 =	sor.u32 s0, s16;
	v31 =	vadd.f32 v15, v1;
	v19 =	vmul.f32 v0, v0;
	[tilespmem:s29+$0x420] =	vst v48;
	v6 =	vadd.f32 v29, v20;
	v20 =	vld [tilespmem:$0x1FDF0]  }
0x186: {  	[tilespmem:s29+$0x450] =	vst v34;
	v21 =	vadd.f32 v27, v35;
	v29 =	vmul.f32 v27, v27;
	v7 =	vld [tilespmem:s4+$0x410]  }
0x187: {  	v3 =	vadd.f32 v36, v3;
	[tilespmem:s29+$0x460] =	vst v31;
	v4 =	vadd.f32 v19, v4;
	v19 =	vmul.f32 v36, v36;
	v36 =	vld [tilespmem:s4+$0x420]  }
0x188: {  	[tilespmem:s29+$0x470] =	vst v18;
	v21 =	vadd.f32 v37, v21;
	v1 =	vadd.f32 v29, v2;
	v29 =	vld [tilespmem:$0x1FE20]  }
0x189: {  	v3 =	vadd.f32 v39, v3;
	v4 =	vadd.f32 v19, v4;
	v19 =	vmul.f32 v39, v39;
	v39 =	vld [tilespmem:s4+$0x440]  }
0x18a: {  	v0 =	vmul.f32 v58, v58;
	v21 =	vadd.f32 v58, v21;
	v58 =	vld [tilespmem:s4+$0x6430];
	v26 =	vmul.f32 v20, v20  }
0x18b: {  	v20 =	vadd.f32 v20, v22;
	v22 =	vld [tilespmem:$0x1FE30]  }
0x18c: {  	v5 =	vadd.f32 v26, v23;
	v23 =	vld [tilespmem:s30+$0x440]  }
0x18d: {  	v35 =	vmul.f32 v29, v29;
	v26 =	vld [tilespmem:s4+$0x400];
	v16 =	vadd.f32 v29, v16  }
0x18e: {  	v21 =	vadd.f32 v12, v21;
	v29 =	vmul.f32 v37, v37;
	v37 =	vld [tilespmem:s4+$0x6410]  }
0x18f: {  	v27 =	vmul.f32 v38, v38;
	v2 =	vadd.f32 v35, v6;
	v35 =	vld [tilespmem:s4+$0x6400];
	v16 =	vadd.f32 v38, v16  }
0x190: {  	v1 =	vadd.f32 v29, v1;
	v38 =	vld [tilespmem:s4+$0x6420];
	v20 =	vadd.f32 v22, v20  }
0x191: {  	v2 =	vadd.f32 v27, v2;
	v27 =	vmul.f32 v40, v40;
	v16 =	vadd.f32 v40, v16;
	v40 =	vld [tilespmem:s4+$0x6440]  }
0x192: {  	v15 =	vmul.f32 v22, v22;
	v1 =	vadd.f32 v0, v1;
	v0 =	vmul.f32 v12, v12;
	v12 =	vld [tilespmem:s4+$0x6450]  }
0x193: {  	v4 =	vadd.f32 v19, v4;
	v29 =	vmul.f32 v45, v45;
	v20 =	vadd.f32 v45, v20;
	v45 =	vld [tilespmem:s4+$0x430]  }
0x194: {  	v5 =	vadd.f32 v15, v5;
	v22 =	vadd.f32 v37, v7;
	v7 =	vld [tilespmem:s30+$0x460]  }
0x195: {  	v2 =	vadd.f32 v27, v2;
	v27 =	vmul.f32 v47, v47;
	v1 =	vadd.f32 v0, v1;
	v0 =	vld [tilespmem:s4+$0x460]  }
0x196: {  	v5 =	vadd.f32 v29, v5;
	v29 =	vmul.f32 v41, v41;
	v20 =	vadd.f32 v41, v20;
	v41 =	vld [tilespmem:s4+$0x450]  }
0x197: {  	v47 =	vadd.f32 v47, v3;
	v19 =	vadd.f32 v35, v26;
	v26 =	vld [tilespmem:s4+$0x6460]  }
0x198: {  	v16 =	vadd.f32 v13, v16;
	v35 =	vld [tilespmem:s4+$0x470];
	v15 =	vadd.f32 v27, v4  }
0x199: {  	v27 =	vadd.f32 v38, v36;
	v5 =	vadd.f32 v29, v5;
	v29 =	vmul.f32 v13, v13;
	v13 =	vld [tilespmem:s4+$0x6470]  }
0x19a: {  	[tilespmem:$0x1FEA0] =	vst v18;
	v3 =	vmul.f32 v44, v44;
	v20 =	vadd.f32 v44, v20;
	v44 =	vld [tilespmem:s30+$0x450];
	v38 =	vadd.f32 v40, v39  }
0x19b: {  	[tilespmem:s4+$0x410] =	vst v22;
	v40 =	vld [tilespmem:s30+$0x6450];
	v2 =	vadd.f32 v29, v2;
	v29 =	vadd.f32 v58, v45  }
0x19c: {  	[tilespmem:s4+$0x400] =	vst v19;
	v58 =	vld [tilespmem:$0x1FE40];
	v39 =	vadd.f32 v26, v0;
	v26 =	vadd.f32 v14, v47;
	v47 =	vmul.f32 v14, v14  }
0x19d: {  	[tilespmem:s4+$0x420] =	vst v27;
	v37 =	vadd.f32 v12, v41;
	v41 =	vld [tilespmem:s30+$0x6460]  }
0x19e: {  	s5 =	sor.u32 s0, s17;
	v18 =	vmul.f32 v42, v42;
	[tilespmem:s4+$0x430] =	vst v29;
	v0 =	vadd.f32 v47, v15;
	v15 =	vld [tilespmem:s30+$0x6470]  }
0x19f: {  	[tilespmem:s4+$0x440] =	vst v38;
	v36 =	vadd.f32 v13, v35;
	v35 =	vld [tilespmem:s5+$0x400]  }
0x1a0: {  	v1 =	vadd.f32 v18, v1;
	v4 =	vadd.f32 v17, v9;
	[tilespmem:s4+$0x450] =	vst v37;
	v45 =	vld [tilespmem:s5+$0x410]  }
0x1a1: {  	v16 =	vadd.f32 v25, v16;
	v12 =	vadd.f32 v24, v23;
	[tilespmem:s4+$0x460] =	vst v39;
	v23 =	vld [tilespmem:s5+$0x420]  }
0x1a2: {  	v5 =	vadd.f32 v3, v5;
	v18 =	vadd.f32 v40, v44;
	v40 =	vld [tilespmem:s5+$0x430]  }
0x1a3: {  	v6 =	vmul.f32 v25, v25;
	v9 =	vadd.f32 v28, v20;
	v3 =	vadd.f32 v10, v58;
	v10 =	vld [tilespmem:s30+$0x470];
	[tilespmem:s4+$0x470] =	vst v36  }
0x1a4: {  	v20 =	vadd.f32 v11, v30;
	v13 =	vmul.f32 v28, v28;
	v28 =	vmul.f32 v4, v4;
	v25 =	vld [tilespmem:s5+$0x6400]  }
0x1a5: {  	v42 =	vadd.f32 v42, v21;
	v21 =	vadd.f32 v43, v8;
	v8 =	vld [tilespmem:s5+$0x6410]  }
0x1a6: {  	v5 =	vadd.f32 v13, v5;
	v0 =	vadd.f32 v28, v0;
	v28 =	vmul.f32 v20, v20;
	v24 =	vld [tilespmem:s5+$0x6420]  }
0x1a7: {  	v2 =	vadd.f32 v6, v2;
	v47 =	vmul.f32 v18, v18;
	v43 =	vld [tilespmem:s5+$0x6430]  }
0x1a8: {  	v6 =	vadd.f32 v41, v7;
	v14 =	vmul.f32 v3, v3;
	v5 =	vadd.f32 v28, v5;
	v28 =	vld [tilespmem:s5+$0x450]  }
0x1a9: {  	v58 =	vmul.f32 v21, v21;
	v7 =	vadd.f32 v47, v0;
	v47 =	vadd.f32 v4, v26;
	v26 =	vld [tilespmem:s5+$0x460]  }
0x1aa: {  	[tilespmem:$0x1FF40] =	vst v4;
	v30 =	vmul.f32 v12, v12;
	v4 =	vld [tilespmem:s5+$0x6470];
	v1 =	vadd.f32 v14, v1;
	v11 =	vadd.f32 v15, v10  }
0x1ab: {  	v2 =	vadd.f32 v58, v2;
	v41 =	vmul.f32 v6, v6;
	v15 =	vld [tilespmem:s5+$0x440]  }
0x1ac: {  	v10 =	vadd.f32 v30, v1;
	v30 =	vld [tilespmem:s5+$0x6450];
	v58 =	vmul.f32 v11, v11  }
0x1ad: {  	v44 =	vadd.f32 v41, v2;
	v2 =	vld [tilespmem:s5+$0x6440];
	v14 =	vadd.f32 v8, v45  }
0x1ae: {  	v45 =	vadd.f32 v3, v42;
	v5 =	vadd.f32 v58, v5;
	v58 =	vld [tilespmem:s5+$0x6460]  }
0x1af: {  	v16 =	vadd.f32 v21, v16;
	v13 =	vadd.f32 v25, v35;
	v25 =	vld [tilespmem:$0x1FFE0]  }
0x1b0: {  	v17 =	vadd.f32 v24, v23;
	v23 =	vadd.f32 v12, v45;
	v45 =	vld [tilespmem:s5+$0x470]  }
0x1b1: {  	v9 =	vadd.f32 v20, v9;
	[tilespmem:$0x1FF50] =	vst v12;
	v41 =	vadd.f32 v30, v28;
	v28 =	vld [tilespmem:$0x1FE50]  }
0x1b2: {  	[tilespmem:$0x1FF60] =	vst v18;
	v42 =	vadd.f32 v43, v40;
	v43 =	vadd.f32 v5, v44;
	v44 =	vld [tilespmem:$0x1FFF0]  }
0x1b3: {  	[tilespmem:$0x1FF80] =	vst v11;
	v9 =	vadd.f32 v11, v9;
	v11 =	vadd.f32 v58, v26;
	v58 =	vld [tilespmem:$0x1FE60]  }
0x1b4: {  	[tilespmem:$0x1FF30] =	vst v3;
	v16 =	vadd.f32 v6, v16;
	v24 =	vadd.f32 v18, v47;
	v26 =	vld [tilespmem:$0x1FFC0]  }
0x1b5: {  	s6 =	sadd.s32 $0x180, s15;
	[tilespmem:$0x1FF70] =	vst v6;
	v35 =	vmul.f32 v61, v61;
	v10 =	vadd.f32 v7, v10;
	v7 =	vld [tilespmem:$0x1FFC0]  }
0x1b6: {  	s6 =	sand.u32 $0x380, s6;
	[tilespmem:s5+$0x400] =	vst v13;
	v9 =	vadd.f32 v9, v16;
	v16 =	vmul.f32 v51, v51;
	v23 =	vadd.f32 v24, v23  }
0x1b7: {  	s2 =	sor.u32 s31, s6;
	[tilespmem:s5+$0x410] =	vst v14;
	v40 =	vadd.f32 v2, v15;
	v5 =	vld [tilespmem:$0x1FFF0];
	v10 =	vadd.f32 v43, v10;
	v30 =	vperm.xlane v28, v25  }
0x1b8: {  	[tilespmem:s5+$0x420] =	vst v17;
	v16 =	vadd.f32 v35, v16;
	v35 =	vld [tilespmem:s2+$0x410];
	v9 =	vadd.f32 v9, v23  }
0x1b9: {  	s0 =	sor.u32 s0, s18;
	[tilespmem:s5+$0x430] =	vst v42;
	v8 =	vadd.f32 v30, v28;
	v3 =	vperm.xlane v58, v44;
	v28 =	vperm.xlane v10, v26;
	v26 =	vld [tilespmem:$0x1FFD0]  }
0x1ba: {  	[tilespmem:s5+$0x440] =	vst v40;
	v12 =	vadd.f32 v4, v45;
	v43 =	vld [tilespmem:s0+$0x400];
	v18 =	vperm.xlane v9, v7  }
0x1bb: {  	[tilespmem:s5+$0x450] =	vst v41;
	v7 =	vld [tilespmem:s2+$0x6400];
	v4 =	vadd.f32 v58, v3  }
0x1bc: {  	[tilespmem:s5+$0x470] =	vst v12;
	v15 =	vadd.f32 v9, v18;
	v18 =	vld [tilespmem:s0+$0x420];
	v6 =	vperm.xlane v8, v5;
	v30 =	vadd.f32 v28, v10  }
0x1bd: {  	[tilespmem:s5+$0x460] =	vst v11;
	v23 =	vmul.f32 $1.302083370e-03, v4;
	v4 =	vld [tilespmem:$0x1FFD0]  }
0x1be: {  	v45 =	vld [tilespmem:s0+$0x6400];
	v8 =	vadd.f32 v6, v8;
	v28 =	vperm.xlane v30, v26  }
0x1bf: {  	v9 =	vld [tilespmem:s0+$0x6410]  }
0x1c0: {  	v58 =	vld [tilespmem:s0+$0x410];
	v44 =	vmul.f32 $1.302083370e-03, v8;
	v47 =	vmul.f32 v23, v23;
	v24 =	vadd.f32 v28, v30  }
0x1c1: {  	v6 =	vld [tilespmem:s2+$0x420];
	v30 =	vadd.f32 $0.0e+00, v53;
	v53 =	vmul.f32 v53, v53;
	v28 =	vmul.f32 v62, v62  }
0x1c2: {  	v8 =	vld [tilespmem:s0+$0x6420];
	v5 =	vperm.xlane v15, v4  }
0x1c3: {  	v26 =	vsub.f32 v44, v47;
	v47 =	vld [tilespmem:s2+$0x400];
	v2 =	vadd.f32 v28, v53  }
0x1c4: {  	v3 =	vmul.f32 v56, v56;
	v53 =	vld [tilespmem:s2+$0x6410];
	v25 =	vadd.f32 v15, v5;
	v15 =	vadd.f32 $0.0e+00, v51  }
0x1c5: {  	v51 =	vadd.f32 v62, v30;
	v62 =	vmul.f32 v63, v63;
	v30 =	vld [tilespmem:$0x1FE70]  }
0x1c6: {  	v5 =	vld [tilespmem:s2+$0x6420];
	v2 =	vadd.f32 v3, v2;
	v3 =	vmul.f32 v50, v50;
	v15 =	vadd.f32 v61, v15  }
0x1c7: {  	v61 =	vadd.f32 $0.0e+00, v63;
	v63 =	vmul.f32 v59, v59;
	v51 =	vadd.f32 v56, v51;
	v56 =	vld [tilespmem:s2+$0x6440]  }
0x1c8: {  	v4 =	vmul.f32 v55, v55;
	v2 =	vadd.f32 v3, v2;
	v3 =	vld [tilespmem:$0x1FE80]  }
0x1c9: {  	v59 =	vadd.f32 v59, v61;
	v61 =	vadd.f32 v63, v62;
	v63 =	vld [tilespmem:s2+$0x430]  }
0x1ca: {  	v28 =	vmul.f32 v60, v60;
	v16 =	vadd.f32 v4, v16;
	v62 =	vld [tilespmem:s2+$0x440]  }
0x1cb: {  	v4 =	vmul.f32 v57, v57;
	v15 =	vadd.f32 v55, v15;
	v50 =	vadd.f32 v50, v51;
	v51 =	vld [tilespmem:s2+$0x6460]  }
0x1cc: {  	v0 =	vadd.f32 $0.0e+00, v30;
	v1 =	vmul.f32 v30, v30;
	v30 =	vld [tilespmem:$0x1FE90];
	v57 =	vadd.f32 v57, v59  }
0x1cd: {  	v55 =	vadd.f32 v4, v61;
	v4 =	vmul.f32 v52, v52;
	v61 =	vld [tilespmem:s2+$0x450];
	v15 =	vadd.f32 v52, v15  }
0x1ce: {  	v52 =	vmul.f32 v49, v49;
	v59 =	vld [tilespmem:s2+$0x460];
	v0 =	vadd.f32 v60, v0;
	v1 =	vadd.f32 v28, v1  }
0x1cf: {  	v60 =	vld [tilespmem:s2+$0x6430];
	v28 =	vmul.f32 v54, v54;
	v16 =	vadd.f32 v4, v16;
	v49 =	vadd.f32 v49, v57  }
0x1d0: {  	v52 =	vadd.f32 v52, v55;
	v55 =	vmul.f32 v33, v33;
	v57 =	vld [tilespmem:s2+$0x470];
	v15 =	vadd.f32 v33, v15  }
0x1d1: {  	v33 =	vmul.f32 v48, v48;
	v0 =	vadd.f32 v54, v0;
	v1 =	vadd.f32 v28, v1;
	v54 =	vld [tilespmem:s2+$0x6450]  }
0x1d2: {  	v28 =	vmul.f32 v46, v46;
	v46 =	vadd.f32 v46, v50;
	v50 =	vadd.f32 v5, v6;
	v5 =	vld [tilespmem:s2+$0x6830]  }
0x1d3: {  	v4 =	vmul.f32 v3, v3;
	v16 =	vadd.f32 v55, v16;
	v55 =	vld [tilespmem:s2+$0x800]  }
0x1d4: {  	v33 =	vadd.f32 v33, v52;
	v52 =	vld [tilespmem:s2+$0x810];
	v0 =	vadd.f32 v3, v0  }
0x1d5: {  	v1 =	vadd.f32 v4, v1;
	v4 =	vld [tilespmem:s2+$0x6470];
	v2 =	vadd.f32 v28, v2;
	v28 =	vmul.f32 v30, v30  }
0x1d6: {  	v48 =	vadd.f32 v48, v49;
	v49 =	vmul.f32 v32, v32;
	v3 =	vld [tilespmem:s2+$0x6800]  }
0x1d7: {  	v0 =	vadd.f32 v30, v0;
	v1 =	vadd.f32 v28, v1;
	v28 =	vld [tilespmem:s2+$0x6810]  }
0x1d8: {  	v30 =	vadd.f32 v32, v15;
	v32 =	vadd.f32 v49, v16;
	v49 =	vld [tilespmem:s2+$0x820]  }
0x1d9: {  	v15 =	vadd.f32 v7, v47;
	v7 =	vld [tilespmem:s2+$0x6820]  }
0x1da: {  	v16 =	vmul.f32 v34, v34;
	v34 =	vadd.f32 v34, v46;
	v46 =	vadd.f32 v60, v63;
	v63 =	vld [tilespmem:$0x1FEA0]  }
0x1db: {  	[tilespmem:s2+$0x420] =	vst v50;
	v47 =	vld [tilespmem:s2+$0x830];
	v60 =	vadd.f32 v56, v62  }
0x1dc: {  	v62 =	vld [tilespmem:s2+$0x850];
	v56 =	vadd.f32 v54, v61;
	v2 =	vadd.f32 v16, v2;
	[tilespmem:s2+$0x400] =	vst v15  }
0x1dd: {  	v54 =	vld [tilespmem:s2+$0x6850];
	v16 =	vadd.f32 v53, v35;
	v53 =	vmul.f32 v31, v31;
	v31 =	vadd.f32 v31, v48;
	[tilespmem:s2+$0x430] =	vst v46  }
0x1de: {  	v61 =	vld [tilespmem:s2+$0x6840];
	v30 =	vadd.f32 v19, v30;
	[tilespmem:s2+$0x440] =	vst v60;
	v48 =	vmul.f32 v22, v22;
	v34 =	vadd.f32 v22, v34  }
0x1df: {  	[tilespmem:s2+$0x450] =	vst v56;
	v22 =	vadd.f32 v3, v55;
	v55 =	vld [tilespmem:s2+$0x870];
	v6 =	vadd.f32 v53, v33;
	v53 =	vmul.f32 v63, v63  }
0x1e0: {  	[tilespmem:s2+$0x410] =	vst v16;
	v33 =	vld [tilespmem:s2+$0x6860];
	v0 =	vadd.f32 v63, v0;
	v63 =	vmul.f32 v19, v19;
	v19 =	vadd.f32 v51, v59  }
0x1e1: {  	v2 =	vadd.f32 v48, v2;
	v51 =	vld [tilespmem:s2+$0x860];
	v48 =	vadd.f32 v28, v52;
	[tilespmem:s2+$0x800] =	vst v22  }
0x1e2: {  	v59 =	vld [tilespmem:s2+$0x6870];
	v49 =	vadd.f32 v7, v49;
	[tilespmem:s2+$0x460] =	vst v19  }
0x1e3: {  	v35 =	vld [tilespmem:s2+$0x840];
	v30 =	vadd.f32 v38, v30;
	v47 =	vadd.f32 v5, v47;
	[tilespmem:s2+$0x810] =	vst v48  }
0x1e4: {  	v10 =	vld [tilespmem:s0+$0x430];
	v28 =	vadd.f32 v8, v18;
	v3 =	vadd.f32 v54, v62;
	[tilespmem:s2+$0x820] =	vst v49  }
0x1e5: {  	v44 =	vld [tilespmem:s0+$0x6430];
	v1 =	vadd.f32 v53, v1;
	v53 =	vadd.f32 v4, v57;
	v57 =	vmul.f32 v27, v27;
	[tilespmem:s2+$0x830] =	vst v47  }
0x1e6: {  	v5 =	vld [tilespmem:s0+$0x440];
	v27 =	vadd.f32 v27, v31;
	[tilespmem:s2+$0x850] =	vst v3;
	v4 =	vadd.f32 v33, v51  }
0x1e7: {  	v52 =	vld [tilespmem:s0+$0x6440];
	v54 =	vmul.f32 v38, v38;
	[tilespmem:s2+$0x470] =	vst v53;
	v31 =	vadd.f32 v57, v6;
	v6 =	vadd.f32 v59, v55  }
0x1e8: {  	v32 =	vadd.f32 v63, v32;
	v63 =	vmul.f32 v29, v29;
	v38 =	vadd.f32 v61, v35;
	v33 =	vld [tilespmem:s0+$0x450];
	[tilespmem:s2+$0x860] =	vst v4  }
0x1e9: {  	s7 =	sor.u32 s6, s23;
	v62 =	vmul.f32 v36, v36;
	v0 =	vadd.f32 v29, v0;
	v61 =	vadd.f32 v37, v34;
	v51 =	vld [tilespmem:s0+$0x6450];
	[tilespmem:s2+$0x870] =	vst v6  }
0x1ea: {  	v1 =	vadd.f32 v63, v1;
	v29 =	vadd.f32 v54, v32;
	[tilespmem:s2+$0x840] =	vst v38;
	v59 =	vmul.f32 v39, v39;
	v35 =	vld [tilespmem:s7+$0x400]  }
0x1eb: {  	v57 =	vmul.f32 v37, v37;
	v27 =	vadd.f32 v39, v27;
	v0 =	vadd.f32 v36, v0;
	v36 =	vld [tilespmem:s7+$0x6400]  }
0x1ec: {  	v63 =	vmul.f32 v13, v13;
	v13 =	vadd.f32 v13, v30;
	v7 =	vadd.f32 v59, v31;
	v31 =	vld [tilespmem:s7+$0x410]  }
0x1ed: {  	v32 =	vadd.f32 v44, v10;
	v55 =	vmul.f32 v14, v14;
	v14 =	vadd.f32 v14, v61;
	v37 =	vld [tilespmem:s7+$0x6410]  }
0x1ee: {  	v61 =	vmul.f32 v40, v40;
	v30 =	vadd.f32 v52, v5;
	v2 =	vadd.f32 v57, v2;
	v39 =	vld [tilespmem:s7+$0x420]  }
0x1ef: {  	v1 =	vadd.f32 v62, v1;
	v0 =	vadd.f32 v42, v0;
	v59 =	vmul.f32 v42, v42;
	v42 =	vld [tilespmem:s7+$0x6420]  }
0x1f0: {  	v29 =	vadd.f32 v63, v29;
	v57 =	vmul.f32 v17, v17;
	v13 =	vadd.f32 v40, v13;
	v40 =	vld [tilespmem:s7+$0x430]  }
0x1f1: {  	v17 =	vadd.f32 v17, v27;
	v62 =	vmul.f32 v41, v41;
	v14 =	vadd.f32 v41, v14;
	v41 =	vld [tilespmem:s7+$0x6430]  }
0x1f2: {  	v63 =	vadd.f32 v61, v29;
	v29 =	vadd.f32 v45, v43;
	v43 =	vld [tilespmem:s7+$0x440]  }
0x1f3: {  	v2 =	vadd.f32 v55, v2;
	v45 =	vmul.f32 v11, v11;
	v11 =	vadd.f32 v11, v17;
	v17 =	vld [tilespmem:s7+$0x450]  }
0x1f4: {  	v55 =	vmul.f32 v12, v12;
	v0 =	vadd.f32 v12, v0;
	v12 =	vld [tilespmem:s7+$0x460];
	v7 =	vadd.f32 v57, v7  }
0x1f5: {  	v27 =	vadd.f32 v9, v58;
	v61 =	vld [tilespmem:s7+$0x6460];
	v1 =	vadd.f32 v59, v1  }
0x1f6: {  	v44 =	vld [tilespmem:s7+$0x6440];
	v2 =	vadd.f32 v62, v2;
	v57 =	vmul.f32 v29, v29;
	v7 =	vadd.f32 v45, v7  }
0x1f7: {  	v58 =	vmul.f32 v27, v27;
	v62 =	vld [tilespmem:s7+$0x470];
	v1 =	vadd.f32 v55, v1;
	v35 =	vadd.f32 v36, v35  }
0x1f8: {  	v45 =	vld [tilespmem:s7+$0x6450];
	v55 =	vadd.f32 v57, v63;
	v10 =	vadd.f32 v37, v31  }
0x1f9: {  	v59 =	vmul.f32 v28, v28;
	v18 =	vadd.f32 v58, v2;
	v63 =	vld [tilespmem:s7+$0x6470];
	v8 =	vadd.f32 v42, v39;
	[tilespmem:s7+$0x400] =	vst v35  }
0x1fa: {  	v31 =	vadd.f32 v51, v33;
	v9 =	vadd.f32 v41, v40;
	[tilespmem:s7+$0x410] =	vst v10  }
0x1fb: {  	v34 =	vld [tilespmem:s0+$0x6460];
	v57 =	vadd.f32 v59, v7;
	v2 =	vadd.f32 v61, v12;
	v59 =	vmul.f32 v30, v30;
	[tilespmem:s7+$0x420] =	vst v8  }
0x1fc: {  	v54 =	vld [tilespmem:s0+$0x460];
	v36 =	vadd.f32 v44, v43;
	[tilespmem:s7+$0x430] =	vst v9;
	v61 =	vmul.f32 v31, v31  }
0x1fd: {  	[tilespmem:s7+$0x460] =	vst v2;
	v5 =	vadd.f32 v45, v17;
	v17 =	vadd.f32 v59, v55  }
0x1fe: {  	v52 =	vld [tilespmem:s0+$0x6470];
	[tilespmem:s7+$0x440] =	vst v36;
	v7 =	vadd.f32 v63, v62;
	v18 =	vadd.f32 v61, v18  }
0x1ff: {  	s4 =	sor.u32 s6, s16;
	v14 =	vadd.f32 v27, v14;
	v51 =	vld [tilespmem:s0+$0x470];
	[tilespmem:s7+$0x450] =	vst v5  }
0x200: {  	v13 =	vadd.f32 v29, v13;
	[tilespmem:s7+$0x470] =	vst v7;
	v44 =	vadd.f32 v18, v17;
	v18 =	vld [tilespmem:s4+$0x430]  }
0x201: {  	v34 =	vadd.f32 v34, v54;
	v11 =	vadd.f32 v28, v11;
	v12 =	vld [tilespmem:s4+$0x400]  }
0x202: {  	v0 =	vadd.f32 v32, v0;
	v13 =	vadd.f32 v30, v13;
	v39 =	vld [tilespmem:s4+$0x6400]  }
0x203: {  	v58 =	vmul.f32 v32, v32;
	v11 =	vadd.f32 v34, v11;
	v14 =	vadd.f32 v31, v14;
	v41 =	vld [tilespmem:s4+$0x410]  }
0x204: {  	v54 =	vmul.f32 v60, v60;
	v55 =	vadd.f32 $0.0e+00, v16;
	v33 =	vadd.f32 v52, v51;
	v42 =	vld [tilespmem:s4+$0x6410]  }
0x205: {  	v1 =	vadd.f32 v58, v1;
	v62 =	vmul.f32 v34, v34;
	v52 =	vmul.f32 v15, v15;
	v40 =	vld [tilespmem:s4+$0x420]  }
0x206: {  	v13 =	vadd.f32 v14, v13;
	v43 =	vadd.f32 v56, v55;
	v63 =	vmul.f32 v33, v33;
	v17 =	vld [tilespmem:s4+$0x440]  }
0x207: {  	v0 =	vadd.f32 v33, v0;
	v14 =	vadd.f32 v54, v52;
	v52 =	vld [tilespmem:s4+$0x460]  }
0x208: {  	v37 =	vadd.f32 v62, v57;
	v55 =	vld [tilespmem:s4+$0x6470];
	v1 =	vadd.f32 v63, v1  }
0x209: {  	v59 =	vadd.f32 $0.0e+00, v50;
	v0 =	vadd.f32 v0, v11;
	v11 =	vld [tilespmem:s4+$0x6420]  }
0x20a: {  	v58 =	vmul.f32 v56, v56;
	v63 =	vld [tilespmem:s4+$0x470];
	v45 =	vadd.f32 v1, v37  }
0x20b: {  	v61 =	vmul.f32 v19, v19;
	v51 =	vadd.f32 $0.0e+00, v15;
	v19 =	vadd.f32 v19, v59;
	v37 =	vld [tilespmem:s4+$0x6430]  }
0x20c: {  	v57 =	vmul.f32 v16, v16;
	v1 =	vadd.f32 v0, v13;
	v0 =	vadd.f32 v45, v44;
	v44 =	vld [tilespmem:s4+$0x450]  }
0x20d: {  	v13 =	vadd.f32 v60, v51;
	v60 =	vmul.f32 v50, v50;
	v12 =	vadd.f32 v39, v12;
	v45 =	vld [tilespmem:s4+$0x6450]  }
0x20e: {  	v62 =	vld [tilespmem:s4+$0x6460];
	v15 =	vadd.f32 v58, v57;
	v41 =	vadd.f32 v42, v41  }
0x20f: {  	v57 =	vld [tilespmem:s4+$0x6440];
	v16 =	vadd.f32 v61, v60;
	v11 =	vadd.f32 v11, v40;
	[tilespmem:s4+$0x400] =	vst v12  }
0x210: {  	v60 =	vmul.f32 v22, v22;
	v13 =	vadd.f32 v22, v13;
	[tilespmem:s4+$0x410] =	vst v41;
	v22 =	vadd.f32 v55, v63  }
0x211: {  	v19 =	vadd.f32 v49, v19;
	v18 =	vadd.f32 v37, v18;
	[tilespmem:s4+$0x420] =	vst v11  }
0x212: {  	v56 =	vadd.f32 $0.0e+00, v46;
	[tilespmem:s4+$0x470] =	vst v22;
	v44 =	vadd.f32 v45, v44  }
0x213: {  	v50 =	vmul.f32 v4, v4;
	v4 =	vadd.f32 v4, v19;
	v45 =	vadd.f32 v62, v52;
	[tilespmem:s4+$0x430] =	vst v18  }
0x214: {  	v59 =	vmul.f32 v53, v53;
	v43 =	vadd.f32 v48, v43;
	v17 =	vadd.f32 v57, v17;
	[tilespmem:s4+$0x450] =	vst v44  }
0x215: {  	s14 =	sor.u32 s6, s17;
	v61 =	vmul.f32 v48, v48;
	v4 =	vadd.f32 v8, v4;
	v40 =	vadd.f32 v53, v56;
	[tilespmem:s4+$0x460] =	vst v45  }
0x216: {  	v58 =	vmul.f32 v46, v46;
	v14 =	vadd.f32 v60, v14;
	[tilespmem:s4+$0x440] =	vst v17;
	v13 =	vadd.f32 v38, v13;
	v46 =	vld [tilespmem:s14+$0x400]  }
0x217: {  	v63 =	vmul.f32 v47, v47;
	v15 =	vadd.f32 v61, v15;
	v40 =	vadd.f32 v47, v40;
	v47 =	vld [tilespmem:s14+$0x6400]  }
0x218: {  	v48 =	vmul.f32 v38, v38;
	v37 =	vadd.f32 v59, v58;
	v13 =	vadd.f32 v35, v13;
	v42 =	vld [tilespmem:s14+$0x410]  }
0x219: {  	v62 =	vmul.f32 v49, v49;
	v49 =	vmul.f32 v3, v3;
	v3 =	vadd.f32 v3, v43;
	v43 =	vld [tilespmem:s14+$0x6410]  }
0x21a: {  	v51 =	vmul.f32 v6, v6;
	v14 =	vadd.f32 v48, v14;
	v37 =	vadd.f32 v63, v37;
	v38 =	vld [tilespmem:s14+$0x420]  }
0x21b: {  	v52 =	vmul.f32 v35, v35;
	v6 =	vadd.f32 v6, v40;
	v13 =	vadd.f32 v36, v13;
	v40 =	vld [tilespmem:s14+$0x6420]  }
0x21c: {  	v53 =	vmul.f32 v10, v10;
	v16 =	vadd.f32 v62, v16;
	v15 =	vadd.f32 v49, v15;
	v35 =	vld [tilespmem:s14+$0x430]  }
0x21d: {  	v56 =	vmul.f32 v9, v9;
	v37 =	vadd.f32 v51, v37;
	v14 =	vadd.f32 v52, v14;
	v39 =	vld [tilespmem:s14+$0x6430]  }
0x21e: {  	v58 =	vmul.f32 v36, v36;
	v3 =	vadd.f32 v10, v3;
	v6 =	vadd.f32 v9, v6;
	v19 =	vld [tilespmem:s14+$0x440]  }
0x21f: {  	v62 =	vmul.f32 v2, v2;
	v2 =	vadd.f32 v2, v4;
	v61 =	vld [tilespmem:s14+$0x450];
	v16 =	vadd.f32 v50, v16  }
0x220: {  	v63 =	vld [tilespmem:s14+$0x6450];
	v55 =	vadd.f32 v53, v15;
	v59 =	vadd.f32 v56, v37  }
0x221: {  	v54 =	vmul.f32 v8, v8;
	v49 =	vld [tilespmem:s14+$0x460];
	v14 =	vadd.f32 v58, v14;
	v3 =	vadd.f32 v5, v3  }
0x222: {  	v60 =	vmul.f32 v5, v5;
	v52 =	vld [tilespmem:s14+$0x6460];
	v6 =	vadd.f32 v7, v6;
	v2 =	vadd.f32 v11, v2  }
0x223: {  	v56 =	vld [tilespmem:s14+$0x6470];
	v57 =	vadd.f32 v54, v16;
	v53 =	vadd.f32 v47, v46  }
0x224: {  	v51 =	vmul.f32 v7, v7;
	v58 =	vld [tilespmem:s14+$0x6440];
	v48 =	vadd.f32 v60, v55;
	v42 =	vadd.f32 v43, v42  }
0x225: {  	v54 =	vld [tilespmem:s14+$0x470];
	v50 =	vadd.f32 v62, v57;
	v57 =	vadd.f32 v40, v38;
	[tilespmem:s14+$0x400] =	vst v53  }
0x226: {  	v8 =	vadd.f32 v51, v59;
	v59 =	vadd.f32 v39, v35;
	[tilespmem:s14+$0x410] =	vst v42  }
0x227: {  	v3 =	vadd.f32 v41, v3;
	v36 =	vadd.f32 v63, v61;
	[tilespmem:s14+$0x420] =	vst v57  }
0x228: {  	v55 =	vmul.f32 v12, v12;
	v12 =	vadd.f32 v12, v13;
	v10 =	vadd.f32 v52, v49;
	[tilespmem:s14+$0x430] =	vst v59  }
0x229: {  	v60 =	vmul.f32 v41, v41;
	v3 =	vadd.f32 v44, v3;
	v63 =	vadd.f32 v58, v19;
	[tilespmem:s14+$0x450] =	vst v36  }
0x22a: {  	v6 =	vadd.f32 v18, v6;
	v61 =	vmul.f32 v11, v11;
	[tilespmem:s14+$0x460] =	vst v10;
	v11 =	vadd.f32 v56, v54  }
0x22b: {  	s6 =	sor.u32 s6, s18;
	v2 =	vadd.f32 v45, v2;
	v49 =	vmul.f32 v42, v42;
	v3 =	vadd.f32 v42, v3;
	v42 =	vld [tilespmem:$0x1FFC0];
	[tilespmem:s14+$0x440] =	vst v63  }
0x22c: {  	v41 =	vmul.f32 v22, v22;
	v13 =	vadd.f32 $9.999999960e-13, v26;
	v9 =	vadd.f32 v55, v14;
	v56 =	vld [tilespmem:s6+$0x430];
	[tilespmem:s14+$0x470] =	vst v11  }
0x22d: {  	v5 =	vadd.f32 v60, v48;
	v62 =	vmul.f32 v18, v18;
	v38 =	vmul.f32 v17, v17;
	v18 =	vld [tilespmem:s6+$0x400]  }
0x22e: {  	v39 =	vmul.f32 v44, v44;
	v12 =	vadd.f32 v17, v12;
	v6 =	vadd.f32 v22, v6;
	v19 =	vld [tilespmem:s6+$0x6400]  }
0x22f: {  	v40 =	vmul.f32 v45, v45;
	v4 =	vadd.f32 v61, v50;
	v8 =	vadd.f32 v62, v8;
	v48 =	vld [tilespmem:s6+$0x410]  }
0x230: {  	v9 =	vadd.f32 v38, v9;
	v5 =	vadd.f32 v39, v5;
	v47 =	vmul.f32 v53, v53;
	v50 =	vld [tilespmem:s6+$0x6410]  }
0x231: {  	v7 =	vadd.f32 v53, v12;
	v51 =	vmul.f32 v57, v57;
	v2 =	vadd.f32 v57, v2;
	v52 =	vld [tilespmem:s6+$0x420]  }
0x232: {  	v53 =	vmul.f32 v59, v59;
	v6 =	vadd.f32 v59, v6;
	v4 =	vadd.f32 v40, v4;
	v54 =	vld [tilespmem:s6+$0x6420]  }
0x233: {  	v57 =	vmul.f32 v36, v36;
	v8 =	vadd.f32 v41, v8;
	v9 =	vadd.f32 v47, v9;
	v58 =	vld [tilespmem:s6+$0x6430]  }
0x234: {  	v60 =	vmul.f32 v10, v10;
	v5 =	vadd.f32 v49, v5;
	v15 =	vadd.f32 v63, v7;
	v62 =	vld [tilespmem:s6+$0x440]  }
0x235: {  	v55 =	vmul.f32 v63, v63;
	v61 =	vadd.f32 v36, v3;
	v10 =	vadd.f32 v10, v2;
	v63 =	vld [tilespmem:s6+$0x6440]  }
0x236: {  	v41 =	vmul.f32 v11, v11;
	v11 =	vadd.f32 v11, v6;
	v4 =	vadd.f32 v51, v4;
	v40 =	vld [tilespmem:s6+$0x450]  }
0x237: {  	v8 =	vadd.f32 v53, v8;
	v59 =	vadd.f32 v55, v9;
	v46 =	vld [tilespmem:s6+$0x6450];
	v35 =	vperm.xlane v0, v42  }
0x238: {  	v14 =	vadd.f32 v57, v5;
	v9 =	vadd.f32 v60, v4  }
0x239: {  	v8 =	vadd.f32 v41, v8;
	v0 =	vadd.f32 v35, v0  }
0x23a: {  	v49 =	vld [tilespmem:s6+$0x460];
	v3 =	vadd.f32 v19, v18;
	v4 =	vadd.f32 v50, v48  }
0x23b: {  	v5 =	vadd.f32 v54, v52;
	v2 =	vadd.f32 v58, v56;
	v52 =	vld [tilespmem:s6+$0x6460]  }
0x23c: {  	v54 =	vld [tilespmem:s6+$0x470];
	v7 =	vadd.f32 v63, v62;
	v6 =	vadd.f32 v46, v40  }
0x23d: {  	v56 =	vld [tilespmem:s6+$0x6470];
	v47 =	vmul.f32 v3, v3;
	v48 =	vmul.f32 v4, v4;
	v15 =	vadd.f32 v3, v15  }
0x23e: {  	v50 =	vmul.f32 v5, v5;
	v12 =	vadd.f32 v4, v61;
	v10 =	vadd.f32 v5, v10  }
0x23f: {  	v51 =	vmul.f32 v2, v2;
	v11 =	vadd.f32 v2, v11;
	v53 =	vadd.f32 v47, v59  }
0x240: {  	v14 =	vadd.f32 v48, v14;
	v9 =	vadd.f32 v50, v9  }
0x241: {  	v57 =	vmul.f32 v7, v7;
	v55 =	vadd.f32 v51, v8;
	v15 =	vadd.f32 v7, v15  }
0x242: {  	v26 =	vadd.f32 v52, v49;
	v8 =	vadd.f32 v56, v54  }
0x243: {  	v44 =	vld [tilespmem:$0x1FFE0];
	v12 =	vadd.f32 v6, v12;
	v59 =	vmul.f32 v6, v6;
	v58 =	vadd.f32 v57, v53  }
0x244: {  	v43 =	vld [tilespmem:$0x1FFD0];
	v10 =	vadd.f32 v26, v10;
	v11 =	vadd.f32 v8, v11  }
0x245: {  	v14 =	vadd.f32 v59, v14;
	v60 =	vmul.f32 v26, v26;
	v61 =	vmul.f32 v8, v8  }
0x246: {  	v62 =	vperm.xlane v1, v42;
	v12 =	vadd.f32 v12, v15;
	v10 =	vadd.f32 v11, v10  }
0x247: {  	v9 =	vadd.f32 v60, v9;
	v22 =	vadd.f32 v61, v55  }
0x248: {  	v37 =	vperm.xlane v25, v44;
	v1 =	vadd.f32 v1, v62;
	v36 =	vadd.f32 v14, v58  }
0x249: {  	v45 =	vld [tilespmem:$0x1FFF0];
	v46 =	vperm.xlane v0, v43;
	v10 =	vadd.f32 v10, v12;
	v9 =	vadd.f32 v22, v9  }
0x24a: {  	v39 =	vperm.xlane v24, v44;
	v41 =	vadd.f32 v25, v37;
	v38 =	vperm.xlane v1, v43  }
0x24b: {  	v0 =	vadd.f32 v46, v0;
	v40 =	vperm.xlane v10, v42;
	v9 =	vadd.f32 v9, v36  }
0x24c: {  	v63 =	vshra.s32 v13, $0x1;
	v13 =	vmul.f32 $5.000000000e-01, v13;
	v1 =	vadd.f32 v1, v38  }
0x24d: {  	v52 =	vperm.xlane v0, v44;
	v10 =	vadd.f32 v10, v40;
	v47 =	vperm.xlane v9, v42  }
0x24e: {  	v48 =	vperm.xlane v41, v45;
	v15 =	vadd.f32 v39, v24;
	v49 =	vperm.xlane v1, v44  }
0x24f: {  	v0 =	vadd.f32 v52, v0;
	v51 =	vperm.xlane v10, v43;
	v9 =	vadd.f32 v47, v9  }
0x250: {  	v50 =	vperm.xlane v15, v45;
	v1 =	vadd.f32 v1, v49;
	v12 =	vadd.f32 v41, v48  }
0x251: {  	v11 =	vsub.s32 $0x5F3759DF, v63;
	v10 =	vadd.f32 v10, v51;
	v53 =	vperm.xlane v9, v43  }
0x252: {  	v14 =	vadd.f32 v50, v15;
	v54 =	vperm.xlane v1, v45;
	v12 =	vmul.f32 $1.302083370e-03, v12  }
0x253: {  	v57 =	vperm.xlane v0, v45;
	v55 =	vperm.xlane v10, v44;
	v9 =	vadd.f32 v53, v9  }
0x254: {  	v14 =	vmul.f32 $1.302083370e-03, v14;
	v1 =	vadd.f32 v1, v54;
	v56 =	vmul.f32 v12, v12  }
0x255: {  	v59 =	vmul.f32 v11, v13;
	v10 =	vadd.f32 v10, v55;
	v58 =	vperm.xlane v9, v44  }
0x256: {  	v0 =	vadd.f32 v57, v0;
	v1 =	vmul.f32 $1.302083370e-03, v1;
	v14 =	vsub.f32 v14, v56  }
0x257: {  	v15 =	vmul.f32 v11, v59;
	v60 =	vperm.xlane v10, v45;
	v9 =	vadd.f32 v58, v9  }
0x258: {  	v0 =	vmul.f32 $1.302083370e-03, v0;
	v61 =	vmul.f32 v1, v1;
	v14 =	vadd.f32 $9.999999960e-13, v14  }
0x259: {  	v15 =	vsub.f32 $1.500000000e+00, v15;
	v10 =	vadd.f32 v10, v60;
	v62 =	vperm.xlane v9, v45  }
0x25a: {  	v0 =	vsub.f32 v0, v61;
	v63 =	vshra.s32 v14, $0x1;
	v14 =	vmul.f32 $5.000000000e-01, v14  }
0x25b: {  	v22 =	vsub.s32 $0x5F3759DF, v63;
	v9 =	vadd.f32 v62, v9;
	v10 =	vmul.f32 $1.302083370e-03, v10  }
0x25c: {  	v11 =	vmul.f32 v11, v15;
	v0 =	vadd.f32 $9.999999960e-13, v0;
	v24 =	vmul.f32 v22, v14  }
0x25d: {  	v9 =	vmul.f32 $1.302083370e-03, v9;
	v25 =	vmul.f32 v10, v10  }
0x25e: {  	v36 =	vmul.f32 v11, v13;
	v35 =	vshra.s32 v0, $0x1;
	v0 =	vmul.f32 $5.000000000e-01, v0  }
0x25f: {  	v17 =	vmul.f32 v22, v24;
	v15 =	vsub.s32 $0x5F3759DF, v35;
	v9 =	vsub.f32 v9, v25  }
0x260: {  	v18 =	vmul.f32 v36, v11;
	v37 =	vmul.f32 v15, v0  }
0x261: {  	v17 =	vsub.f32 $1.500000000e+00, v17;
	v9 =	vadd.f32 $9.999999960e-13, v9  }
0x262: {  	v18 =	vsub.f32 $1.500000000e+00, v18;
	v19 =	vmul.f32 v15, v37  }
0x263: {  	v16 =	vmul.f32 v22, v17;
	v38 =	vshra.s32 v9, $0x1;
	v9 =	vmul.f32 $5.000000000e-01, v9  }
0x264: {  	v11 =	vmul.f32 v18, v11;
	v19 =	vsub.f32 $1.500000000e+00, v19;
	v17 =	vsub.s32 $0x5F3759DF, v38  }
0x265: {  	v39 =	vmul.f32 v16, v14;
	v40 =	vmul.f32 v17, v9  }
0x266: {  	v13 =	vmul.f32 v11, v13;
	v15 =	vmul.f32 v15, v19  }
0x267: {  	v41 =	vmul.f32 v39, v16;
	v42 =	vmul.f32 v17, v40  }
0x268: {  	(v2sf) =	vpush v11, $0x0;
	v13 =	vmul.f32 v13, v11;
	v43 =	vmul.f32 v15, v0  }
0x269: {  	v18 =	vsub.f32 $1.500000000e+00, v41;
	v19 =	vsub.f32 $1.500000000e+00, v42  }
0x26a: {  	(v2sf) =	vpush v13, $0x0;
	v22 =	vmul.f32 v43, v15  }
0x26b: {  	v44 =	vmul.f32 v18, v16;
	v45 =	vmul.f32 v17, v19  }
0x26c: {  	(v2sf) =	vpush v23, $0x0;
	v46 =	vsub.f32 $1.500000000e+00, v22  }
0x26d: {  	v14 =	vmul.f32 v44, v14;
	v17 =	vmul.f32 v45, v9  }
0x26e: {  	v13 =	vmul.f32 v46, v15  }
0x26f: {  	v14 =	vmul.f32 v14, v44;
	v47 =	vmul.f32 v17, v45  }
0x270: {  	(v2sf) =	vpush v44, $0x0;
	v0 =	vmul.f32 v13, v0  }
0x271: {  	[tilespmem:s30+$0x420] =	vst v21;
	(v2sf) =	vpush v14, $0x0;
	v49 =	vsub.f32 $1.500000000e+00, v47  }
0x272: {  	[tilespmem:s30+$0x430] =	vst v20;
	(v2sf) =	vpush v12, $0x0;
	v0 =	vmul.f32 v0, v13  }
0x273: {  	[tilespmem:s0+$0x420] =	vst v28;
	(v2sf) =	vpush v13, $0x0;
	v11 =	vmul.f32 v49, v45  }
0x274: {  	[tilespmem:s0+$0x430] =	vst v32;
	(v2sf) =	vpush v0, $0x0  }
0x275: {  	[tilespmem:s0+$0x410] =	vst v27;
	v59 =	vld [tilespmem:$0x1FF40];
	v54 =	vmul.f32 v11, v9  }
0x276: {  	[tilespmem:s0+$0x400] =	vst v29;
	v61 =	vld [tilespmem:$0x1FF60];
	(v2sf) =	vpush v1, $0x0  }
0x277: {  	[tilespmem:s0+$0x440] =	vst v30;
	v63 =	vld [tilespmem:$0x1FF80];
	v0 =	vmul.f32 v54, v11  }
0x278: {  	[tilespmem:s0+$0x460] =	vst v34;
	v58 =	vld [tilespmem:$0x1FF30];
	s16 =	spop (v2sf);
	(v2sf) =	vpush v11, $0x0  }
0x279: {  	[tilespmem:s0+$0x450] =	vst v31;
	v60 =	vld [tilespmem:$0x1FF50];
	s17 =	spop (v2sf);
	(v2sf) =	vpush v0, $0x0  }
0x27a: {  	[tilespmem:s30+$0x410] =	vst v59;
	v62 =	vld [tilespmem:$0x1FF70];
	s3 =	ssub.f32 $1.500000000e+00, s17  }
0x27b: {  	[tilespmem:s30+$0x450] =	vst v61;
	s18 =	spop (v2sf)  }
0x27c: {  	[tilespmem:s30+$0x470] =	vst v63;
	s4 =	ssub.f32 $0.0e+00, s18;
	s2 =	smul.f32 s3, s16;
	(v2sf) =	vpush v10, $0x0  }
0x27d: {  	s5 =	sadd.s32 $0xFFFFFFFC, s9;
	[tilespmem:s30+$0x400] =	vst v58  }
0x27e: {  	[tilespmem:s30+$0x440] =	vst v60;
	[smem:s5] =	sst s2;
	s2 =	smul.f32 s2, s4  }
0x27f: {  	[tilespmem:s30+$0x460] =	vst v62;
	s30 =	sadd.s32 $0xFFFFFFFD, s9;
	s19 =	spop (v2sf)  }
0x280: {  	[tilespmem:s0+$0x470] =	vst v33;
	[smem:s30] =	sst s2;
	s7 =	spop (v2sf)  }
0x281: {  	[tilespmem:s6+$0x400] =	vst v3;
	s23 =	spop (v2sf);
	s7 =	ssub.f32 $1.500000000e+00, s7  }
0x282: {  	[tilespmem:s6+$0x410] =	vst v4;
	s28 =	spop (v2sf);
	s5 =	ssub.f32 $0.0e+00, s23  }
0x283: {  	[tilespmem:s6+$0x420] =	vst v5;
	s29 =	spop (v2sf);
	s3 =	smul.f32 s7, s19  }
0x284: {  	s14 =	sadd.s32 $0xFFFFFFFE, s9;
	[tilespmem:s6+$0x430] =	vst v2;
	v52 =	vld [tilespmem:$0x1FEE0];
	s4 =	ssub.f32 $1.500000000e+00, s29  }
0x285: {  	[tilespmem:s6+$0x440] =	vst v7;
	v50 =	vld [tilespmem:$0x1FEC0];
	s31 =	spop (v2sf);
	[smem:s14] =	sst s3  }
0x286: {  	[tilespmem:s6+$0x450] =	vst v6;
	v48 =	vld [tilespmem:$0x1FEB0];
	s3 =	smul.f32 s3, s5;
	s2 =	ssub.f32 $0.0e+00, s31  }
0x287: {  	[tilespmem:s6+$0x460] =	vst v26;
	v57 =	vld [tilespmem:$0x1FF20];
	s17 =	sadd.s32 $0xFFFFFFFF, s9;
	s19 =	smul.f32 s4, s28;
	s16 =	spop (v2sf)  }
0x288: {  	[tilespmem:s6+$0x470] =	vst v8;
	v56 =	vld [tilespmem:$0x1FF10];
	[smem:s17] =	sst s3;
	s18 =	spop (v2sf)  }
0x289: {  	[tilespmem:s13+$0x430] =	vst v52;
	v51 =	vld [tilespmem:$0x1FED0];
	s3 =	ssub.f32 $1.500000000e+00, s18  }
0x28a: {  	[tilespmem:s13+$0x410] =	vst v50;
	v53 =	vld [tilespmem:$0x1FEF0];
	s2 =	smul.f32 s19, s2  }
0x28b: {  	p0 =	slt.u32 s8, $0xC;
	[tilespmem:s13+$0x400] =	vst v48;
	v55 =	vld [tilespmem:$0x1FF00];
	s23 =	spop (v2sf);
	s3 =	smul.f32 s3, s16  }
.Ltmp0:
0x28c: {  	[tilespmem:s13+$0x470] =	vst v57;
	s4 =	ssub.f32 $0.0e+00, s23;
	(pc) =	sbr.rel @p0 .LBB2_3-.Ltmp0, $4  }
0x28d: {  	[tilespmem:s13+$0x460] =	vst v56;
	s28 =	sadd.s32 $0x1, s9;
	[smem:s9] =	sst s19  }
0x28e: {  	[tilespmem:s13+$0x420] =	vst v51;
	s29 =	sadd.s32 $0x2, s9;
	[smem:s28] =	sst s2;
	s30 =	smul.f32 s3, s4  }
0x28f: {  	[tilespmem:s13+$0x440] =	vst v53;
	s31 =	sadd.s32 $0x3, s9;
	[smem:s29] =	sst s3  }
0x290: {  	s15 =	sadd.s32 $0x200, s15;
	[tilespmem:s13+$0x450] =	vst v55;
	s9 =	sadd.s32 $0x8, s9;
	[smem:s31] =	sst s30  }
0x291: {  	p0 =	seq.s32 s24, $0x0  }
0x292: {  	s0 =	simm.s32 @!p0 $0x5  }
0x293: {  	_ =	swait.ge @!p0 [sflag:s0], $0x3000  }
0x294: {  	[sflag:s0] =	ssyncset.done @!p0 $0x0  }
0x295: {  	s8 =	simm.s32 $0x0;
	[sflag:s0] =	ssyncadd.s32 @!p0 $0xFFFFD000;
	s0 =	simm.s32 $0x0  }
.LBB2_5:
0x296: {  	s2 =	sshll.u32 s8, $0x7  }
0x297: {  	v19 =	vld [tilespmem:s2+$0x1B400]  }
0x298: {  	v7 =	vld [tilespmem:s2+$0x1B410]  }
0x299: {  	v15 =	vld [tilespmem:s2+$0x1B420]  }
0x29a: {  	v12 =	vld [tilespmem:s2+$0x1B430]  }
0x29b: {  	v9 =	vld [tilespmem:s2+$0x1B440]  }
0x29c: {  	v17 =	vld [tilespmem:s2+$0x1B450]  }
0x29d: {  	v21 =	vld [tilespmem:s2+$0x1B460]  }
0x29e: {  	v11 =	vld [tilespmem:s2+$0x1B470]  }
0x29f: {  	v20 =	vld [tilespmem:s2+$0x1B700]  }
0x2a0: {  	v8 =	vld [tilespmem:s2+$0x1B710]  }
0x2a1: {  	v16 =	vld [tilespmem:s2+$0x1B720]  }
0x2a2: {  	s3 =	simm.s32 $0x0;
	v13 =	vld [tilespmem:s2+$0x1B730]  }
0x2a3: {  	v10 =	vld [tilespmem:s2+$0x1B740];
	s3 =	smul.u32 $0x1800, s3  }
0x2a4: {  	s6 =	sshll.u32 s8, $0xA;
	s4 =	simm.s32 $0x100;
	v18 =	vld [tilespmem:s2+$0x1B750]  }
0x2a5: {  	v22 =	vld [tilespmem:s2+$0x1B760];
	s4 =	sand.u32 $0x300, s4;
	s3 =	sadd.s32 s6, s3  }
0x2a6: {  	s9 =	simm.s32 $0x180;
	v14 =	vld [tilespmem:s2+$0x1B770];
	s13 =	sor.u32 s4, s3  }
0x2a7: {  	s2 =	sand.u32 $0x380, s9;
	v3 =	vld [tilespmem:s13+$0x460]  }
0x2a8: {  	s9 =	sor.u32 s2, s3;
	s14 =	sld [smem:$0x4];
	v1 =	vld [tilespmem:s13+$0x450]  }
0x2a9: {  	s17 =	sld [smem:$0x0];
	v0 =	vld [tilespmem:s9+$0x470]  }
0x2aa: {  	s18 =	sld [smem:$0x5];
	v4 =	vld [tilespmem:s13+$0x440]  }
0x2ab: {  	v2 =	vld [tilespmem:s13+$0x470];
	s31 =	sld [smem:$0x6]  }
0x2ac: {  	s16 =	sld [smem:$0x1];
	v5 =	vld [tilespmem:s9+$0x400]  }
0x2ad: {  	s5 =	sand.u32 $0x200, s0;
	s28 =	sld [smem:$0x2];
	v6 =	vld [tilespmem:s9+$0x460]  }
0x2ae: {  	s15 =	sor.u32 s5, s3;
	v23 =	vld [tilespmem:s9+$0x430]  }
0x2af: {  	v25 =	vld [tilespmem:s15+$0x460]  }
0x2b0: {  	s23 =	sld [smem:$0x7];
	v28 =	vld [tilespmem:s9+$0x450]  }
0x2b1: {  	v3 =	vmul.f32 s14, v3;
	v29 =	vld [tilespmem:s15+$0x400]  }
0x2b2: {  	v51 =	vmul.f32 s14, v1;
	v30 =	vld [tilespmem:s15+$0x410]  }
0x2b3: {  	s29 =	simm.s32 $0x80;
	v0 =	vmul.f32 s31, v0;
	v32 =	vld [tilespmem:s13+$0x430];
	v2 =	vmul.f32 s14, v2;
	v55 =	vadd.f32 s18, v3  }
0x2b4: {  	s5 =	sand.u32 $0x280, s29;
	v35 =	vld [tilespmem:s15+$0x450];
	v4 =	vmul.f32 s14, v4;
	v52 =	vadd.f32 s18, v51;
	v5 =	vmul.f32 s31, v5  }
0x2b5: {  	s30 =	sor.u32 s5, s3;
	v26 =	vld [tilespmem:s15+$0x470];
	v2 =	vadd.f32 s18, v2;
	v56 =	vmul.f32 v55, v21;
	v6 =	vmul.f32 s31, v6  }
0x2b6: {  	v36 =	vld [tilespmem:s30+$0x470];
	v34 =	vadd.f32 s23, v0;
	v23 =	vmul.f32 s31, v23;
	v33 =	vmul.f32 s17, v25  }
0x2b7: {  	v27 =	vld [tilespmem:s30+$0x450];
	v37 =	vadd.f32 s18, v4;
	v31 =	vmul.f32 v2, v11;
	v25 =	vmul.f32 s31, v28  }
0x2b8: {  	v24 =	vadd.f32 s23, v5;
	v5 =	vld [tilespmem:s15+$0x420];
	v0 =	vmul.f32 s17, v29;
	v30 =	vmul.f32 s17, v30  }
0x2b9: {  	v29 =	vld [tilespmem:s30+$0x400];
	v1 =	vmul.f32 s14, v32;
	v4 =	vmul.f32 s17, v35;
	v2 =	vadd.f32 s23, v6  }
0x2ba: {  	v53 =	vld [tilespmem:s30+$0x430];
	v6 =	vadd.f32 s23, v23;
	v23 =	vmul.f32 s17, v26;
	v26 =	vadd.f32 v31, v14  }
0x2bb: {  	v28 =	vld [tilespmem:s30+$0x410];
	v32 =	vmul.f32 v52, v17;
	v36 =	vmul.f32 s28, v36  }
0x2bc: {  	v38 =	vld [tilespmem:s30+$0x440];
	v27 =	vmul.f32 s28, v27;
	v31 =	vadd.f32 s16, v33;
	v6 =	vmul.f32 v6, v12;
	[tilespmem:s13+$0xC470] =	vst v26  }
0x2bd: {  	v3 =	vadd.f32 s16, v30;
	v30 =	vadd.f32 v32, v18;
	v5 =	vmul.f32 s17, v5;
	s19 =	sld [smem:$0x3];
	v54 =	vld [tilespmem:s30+$0x420]  }
0x2be: {  	v31 =	vmul.f32 v31, v21;
	v6 =	vadd.f32 v6, v13;
	v29 =	vmul.f32 s28, v29  }
0x2bf: {  	v33 =	vmul.f32 s28, v53;
	v26 =	vadd.f32 s16, v5;
	v5 =	vmul.f32 v37, v9  }
0x2c0: {  	v28 =	vmul.f32 s28, v28;
	v31 =	vadd.f32 v31, v22;
	[tilespmem:s9+$0xC430] =	vst v6;
	v6 =	vadd.f32 s19, v29  }
0x2c1: {  	v57 =	vld [tilespmem:s13+$0x420];
	v29 =	vmul.f32 s28, v38;
	v36 =	vadd.f32 s19, v36;
	v5 =	vadd.f32 v5, v10  }
0x2c2: {  	[tilespmem:s13+$0xC450] =	vst v30;
	v60 =	vld [tilespmem:s13+$0x400];
	v28 =	vadd.f32 s19, v28;
	v33 =	vadd.f32 s19, v33;
	v58 =	vmul.f32 s28, v54  }
0x2c3: {  	v63 =	vld [tilespmem:s13+$0x410];
	v29 =	vadd.f32 s19, v29;
	v62 =	vmul.f32 v36, v11;
	[tilespmem:s13+$0xC440] =	vst v5;
	v5 =	vadd.f32 v56, v22  }
0x2c4: {  	v59 =	vld [tilespmem:s30+$0x460];
	[tilespmem:s15+$0xC460] =	vst v31;
	v27 =	vadd.f32 s19, v27;
	v28 =	vmul.f32 v28, v7;
	v31 =	vmul.f32 v33, v12  }
0x2c5: {  	v30 =	vld [tilespmem:s9+$0x410];
	v29 =	vmul.f32 v29, v9;
	v33 =	vadd.f32 v62, v14;
	[tilespmem:s13+$0xC460] =	vst v5;
	v5 =	vadd.f32 s19, v58  }
0x2c6: {  	v34 =	vmul.f32 v34, v11;
	v61 =	vld [tilespmem:s15+$0x440];
	v6 =	vmul.f32 v6, v19;
	v28 =	vadd.f32 v28, v8  }
0x2c7: {  	v27 =	vmul.f32 v27, v17;
	v29 =	vadd.f32 v29, v10;
	[tilespmem:s30+$0xC470] =	vst v33;
	v33 =	vld [tilespmem:s9+$0x440];
	v5 =	vmul.f32 v5, v15  }
0x2c8: {  	v32 =	vmul.f32 s14, v60;
	v35 =	vmul.f32 s14, v63;
	[tilespmem:s30+$0xC410] =	vst v28;
	v28 =	vadd.f32 v31, v13  }
0x2c9: {  	v31 =	vadd.f32 v6, v20;
	[tilespmem:s30+$0xC440] =	vst v29;
	v29 =	vmul.f32 s28, v59;
	v39 =	vadd.f32 v5, v16  }
0x2ca: {  	v6 =	vld [tilespmem:s9+$0x420];
	[tilespmem:s30+$0xC430] =	vst v28;
	v28 =	vadd.f32 v27, v18;
	v27 =	vmul.f32 s31, v30;
	v30 =	vadd.f32 v34, v14  }
0x2cb: {  	s2 =	simm.s32 $0x4;
	s3 =	simm.s32 $0x0;
	v34 =	vadd.f32 s18, v32;
	v32 =	vmul.f32 s14, v57;
	s14 =	simm.s32 $0x200;
	v5 =	vmul.f32 s17, v61;
	[tilespmem:s30+$0xC420] =	vst v39  }
.LBB2_6:
0x2cc: {  	s3 =	sadd.s32 $0x4, s3;
	s4 =	sadd.s32 $0x180, s14;
	[tilespmem:s30+$0xC400] =	vst v31;
	v29 =	vadd.f32 s19, v29;
	v31 =	vmul.f32 s31, v33;
	v2 =	vmul.f32 v2, v21;
	s2 =	sadd.s32 $0x8, s2  }
0x2cd: {  	s5 =	sshrl.u32 s3, $0x3;
	s4 =	sand.u32 $0x380, s4;
	p0 =	slt.u32 s3, $0xC;
	v33 =	vld [tilespmem:s15+$0x430];
	v34 =	vmul.f32 v34, v19;
	v35 =	vadd.f32 s18, v35;
	v32 =	vadd.f32 s18, v32;
	[tilespmem:s9+$0xC470] =	vst v30  }
0x2ce: {  	s5 =	smul.u32 $0x1800, s5;
	v29 =	vmul.f32 v29, v21;
	v30 =	vadd.f32 s23, v31;
	v2 =	vadd.f32 v2, v22  }
0x2cf: {  	s7 =	sadd.s32 $0x100, s14;
	v4 =	vadd.f32 s16, v4;
	v31 =	vadd.f32 v34, v20;
	v34 =	vmul.f32 v35, v7  }
0x2d0: {  	s19 =	sand.u32 $0x200, s14;
	v1 =	vadd.f32 s18, v1;
	s28 =	sand.u32 $0x300, s7;
	v32 =	vmul.f32 v32, v15;
	s5 =	sadd.s32 s6, s5;
	v30 =	vmul.f32 v30, v9;
	[tilespmem:s9+$0xC460] =	vst v2  }
0x2d1: {  	v6 =	vmul.f32 s31, v6;
	v2 =	vmul.f32 v4, v17;
	s7 =	sor.u32 s19, s5;
	s28 =	sor.u32 s28, s5;
	s19 =	sor.u32 s4, s5;
	[tilespmem:s30+$0xC450] =	vst v28;
	v28 =	vadd.f32 v34, v8  }
0x2d2: {  	v29 =	vadd.f32 v29, v22;
	v4 =	vld [tilespmem:s28+$0x460];
	v33 =	vmul.f32 s17, v33;
	v30 =	vadd.f32 v30, v10  }
0x2d3: {  	v0 =	vadd.f32 s16, v0;
	v3 =	vmul.f32 v3, v7;
	s18 =	sadd.s32 $0x80, s14;
	v6 =	vadd.f32 s23, v6;
	s4 =	sld [smem:s2+$0x0];
	v34 =	vld [tilespmem:s28+$0x450]  }
0x2d4: {  	v24 =	vmul.f32 v24, v19;
	v25 =	vadd.f32 s23, v25;
	s18 =	sand.u32 $0x280, s18;
	s17 =	sld [smem:s2+$0xFFFFFFFC];
	v35 =	vld [tilespmem:s19+$0x470];
	v33 =	vadd.f32 s16, v33;
	[tilespmem:s30+$0xC460] =	vst v29  }
0x2d5: {  	v27 =	vadd.f32 s23, v27;
	v3 =	vadd.f32 v3, v8;
	v6 =	vmul.f32 v6, v15;
	s30 =	sor.u32 s18, s5;
	s18 =	sld [smem:s2+$0x1];
	v29 =	vld [tilespmem:s28+$0x440];
	[tilespmem:s9+$0xC440] =	vst v30  }
0x2d6: {  	v0 =	vmul.f32 v0, v19;
	v24 =	vadd.f32 v24, v20;
	v30 =	vld [tilespmem:s28+$0x470];
	s31 =	sld [smem:s2+$0x2];
	v33 =	vmul.f32 v33, v12;
	[tilespmem:s13+$0xC410] =	vst v28  }
0x2d7: {  	v25 =	vmul.f32 v25, v17;
	v6 =	vadd.f32 v6, v16;
	s29 =	sld [smem:s2+$0xFFFFFFFD];
	v28 =	vld [tilespmem:s19+$0x400];
	[tilespmem:s15+$0xC410] =	vst v3;
	v3 =	vmul.f32 v27, v7  }
0x2d8: {  	v1 =	vmul.f32 v1, v12;
	v0 =	vadd.f32 v0, v20;
	s5 =	sld [smem:s2+$0xFFFFFFFE];
	v27 =	vld [tilespmem:s19+$0x460];
	v33 =	vadd.f32 v33, v13  }
0x2d9: {  	v26 =	vmul.f32 v26, v15;
	v2 =	vadd.f32 v2, v18;
	v36 =	vld [tilespmem:s19+$0x430];
	[tilespmem:s9+$0xC400] =	vst v24;
	v3 =	vadd.f32 v3, v8  }
0x2da: {  	v1 =	vadd.f32 v1, v13;
	v35 =	vmul.f32 s31, v35;
	v37 =	vld [tilespmem:s7+$0x460];
	s23 =	sld [smem:s2+$0x3];
	[tilespmem:s15+$0xC400] =	vst v0;
	v0 =	vadd.f32 v32, v16  }
0x2db: {  	v5 =	vadd.f32 s16, v5;
	v26 =	vadd.f32 v26, v16;
	v32 =	vld [tilespmem:s30+$0x450];
	v24 =	vmul.f32 s4, v30;
	[tilespmem:s13+$0xC400] =	vst v31  }
0x2dc: {  	v23 =	vadd.f32 s16, v23;
	s16 =	smov.u32 s29;
	v30 =	vld [tilespmem:s7+$0x470];
	v28 =	vmul.f32 s31, v28;
	[tilespmem:s13+$0xC420] =	vst v0;
	v0 =	vadd.f32 v25, v18  }
0x2dd: {  	v5 =	vmul.f32 v5, v9;
	v25 =	vadd.f32 s18, v24;
	v31 =	vld [tilespmem:s19+$0x450];
	v27 =	vmul.f32 s31, v27;
	[tilespmem:s15+$0xC450] =	vst v2  }
0x2de: {  	v38 =	vld [tilespmem:s7+$0x400];
	v24 =	vadd.f32 s23, v28;
	v28 =	vmul.f32 s31, v36;
	[tilespmem:s15+$0xC420] =	vst v26;
	v26 =	vmul.f32 v23, v11  }
0x2df: {  	v5 =	vadd.f32 v5, v10;
	v36 =	vld [tilespmem:s7+$0x410];
	v25 =	vmul.f32 v25, v11;
	v2 =	vadd.f32 s23, v27;
	[tilespmem:s9+$0xC450] =	vst v0  }
0x2e0: {  	v35 =	vadd.f32 s23, v35;
	v0 =	vmul.f32 s17, v37;
	v27 =	vld [tilespmem:s7+$0x420];
	v28 =	vadd.f32 s23, v28;
	[tilespmem:s9+$0xC420] =	vst v6  }
0x2e1: {  	v26 =	vadd.f32 v26, v14;
	v23 =	vmul.f32 s17, v30;
	v6 =	vld [tilespmem:s28+$0x430];
	v30 =	vadd.f32 v25, v14;
	[tilespmem:s15+$0xC430] =	vst v33  }
0x2e2: {  	v37 =	vadd.f32 s16, v0;
	v33 =	vld [tilespmem:s7+$0x450];
	v28 =	vmul.f32 v28, v12;
	v25 =	vmul.f32 s31, v31;
	[tilespmem:s13+$0xC430] =	vst v1;
	s13 =	smov.u32 s28  }
0x2e3: {  	v1 =	vmul.f32 s4, v29;
	v0 =	vmul.f32 s17, v38;
	v31 =	vld [tilespmem:s30+$0x410];
	[tilespmem:s15+$0xC470] =	vst v26  }
0x2e4: {  	v26 =	vmul.f32 s4, v34;
	v29 =	vmul.f32 s17, v36;
	v36 =	vld [tilespmem:s30+$0x400];
	v28 =	vadd.f32 v28, v13;
	[tilespmem:s15+$0xC440] =	vst v5;
	s15 =	smov.u32 s7  }
0x2e5: {  	v5 =	vmul.f32 s17, v27;
	v27 =	vmul.f32 v37, v21;
	v34 =	vld [tilespmem:s30+$0x470];
	v37 =	vadd.f32 s18, v1;
	[tilespmem:s9+$0xC410] =	vst v3;
	s9 =	smov.u32 s19  }
0x2e6: {  	v3 =	vadd.f32 s18, v26;
	v38 =	vld [tilespmem:s30+$0x440];
	v1 =	vmul.f32 s4, v6;
	v6 =	vmul.f32 s4, v4;
	[tilespmem:s13+$0xC470] =	vst v30  }
0x2e7: {  	v26 =	vadd.f32 s16, v5;
	v4 =	vmul.f32 s17, v33;
	v5 =	vld [tilespmem:s30+$0x430];
	v30 =	vmul.f32 v37, v9  }
0x2e8: {  	v27 =	vadd.f32 v27, v22;
	v37 =	vmul.f32 v3, v17;
	s19 =	sld [smem:s2+$0xFFFFFFFF];
	v33 =	vld [tilespmem:s30+$0x420];
	v39 =	vadd.f32 s18, v6;
	[tilespmem:s9+$0xC430] =	vst v28  }
0x2e9: {  	v3 =	vadd.f32 s16, v29;
	v29 =	vmul.f32 s5, v31;
	v28 =	vmul.f32 s5, v36;
	v6 =	vld [tilespmem:s9+$0x420]  }
0x2ea: {  	[tilespmem:s15+$0xC460] =	vst v27;
	v27 =	vadd.f32 v30, v10;
	v30 =	vadd.f32 v37, v18;
	v31 =	vmul.f32 v39, v21  }
0x2eb: {  	v28 =	vadd.f32 s19, v28;
	v29 =	vadd.f32 s19, v29;
	v36 =	vmul.f32 s5, v38  }
0x2ec: {  	v34 =	vmul.f32 s5, v34;
	v5 =	vmul.f32 s5, v5;
	v37 =	vld [tilespmem:s13+$0x420];
	[tilespmem:s13+$0xC440] =	vst v27;
	v27 =	vadd.f32 v31, v22  }
0x2ed: {  	v32 =	vmul.f32 s5, v32;
	v31 =	vmul.f32 s5, v33;
	v33 =	vadd.f32 s19, v36;
	[tilespmem:s13+$0xC450] =	vst v30;
	v30 =	vld [tilespmem:s9+$0x410]  }
0x2ee: {  	v34 =	vadd.f32 s19, v34;
	v29 =	vmul.f32 v29, v7;
	v5 =	vadd.f32 s19, v5;
	v36 =	vld [tilespmem:s30+$0x460];
	[tilespmem:s13+$0xC460] =	vst v27  }
0x2ef: {  	v32 =	vadd.f32 s19, v32;
	v27 =	vadd.f32 s19, v31;
	v31 =	vmul.f32 v33, v9;
	v38 =	vld [tilespmem:s13+$0x400]  }
0x2f0: {  	v29 =	vadd.f32 v29, v8;
	v33 =	vmul.f32 v34, v11;
	v39 =	vld [tilespmem:s15+$0x440];
	v5 =	vmul.f32 v5, v12  }
0x2f1: {  	v28 =	vmul.f32 v28, v19;
	v27 =	vmul.f32 v27, v15;
	v31 =	vadd.f32 v31, v10;
	v40 =	vld [tilespmem:s13+$0x410]  }
.Ltmp1:
0x2f2: {  	v32 =	vmul.f32 v32, v17;
	v34 =	vadd.f32 v33, v14;
	[tilespmem:s30+$0xC410] =	vst v29;
	v5 =	vadd.f32 v5, v13;
	v33 =	vld [tilespmem:s9+$0x440];
	(pc) =	sbr.rel @p0 .LBB2_6-.Ltmp1, $4  }
0x2f3: {  	v35 =	vmul.f32 v35, v11;
	v41 =	vadd.f32 v27, v16;
	[tilespmem:s30+$0xC440] =	vst v31;
	v29 =	vmul.f32 s5, v36  }
0x2f4: {  	v31 =	vadd.f32 v28, v20;
	v28 =	vadd.f32 v32, v18;
	[tilespmem:s30+$0xC430] =	vst v5;
	v32 =	vmul.f32 s4, v38  }
0x2f5: {  	v27 =	vmul.f32 s31, v30;
	v30 =	vadd.f32 v35, v14;
	v5 =	vmul.f32 s17, v39;
	[tilespmem:s30+$0xC470] =	vst v34  }
0x2f6: {  	s14 =	sadd.s32 $0x200, s14;
	[tilespmem:s30+$0xC420] =	vst v41;
	v34 =	vadd.f32 s18, v32;
	v35 =	vmul.f32 s4, v40;
	v32 =	vmul.f32 s4, v37  }
0x2f7: {  	v2 =	vmul.f32 v2, v21  }
0x2f8: {  	v33 =	vmul.f32 s31, v33;
	v29 =	vadd.f32 s19, v29;
	[tilespmem:s30+$0xC400] =	vst v31;
	v3 =	vmul.f32 v3, v7  }
0x2f9: {  	[tilespmem:s9+$0xC470] =	vst v30;
	v6 =	vmul.f32 s31, v6;
	v53 =	vmul.f32 v26, v15;
	v2 =	vadd.f32 v2, v22  }
0x2fa: {  	[tilespmem:s30+$0xC450] =	vst v28;
	v0 =	vadd.f32 s16, v0;
	v40 =	vmul.f32 v34, v19;
	v3 =	vadd.f32 v3, v8  }
0x2fb: {  	v38 =	vmul.f32 v29, v21;
	v52 =	vadd.f32 s23, v6;
	v6 =	vadd.f32 v53, v16;
	[tilespmem:s9+$0xC460] =	vst v2  }
0x2fc: {  	v46 =	vmul.f32 v24, v19;
	v4 =	vadd.f32 s16, v4;
	v47 =	vadd.f32 v40, v20;
	[tilespmem:s15+$0xC410] =	vst v3  }
0x2fd: {  	v51 =	vadd.f32 s23, v25;
	v0 =	vmul.f32 v0, v19;
	v41 =	vadd.f32 v38, v22;
	[tilespmem:s15+$0xC420] =	vst v6  }
0x2fe: {  	v42 =	vld [tilespmem:s15+$0x430];
	v1 =	vadd.f32 s18, v1;
	v49 =	vmul.f32 v4, v17;
	v2 =	vadd.f32 v46, v20;
	[tilespmem:s13+$0xC400] =	vst v47  }
0x2ff: {  	v60 =	vadd.f32 s23, v27;
	v55 =	vmul.f32 v51, v17;
	v0 =	vadd.f32 v0, v20;
	[tilespmem:s30+$0xC460] =	vst v41  }
0x300: {  	v37 =	vadd.f32 s18, v35;
	v1 =	vmul.f32 v1, v12;
	v3 =	vadd.f32 v49, v18;
	[tilespmem:s9+$0xC400] =	vst v2  }
0x301: {  	v44 =	vadd.f32 s18, v32;
	v61 =	vmul.f32 v60, v7;
	v58 =	vadd.f32 v55, v18;
	[tilespmem:s15+$0xC400] =	vst v0  }
0x302: {  	v33 =	vadd.f32 s23, v33;
	v31 =	vmul.f32 v37, v7;
	v1 =	vadd.f32 v1, v13;
	[tilespmem:s15+$0xC450] =	vst v3  }
0x303: {  	v48 =	vmul.f32 v44, v15;
	v63 =	vadd.f32 v61, v8;
	v50 =	vmul.f32 s17, v42;
	[tilespmem:s9+$0xC450] =	vst v58  }
0x304: {  	v59 =	vadd.f32 s16, v5;
	v39 =	vmul.f32 v33, v9;
	v45 =	vadd.f32 v31, v8;
	[tilespmem:s13+$0xC430] =	vst v1  }
0x305: {  	v54 =	vadd.f32 v48, v16;
	v2 =	vmul.f32 v52, v15;
	[tilespmem:s9+$0xC410] =	vst v63;
	v4 =	vadd.f32 s16, v50  }
0x306: {  	v57 =	vadd.f32 s16, v23;
	s8 =	sadd.s32 $0x1, s8;
	v43 =	vadd.f32 v39, v10;
	v3 =	vmul.f32 v59, v9;
	[tilespmem:s13+$0xC410] =	vst v45  }
0x307: {  	p0 =	sne.s32 s8, $0x6;
	[tilespmem:s13+$0xC420] =	vst v54;
	v2 =	vadd.f32 v2, v16;
	v56 =	vmul.f32 v4, v12  }
.Ltmp2:
0x308: {  	[tilespmem:s9+$0xC440] =	vst v43;
	v3 =	vadd.f32 v3, v10;
	v4 =	vmul.f32 v57, v11;
	(pc) =	sbr.rel @p0 .LBB2_5-.Ltmp2, $4  }
0x309: {  	[tilespmem:s9+$0xC420] =	vst v2;
	v0 =	vadd.f32 v56, v13  }
0x30a: {  	[tilespmem:s15+$0xC440] =	vst v3;
	v62 =	vadd.f32 v4, v14  }
0x30b: {  	[tilespmem:s15+$0xC430] =	vst v0  }
0x30c: {  	[tilespmem:s15+$0xC470] =	vst v62  }
0x30d: {  	s0 =	smul.u32 $0x6000, s24;
	_ =	sdelay $0x1  }
0x30e: {  	s0 =	sadd.s32 s12, s0  }
0x30f: {  	s31 =	smov.u32 s20;
	s2 =	simm.s32 $0xC400;
	s0 =	sshrl.u32 s0, $0x3  }
0x310: {  	s30 =	simm.s32 $0x2;
	s0 =	sadd.s32 s20, s0;
	s20 =	simm.s32 $0x0  }
0x311: {  	[hbm4b:s0+s20] =	stream.linear.scatter [tilespmem:s2], [sflag:$0x5], $0x3000, $0x38;
	[tilespmem:$0x1BA00] =	vst v63  }
0x312: {  	_ =	swait.ge [sflag:s30], $0x3000  }
0x313: {  	[sflag:s30] =	ssyncset.done $0x0  }
0x314: {  	[sflag:s30] =	ssyncadd.s32 $0xFFFFD000  }
0x315: {  	_ =	swait.ge [sflag:s21], $0x3000  }
0x316: {  	[sflag:s21] =	ssyncset.done $0x0  }
0x317: {  	p0 =	seq.s32 s24, $0x1F;
	[sflag:s21] =	ssyncadd.s32 $0xFFFFD000  }
0x318: {  	v0 =	vld @!p0 [tilespmem:s26+$0x20];
	_ =	sdelay $0x4  }
0x319: {  	v1 =	vshrl.u32 @!p0 v0, $0x3  }
0x31a: {  	v1 =	vmul.u32 @!p0 $0x30, v1  }
0x31b: {  	v2 =	vlaneseq.u32 @!p0;
	v0 =	vand.u32 @!p0 $0x7, v0  }
0x31c: {  	v3 =	vshrl.u32 @!p0 v2, $0x3;
	v0 =	vor.u32 @!p0 v0, v1;
	v1 =	vand.u32 @!p0 $0x7, v2  }
0x31d: {  	v3 =	vmul.u32 @!p0 $0x8, v3;
	v1 =	vperm.xlane @!p0 v0, v1;
	_ =	sdelay $0x1  }
0x31e: {  	v1 =	vadd.s32 @!p0 v3, v1;
	_ =	sdelay $0x2  }
0x31f: {  	v2 =	vor.u32 @!p0 $0x8, v2  }
0x320: {  	vm1 =	vmmov @!p0 $0xffff;
	s0 =	simm.s32 @!p0 $0x0;
	s2 =	simm.s32 @!p0 $0x400;
	v0 =	vperm.xlane @!p0 v0, v2  }
0x321: {  	[tilespmem:s2], [sflag:$0x1] =	stream.indirect_vreg.gather @!p0 [hbm4b:s1+s0], $0x80, v1, vm1, $0xb8;
	[tilespmem:$0x1BA00] =	vst v63  }
0x322: {  	v0 =	vadd.s32 @!p0 v3, v0;
	s2 =	simm.s32 @!p0 $0xC00  }
0x323: {  	[tilespmem:s2], [sflag:$0x1] =	stream.indirect_vreg.gather @!p0 [hbm4b:s10+s0], $0x80, v1, vm1, $0xb8;
	[tilespmem:$0x1BA00] =	vst v63  }
0x324: {  	s2 =	simm.s32 @!p0 $0x1400  }
0x325: {  	[tilespmem:s2], [sflag:$0x1] =	stream.indirect_vreg.gather @!p0 [hbm4b:s11+s0], $0x80, v1, vm1, $0xb8;
	[tilespmem:$0x1BA00] =	vst v63  }
0x326: {  	s2 =	simm.s32 @!p0 $0x1C00  }
0x327: {  	[tilespmem:s2], [sflag:$0x1] =	stream.indirect_vreg.gather @!p0 [hbm4b:s1+s0], $0x80, v0, vm1, $0xb8;
	[tilespmem:$0x1BA00] =	vst v63  }
0x328: {  	s2 =	sadd.s32 @!p0 $0x20, s26  }
0x329: {  	s3 =	simm.s32 @!p0 $0x2400;
	s2 =	sshrl.u32 @!p0 s2, $0x3  }
0x32a: {  	[tilespmem:s3], [sflag:$0x1] =	stream.indirect_vreg.gather @!p0 [hbm4b:s10+s0], $0x80, v0, vm1, $0xb8;
	[tilespmem:$0x1BA00] =	vst v63  }
0x32b: {  	s15 =	simm.s32 $0xFFFFFFFC;
	s3 =	simm.s32 @!p0 $0x2C00;
	s2 =	smul.u32 @!p0 $0x6000, s2  }
0x32c: {  	[tilespmem:s3], [sflag:$0x1] =	stream.indirect_vreg.gather @!p0 [hbm4b:s11+s0], $0x80, v0, vm1, $0xb8;
	[tilespmem:$0x1BA00] =	vst v63  }
0x32d: {  	s8 =	simm.s32 $0x0;
	s0 =	sshra.s32 @!p0 s2, $0x2;
	s2 =	rddreg [dreg:$0x6]  }
0x32e: {  	s9 =	simm.s32 $0x4;
	s0 =	sadd.s32 @!p0 s0, s2;
	s2 =	simm.s32 @!p0 $0x6400  }
0x32f: {  	[tilespmem:s2], [sflag:$0x3] =	stream.linear.gather @!p0 [spmem:s0], $0x3000, $0x38;
	[tilespmem:$0x1BA00] =	vst v63  }
.LBB2_9:
0x330: {  	s15 =	sadd.s32 $0x4, s15  }
0x331: {  	s0 =	sshrl.u32 s15, $0x3  }
0x332: {  	s30 =	smul.u32 $0x1800, s0  }
0x333: {  	s28 =	sand.u32 $0x200, s8  }
0x334: {  	s2 =	sor.u32 s28, s30  }
0x335: {  	v0 =	vld [tilespmem:s2+$0x3400]  }
0x336: {  	v1 =	vld [tilespmem:s2+$0x9400]  }
0x337: {  	v2 =	vld [tilespmem:s2+$0x3410]  }
0x338: {  	v3 =	vld [tilespmem:s2+$0x9410]  }
0x339: {  	v5 =	vld [tilespmem:s2+$0x3420]  }
0x33a: {  	v6 =	vld [tilespmem:s2+$0x9420]  }
0x33b: {  	v7 =	vld [tilespmem:s2+$0x3430]  }
0x33c: {  	v8 =	vld [tilespmem:s2+$0x9430]  }
0x33d: {  	v9 =	vld [tilespmem:s2+$0x3440]  }
0x33e: {  	v10 =	vld [tilespmem:s2+$0x9440]  }
0x33f: {  	v11 =	vld [tilespmem:s2+$0x3450]  }
0x340: {  	v12 =	vld [tilespmem:s2+$0x9450]  }
0x341: {  	v13 =	vld [tilespmem:s2+$0x3460]  }
0x342: {  	v14 =	vld [tilespmem:s2+$0x9460]  }
0x343: {  	v15 =	vld [tilespmem:s2+$0x3470]  }
0x344: {  	v16 =	vld [tilespmem:s2+$0x9470]  }
0x345: {  	v17 =	vld [tilespmem:s2+$0x3800]  }
0x346: {  	v18 =	vld [tilespmem:s2+$0x9800]  }
0x347: {  	v19 =	vld [tilespmem:s2+$0x3810]  }
0x348: {  	v20 =	vld [tilespmem:s2+$0x9810]  }
0x349: {  	v21 =	vld [tilespmem:s2+$0x3820]  }
0x34a: {  	v30 =	vld [tilespmem:s2+$0x9820];
	v37 =	vadd.f32 v1, v0  }
0x34b: {  	v22 =	vld [tilespmem:s2+$0x3830];
	v39 =	vadd.f32 v3, v2  }
0x34c: {  	v23 =	vld [tilespmem:s2+$0x9830];
	v44 =	vadd.f32 v6, v5;
	[tilespmem:s2+$0x3400] =	vst v37  }
0x34d: {  	v31 =	vld [tilespmem:s2+$0x3840];
	v42 =	vadd.f32 v8, v7;
	[tilespmem:s2+$0x3410] =	vst v39  }
0x34e: {  	v32 =	vld [tilespmem:s2+$0x9840];
	v34 =	vadd.f32 v10, v9;
	[tilespmem:s2+$0x3420] =	vst v44  }
0x34f: {  	v33 =	vld [tilespmem:s2+$0x3850];
	v36 =	vadd.f32 v12, v11;
	[tilespmem:s2+$0x3430] =	vst v42  }
0x350: {  	v35 =	vld [tilespmem:s2+$0x9850];
	v38 =	vadd.f32 v14, v13;
	[tilespmem:s2+$0x3440] =	vst v34  }
0x351: {  	v48 =	vld [tilespmem:s2+$0x3860];
	v40 =	vadd.f32 v16, v15;
	[tilespmem:s2+$0x3450] =	vst v36  }
0x352: {  	v49 =	vld [tilespmem:s2+$0x9860];
	v63 =	vadd.f32 v18, v17;
	[tilespmem:s2+$0x3460] =	vst v38  }
0x353: {  	v50 =	vld [tilespmem:s2+$0x3870];
	v62 =	vadd.f32 v20, v19;
	[tilespmem:s2+$0x3470] =	vst v40  }
0x354: {  	v51 =	vld [tilespmem:s2+$0x9870];
	v60 =	vadd.f32 v30, v21;
	[tilespmem:s2+$0x3800] =	vst v63  }
0x355: {  	v58 =	vadd.f32 v23, v22;
	[tilespmem:s2+$0x3810] =	vst v62  }
0x356: {  	v45 =	vadd.f32 v32, v31;
	[tilespmem:s2+$0x3820] =	vst v60  }
0x357: {  	v43 =	vadd.f32 v35, v33;
	[tilespmem:s2+$0x3830] =	vst v58  }
0x358: {  	v41 =	vadd.f32 v49, v48;
	[tilespmem:s2+$0x3840] =	vst v45  }
0x359: {  	s23 =	sadd.s32 $0x800, s30;
	v47 =	vadd.f32 v51, v50;
	[tilespmem:s2+$0x3850] =	vst v43  }
0x35a: {  	s3 =	sor.u32 s28, s23;
	[tilespmem:s2+$0x3860] =	vst v41  }
0x35b: {  	[tilespmem:s2+$0x3870] =	vst v47;
	v52 =	vld [tilespmem:s3+$0x3400]  }
0x35c: {  	v53 =	vld [tilespmem:s3+$0x9400]  }
0x35d: {  	v54 =	vld [tilespmem:s3+$0x3410]  }
0x35e: {  	v55 =	vld [tilespmem:s3+$0x9410]  }
0x35f: {  	v61 =	vld [tilespmem:s3+$0x3420]  }
0x360: {  	v1 =	vld [tilespmem:s3+$0x9420]  }
0x361: {  	v2 =	vld [tilespmem:s3+$0x3430]  }
0x362: {  	v3 =	vld [tilespmem:s3+$0x9430]  }
0x363: {  	v21 =	vld [tilespmem:s3+$0x3440]  }
0x364: {  	v22 =	vld [tilespmem:s3+$0x9440]  }
0x365: {  	v23 =	vld [tilespmem:s3+$0x3450]  }
0x366: {  	v24 =	vld [tilespmem:s3+$0x9450]  }
0x367: {  	v25 =	vld [tilespmem:s3+$0x3460]  }
0x368: {  	v26 =	vld [tilespmem:s3+$0x9460];
	v59 =	vadd.f32 v53, v52  }
0x369: {  	s5 =	sadd.s32 $0x80, s8;
	v27 =	vld [tilespmem:s3+$0x3470];
	v46 =	vadd.f32 v55, v54  }
0x36a: {  	s26 =	sand.u32 $0x280, s5;
	v28 =	vld [tilespmem:s3+$0x9470];
	v48 =	vadd.f32 v1, v61;
	[tilespmem:s3+$0x3400] =	vst v59  }
0x36b: {  	s2 =	sor.u32 s30, s26;
	v50 =	vadd.f32 v3, v2;
	[tilespmem:s3+$0x3410] =	vst v46  }
0x36c: {  	v11 =	vld [tilespmem:s2+$0x3400];
	v29 =	vadd.f32 v22, v21;
	[tilespmem:s3+$0x3420] =	vst v48  }
0x36d: {  	v20 =	vld [tilespmem:s2+$0x3820];
	v30 =	vadd.f32 v24, v23;
	[tilespmem:s3+$0x3430] =	vst v50  }
0x36e: {  	v18 =	vld [tilespmem:s2+$0x9830];
	v31 =	vadd.f32 v26, v25;
	[tilespmem:s3+$0x3440] =	vst v29  }
0x36f: {  	s16 =	sadd.s32 $0xC00, s30;
	v32 =	vadd.f32 v28, v27;
	v21 =	vld [tilespmem:s2+$0x9820];
	[tilespmem:s3+$0x3450] =	vst v30  }
0x370: {  	s29 =	sor.u32 s28, s16;
	v22 =	vld [tilespmem:s2+$0x3830];
	[tilespmem:s3+$0x3460] =	vst v31  }
0x371: {  	[tilespmem:s3+$0x3470] =	vst v32;
	v33 =	vld [tilespmem:s29+$0x3400]  }
0x372: {  	v35 =	vld [tilespmem:s29+$0x9400]  }
0x373: {  	v49 =	vld [tilespmem:s29+$0x3410]  }
0x374: {  	v51 =	vld [tilespmem:s29+$0x9410]  }
0x375: {  	v57 =	vld [tilespmem:s29+$0x3420]  }
0x376: {  	v61 =	vld [tilespmem:s29+$0x9420]  }
0x377: {  	v0 =	vld [tilespmem:s29+$0x3430]  }
0x378: {  	v1 =	vld [tilespmem:s29+$0x9430]  }
0x379: {  	v2 =	vld [tilespmem:s29+$0x3440]  }
0x37a: {  	v3 =	vld [tilespmem:s29+$0x9440]  }
0x37b: {  	v23 =	vld [tilespmem:s29+$0x3470]  }
0x37c: {  	v24 =	vld [tilespmem:s29+$0x9470]  }
0x37d: {  	v4 =	vld [tilespmem:s29+$0x3450]  }
0x37e: {  	v5 =	vld [tilespmem:s29+$0x9450]  }
0x37f: {  	v6 =	vld [tilespmem:s29+$0x3460]  }
0x380: {  	v7 =	vld [tilespmem:s29+$0x9460]  }
0x381: {  	v54 =	vadd.f32 v35, v33;
	v26 =	vadd.f32 v24, v23;
	v24 =	vld [tilespmem:s2+$0x9400]  }
0x382: {  	v53 =	vadd.f32 v51, v49;
	v49 =	vadd.f32 v1, v0;
	v1 =	vld [tilespmem:s2+$0x3460]  }
0x383: {  	v51 =	vadd.f32 v61, v57;
	v0 =	vld [tilespmem:s2+$0x9460];
	[tilespmem:s29+$0x3400] =	vst v54  }
0x384: {  	v14 =	vadd.f32 v5, v4;
	v4 =	vld [tilespmem:s2+$0x3470];
	[tilespmem:s29+$0x3410] =	vst v53  }
0x385: {  	v12 =	vadd.f32 v3, v2;
	v2 =	vld [tilespmem:s2+$0x9470];
	[tilespmem:s29+$0x3420] =	vst v51  }
0x386: {  	v25 =	vadd.f32 v7, v6;
	v7 =	vld [tilespmem:s2+$0x3800];
	[tilespmem:s29+$0x3430] =	vst v49  }
0x387: {  	v3 =	vld [tilespmem:s2+$0x9800];
	[tilespmem:s29+$0x3440] =	vst v12  }
0x388: {  	v5 =	vld [tilespmem:s2+$0x3810];
	[tilespmem:$0x1F9A0] =	vst v25  }
0x389: {  	v6 =	vld [tilespmem:s2+$0x3840];
	[tilespmem:$0x1F9B0] =	vst v26  }
0x38a: {  	s17 =	sadd.s32 $0x1000, s30;
	[tilespmem:s29+$0x3460] =	vst v25;
	v25 =	vld [tilespmem:s2+$0x3410]  }
0x38b: {  	s4 =	sor.u32 s28, s17;
	[tilespmem:s29+$0x3470] =	vst v26;
	v26 =	vld [tilespmem:s2+$0x9410]  }
0x38c: {  	[tilespmem:s29+$0x3450] =	vst v14;
	v27 =	vld [tilespmem:s4+$0x3400]  }
0x38d: {  	v28 =	vld [tilespmem:s4+$0x9400]  }
0x38e: {  	[tilespmem:$0x1F960] =	vst v29;
	v29 =	vld [tilespmem:s4+$0x3410]  }
0x38f: {  	[tilespmem:$0x1F970] =	vst v30;
	v30 =	vld [tilespmem:s4+$0x9410]  }
0x390: {  	[tilespmem:$0x1F980] =	vst v31;
	v31 =	vld [tilespmem:s4+$0x3420]  }
0x391: {  	[tilespmem:$0x1F990] =	vst v32;
	v32 =	vld [tilespmem:s4+$0x9420]  }
0x392: {  	v33 =	vld [tilespmem:s4+$0x3430]  }
0x393: {  	v18 =	vadd.f32 v18, v22;
	v35 =	vld [tilespmem:s4+$0x9430]  }
0x394: {  	v15 =	vld [tilespmem:s4+$0x3440];
	v16 =	vadd.f32 v26, v25  }
0x395: {  	[tilespmem:s2+$0x3830] =	vst v18;
	v61 =	vld [tilespmem:s4+$0x9440]  }
0x396: {  	v19 =	vld [tilespmem:s4+$0x3460];
	v52 =	vadd.f32 v28, v27;
	[tilespmem:$0x1FA40] =	vst v16  }
0x397: {  	v55 =	vld [tilespmem:s4+$0x9460];
	v56 =	vadd.f32 v32, v31;
	[tilespmem:s2+$0x3410] =	vst v16  }
0x398: {  	v13 =	vadd.f32 v30, v29;
	v27 =	vld [tilespmem:s2+$0x3420];
	[tilespmem:s4+$0x3400] =	vst v52  }
0x399: {  	v57 =	vadd.f32 v35, v33;
	v28 =	vld [tilespmem:s2+$0x9420];
	[tilespmem:$0x1F9C0] =	vst v56  }
0x39a: {  	v29 =	vld [tilespmem:s2+$0x3430];
	[tilespmem:s4+$0x3410] =	vst v13  }
0x39b: {  	v30 =	vld [tilespmem:s2+$0x9430];
	[tilespmem:$0x1F9D0] =	vst v57  }
0x39c: {  	v31 =	vld [tilespmem:s2+$0x3440];
	v61 =	vadd.f32 v61, v15;
	[tilespmem:s4+$0x3420] =	vst v56  }
0x39d: {  	v32 =	vld [tilespmem:s2+$0x9440];
	v15 =	vadd.f32 v24, v11;
	[tilespmem:s4+$0x3430] =	vst v57  }
0x39e: {  	v33 =	vld [tilespmem:s2+$0x3450];
	[tilespmem:s4+$0x3440] =	vst v61  }
0x39f: {  	v35 =	vld [tilespmem:s2+$0x9450];
	v16 =	vadd.f32 v21, v20;
	[tilespmem:$0x1FA30] =	vst v15  }
0x3a0: {  	v9 =	vld [tilespmem:s4+$0x3470];
	[tilespmem:s2+$0x3400] =	vst v15;
	v17 =	vadd.f32 v28, v27  }
0x3a1: {  	v56 =	vld [tilespmem:s4+$0x3450];
	[tilespmem:s2+$0x3820] =	vst v16  }
0x3a2: {  	v57 =	vld [tilespmem:s4+$0x9450];
	v23 =	vadd.f32 v30, v29;
	[tilespmem:$0x1FA50] =	vst v17  }
0x3a3: {  	v10 =	vld [tilespmem:s4+$0x9470];
	v28 =	vadd.f32 v32, v31;
	[tilespmem:s2+$0x3420] =	vst v17  }
0x3a4: {  	v26 =	vld [tilespmem:s2+$0x9850];
	v29 =	vadd.f32 v35, v33;
	[tilespmem:s2+$0x3430] =	vst v23  }
0x3a5: {  	v31 =	vadd.f32 v0, v1;
	v27 =	vld [tilespmem:s2+$0x3860];
	[tilespmem:s2+$0x3440] =	vst v28  }
0x3a6: {  	v30 =	vadd.f32 v2, v4;
	v35 =	vld [tilespmem:s2+$0x9860];
	[tilespmem:s2+$0x3450] =	vst v29  }
0x3a7: {  	v57 =	vadd.f32 v57, v56;
	v56 =	vadd.f32 v55, v19;
	v19 =	vld [tilespmem:s2+$0x9810];
	[tilespmem:s2+$0x3460] =	vst v31  }
0x3a8: {  	v24 =	vld [tilespmem:s2+$0x3850];
	[tilespmem:s2+$0x3470] =	vst v30  }
0x3a9: {  	v15 =	vld [tilespmem:s2+$0x9870];
	v55 =	vadd.f32 v10, v9;
	[tilespmem:s4+$0x3450] =	vst v57  }
0x3aa: {  	v9 =	vadd.f32 v3, v7;
	v10 =	vld [tilespmem:s2+$0x3870];
	[tilespmem:s4+$0x3460] =	vst v56  }
0x3ab: {  	v17 =	vld [tilespmem:s2+$0x9840];
	[tilespmem:s4+$0x3470] =	vst v55;
	v1 =	vadd.f32 v35, v27  }
0x3ac: {  	[tilespmem:s2+$0x3800] =	vst v9;
	v11 =	vadd.f32 v19, v5  }
0x3ad: {  	[tilespmem:s2+$0x3860] =	vst v1  }
0x3ae: {  	s18 =	sadd.s32 $0x1400, s30;
	v19 =	vadd.f32 v26, v24;
	[tilespmem:$0x1FA80] =	vst v11  }
0x3af: {  	s13 =	sor.u32 s28, s18;
	v22 =	vadd.f32 v15, v10;
	[tilespmem:s2+$0x3810] =	vst v11  }
0x3b0: {  	v32 =	vld [tilespmem:s13+$0x9410];
	v33 =	vadd.f32 v17, v6;
	[tilespmem:s2+$0x3850] =	vst v19  }
0x3b1: {  	s6 =	sor.u32 s26, s23;
	[tilespmem:s2+$0x3870] =	vst v22;
	v11 =	vld [tilespmem:s13+$0x3430]  }
0x3b2: {  	[tilespmem:s2+$0x3840] =	vst v33;
	v0 =	vld [tilespmem:s6+$0x3400]  }
0x3b3: {  	v35 =	vld [tilespmem:s6+$0x9400]  }
0x3b4: {  	v26 =	vld [tilespmem:s6+$0x3410]  }
0x3b5: {  	[tilespmem:$0x1FAA0] =	vst v18;
	v27 =	vld [tilespmem:s6+$0x9410]  }
0x3b6: {  	[tilespmem:$0x1FA90] =	vst v16;
	v15 =	vld [tilespmem:s6+$0x3420]  }
0x3b7: {  	[tilespmem:$0x1FA60] =	vst v23;
	v5 =	vld [tilespmem:s6+$0x9420]  }
0x3b8: {  	[tilespmem:$0x1FA70] =	vst v9;
	v9 =	vld [tilespmem:s6+$0x3430]  }
0x3b9: {  	[tilespmem:$0x1FAC0] =	vst v1;
	v7 =	vld [tilespmem:s6+$0x9430]  }
0x3ba: {  	[tilespmem:$0x1FAB0] =	vst v19;
	v8 =	vld [tilespmem:s6+$0x3450]  }
0x3bb: {  	[tilespmem:$0x1FAD0] =	vst v22;
	v17 =	vld [tilespmem:s6+$0x9450]  }
0x3bc: {  	[tilespmem:$0x1F9E0] =	vst v32;
	v18 =	vld [tilespmem:s6+$0x3460];
	v4 =	vadd.f32 v5, v15  }
0x3bd: {  	v19 =	vld [tilespmem:s6+$0x9460];
	[tilespmem:$0x1FA10] =	vst v11;
	v35 =	vadd.f32 v35, v0  }
0x3be: {  	v32 =	vadd.f32 v27, v26;
	v27 =	vadd.f32 v7, v9;
	[tilespmem:$0x1FAE0] =	vst v4  }
0x3bf: {  	v20 =	vld [tilespmem:s6+$0x3470];
	[tilespmem:s6+$0x3400] =	vst v35  }
0x3c0: {  	v21 =	vld [tilespmem:s6+$0x9470];
	v8 =	vadd.f32 v17, v8;
	[tilespmem:$0x1FAF0] =	vst v27  }
0x3c1: {  	v7 =	vld [tilespmem:s13+$0x3420];
	[tilespmem:s6+$0x3410] =	vst v32  }
0x3c2: {  	v9 =	vld [tilespmem:s13+$0x9420];
	v10 =	vadd.f32 v19, v18;
	[tilespmem:$0x1FB10] =	vst v8  }
0x3c3: {  	[tilespmem:s6+$0x3420] =	vst v4  }
0x3c4: {  	v25 =	vld [tilespmem:s13+$0x3410];
	[tilespmem:$0x1FB20] =	vst v10  }
0x3c5: {  	v16 =	vld [tilespmem:s6+$0x3440];
	[tilespmem:s6+$0x3430] =	vst v27  }
0x3c6: {  	v26 =	vld [tilespmem:s6+$0x9440];
	v1 =	vadd.f32 v21, v20;
	[tilespmem:$0x1F9F0] =	vst v7  }
0x3c7: {  	v23 =	vld [tilespmem:s13+$0x3400];
	[tilespmem:$0x1FA00] =	vst v9  }
0x3c8: {  	v24 =	vld [tilespmem:s13+$0x9400];
	[tilespmem:$0x1FB30] =	vst v1  }
0x3c9: {  	[tilespmem:s6+$0x3450] =	vst v8;
	v15 =	vld [tilespmem:s13+$0x9430]  }
0x3ca: {  	[tilespmem:s6+$0x3460] =	vst v10;
	v20 =	vld [tilespmem:s13+$0x3440]  }
0x3cb: {  	s7 =	sor.u32 s26, s16;
	v16 =	vadd.f32 v26, v16;
	[tilespmem:s6+$0x3470] =	vst v1;
	v2 =	vld [tilespmem:s13+$0x9440]  }
0x3cc: {  	v10 =	vld [tilespmem:s7+$0x3400]  }
0x3cd: {  	v17 =	vadd.f32 $0.0e+00, v37;
	v4 =	vmul.f32 v44, v44;
	v1 =	vadd.f32 $0.0e+00, v44;
	v44 =	vld [tilespmem:s13+$0x9450];
	[tilespmem:s6+$0x3440] =	vst v16  }
0x3ce: {  	v0 =	vmul.f32 v36, v36;
	v27 =	vadd.f32 $0.0e+00, v39;
	v39 =	vmul.f32 v39, v39;
	v7 =	vld [tilespmem:s7+$0x9400]  }
0x3cf: {  	v11 =	vld [tilespmem:s7+$0x3410]  }
0x3d0: {  	v3 =	vadd.f32 v34, v17;
	v8 =	vadd.f32 v0, v39;
	v39 =	vld [tilespmem:s7+$0x9410]  }
0x3d1: {  	v18 =	vmul.f32 v40, v40;
	v19 =	vmul.f32 v63, v63;
	v6 =	vadd.f32 v36, v27;
	v0 =	vld [tilespmem:s7+$0x3420]  }
0x3d2: {  	v21 =	vmul.f32 v62, v62;
	v17 =	vmul.f32 v42, v42;
	v3 =	vadd.f32 v63, v3;
	v63 =	vld [tilespmem:s7+$0x3430]  }
0x3d3: {  	v26 =	vmul.f32 v37, v37;
	v37 =	vmul.f32 v34, v34;
	v6 =	vadd.f32 v62, v6;
	v62 =	vld [tilespmem:s7+$0x9430]  }
0x3d4: {  	[tilespmem:$0x1FB00] =	vst v16;
	v16 =	vmul.f32 v38, v38;
	v9 =	vadd.f32 v38, v1;
	v38 =	vadd.f32 v18, v17;
	v17 =	vld [tilespmem:s7+$0x3460]  }
0x3d5: {  	v22 =	vmul.f32 v60, v60;
	v3 =	vadd.f32 v45, v3;
	v18 =	vld [tilespmem:s7+$0x9460]  }
0x3d6: {  	v5 =	vadd.f32 v37, v26;
	v8 =	vadd.f32 v21, v8;
	v26 =	vmul.f32 v58, v58;
	v21 =	vld [tilespmem:s7+$0x3470]  }
0x3d7: {  	v1 =	vmul.f32 v43, v43;
	v6 =	vadd.f32 v43, v6;
	v3 =	vadd.f32 v59, v3;
	v43 =	vld [tilespmem:s13+$0x3460]  }
0x3d8: {  	v27 =	vmul.f32 v45, v45;
	v34 =	vadd.f32 v16, v4;
	v9 =	vadd.f32 v60, v9;
	v60 =	vld [tilespmem:s7+$0x3440]  }
0x3d9: {  	v5 =	vadd.f32 v19, v5;
	v38 =	vadd.f32 v26, v38;
	v26 =	vmul.f32 v59, v59;
	v59 =	vld [tilespmem:s13+$0x3450]  }
0x3da: {  	[tilespmem:$0x1FA20] =	vst v15;
	v15 =	vadd.f32 $0.0e+00, v42;
	v34 =	vadd.f32 v22, v34;
	v22 =	vld [tilespmem:s7+$0x9470]  }
0x3db: {  	v5 =	vadd.f32 v27, v5;
	v27 =	vld [tilespmem:s7+$0x9440]  }
0x3dc: {  	v19 =	vmul.f32 v47, v47;
	v36 =	vadd.f32 v40, v15;
	v40 =	vld [tilespmem:s7+$0x9420]  }
0x3dd: {  	v15 =	vld [tilespmem:s7+$0x9450]  }
0x3de: {  	v37 =	vadd.f32 v7, v10;
	v7 =	vadd.f32 v19, v38;
	v38 =	vld [tilespmem:s13+$0x3470]  }
0x3df: {  	v8 =	vadd.f32 v1, v8;
	v19 =	vld [tilespmem:$0x1F970]  }
0x3e0: {  	v45 =	vadd.f32 v62, v63;
	v36 =	vadd.f32 v58, v36;
	v58 =	vld [tilespmem:s7+$0x3450]  }
0x3e1: {  	v16 =	vmul.f32 v41, v41;
	v9 =	vadd.f32 v41, v9;
	v10 =	vld [tilespmem:$0x1F9C0];
	[tilespmem:s7+$0x3400] =	vst v37;
	v41 =	vadd.f32 v22, v21  }
0x3e2: {  	[tilespmem:s7+$0x3430] =	vst v45;
	v22 =	vld [tilespmem:s13+$0x9460];
	v47 =	vadd.f32 v47, v36;
	v36 =	vadd.f32 v39, v11  }
0x3e3: {  	v1 =	vmul.f32 v46, v46;
	v34 =	vadd.f32 v16, v34;
	v11 =	vld [tilespmem:$0x1F9E0];
	v42 =	vadd.f32 v40, v0;
	[tilespmem:s7+$0x3470] =	vst v41  }
0x3e4: {  	v4 =	vmul.f32 v48, v48;
	v0 =	vadd.f32 v26, v5;
	v40 =	vadd.f32 v18, v17;
	v17 =	vld [tilespmem:$0x1F960];
	[tilespmem:s7+$0x3410] =	vst v36  }
0x3e5: {  	v5 =	vadd.f32 v1, v8;
	v26 =	vld [tilespmem:$0x1F980];
	v39 =	vadd.f32 v15, v58;
	[tilespmem:s7+$0x3420] =	vst v42  }
0x3e6: {  	v8 =	vadd.f32 v4, v34;
	v4 =	vld [tilespmem:$0x1F990];
	v58 =	vadd.f32 v27, v60;
	[tilespmem:s7+$0x3460] =	vst v40  }
0x3e7: {  	s14 =	sor.u32 s26, s17;
	v6 =	vadd.f32 v46, v6;
	v16 =	vadd.f32 v50, v47;
	v47 =	vld [tilespmem:s13+$0x9470];
	[tilespmem:s7+$0x3450] =	vst v39  }
0x3e8: {  	v9 =	vadd.f32 v48, v9;
	[tilespmem:s7+$0x3440] =	vst v58;
	v48 =	vld [tilespmem:s14+$0x3400]  }
0x3e9: {  	v6 =	vadd.f32 v19, v6;
	v15 =	vmul.f32 v50, v50;
	v50 =	vld [tilespmem:s14+$0x9400]  }
0x3ea: {  	v21 =	vmul.f32 v19, v19;
	v60 =	vld [tilespmem:s14+$0x3410]  }
0x3eb: {  	v6 =	vadd.f32 v53, v6;
	v27 =	vmul.f32 v26, v26;
	v9 =	vadd.f32 v26, v9;
	v26 =	vld [tilespmem:s14+$0x9410]  }
0x3ec: {  	v18 =	vmul.f32 v17, v17;
	v3 =	vadd.f32 v17, v3;
	v17 =	vmul.f32 v53, v53;
	v53 =	vld [tilespmem:s14+$0x9420]  }
0x3ed: {  	v6 =	vadd.f32 v14, v6;
	v63 =	vld [tilespmem:s14+$0x3440]  }
0x3ee: {  	v62 =	vmul.f32 v13, v13;
	v5 =	vadd.f32 v21, v5;
	v46 =	vld [tilespmem:s14+$0x9440]  }
0x3ef: {  	v19 =	vmul.f32 v49, v49;
	v34 =	vadd.f32 v4, v16;
	v6 =	vadd.f32 v13, v6;
	v13 =	vld [tilespmem:$0x1FA00]  }
0x3f0: {  	v16 =	vmul.f32 v54, v54;
	v0 =	vadd.f32 v18, v0;
	v3 =	vadd.f32 v54, v3;
	v54 =	vld [tilespmem:s14+$0x3420]  }
0x3f1: {  	v8 =	vadd.f32 v27, v8;
	v18 =	vmul.f32 v51, v51;
	v9 =	vadd.f32 v51, v9;
	v51 =	vld [tilespmem:s14+$0x3430]  }
0x3f2: {  	s19 =	sadd.s32 $0x100, s8;
	v5 =	vadd.f32 v17, v5;
	v27 =	vmul.f32 v14, v14;
	v0 =	vadd.f32 v16, v0;
	v16 =	vld [tilespmem:$0x1F9A0]  }
0x3f3: {  	s0 =	sand.u32 $0x300, s19;
	v7 =	vadd.f32 v15, v7;
	v15 =	vmul.f32 v4, v4;
	v8 =	vadd.f32 v18, v8;
	v18 =	vld [tilespmem:$0x1F9B0]  }
0x3f4: {  	s28 =	sor.u32 s30, s0;
	v21 =	vmul.f32 v12, v12;
	v34 =	vadd.f32 v49, v34;
	v49 =	vld [tilespmem:s14+$0x9430];
	v5 =	vadd.f32 v27, v5  }
0x3f5: {  	v7 =	vadd.f32 v15, v7;
	v15 =	vld [tilespmem:s28+$0x3400];
	v3 =	vadd.f32 v12, v3  }
0x3f6: {  	v27 =	vmul.f32 v52, v52;
	v0 =	vadd.f32 v21, v0;
	v5 =	vadd.f32 v62, v5;
	v62 =	vld [tilespmem:$0x1F9D0]  }
0x3f7: {  	v14 =	vld [tilespmem:s28+$0x9400];
	v7 =	vadd.f32 v19, v7;
	v3 =	vadd.f32 v52, v3  }
0x3f8: {  	v21 =	vld [tilespmem:s14+$0x3450];
	v0 =	vadd.f32 v27, v0;
	v17 =	vmul.f32 v16, v16;
	v19 =	vmul.f32 v18, v18  }
0x3f9: {  	v52 =	vld [tilespmem:s14+$0x3460];
	v9 =	vadd.f32 v16, v9;
	v12 =	vadd.f32 v18, v34  }
0x3fa: {  	v27 =	vmul.f32 v10, v10;
	v34 =	vld [tilespmem:s14+$0x9450];
	v8 =	vadd.f32 v17, v8;
	v7 =	vadd.f32 v19, v7  }
0x3fb: {  	v18 =	vld [tilespmem:s14+$0x9460];
	v9 =	vadd.f32 v10, v9;
	v4 =	vmul.f32 v62, v62;
	v12 =	vadd.f32 v62, v12  }
0x3fc: {  	v16 =	vld [tilespmem:s14+$0x9470];
	v10 =	vmul.f32 v61, v61;
	v62 =	vmul.f32 v56, v56;
	v8 =	vadd.f32 v27, v8  }
0x3fd: {  	v17 =	vld [tilespmem:s14+$0x3470];
	v61 =	vadd.f32 v61, v3;
	v27 =	vmul.f32 v57, v57;
	v57 =	vadd.f32 v57, v6  }
0x3fe: {  	v6 =	vadd.f32 v62, v8;
	v8 =	vadd.f32 v55, v12;
	v12 =	vld [tilespmem:$0x1F9F0]  }
0x3ff: {  	v3 =	vadd.f32 v27, v5;
	v5 =	vadd.f32 v24, v23;
	v23 =	vld [tilespmem:$0x1FA10]  }
0x400: {  	v1 =	vmul.f32 v55, v55;
	v7 =	vadd.f32 v4, v7;
	v62 =	vadd.f32 v11, v25;
	v25 =	vld [tilespmem:$0x1FA20]  }
0x401: {  	v19 =	vadd.f32 v10, v0;
	v10 =	vadd.f32 v56, v9;
	v56 =	vld [tilespmem:s28+$0x3410]  }
0x402: {  	v55 =	vld [tilespmem:s28+$0x9410];
	v7 =	vadd.f32 v1, v7;
	v1 =	vmul.f32 v5, v5  }
0x403: {  	v27 =	vld [tilespmem:s28+$0x3420]  }
0x404: {  	v2 =	vadd.f32 v2, v20;
	v24 =	vld [tilespmem:s28+$0x9420];
	v1 =	vadd.f32 v1, v19  }
0x405: {  	v19 =	vld [tilespmem:s28+$0x3440];
	v9 =	vadd.f32 v13, v12;
	v4 =	vadd.f32 v25, v23  }
0x406: {  	v23 =	vld [tilespmem:s28+$0x3430];
	v25 =	vadd.f32 v44, v59;
	v13 =	vmul.f32 v62, v62;
	v59 =	vmul.f32 v2, v2  }
0x407: {  	v44 =	vld [tilespmem:s28+$0x9430];
	v12 =	vmul.f32 v9, v9  }
0x408: {  	v59 =	vadd.f32 v59, v1;
	v1 =	vadd.f32 v22, v43;
	v22 =	vld [tilespmem:s28+$0x9450]  }
0x409: {  	v11 =	vmul.f32 v4, v4;
	v20 =	vadd.f32 v12, v6;
	v12 =	vld [tilespmem:s28+$0x9440]  }
0x40a: {  	v3 =	vadd.f32 v13, v3;
	v0 =	vmul.f32 v25, v25;
	[tilespmem:$0x1FBE0] =	vst v25;
	v13 =	vmov v25;
	v25 =	vld [tilespmem:s28+$0x3450]  }
0x40b: {  	v6 =	vadd.f32 v50, v48;
	v50 =	vld [tilespmem:s28+$0x3460]  }
0x40c: {  	v7 =	vadd.f32 v11, v7;
	v11 =	vadd.f32 v53, v54;
	v54 =	vld [tilespmem:s28+$0x9460]  }
0x40d: {  	[tilespmem:$0x1FBD0] =	vst v2;
	v3 =	vadd.f32 v0, v3;
	v48 =	vadd.f32 v62, v57;
	v57 =	vld [tilespmem:s28+$0x3470]  }
0x40e: {  	[tilespmem:$0x1FB90] =	vst v5;
	v0 =	vadd.f32 v47, v38;
	v47 =	vadd.f32 v26, v60;
	v60 =	vld [tilespmem:s28+$0x9470]  }
0x40f: {  	[tilespmem:$0x1FBA0] =	vst v62;
	v26 =	vadd.f32 v5, v61;
	v61 =	vld [tilespmem:s28+$0x3810]  }
0x410: {  	[tilespmem:$0x1FBB0] =	vst v9;
	v8 =	vadd.f32 v4, v8;
	v53 =	vadd.f32 v9, v10;
	v10 =	vld [tilespmem:s28+$0x9840]  }
0x411: {  	[tilespmem:$0x1FBC0] =	vst v4;
	v38 =	vadd.f32 v2, v26;
	v2 =	vld [tilespmem:s28+$0x3800]  }
0x412: {  	[tilespmem:$0x1FBF0] =	vst v1;
	v43 =	vadd.f32 v13, v48;
	v4 =	vadd.f32 v0, v8;
	v26 =	vld [tilespmem:s28+$0x9800]  }
0x413: {  	[tilespmem:$0x1FC00] =	vst v0;
	v8 =	vadd.f32 v49, v51;
	v51 =	vadd.f32 v14, v15;
	v15 =	vld [tilespmem:s28+$0x9830]  }
0x414: {  	v5 =	vadd.f32 v1, v53;
	[tilespmem:s14+$0x3400] =	vst v6;
	v13 =	vmul.f32 v1, v1;
	v49 =	vld [tilespmem:s28+$0x9850]  }
0x415: {  	[tilespmem:s14+$0x3410] =	vst v47;
	v53 =	vmul.f32 v0, v0;
	v43 =	vadd.f32 v43, v38;
	v38 =	vadd.f32 v46, v63;
	v63 =	vld [tilespmem:$0x1FFC0]  }
0x416: {  	[tilespmem:s14+$0x3420] =	vst v11;
	v48 =	vadd.f32 v4, v5;
	v46 =	vld [tilespmem:s28+$0x9810];
	v20 =	vadd.f32 v13, v20  }
0x417: {  	v13 =	vadd.f32 v34, v21;
	[tilespmem:s14+$0x3430] =	vst v8;
	v34 =	vld [tilespmem:s28+$0x3820];
	v21 =	vadd.f32 v53, v7  }
0x418: {  	v7 =	vadd.f32 v16, v17;
	v16 =	vld [tilespmem:s28+$0x3830];
	[tilespmem:s28+$0x3400] =	vst v51;
	v48 =	vadd.f32 v48, v43  }
0x419: {  	v17 =	vld [tilespmem:s28+$0x3850];
	v43 =	vadd.f32 v18, v52;
	[tilespmem:s14+$0x3440] =	vst v38  }
0x41a: {  	v18 =	vld [tilespmem:s28+$0x9820];
	[tilespmem:s14+$0x3450] =	vst v13;
	v4 =	vperm.xlane v48, v63;
	v63 =	vadd.f32 v24, v27;
	v24 =	vadd.f32 v44, v23  }
0x41b: {  	v5 =	vadd.f32 v21, v20;
	[tilespmem:s14+$0x3470] =	vst v7;
	v20 =	vld [tilespmem:s28+$0x3840]  }
0x41c: {  	v59 =	vadd.f32 v3, v59;
	v53 =	vadd.f32 v55, v56;
	v27 =	vld [tilespmem:$0x1FFD0];
	[tilespmem:$0x1FB70] =	vst v24  }
0x41d: {  	v62 =	vadd.f32 v22, v25;
	v60 =	vadd.f32 v60, v57;
	[tilespmem:s28+$0x3430] =	vst v24;
	v24 =	vld [tilespmem:$0x1FFC0]  }
0x41e: {  	s26 =	sor.u32 s26, s18;
	[tilespmem:s14+$0x3460] =	vst v43;
	v0 =	vadd.f32 v5, v59;
	v59 =	vadd.f32 v54, v50;
	v23 =	vld [tilespmem:$0x1FFE0]  }
0x41f: {  	[tilespmem:s28+$0x3410] =	vst v53;
	v50 =	vadd.f32 v49, v17;
	v17 =	vld [tilespmem:s26+$0x9410];
	v14 =	vadd.f32 v48, v4  }
0x420: {  	[tilespmem:s28+$0x3450] =	vst v62;
	v55 =	vadd.f32 v26, v2;
	v48 =	vadd.f32 v12, v19;
	v12 =	vld [tilespmem:s28+$0x9860]  }
0x421: {  	[tilespmem:s28+$0x3470] =	vst v60;
	v57 =	vadd.f32 v18, v34;
	v34 =	vld [tilespmem:$0x1FA30];
	v44 =	vperm.xlane v14, v27  }
0x422: {  	[tilespmem:s28+$0x3800] =	vst v55;
	v27 =	vld [tilespmem:s28+$0x3860];
	v25 =	vperm.xlane v0, v24  }
0x423: {  	v56 =	vadd.f32 v46, v61;
	[tilespmem:s28+$0x3460] =	vst v59;
	v9 =	vadd.f32 v14, v44;
	v14 =	vld [tilespmem:s28+$0x3870]  }
0x424: {  	v54 =	vadd.f32 v15, v16;
	[tilespmem:s28+$0x3420] =	vst v63;
	v0 =	vadd.f32 v25, v0;
	v25 =	vld [tilespmem:$0x1FFD0]  }
0x425: {  	[tilespmem:s28+$0x3810] =	vst v56;
	v24 =	vld [tilespmem:s28+$0x9870]  }
0x426: {  	v52 =	vadd.f32 v10, v20;
	[tilespmem:s28+$0x3830] =	vst v54;
	v10 =	vld [tilespmem:s26+$0x9400]  }
0x427: {  	s29 =	sor.u32 s0, s23;
	v61 =	vmul.f32 v28, v28;
	v20 =	vld [tilespmem:$0x1FA40];
	[tilespmem:s28+$0x3820] =	vst v57;
	v49 =	vmul.f32 v34, v34  }
0x428: {  	[tilespmem:s28+$0x3850] =	vst v50;
	v16 =	vld [tilespmem:s29+$0x3400]  }
0x429: {  	[tilespmem:s28+$0x3440] =	vst v48;
	v2 =	vadd.f32 v61, v49;
	v49 =	vld [tilespmem:$0x1FA60];
	v46 =	vadd.f32 v12, v27;
	v26 =	vperm.xlane v0, v25  }
0x42a: {  	[tilespmem:s28+$0x3840] =	vst v52;
	v27 =	vld [tilespmem:s26+$0x3400];
	v3 =	vadd.f32 v24, v14  }
0x42b: {  	v44 =	vadd.f32 $0.0e+00, v34;
	v12 =	vld [tilespmem:$0x1FA70];
	[tilespmem:s28+$0x3860] =	vst v46;
	v0 =	vadd.f32 v26, v0  }
0x42c: {  	v21 =	vadd.f32 $0.0e+00, v20;
	v25 =	vld [tilespmem:s26+$0x3410];
	[tilespmem:s28+$0x3870] =	vst v3  }
0x42d: {  	v1 =	vperm.xlane v9, v23;
	[tilespmem:$0x1FB50] =	vst v0;
	v0 =	vadd.f32 v28, v44;
	v28 =	vld [tilespmem:$0x1FA50]  }
0x42e: {  	v4 =	vadd.f32 v29, v21;
	v21 =	vld [tilespmem:s29+$0x9400]  }
0x42f: {  	v1 =	vadd.f32 v9, v1;
	[tilespmem:$0x1FB40] =	vst v27;
	v27 =	vld [tilespmem:s29+$0x3440]  }
0x430: {  	[tilespmem:$0x1FB80] =	vst v3;
	v3 =	vld [tilespmem:s29+$0x3450]  }
0x431: {  	v22 =	vmul.f32 v20, v20;
	v23 =	vmul.f32 v29, v29;
	[tilespmem:$0x1FB60] =	vst v1;
	v1 =	vld [tilespmem:s29+$0x3460]  }
0x432: {  	v24 =	vld [tilespmem:s29+$0x9470];
	v44 =	vmul.f32 v31, v31;
	v34 =	vmul.f32 v28, v28  }
0x433: {  	v61 =	vadd.f32 $0.0e+00, v49;
	v26 =	vld [tilespmem:s29+$0x3410]  }
0x434: {  	v15 =	vadd.f32 v23, v22;
	v19 =	vadd.f32 v44, v34;
	v34 =	vld [tilespmem:$0x1FA80]  }
0x435: {  	v9 =	vmul.f32 v30, v30;
	v5 =	vmul.f32 v49, v49;
	v22 =	vadd.f32 v30, v61;
	v30 =	vld [tilespmem:s29+$0x3420]  }
0x436: {  	v14 =	vmul.f32 v12, v12;
	v61 =	vld [tilespmem:$0x1FA90]  }
0x437: {  	v23 =	vadd.f32 v9, v5;
	v5 =	vld [tilespmem:s29+$0x9440];
	v0 =	vadd.f32 v12, v0  }
0x438: {  	v2 =	vadd.f32 v14, v2;
	v14 =	vld [tilespmem:$0x1FAB0];
	v29 =	vadd.f32 $0.0e+00, v28  }
0x439: {  	v12 =	vmul.f32 v33, v33;
	v0 =	vadd.f32 v33, v0;
	v33 =	vld [tilespmem:$0x1FAD0];
	v49 =	vmul.f32 v34, v34  }
0x43a: {  	v18 =	vadd.f32 v31, v29;
	v31 =	vld [tilespmem:s29+$0x9410]  }
0x43b: {  	v15 =	vadd.f32 v49, v15;
	v49 =	vld [tilespmem:$0x1FAA0]  }
0x43c: {  	v44 =	vmul.f32 v61, v61;
	v29 =	vld [tilespmem:s29+$0x9420]  }
0x43d: {  	v18 =	vadd.f32 v61, v18;
	v61 =	vld [tilespmem:s29+$0x9430];
	v4 =	vadd.f32 v34, v4  }
0x43e: {  	v19 =	vadd.f32 v44, v19;
	v44 =	vmul.f32 v14, v14;
	v34 =	vld [tilespmem:s29+$0x3430]  }
0x43f: {  	v2 =	vadd.f32 v12, v2;
	v4 =	vadd.f32 v14, v4;
	v14 =	vld [tilespmem:$0x1FAE0]  }
0x440: {  	v15 =	vadd.f32 v44, v15;
	v9 =	vmul.f32 v49, v49;
	v22 =	vadd.f32 v49, v22;
	v49 =	vld [tilespmem:$0x1FAC0]  }
0x441: {  	v12 =	vmul.f32 v32, v32;
	v4 =	vadd.f32 v32, v4;
	v32 =	vadd.f32 v5, v27;
	v5 =	vld [tilespmem:s26+$0x9420]  }
0x442: {  	v44 =	vmul.f32 v33, v33;
	v27 =	vld [tilespmem:$0x1FB30];
	v23 =	vadd.f32 v9, v23  }
0x443: {  	v15 =	vadd.f32 v12, v15;
	v12 =	vld [tilespmem:s26+$0x3430]  }
0x444: {  	v23 =	vadd.f32 v44, v23;
	v44 =	vadd.f32 v31, v26;
	v31 =	vld [tilespmem:$0x1FAF0]  }
0x445: {  	v29 =	vadd.f32 v29, v30;
	v28 =	vmul.f32 v49, v49;
	v18 =	vadd.f32 v49, v18;
	v49 =	vld [tilespmem:s29+$0x9450]  }
0x446: {  	v30 =	vadd.f32 v61, v34;
	v9 =	vmul.f32 v35, v35;
	v35 =	vadd.f32 v35, v0;
	v0 =	vld [tilespmem:$0x1FB10]  }
0x447: {  	[tilespmem:s29+$0x3420] =	vst v29;
	v22 =	vadd.f32 v33, v22;
	v33 =	vadd.f32 v21, v16;
	v21 =	vld [tilespmem:s29+$0x3470]  }
0x448: {  	[tilespmem:s29+$0x3440] =	vst v32;
	v20 =	vadd.f32 v28, v19;
	v28 =	vmul.f32 v14, v14;
	v18 =	vadd.f32 v14, v18;
	v14 =	vld [tilespmem:$0x1FB00]  }
0x449: {  	[tilespmem:s29+$0x3430] =	vst v30;
	v16 =	vld [tilespmem:s29+$0x9460]  }
0x44a: {  	v2 =	vadd.f32 v9, v2;
	[tilespmem:s29+$0x3400] =	vst v33;
	v9 =	vld [tilespmem:s26+$0x3420];
	v34 =	vadd.f32 v49, v3;
	v49 =	vmul.f32 v31, v31  }
0x44b: {  	s4 =	sor.u32 s0, s16;
	v26 =	vld [tilespmem:s26+$0x9430];
	[tilespmem:s29+$0x3410] =	vst v44;
	v4 =	vadd.f32 v0, v4;
	v20 =	vadd.f32 v28, v20  }
0x44c: {  	v22 =	vadd.f32 v31, v22;
	v28 =	vmul.f32 v0, v0;
	v0 =	vld [tilespmem:s4+$0x3410];
	v3 =	vadd.f32 v49, v23  }
0x44d: {  	v61 =	vmul.f32 v14, v14;
	v49 =	vadd.f32 v24, v21;
	v21 =	vadd.f32 v14, v35;
	v14 =	vld [tilespmem:$0x1FB20]  }
0x44e: {  	v31 =	vadd.f32 v16, v1;
	v15 =	vadd.f32 v28, v15;
	v23 =	vld [tilespmem:s26+$0x3440]  }
0x44f: {  	v28 =	vmul.f32 v27, v27;
	v22 =	vadd.f32 v27, v22;
	v27 =	vmul.f32 v36, v36;
	v24 =	vld [tilespmem:s26+$0x9440]  }
0x450: {  	[tilespmem:s29+$0x3450] =	vst v34;
	v35 =	vld [tilespmem:s4+$0x3400]  }
0x451: {  	v4 =	vadd.f32 v36, v4;
	[tilespmem:s29+$0x3460] =	vst v31;
	v15 =	vadd.f32 v27, v15;
	v27 =	vmul.f32 v45, v45;
	v36 =	vld [tilespmem:s4+$0x3420]  }
0x452: {  	v22 =	vadd.f32 v45, v22;
	v45 =	vld [tilespmem:s4+$0x3430];
	v1 =	vadd.f32 v61, v2;
	[tilespmem:s29+$0x3470] =	vst v49;
	v61 =	vmul.f32 v14, v14  }
0x453: {  	v21 =	vadd.f32 v37, v21;
	v18 =	vadd.f32 v14, v18;
	v14 =	vmul.f32 v37, v37;
	v37 =	vld [tilespmem:s4+$0x9410]  }
0x454: {  	v4 =	vadd.f32 v39, v4;
	v2 =	vadd.f32 v61, v20;
	v61 =	vld [tilespmem:s4+$0x9400]  }
0x455: {  	v3 =	vadd.f32 v28, v3;
	v28 =	vmul.f32 v42, v42;
	v18 =	vadd.f32 v42, v18;
	v42 =	vld [tilespmem:s4+$0x9420]  }
0x456: {  	v21 =	vadd.f32 v58, v21;
	v1 =	vadd.f32 v14, v1;
	v14 =	vmul.f32 v39, v39;
	v39 =	vld [tilespmem:s4+$0x3440]  }
0x457: {  	v22 =	vadd.f32 v41, v22;
	v3 =	vadd.f32 v27, v3;
	v20 =	vld [tilespmem:s4+$0x9450]  }
0x458: {  	v21 =	vadd.f32 v6, v21;
	v2 =	vadd.f32 v28, v2;
	v28 =	vmul.f32 v58, v58;
	v58 =	vld [tilespmem:s4+$0x9430]  }
0x459: {  	v27 =	vmul.f32 v40, v40;
	v15 =	vadd.f32 v14, v15;
	v18 =	vadd.f32 v40, v18;
	v40 =	vld [tilespmem:s4+$0x9440]  }
0x45a: {  	v14 =	vmul.f32 v6, v6;
	v6 =	vld [tilespmem:$0x1FB40];
	v1 =	vadd.f32 v28, v1;
	v28 =	vmul.f32 v41, v41  }
0x45b: {  	v2 =	vadd.f32 v27, v2;
	v27 =	vmul.f32 v47, v47;
	v41 =	vld [tilespmem:s4+$0x3450];
	v47 =	vadd.f32 v47, v4  }
0x45c: {  	v4 =	vld [tilespmem:s4+$0x3460];
	v18 =	vadd.f32 v11, v18;
	v19 =	vadd.f32 v61, v35  }
0x45d: {  	v35 =	vld [tilespmem:s4+$0x9460];
	v61 =	vadd.f32 v37, v0;
	v16 =	vadd.f32 v28, v3  }
0x45e: {  	v37 =	vld [tilespmem:s4+$0x3470];
	v1 =	vadd.f32 v14, v1;
	v15 =	vadd.f32 v27, v15;
	v28 =	vmul.f32 v11, v11  }
0x45f: {  	v14 =	vmul.f32 v8, v8;
	v8 =	vadd.f32 v8, v22;
	v27 =	vadd.f32 v42, v36;
	v11 =	vld [tilespmem:s4+$0x9470]  }
0x460: {  	v42 =	vld [tilespmem:s26+$0x3450];
	v3 =	vadd.f32 v10, v6;
	v2 =	vadd.f32 v28, v2  }
0x461: {  	v10 =	vld [tilespmem:s26+$0x3470];
	v0 =	vadd.f32 v14, v16;
	v28 =	vadd.f32 v58, v45  }
0x462: {  	[tilespmem:s4+$0x3400] =	vst v19;
	v14 =	vmul.f32 v38, v38;
	v45 =	vadd.f32 v38, v21;
	v38 =	vadd.f32 v40, v39;
	v40 =	vld [tilespmem:s26+$0x9450]  }
0x463: {  	[tilespmem:s4+$0x3410] =	vst v61;
	v6 =	vadd.f32 v17, v25;
	v39 =	vadd.f32 v20, v41;
	v41 =	vld [tilespmem:s26+$0x3460]  }
0x464: {  	[tilespmem:s4+$0x3420] =	vst v27;
	v35 =	vadd.f32 v35, v4;
	v4 =	vadd.f32 v13, v47;
	v47 =	vld [tilespmem:s26+$0x9460]  }
0x465: {  	s5 =	sor.u32 s0, s17;
	v58 =	vmul.f32 v13, v13;
	v1 =	vadd.f32 v14, v1;
	[tilespmem:s4+$0x3430] =	vst v28;
	v13 =	vld [tilespmem:s26+$0x9470];
	v14 =	vmul.f32 v7, v7  }
0x466: {  	[tilespmem:s4+$0x3440] =	vst v38;
	v36 =	vadd.f32 v11, v37;
	v11 =	vmul.f32 v43, v43;
	v37 =	vadd.f32 v43, v18;
	v43 =	vld [tilespmem:s5+$0x3400]  }
0x467: {  	v21 =	vadd.f32 v5, v9;
	v22 =	vmul.f32 v6, v6;
	v15 =	vadd.f32 v58, v15;
	[tilespmem:s4+$0x3450] =	vst v39;
	v17 =	vld [tilespmem:s5+$0x3410]  }
0x468: {  	v16 =	vmul.f32 v3, v3;
	v7 =	vadd.f32 v7, v8;
	[tilespmem:s4+$0x3460] =	vst v35;
	v0 =	vadd.f32 v14, v0;
	v9 =	vld [tilespmem:s5+$0x3420]  }
0x469: {  	v8 =	vadd.f32 v22, v15;
	v22 =	vadd.f32 v26, v12;
	[tilespmem:s4+$0x3470] =	vst v36;
	v26 =	vld [tilespmem:s5+$0x3430]  }
0x46a: {  	v1 =	vadd.f32 v16, v1;
	v16 =	vadd.f32 v24, v23;
	v58 =	vld [tilespmem:s5+$0x9400]  }
0x46b: {  	v4 =	vadd.f32 v6, v4;
	v2 =	vadd.f32 v11, v2;
	v5 =	vld [tilespmem:s5+$0x9410]  }
0x46c: {  	v18 =	vadd.f32 v40, v42;
	v42 =	vmul.f32 v21, v21;
	v24 =	vld [tilespmem:s5+$0x9420];
	v7 =	vadd.f32 v22, v7  }
0x46d: {  	v15 =	vmul.f32 v22, v22;
	v25 =	vld [tilespmem:s5+$0x3440];
	v11 =	vadd.f32 v47, v41;
	v12 =	vadd.f32 v13, v10  }
0x46e: {  	v40 =	vld [tilespmem:s5+$0x9440];
	v47 =	vmul.f32 v16, v16;
	v2 =	vadd.f32 v42, v2;
	v13 =	vmul.f32 v18, v18  }
0x46f: {  	v20 =	vld [tilespmem:s5+$0x3450];
	v4 =	vadd.f32 v18, v4;
	v0 =	vadd.f32 v15, v0;
	v14 =	vmul.f32 v11, v11  }
0x470: {  	v41 =	vld [tilespmem:s5+$0x9430];
	v10 =	vadd.f32 v47, v1;
	v15 =	vmul.f32 v12, v12;
	v8 =	vadd.f32 v13, v8  }
0x471: {  	v1 =	vadd.f32 v3, v45;
	v45 =	vld [tilespmem:s5+$0x3470];
	v7 =	vadd.f32 v12, v7  }
0x472: {  	[tilespmem:$0x1FC60] =	vst v12;
	v12 =	vld [tilespmem:s5+$0x9470];
	v23 =	vadd.f32 v14, v2;
	v47 =	vadd.f32 v15, v0  }
0x473: {  	v13 =	vadd.f32 v58, v43;
	v0 =	vld [tilespmem:s5+$0x9450];
	v2 =	vadd.f32 v21, v37  }
0x474: {  	v14 =	vadd.f32 v5, v17;
	v15 =	vadd.f32 v24, v9;
	v17 =	vld [tilespmem:s5+$0x3460]  }
0x475: {  	v37 =	vld [tilespmem:s5+$0x9460];
	v9 =	vadd.f32 v16, v1;
	v24 =	vadd.f32 v11, v2  }
0x476: {  	v8 =	vadd.f32 v8, v10;
	v43 =	vld [tilespmem:$0x1FFF0];
	v42 =	vadd.f32 v41, v26  }
0x477: {  	v4 =	vadd.f32 v4, v9;
	v9 =	vadd.f32 v7, v24;
	v24 =	vld [tilespmem:$0x1FB50]  }
0x478: {  	[tilespmem:$0x1FC20] =	vst v6;
	v26 =	vadd.f32 v47, v23;
	v41 =	vadd.f32 v0, v20;
	v20 =	vld [tilespmem:$0x1FFE0]  }
0x479: {  	[tilespmem:$0x1FC30] =	vst v16;
	v58 =	vld [tilespmem:$0x1FFC0]  }
0x47a: {  	[tilespmem:$0x1FC50] =	vst v11;
	v8 =	vadd.f32 v26, v8;
	v26 =	vld [tilespmem:$0x1FFC0]  }
0x47b: {  	[tilespmem:s5+$0x3400] =	vst v13;
	v47 =	vld [tilespmem:$0x1FB60]  }
0x47c: {  	v40 =	vadd.f32 v40, v25;
	[tilespmem:s5+$0x3410] =	vst v14  }
0x47d: {  	[tilespmem:s5+$0x3420] =	vst v15;
	v4 =	vadd.f32 v9, v4;
	v25 =	vperm.xlane v24, v20;
	v20 =	vld [tilespmem:$0x1FFF0]  }
0x47e: {  	v6 =	vld [tilespmem:$0x1FFD0];
	[tilespmem:s5+$0x3440] =	vst v40  }
0x47f: {  	s0 =	sor.u32 s0, s18;
	[tilespmem:s5+$0x3430] =	vst v42;
	v12 =	vadd.f32 v12, v45;
	v11 =	vadd.f32 v37, v17;
	v37 =	vperm.xlane v4, v26  }
0x480: {  	[tilespmem:$0x1FC40] =	vst v18;
	v2 =	vperm.xlane v8, v58;
	v58 =	vld [tilespmem:s0+$0x3410];
	v16 =	vperm.xlane v47, v43;
	v17 =	vadd.f32 v25, v24  }
0x481: {  	[tilespmem:s5+$0x3470] =	vst v12;
	v43 =	vld [tilespmem:s0+$0x3400];
	v4 =	vadd.f32 v4, v37  }
0x482: {  	[tilespmem:s5+$0x3450] =	vst v41;
	v18 =	vadd.f32 v47, v16;
	v47 =	vld [tilespmem:$0x1FFD0];
	v23 =	vperm.xlane v17, v20  }
0x483: {  	[tilespmem:s5+$0x3460] =	vst v11;
	v7 =	vperm.xlane v4, v6;
	v6 =	vld [tilespmem:$0x1FB70]  }
0x484: {  	v45 =	vld [tilespmem:s0+$0x9400];
	v10 =	vadd.f32 v23, v17  }
0x485: {  	s6 =	sadd.s32 $0x180, s8;
	v0 =	vmul.f32 v62, v62;
	v9 =	vld [tilespmem:s0+$0x9420];
	v23 =	vmul.f32 $1.302083370e-03, v18;
	v17 =	vadd.f32 v2, v8  }
0x486: {  	s6 =	sand.u32 $0x380, s6;
	v16 =	vld [tilespmem:s0+$0x9410];
	v25 =	vadd.f32 v4, v7;
	v4 =	vadd.f32 $0.0e+00, v51;
	v10 =	vmul.f32 $1.302083370e-03, v10  }
0x487: {  	s2 =	sor.u32 s30, s6;
	v20 =	vld [tilespmem:s0+$0x3430];
	v24 =	vmul.f32 v23, v23;
	v5 =	vperm.xlane v17, v47  }
0x488: {  	v37 =	vmul.f32 v48, v48;
	v7 =	vld [tilespmem:s2+$0x3420];
	v4 =	vadd.f32 v48, v4;
	v2 =	vadd.f32 $0.0e+00, v6  }
0x489: {  	v8 =	vld [tilespmem:s2+$0x9400];
	v26 =	vsub.f32 v10, v24;
	v24 =	vadd.f32 v5, v17;
	v17 =	vmul.f32 v51, v51  }
0x48a: {  	v1 =	vmul.f32 v6, v6;
	v6 =	vld [tilespmem:s2+$0x9420];
	v51 =	vadd.f32 $0.0e+00, v53;
	v53 =	vmul.f32 v53, v53  }
0x48b: {  	v47 =	vld [tilespmem:s2+$0x3400];
	v4 =	vadd.f32 v55, v4;
	v17 =	vadd.f32 v37, v17  }
0x48c: {  	[tilespmem:$0x1FC10] =	vst v3;
	v5 =	vld [tilespmem:$0x1FB80];
	v48 =	vadd.f32 v62, v51;
	v3 =	vadd.f32 v0, v53  }
0x48d: {  	v37 =	vld [tilespmem:s2+$0x3410];
	v53 =	vadd.f32 $0.0e+00, v63;
	v62 =	vmul.f32 v63, v63;
	v63 =	vmul.f32 v59, v59  }
0x48e: {  	v2 =	vadd.f32 v60, v2;
	v4 =	vadd.f32 v52, v4;
	v51 =	vld [tilespmem:s2+$0x9410];
	v0 =	vmul.f32 v60, v60  }
0x48f: {  	v60 =	vld [tilespmem:s2+$0x9430];
	v53 =	vadd.f32 v59, v53;
	v59 =	vadd.f32 v63, v62  }
0x490: {  	v62 =	vmul.f32 v55, v55;
	v63 =	vld [tilespmem:s2+$0x3430];
	v0 =	vadd.f32 v0, v1;
	v1 =	vmul.f32 v56, v56  }
0x491: {  	v2 =	vadd.f32 v54, v2;
	v55 =	vmul.f32 v57, v57;
	v48 =	vadd.f32 v56, v48;
	v56 =	vld [tilespmem:s2+$0x9440]  }
0x492: {  	v17 =	vadd.f32 v62, v17;
	v62 =	vld [tilespmem:s2+$0x3440];
	v1 =	vadd.f32 v1, v3;
	v3 =	vmul.f32 v54, v54  }
0x493: {  	v53 =	vadd.f32 v57, v53;
	v55 =	vadd.f32 v55, v59;
	v57 =	vmul.f32 v52, v52;
	v59 =	vld [tilespmem:s2+$0x3450]  }
0x494: {  	v4 =	vadd.f32 v33, v4;
	v54 =	vld [tilespmem:s2+$0x9450];
	v48 =	vadd.f32 v50, v48  }
0x495: {  	v52 =	vmul.f32 v46, v46;
	v0 =	vadd.f32 v3, v0;
	v17 =	vadd.f32 v57, v17;
	v57 =	vld [tilespmem:s2+$0x3460]  }
0x496: {  	v3 =	vmul.f32 v50, v50;
	v50 =	vld [tilespmem:s2+$0x9460];
	v46 =	vadd.f32 v46, v53;
	v53 =	vmul.f32 v33, v33  }
0x497: {  	v2 =	vadd.f32 v5, v2;
	v52 =	vadd.f32 v52, v55;
	v55 =	vld [tilespmem:s2+$0x3470];
	v33 =	vmul.f32 v29, v29  }
0x498: {  	v1 =	vadd.f32 v3, v1;
	v3 =	vmul.f32 v5, v5;
	v5 =	vld [tilespmem:s2+$0x9470];
	v17 =	vadd.f32 v53, v17  }
0x499: {  	v53 =	vld [tilespmem:s2+$0x3800];
	v29 =	vadd.f32 v29, v46;
	v33 =	vadd.f32 v33, v52  }
0x49a: {  	v46 =	vmul.f32 v32, v32;
	v52 =	vld [tilespmem:s2+$0x3810];
	v0 =	vadd.f32 v3, v0;
	v3 =	vmul.f32 v44, v44  }
0x49b: {  	v2 =	vadd.f32 v30, v2;
	v44 =	vadd.f32 v44, v48;
	v48 =	vld [tilespmem:s2+$0x9800]  }
0x49c: {  	v1 =	vadd.f32 v3, v1;
	v3 =	vmul.f32 v30, v30;
	v30 =	vadd.f32 v46, v17;
	v46 =	vld [tilespmem:s2+$0x3820]  }
0x49d: {  	v4 =	vadd.f32 v32, v4;
	v17 =	vadd.f32 v8, v47;
	v8 =	vld [tilespmem:s2+$0x9820]  }
0x49e: {  	v51 =	vadd.f32 v51, v37;
	v37 =	vmul.f32 v31, v31;
	v60 =	vadd.f32 v60, v63;
	v47 =	vld [tilespmem:s2+$0x3830]  }
0x49f: {  	v32 =	vmul.f32 v34, v34;
	v34 =	vadd.f32 v34, v44;
	v44 =	vadd.f32 v6, v7;
	v6 =	vld [tilespmem:s2+$0x9830]  }
0x4a0: {  	[tilespmem:s2+$0x3410] =	vst v51;
	v7 =	vadd.f32 v37, v33;
	v33 =	vld [tilespmem:s2+$0x3850]  }
0x4a1: {  	[tilespmem:s2+$0x3430] =	vst v60;
	v37 =	vadd.f32 v56, v62;
	v56 =	vadd.f32 v54, v59;
	v54 =	vld [tilespmem:s2+$0x9850]  }
0x4a2: {  	v59 =	vadd.f32 v19, v4;
	v4 =	vld [tilespmem:s2+$0x3860];
	[tilespmem:s2+$0x3400] =	vst v17  }
0x4a3: {  	v63 =	vmul.f32 v49, v49;
	v2 =	vadd.f32 v49, v2;
	v62 =	vld [tilespmem:s2+$0x9870];
	v0 =	vadd.f32 v3, v0;
	[tilespmem:s2+$0x3420] =	vst v44  }
0x4a4: {  	v49 =	vmul.f32 v61, v61;
	v3 =	vld [tilespmem:s2+$0x9810];
	v1 =	vadd.f32 v32, v1;
	[tilespmem:s2+$0x3440] =	vst v37;
	v53 =	vadd.f32 v48, v53  }
0x4a5: {  	v32 =	vld [tilespmem:s2+$0x3840];
	[tilespmem:s2+$0x3450] =	vst v56;
	v0 =	vadd.f32 v63, v0;
	v63 =	vmul.f32 v19, v19;
	v19 =	vadd.f32 v50, v57  }
0x4a6: {  	v50 =	vadd.f32 v5, v55;
	v57 =	vld [tilespmem:s2+$0x9860];
	[tilespmem:s2+$0x3800] =	vst v53  }
0x4a7: {  	v55 =	vld [tilespmem:s2+$0x3870];
	v1 =	vadd.f32 v49, v1;
	v49 =	vadd.f32 v8, v46;
	[tilespmem:s2+$0x3460] =	vst v19  }
0x4a8: {  	v47 =	vadd.f32 v6, v47;
	v30 =	vadd.f32 v63, v30;
	[tilespmem:s2+$0x3470] =	vst v50;
	v63 =	vld [tilespmem:s2+$0x9840]  }
0x4a9: {  	v18 =	vld [tilespmem:s0+$0x3420];
	v2 =	vadd.f32 v28, v2;
	v48 =	vadd.f32 v3, v52;
	[tilespmem:s2+$0x3820] =	vst v49  }
0x4aa: {  	v10 =	vld [tilespmem:s0+$0x9430];
	v29 =	vadd.f32 v31, v29;
	v3 =	vadd.f32 v54, v33;
	[tilespmem:s2+$0x3830] =	vst v47  }
0x4ab: {  	v31 =	vld [tilespmem:s0+$0x3450];
	v34 =	vadd.f32 v61, v34;
	v61 =	vmul.f32 v27, v27;
	[tilespmem:s2+$0x3810] =	vst v48;
	v4 =	vadd.f32 v57, v4  }
0x4ac: {  	v27 =	vadd.f32 v27, v29;
	v46 =	vld [tilespmem:s0+$0x3440];
	v52 =	vmul.f32 v28, v28;
	v6 =	vadd.f32 v62, v55;
	[tilespmem:s2+$0x3850] =	vst v3  }
0x4ad: {  	v29 =	vadd.f32 v38, v59;
	v33 =	vld [tilespmem:s0+$0x9440];
	v57 =	vmul.f32 v38, v38;
	v38 =	vadd.f32 v63, v32;
	[tilespmem:s2+$0x3860] =	vst v4  }
0x4ae: {  	s7 =	sor.u32 s6, s23;
	v2 =	vadd.f32 v36, v2;
	v0 =	vadd.f32 v52, v0;
	v52 =	vld [tilespmem:s0+$0x9450];
	[tilespmem:s2+$0x3870] =	vst v6  }
0x4af: {  	v7 =	vadd.f32 v61, v7;
	v61 =	vmul.f32 v39, v39;
	v32 =	vld [tilespmem:s7+$0x3400];
	[tilespmem:s2+$0x3840] =	vst v38  }
0x4b0: {  	v2 =	vadd.f32 v42, v2;
	v27 =	vadd.f32 v35, v27;
	v62 =	vmul.f32 v35, v35;
	v35 =	vld [tilespmem:s7+$0x9400]  }
0x4b1: {  	v59 =	vmul.f32 v14, v14;
	v1 =	vadd.f32 v61, v1;
	v55 =	vmul.f32 v36, v36;
	v36 =	vld [tilespmem:s7+$0x3410]  }
0x4b2: {  	v61 =	vmul.f32 v15, v15;
	v15 =	vadd.f32 v15, v27;
	v28 =	vadd.f32 v57, v30;
	v30 =	vld [tilespmem:s7+$0x9410]  }
0x4b3: {  	v63 =	vadd.f32 v39, v34;
	v57 =	vmul.f32 v13, v13;
	v13 =	vadd.f32 v13, v29;
	v39 =	vld [tilespmem:s7+$0x3420]  }
0x4b4: {  	v27 =	vadd.f32 v16, v58;
	v7 =	vadd.f32 v62, v7;
	v62 =	vmul.f32 v42, v42;
	v42 =	vld [tilespmem:s7+$0x9420]  }
0x4b5: {  	v14 =	vadd.f32 v14, v63;
	v63 =	vmul.f32 v40, v40;
	v13 =	vadd.f32 v40, v13;
	v40 =	vld [tilespmem:s7+$0x3430]  }
0x4b6: {  	v1 =	vadd.f32 v59, v1;
	v0 =	vadd.f32 v55, v0;
	v55 =	vmul.f32 v41, v41;
	v5 =	vld [tilespmem:s7+$0x9430]  }
0x4b7: {  	v8 =	vadd.f32 v57, v28;
	v57 =	vmul.f32 v11, v11;
	v11 =	vadd.f32 v11, v15;
	v15 =	vld [tilespmem:s7+$0x3450]  }
0x4b8: {  	v29 =	vadd.f32 v45, v43;
	v7 =	vadd.f32 v61, v7;
	v43 =	vld [tilespmem:s7+$0x9450]  }
0x4b9: {  	v58 =	vmul.f32 v12, v12;
	v0 =	vadd.f32 v62, v0;
	v1 =	vadd.f32 v55, v1;
	v45 =	vld [tilespmem:s7+$0x3460]  }
0x4ba: {  	v59 =	vmul.f32 v29, v29;
	v8 =	vadd.f32 v63, v8;
	v14 =	vadd.f32 v41, v14;
	v41 =	vld [tilespmem:s7+$0x3440]  }
0x4bb: {  	v28 =	vadd.f32 v9, v18;
	v0 =	vadd.f32 v58, v0;
	v63 =	vld [tilespmem:s7+$0x9460]  }
0x4bc: {  	v61 =	vmul.f32 v27, v27;
	v58 =	vld [tilespmem:s7+$0x3470];
	v16 =	vadd.f32 v59, v8;
	v35 =	vadd.f32 v35, v32  }
0x4bd: {  	v59 =	vld [tilespmem:s7+$0x9470];
	v32 =	vadd.f32 v10, v20;
	v10 =	vadd.f32 v30, v36  }
0x4be: {  	v1 =	vadd.f32 v61, v1;
	v61 =	vld [tilespmem:s7+$0x9440];
	v8 =	vadd.f32 v42, v39;
	[tilespmem:s7+$0x3400] =	vst v35  }
0x4bf: {  	v12 =	vadd.f32 v12, v2;
	v54 =	vld [tilespmem:s0+$0x3460];
	v9 =	vadd.f32 v5, v40;
	[tilespmem:s7+$0x3410] =	vst v10  }
0x4c0: {  	v34 =	vld [tilespmem:s0+$0x9460];
	v7 =	vadd.f32 v57, v7;
	v62 =	vmul.f32 v28, v28;
	v5 =	vadd.f32 v43, v15;
	[tilespmem:s7+$0x3420] =	vst v8  }
0x4c1: {  	v55 =	vadd.f32 $0.0e+00, v17;
	v2 =	vadd.f32 v63, v45;
	[tilespmem:s7+$0x3430] =	vst v9  }
0x4c2: {  	v57 =	vadd.f32 v62, v7;
	[tilespmem:s7+$0x3450] =	vst v5;
	v7 =	vadd.f32 v59, v58  }
0x4c3: {  	v31 =	vadd.f32 v52, v31;
	v62 =	vld [tilespmem:s0+$0x3470];
	v20 =	vadd.f32 v61, v41;
	[tilespmem:s7+$0x3460] =	vst v2  }
0x4c4: {  	s4 =	sor.u32 s6, s16;
	v11 =	vadd.f32 v28, v11;
	v30 =	vadd.f32 v33, v46;
	v63 =	vld [tilespmem:s0+$0x9470];
	[tilespmem:s7+$0x3470] =	vst v7  }
0x4c5: {  	v34 =	vadd.f32 v34, v54;
	v14 =	vadd.f32 v27, v14;
	[tilespmem:s7+$0x3440] =	vst v20;
	v15 =	vld [tilespmem:s4+$0x3400]  }
0x4c6: {  	v13 =	vadd.f32 v29, v13;
	v45 =	vmul.f32 v31, v31;
	v43 =	vmul.f32 v30, v30;
	v18 =	vld [tilespmem:s4+$0x9400]  }
0x4c7: {  	v11 =	vadd.f32 v34, v11;
	v14 =	vadd.f32 v31, v14;
	v40 =	vld [tilespmem:s4+$0x3410]  }
0x4c8: {  	v1 =	vadd.f32 v45, v1;
	v16 =	vadd.f32 v43, v16;
	v41 =	vld [tilespmem:s4+$0x9410]  }
0x4c9: {  	v46 =	vmul.f32 v34, v34;
	v42 =	vmul.f32 v32, v32;
	v12 =	vadd.f32 v32, v12;
	v39 =	vld [tilespmem:s4+$0x3420]  }
0x4ca: {  	v61 =	vmul.f32 v51, v51;
	v13 =	vadd.f32 v30, v13;
	v54 =	vadd.f32 v1, v16;
	v16 =	vld [tilespmem:s4+$0x3430]  }
0x4cb: {  	v36 =	vadd.f32 v46, v57;
	v57 =	vmul.f32 v17, v17;
	v0 =	vadd.f32 v42, v0;
	v42 =	vld [tilespmem:s4+$0x3450]  }
0x4cc: {  	v58 =	vmul.f32 v37, v37;
	v59 =	vadd.f32 $0.0e+00, v51;
	v33 =	vadd.f32 v63, v62;
	v45 =	vld [tilespmem:s4+$0x9450]  }
0x4cd: {  	v13 =	vadd.f32 v14, v13;
	v62 =	vmul.f32 v56, v56;
	v63 =	vadd.f32 $0.0e+00, v44;
	v51 =	vld [tilespmem:s4+$0x3460]  }
0x4ce: {  	v14 =	vadd.f32 v58, v57;
	v57 =	vmul.f32 v19, v19;
	v58 =	vld [tilespmem:s4+$0x9460];
	v12 =	vadd.f32 v33, v12  }
0x4cf: {  	v52 =	vmul.f32 v33, v33;
	v17 =	vadd.f32 v62, v61;
	v19 =	vadd.f32 v19, v63;
	v61 =	vld [tilespmem:s4+$0x9470]  }
0x4d0: {  	v62 =	vadd.f32 $0.0e+00, v60;
	v63 =	vld [tilespmem:s4+$0x9440];
	v11 =	vadd.f32 v12, v11  }
0x4d1: {  	v0 =	vadd.f32 v52, v0;
	v12 =	vld [tilespmem:s4+$0x9420];
	v15 =	vadd.f32 v18, v15  }
0x4d2: {  	v40 =	vadd.f32 v41, v40;
	v1 =	vadd.f32 v11, v13;
	v13 =	vld [tilespmem:s4+$0x9430]  }
0x4d3: {  	v11 =	vadd.f32 v37, v55;
	v37 =	vadd.f32 v56, v59;
	v59 =	vld [tilespmem:s4+$0x3470]  }
0x4d4: {  	v42 =	vadd.f32 v45, v42;
	v0 =	vadd.f32 v0, v36;
	v36 =	vld [tilespmem:s4+$0x3440];
	[tilespmem:s4+$0x3400] =	vst v15  }
0x4d5: {  	v19 =	vadd.f32 v49, v19;
	v45 =	vadd.f32 v58, v51;
	[tilespmem:s4+$0x3410] =	vst v40  }
0x4d6: {  	v58 =	vmul.f32 v49, v49;
	v56 =	vmul.f32 v44, v44;
	[tilespmem:s4+$0x3450] =	vst v42;
	v12 =	vadd.f32 v12, v39  }
0x4d7: {  	v55 =	vmul.f32 v50, v50;
	[tilespmem:s4+$0x3460] =	vst v45;
	v0 =	vadd.f32 v0, v54;
	v13 =	vadd.f32 v13, v16  }
0x4d8: {  	v43 =	vadd.f32 v57, v56;
	v54 =	vmul.f32 v60, v60;
	[tilespmem:s4+$0x3420] =	vst v12;
	v18 =	vadd.f32 v61, v59  }
0x4d9: {  	v56 =	vmul.f32 v53, v53;
	v11 =	vadd.f32 v53, v11;
	v36 =	vadd.f32 v63, v36;
	[tilespmem:s4+$0x3430] =	vst v13  }
0x4da: {  	s14 =	sor.u32 s6, s17;
	v57 =	vmul.f32 v48, v48;
	v37 =	vadd.f32 v48, v37;
	v39 =	vadd.f32 v50, v62;
	[tilespmem:s4+$0x3470] =	vst v18  }
0x4db: {  	v62 =	vmul.f32 v4, v4;
	v4 =	vadd.f32 v4, v19;
	v14 =	vadd.f32 v56, v14;
	[tilespmem:s4+$0x3440] =	vst v36;
	v46 =	vld [tilespmem:s14+$0x3400]  }
0x4dc: {  	v17 =	vadd.f32 v57, v17;
	v59 =	vmul.f32 v47, v47;
	v39 =	vadd.f32 v47, v39;
	v47 =	vld [tilespmem:s14+$0x9400]  }
0x4dd: {  	v60 =	vmul.f32 v38, v38;
	v43 =	vadd.f32 v58, v43;
	v11 =	vadd.f32 v38, v11;
	v44 =	vld [tilespmem:s14+$0x3410]  }
0x4de: {  	v16 =	vadd.f32 v55, v54;
	v61 =	vmul.f32 v3, v3;
	v3 =	vadd.f32 v3, v37;
	v41 =	vld [tilespmem:s14+$0x9410]  }
0x4df: {  	v49 =	vmul.f32 v35, v35;
	v4 =	vadd.f32 v8, v4;
	v48 =	vadd.f32 v62, v43;
	v43 =	vld [tilespmem:s14+$0x3420]  }
0x4e0: {  	v63 =	vmul.f32 v6, v6;
	v14 =	vadd.f32 v60, v14;
	v6 =	vadd.f32 v6, v39;
	v39 =	vld [tilespmem:s14+$0x9420]  }
0x4e1: {  	v51 =	vmul.f32 v8, v8;
	v11 =	vadd.f32 v35, v11;
	v16 =	vadd.f32 v59, v16;
	v38 =	vld [tilespmem:s14+$0x3430]  }
0x4e2: {  	v50 =	vmul.f32 v10, v10;
	v17 =	vadd.f32 v61, v17;
	v3 =	vadd.f32 v10, v3;
	v37 =	vld [tilespmem:s14+$0x9430]  }
0x4e3: {  	v59 =	vmul.f32 v2, v2;
	v2 =	vadd.f32 v2, v4;
	v14 =	vadd.f32 v49, v14;
	v35 =	vld [tilespmem:s14+$0x3440]  }
0x4e4: {  	v54 =	vadd.f32 v51, v48;
	v58 =	vld [tilespmem:s14+$0x3450];
	v11 =	vadd.f32 v20, v11  }
0x4e5: {  	v55 =	vmul.f32 v20, v20;
	v60 =	vld [tilespmem:s14+$0x9450];
	v16 =	vadd.f32 v63, v16;
	v52 =	vadd.f32 v50, v17  }
0x4e6: {  	v62 =	vld [tilespmem:s14+$0x3460];
	v6 =	vadd.f32 v9, v6;
	v3 =	vadd.f32 v5, v3  }
0x4e7: {  	v57 =	vmul.f32 v5, v5;
	v49 =	vld [tilespmem:s14+$0x9460];
	v2 =	vadd.f32 v12, v2;
	v14 =	vadd.f32 v55, v14  }
0x4e8: {  	v53 =	vmul.f32 v9, v9;
	v51 =	vld [tilespmem:s14+$0x3470];
	v63 =	vadd.f32 v59, v54;
	v50 =	vadd.f32 v47, v46  }
0x4e9: {  	v55 =	vld [tilespmem:s14+$0x9440];
	v61 =	vadd.f32 v57, v52;
	v52 =	vmul.f32 v15, v15;
	v41 =	vadd.f32 v41, v44  }
0x4ea: {  	v56 =	vadd.f32 v53, v16;
	v53 =	vld [tilespmem:s14+$0x9470];
	v54 =	vadd.f32 v39, v43;
	[tilespmem:s14+$0x3400] =	vst v50  }
0x4eb: {  	v9 =	vadd.f32 v52, v14;
	v14 =	vadd.f32 v37, v38;
	[tilespmem:s14+$0x3410] =	vst v41  }
0x4ec: {  	v11 =	vadd.f32 v15, v11;
	v17 =	vadd.f32 v60, v58;
	[tilespmem:s14+$0x3420] =	vst v54  }
0x4ed: {  	v6 =	vadd.f32 v7, v6;
	v10 =	vadd.f32 v49, v62;
	[tilespmem:s14+$0x3430] =	vst v14  }
0x4ee: {  	v48 =	vmul.f32 v7, v7;
	v3 =	vadd.f32 v40, v3;
	[tilespmem:s14+$0x3450] =	vst v17;
	v59 =	vadd.f32 v55, v35  }
0x4ef: {  	v57 =	vmul.f32 v12, v12;
	v2 =	vadd.f32 v45, v2;
	[tilespmem:s14+$0x3460] =	vst v10;
	v12 =	vadd.f32 v53, v51  }
0x4f0: {  	s6 =	sor.u32 s6, s18;
	v11 =	vadd.f32 v36, v11;
	v8 =	vadd.f32 v48, v56;
	v56 =	vmul.f32 v40, v40;
	v44 =	vld [tilespmem:$0x1FFE0];
	[tilespmem:s14+$0x3440] =	vst v59  }
0x4f1: {  	v58 =	vmul.f32 v13, v13;
	v4 =	vadd.f32 v57, v63;
	v60 =	vmul.f32 v36, v36;
	[tilespmem:s14+$0x3470] =	vst v12;
	v55 =	vld [tilespmem:s6+$0x3430]  }
0x4f2: {  	v6 =	vadd.f32 v13, v6;
	v62 =	vmul.f32 v45, v45;
	v3 =	vadd.f32 v42, v3;
	v20 =	vld [tilespmem:s6+$0x3400]  }
0x4f3: {  	v63 =	vmul.f32 v18, v18;
	v5 =	vadd.f32 v56, v61;
	v8 =	vadd.f32 v58, v8;
	v40 =	vld [tilespmem:s6+$0x9400]  }
0x4f4: {  	v61 =	vmul.f32 v42, v42;
	v9 =	vadd.f32 v60, v9;
	v4 =	vadd.f32 v62, v4;
	v47 =	vld [tilespmem:s6+$0x3410]  }
0x4f5: {  	v46 =	vmul.f32 v50, v50;
	v6 =	vadd.f32 v18, v6;
	v7 =	vadd.f32 v50, v11;
	v49 =	vld [tilespmem:s6+$0x9410]  }
0x4f6: {  	v50 =	vmul.f32 v54, v54;
	v3 =	vadd.f32 v41, v3;
	v2 =	vadd.f32 v54, v2;
	v51 =	vld [tilespmem:s6+$0x3420]  }
0x4f7: {  	v48 =	vmul.f32 v41, v41;
	v5 =	vadd.f32 v61, v5;
	v8 =	vadd.f32 v63, v8;
	v53 =	vld [tilespmem:s6+$0x9420]  }
0x4f8: {  	v52 =	vmul.f32 v14, v14;
	v9 =	vadd.f32 v46, v9;
	v4 =	vadd.f32 v50, v4;
	v57 =	vld [tilespmem:s6+$0x9430]  }
0x4f9: {  	v54 =	vmul.f32 v59, v59;
	v6 =	vadd.f32 v14, v6;
	v16 =	vadd.f32 v59, v7;
	v61 =	vld [tilespmem:s6+$0x3440]  }
0x4fa: {  	v59 =	vmul.f32 v10, v10;
	v60 =	vadd.f32 v17, v3;
	v10 =	vadd.f32 v10, v2;
	v62 =	vld [tilespmem:s6+$0x9440]  }
0x4fb: {  	v14 =	vadd.f32 $9.999999960e-13, v26;
	v35 =	vperm.xlane v25, v44;
	v5 =	vadd.f32 v48, v5;
	v63 =	vld [tilespmem:s6+$0x3450]  }
0x4fc: {  	v56 =	vmul.f32 v17, v17;
	v8 =	vadd.f32 v52, v8;
	v58 =	vadd.f32 v54, v9;
	v41 =	vld [tilespmem:s6+$0x9450]  }
0x4fd: {  	v9 =	vadd.f32 v59, v4;
	v39 =	vadd.f32 v25, v35  }
0x4fe: {  	v13 =	vadd.f32 v56, v5;
	v3 =	vadd.f32 v40, v20  }
0x4ff: {  	v48 =	vld [tilespmem:s6+$0x3460];
	v4 =	vadd.f32 v49, v47;
	v5 =	vadd.f32 v53, v51  }
0x500: {  	v40 =	vmul.f32 v12, v12;
	v2 =	vadd.f32 v57, v55;
	v12 =	vadd.f32 v12, v6;
	v51 =	vld [tilespmem:s6+$0x9460]  }
0x501: {  	v53 =	vld [tilespmem:s6+$0x3470];
	v7 =	vadd.f32 v62, v61;
	v6 =	vadd.f32 v41, v63;
	v46 =	vmul.f32 v3, v3  }
0x502: {  	v55 =	vld [tilespmem:s6+$0x9470];
	v47 =	vmul.f32 v4, v4;
	v8 =	vadd.f32 v40, v8;
	v16 =	vadd.f32 v3, v16  }
0x503: {  	v49 =	vmul.f32 v5, v5;
	v11 =	vadd.f32 v4, v60;
	v10 =	vadd.f32 v5, v10  }
0x504: {  	v50 =	vmul.f32 v2, v2;
	v12 =	vadd.f32 v2, v12;
	v52 =	vadd.f32 v46, v58  }
0x505: {  	v13 =	vadd.f32 v47, v13;
	v9 =	vadd.f32 v49, v9  }
0x506: {  	v42 =	vld [tilespmem:$0x1FFC0];
	v17 =	vmul.f32 v7, v7;
	v54 =	vadd.f32 v50, v8;
	v16 =	vadd.f32 v7, v16  }
0x507: {  	v26 =	vadd.f32 v51, v48;
	v8 =	vadd.f32 v55, v53  }
0x508: {  	v57 =	vmul.f32 v6, v6;
	v11 =	vadd.f32 v6, v11;
	v56 =	vadd.f32 v17, v52  }
0x509: {  	v10 =	vadd.f32 v26, v10;
	v12 =	vadd.f32 v8, v12  }
0x50a: {  	v43 =	vld [tilespmem:$0x1FFD0];
	v13 =	vadd.f32 v57, v13;
	v58 =	vmul.f32 v26, v26;
	v59 =	vmul.f32 v8, v8  }
0x50b: {  	v63 =	vperm.xlane v0, v42;
	v11 =	vadd.f32 v11, v16;
	v10 =	vadd.f32 v12, v10  }
0x50c: {  	v45 =	vld [tilespmem:$0x1FFF0];
	v37 =	vperm.xlane v24, v44;
	v9 =	vadd.f32 v58, v9;
	v62 =	vadd.f32 v59, v54  }
0x50d: {  	v60 =	vperm.xlane v1, v42;
	v0 =	vadd.f32 v63, v0;
	v20 =	vadd.f32 v13, v56  }
0x50e: {  	v61 =	vshra.s32 v14, $0x1;
	v10 =	vadd.f32 v10, v11;
	v9 =	vadd.f32 v62, v9  }
0x50f: {  	v41 =	vadd.f32 v37, v24;
	v1 =	vadd.f32 v1, v60;
	v40 =	vperm.xlane v0, v43  }
0x510: {  	v14 =	vmul.f32 $5.000000000e-01, v14;
	v38 =	vperm.xlane v10, v42;
	v9 =	vadd.f32 v9, v20  }
0x511: {  	v47 =	vperm.xlane v39, v45;
	v36 =	vperm.xlane v1, v43;
	v0 =	vadd.f32 v40, v0  }
0x512: {  	v49 =	vperm.xlane v41, v45;
	v10 =	vadd.f32 v10, v38;
	v46 =	vperm.xlane v9, v42  }
0x513: {  	v1 =	vadd.f32 v1, v36;
	v51 =	vperm.xlane v0, v44;
	v12 =	vadd.f32 v39, v47  }
0x514: {  	v13 =	vadd.f32 v49, v41;
	v50 =	vperm.xlane v10, v43;
	v9 =	vadd.f32 v46, v9  }
0x515: {  	v48 =	vperm.xlane v1, v44;
	v0 =	vadd.f32 v51, v0;
	v12 =	vmul.f32 $1.302083370e-03, v12  }
0x516: {  	v13 =	vmul.f32 $1.302083370e-03, v13;
	v10 =	vadd.f32 v10, v50;
	v52 =	vperm.xlane v9, v43  }
0x517: {  	v11 =	vsub.s32 $0x5F3759DF, v61;
	v1 =	vadd.f32 v1, v48;
	v55 =	vmul.f32 v12, v12  }
0x518: {  	v56 =	vperm.xlane v0, v45;
	v54 =	vperm.xlane v10, v44;
	v9 =	vadd.f32 v52, v9  }
0x519: {  	v58 =	vmul.f32 v11, v14;
	v53 =	vperm.xlane v1, v45;
	v13 =	vsub.f32 v13, v55  }
0x51a: {  	v0 =	vadd.f32 v56, v0;
	v10 =	vadd.f32 v10, v54;
	v57 =	vperm.xlane v9, v44  }
0x51b: {  	v15 =	vmul.f32 v11, v58;
	v1 =	vadd.f32 v1, v53;
	v13 =	vadd.f32 $9.999999960e-13, v13  }
0x51c: {  	v0 =	vmul.f32 $1.302083370e-03, v0;
	v59 =	vperm.xlane v10, v45;
	v9 =	vadd.f32 v57, v9  }
0x51d: {  	v1 =	vmul.f32 $1.302083370e-03, v1;
	v62 =	vshra.s32 v13, $0x1;
	v13 =	vmul.f32 $5.000000000e-01, v13  }
0x51e: {  	v63 =	vsub.s32 $0x5F3759DF, v62;
	v10 =	vadd.f32 v10, v59;
	v61 =	vperm.xlane v9, v45  }
0x51f: {  	v15 =	vsub.f32 $1.500000000e+00, v15;
	v60 =	vmul.f32 v1, v1;
	v24 =	vmul.f32 v63, v13  }
0x520: {  	v9 =	vadd.f32 v61, v9;
	v10 =	vmul.f32 $1.302083370e-03, v10  }
0x521: {  	v11 =	vmul.f32 v11, v15;
	v0 =	vsub.f32 v0, v60;
	v17 =	vmul.f32 v63, v24  }
0x522: {  	v9 =	vmul.f32 $1.302083370e-03, v9;
	v25 =	vmul.f32 v10, v10  }
0x523: {  	v36 =	vmul.f32 v11, v14;
	v0 =	vadd.f32 $9.999999960e-13, v0  }
0x524: {  	v17 =	vsub.f32 $1.500000000e+00, v17;
	v9 =	vsub.f32 v9, v25  }
0x525: {  	v18 =	vmul.f32 v36, v11;
	v35 =	vshra.s32 v0, $0x1;
	v0 =	vmul.f32 $5.000000000e-01, v0  }
0x526: {  	v15 =	vsub.s32 $0x5F3759DF, v35;
	v16 =	vmul.f32 v63, v17;
	v9 =	vadd.f32 $9.999999960e-13, v9  }
0x527: {  	v18 =	vsub.f32 $1.500000000e+00, v18;
	v37 =	vmul.f32 v15, v0  }
0x528: {  	v39 =	vmul.f32 v16, v13;
	v38 =	vshra.s32 v9, $0x1;
	v9 =	vmul.f32 $5.000000000e-01, v9  }
0x529: {  	v11 =	vmul.f32 v18, v11;
	v19 =	vmul.f32 v15, v37;
	v17 =	vsub.s32 $0x5F3759DF, v38  }
0x52a: {  	v41 =	vmul.f32 v39, v16;
	v40 =	vmul.f32 v17, v9  }
0x52b: {  	v14 =	vmul.f32 v11, v14;
	v19 =	vsub.f32 $1.500000000e+00, v19  }
0x52c: {  	v18 =	vsub.f32 $1.500000000e+00, v41;
	v42 =	vmul.f32 v17, v40  }
0x52d: {  	v14 =	vmul.f32 v14, v11;
	v15 =	vmul.f32 v15, v19  }
0x52e: {  	(v2sf) =	vpush v11, $0x0;
	v44 =	vmul.f32 v18, v16;
	v19 =	vsub.f32 $1.500000000e+00, v42  }
0x52f: {  	(v2sf) =	vpush v14, $0x0;
	v43 =	vmul.f32 v15, v0  }
0x530: {  	v13 =	vmul.f32 v44, v13;
	v45 =	vmul.f32 v17, v19  }
0x531: {  	v20 =	vmul.f32 v43, v15  }
0x532: {  	(v2sf) =	vpush v23, $0x0;
	v13 =	vmul.f32 v13, v44;
	v17 =	vmul.f32 v45, v9  }
0x533: {  	(v2sf) =	vpush v44, $0x0;
	v46 =	vsub.f32 $1.500000000e+00, v20  }
0x534: {  	(v2sf) =	vpush v13, $0x0;
	v47 =	vmul.f32 v17, v45  }
0x535: {  	v14 =	vmul.f32 v46, v15  }
0x536: {  	[tilespmem:s26+$0x3420] =	vst v21;
	(v2sf) =	vpush v12, $0x0;
	v49 =	vsub.f32 $1.500000000e+00, v47  }
0x537: {  	[tilespmem:s26+$0x3430] =	vst v22;
	v0 =	vmul.f32 v14, v0  }
0x538: {  	[tilespmem:s0+$0x3400] =	vst v29;
	v11 =	vmul.f32 v49, v45  }
0x539: {  	[tilespmem:s0+$0x3410] =	vst v27;
	v0 =	vmul.f32 v0, v14  }
0x53a: {  	[tilespmem:s0+$0x3420] =	vst v28;
	(v2sf) =	vpush v14, $0x0;
	v54 =	vmul.f32 v11, v9  }
0x53b: {  	[tilespmem:s0+$0x3450] =	vst v31;
	(v2sf) =	vpush v0, $0x0  }
0x53c: {  	[tilespmem:s0+$0x3460] =	vst v34;
	(v2sf) =	vpush v1, $0x0;
	v0 =	vmul.f32 v54, v11  }
0x53d: {  	[tilespmem:s0+$0x3430] =	vst v32;
	s16 =	spop (v2sf);
	(v2sf) =	vpush v11, $0x0  }
0x53e: {  	[tilespmem:s0+$0x3440] =	vst v30;
	s17 =	spop (v2sf);
	(v2sf) =	vpush v0, $0x0  }
0x53f: {  	[tilespmem:s0+$0x3470] =	vst v33;
	v58 =	vld [tilespmem:$0x1FC10];
	s3 =	ssub.f32 $1.500000000e+00, s17  }
0x540: {  	[tilespmem:s6+$0x3400] =	vst v3;
	v62 =	vld [tilespmem:$0x1FC50]  }
0x541: {  	[tilespmem:s6+$0x3410] =	vst v4;
	v60 =	vld [tilespmem:$0x1FC30];
	s18 =	spop (v2sf);
	s2 =	smul.f32 s3, s16;
	(v2sf) =	vpush v10, $0x0  }
0x542: {  	s5 =	sadd.s32 $0xFFFFFFFC, s9;
	[tilespmem:s6+$0x3420] =	vst v5;
	v59 =	vld [tilespmem:$0x1FC20];
	s4 =	ssub.f32 $0.0e+00, s18;
	s19 =	spop (v2sf)  }
0x543: {  	[tilespmem:s6+$0x3430] =	vst v2;
	v63 =	vld [tilespmem:$0x1FC60];
	[smem:s5] =	sst s2;
	s7 =	spop (v2sf)  }
0x544: {  	[tilespmem:s26+$0x3400] =	vst v58;
	v61 =	vld [tilespmem:$0x1FC40];
	s7 =	ssub.f32 $1.500000000e+00, s7  }
0x545: {  	[tilespmem:s26+$0x3460] =	vst v62;
	s2 =	smul.f32 s2, s4;
	s23 =	spop (v2sf)  }
0x546: {  	s29 =	sadd.s32 $0xFFFFFFFD, s9;
	[tilespmem:s26+$0x3440] =	vst v60;
	s5 =	ssub.f32 $0.0e+00, s23;
	s3 =	smul.f32 s7, s19  }
0x547: {  	s14 =	sadd.s32 $0xFFFFFFFE, s9;
	[tilespmem:s26+$0x3410] =	vst v59;
	[smem:s29] =	sst s2  }
0x548: {  	[tilespmem:s26+$0x3470] =	vst v63;
	[smem:s14] =	sst s3;
	s3 =	smul.f32 s3, s5  }
0x549: {  	v51 =	vld [tilespmem:$0x1FBB0];
	[tilespmem:s26+$0x3450] =	vst v61;
	s17 =	sadd.s32 $0xFFFFFFFF, s9;
	s26 =	spop (v2sf)  }
0x54a: {  	[tilespmem:s6+$0x3440] =	vst v7;
	v48 =	vld [tilespmem:$0x1FB90];
	s28 =	spop (v2sf);
	[smem:s17] =	sst s3  }
0x54b: {  	[tilespmem:s6+$0x3450] =	vst v6;
	v56 =	vld [tilespmem:$0x1FBF0];
	s30 =	spop (v2sf);
	s4 =	ssub.f32 $1.500000000e+00, s28  }
0x54c: {  	[tilespmem:s6+$0x3460] =	vst v26;
	v55 =	vld [tilespmem:$0x1FBE0];
	s2 =	ssub.f32 $0.0e+00, s30;
	s16 =	spop (v2sf)  }
0x54d: {  	[tilespmem:s6+$0x3470] =	vst v8;
	v53 =	vld [tilespmem:$0x1FBD0];
	s19 =	smul.f32 s4, s26;
	s18 =	spop (v2sf)  }
0x54e: {  	[tilespmem:s13+$0x3420] =	vst v51;
	v50 =	vld [tilespmem:$0x1FBA0];
	s3 =	ssub.f32 $1.500000000e+00, s18  }
0x54f: {  	[tilespmem:s13+$0x3400] =	vst v48;
	v52 =	vld [tilespmem:$0x1FBC0];
	s2 =	smul.f32 s19, s2  }
0x550: {  	p0 =	slt.u32 s15, $0xC;
	[tilespmem:s13+$0x3460] =	vst v56;
	v57 =	vld [tilespmem:$0x1FC00];
	s23 =	spop (v2sf);
	s3 =	smul.f32 s3, s16  }
.Ltmp3:
0x551: {  	[tilespmem:s13+$0x3450] =	vst v55;
	s4 =	ssub.f32 $0.0e+00, s23;
	(pc) =	sbr.rel @p0 .LBB2_9-.Ltmp3, $4  }
0x552: {  	[tilespmem:s13+$0x3440] =	vst v53;
	s26 =	sadd.s32 $0x1, s9;
	[smem:s9] =	sst s19  }
0x553: {  	[tilespmem:s13+$0x3410] =	vst v50;
	s28 =	sadd.s32 $0x2, s9;
	[smem:s26] =	sst s2;
	s29 =	smul.f32 s3, s4  }
0x554: {  	[tilespmem:s13+$0x3430] =	vst v52;
	s30 =	sadd.s32 $0x3, s9;
	[smem:s28] =	sst s3  }
0x555: {  	s8 =	sadd.s32 $0x200, s8;
	[tilespmem:s13+$0x3470] =	vst v57;
	s9 =	sadd.s32 $0x8, s9;
	[smem:s30] =	sst s29  }
0x556: {  	_ =	swait.ge [sflag:s22], $0x3000  }
0x557: {  	[sflag:s22] =	ssyncset.done $0x0  }
0x558: {  	s0 =	simm.s32 $0x0;
	s8 =	simm.s32 $0x0;
	[sflag:s22] =	ssyncadd.s32 $0xFFFFD000  }
.LBB2_11:
0x559: {  	s2 =	sshll.u32 s8, $0x7  }
0x55a: {  	v19 =	vld [tilespmem:s2+$0x1B400]  }
0x55b: {  	v7 =	vld [tilespmem:s2+$0x1B410]  }
0x55c: {  	v15 =	vld [tilespmem:s2+$0x1B420]  }
0x55d: {  	v12 =	vld [tilespmem:s2+$0x1B430]  }
0x55e: {  	v9 =	vld [tilespmem:s2+$0x1B440]  }
0x55f: {  	v17 =	vld [tilespmem:s2+$0x1B450]  }
0x560: {  	v21 =	vld [tilespmem:s2+$0x1B460]  }
0x561: {  	v11 =	vld [tilespmem:s2+$0x1B470]  }
0x562: {  	v20 =	vld [tilespmem:s2+$0x1B700]  }
0x563: {  	v8 =	vld [tilespmem:s2+$0x1B710]  }
0x564: {  	v16 =	vld [tilespmem:s2+$0x1B720]  }
0x565: {  	s3 =	simm.s32 $0x0;
	v13 =	vld [tilespmem:s2+$0x1B730]  }
0x566: {  	v10 =	vld [tilespmem:s2+$0x1B740];
	s3 =	smul.u32 $0x1800, s3  }
0x567: {  	s6 =	sshll.u32 s8, $0xA;
	s4 =	simm.s32 $0x100;
	v18 =	vld [tilespmem:s2+$0x1B750]  }
0x568: {  	v22 =	vld [tilespmem:s2+$0x1B760];
	s4 =	sand.u32 $0x300, s4;
	s3 =	sadd.s32 s6, s3  }
0x569: {  	s9 =	simm.s32 $0x180;
	v14 =	vld [tilespmem:s2+$0x1B770];
	s13 =	sor.u32 s4, s3  }
0x56a: {  	s2 =	sand.u32 $0x380, s9;
	v3 =	vld [tilespmem:s13+$0x3460]  }
0x56b: {  	s9 =	sor.u32 s2, s3;
	s14 =	sld [smem:$0x4];
	v1 =	vld [tilespmem:s13+$0x3450]  }
0x56c: {  	s17 =	sld [smem:$0x0];
	v0 =	vld [tilespmem:s9+$0x3470]  }
0x56d: {  	s18 =	sld [smem:$0x5];
	v4 =	vld [tilespmem:s13+$0x3440]  }
0x56e: {  	v2 =	vld [tilespmem:s13+$0x3470];
	s30 =	sld [smem:$0x6]  }
0x56f: {  	s16 =	sld [smem:$0x1];
	v5 =	vld [tilespmem:s9+$0x3400]  }
0x570: {  	s5 =	sand.u32 $0x200, s0;
	s28 =	sld [smem:$0x2];
	v6 =	vld [tilespmem:s9+$0x3460]  }
0x571: {  	s15 =	sor.u32 s5, s3;
	v23 =	vld [tilespmem:s9+$0x3430]  }
0x572: {  	v25 =	vld [tilespmem:s15+$0x3460]  }
0x573: {  	s23 =	sld [smem:$0x7];
	v28 =	vld [tilespmem:s9+$0x3450]  }
0x574: {  	v3 =	vmul.f32 s14, v3;
	v29 =	vld [tilespmem:s15+$0x3400]  }
0x575: {  	v51 =	vmul.f32 s14, v1;
	v30 =	vld [tilespmem:s15+$0x3410]  }
0x576: {  	s29 =	simm.s32 $0x80;
	v0 =	vmul.f32 s30, v0;
	v32 =	vld [tilespmem:s13+$0x3430];
	v2 =	vmul.f32 s14, v2;
	v55 =	vadd.f32 s18, v3  }
0x577: {  	s5 =	sand.u32 $0x280, s29;
	v35 =	vld [tilespmem:s15+$0x3450];
	v4 =	vmul.f32 s14, v4;
	v52 =	vadd.f32 s18, v51;
	v5 =	vmul.f32 s30, v5  }
0x578: {  	s26 =	sor.u32 s5, s3;
	v26 =	vld [tilespmem:s15+$0x3470];
	v2 =	vadd.f32 s18, v2;
	v56 =	vmul.f32 v55, v21;
	v6 =	vmul.f32 s30, v6  }
0x579: {  	v36 =	vld [tilespmem:s26+$0x3470];
	v34 =	vadd.f32 s23, v0;
	v23 =	vmul.f32 s30, v23;
	v33 =	vmul.f32 s17, v25  }
0x57a: {  	v27 =	vld [tilespmem:s26+$0x3450];
	v37 =	vadd.f32 s18, v4;
	v31 =	vmul.f32 v2, v11;
	v25 =	vmul.f32 s30, v28  }
0x57b: {  	v24 =	vadd.f32 s23, v5;
	v5 =	vld [tilespmem:s15+$0x3420];
	v0 =	vmul.f32 s17, v29;
	v30 =	vmul.f32 s17, v30  }
0x57c: {  	v29 =	vld [tilespmem:s26+$0x3400];
	v1 =	vmul.f32 s14, v32;
	v4 =	vmul.f32 s17, v35;
	v2 =	vadd.f32 s23, v6  }
0x57d: {  	v53 =	vld [tilespmem:s26+$0x3430];
	v6 =	vadd.f32 s23, v23;
	v23 =	vmul.f32 s17, v26;
	v26 =	vadd.f32 v31, v14  }
0x57e: {  	v28 =	vld [tilespmem:s26+$0x3410];
	v32 =	vmul.f32 v52, v17;
	v36 =	vmul.f32 s28, v36  }
0x57f: {  	v38 =	vld [tilespmem:s26+$0x3440];
	v27 =	vmul.f32 s28, v27;
	v31 =	vadd.f32 s16, v33;
	v6 =	vmul.f32 v6, v12;
	[tilespmem:s13+$0xC470] =	vst v26  }
0x580: {  	v3 =	vadd.f32 s16, v30;
	v30 =	vadd.f32 v32, v18;
	v5 =	vmul.f32 s17, v5;
	s19 =	sld [smem:$0x3];
	v54 =	vld [tilespmem:s26+$0x3420]  }
0x581: {  	v31 =	vmul.f32 v31, v21;
	v6 =	vadd.f32 v6, v13;
	v29 =	vmul.f32 s28, v29  }
0x582: {  	v33 =	vmul.f32 s28, v53;
	v26 =	vadd.f32 s16, v5;
	v5 =	vmul.f32 v37, v9  }
0x583: {  	v28 =	vmul.f32 s28, v28;
	v31 =	vadd.f32 v31, v22;
	[tilespmem:s9+$0xC430] =	vst v6;
	v6 =	vadd.f32 s19, v29  }
0x584: {  	v57 =	vld [tilespmem:s13+$0x3420];
	v29 =	vmul.f32 s28, v38;
	v36 =	vadd.f32 s19, v36;
	v5 =	vadd.f32 v5, v10  }
0x585: {  	[tilespmem:s13+$0xC450] =	vst v30;
	v60 =	vld [tilespmem:s13+$0x3400];
	v28 =	vadd.f32 s19, v28;
	v33 =	vadd.f32 s19, v33;
	v58 =	vmul.f32 s28, v54  }
0x586: {  	v63 =	vld [tilespmem:s13+$0x3410];
	v29 =	vadd.f32 s19, v29;
	v62 =	vmul.f32 v36, v11;
	[tilespmem:s13+$0xC440] =	vst v5;
	v5 =	vadd.f32 v56, v22  }
0x587: {  	v59 =	vld [tilespmem:s26+$0x3460];
	[tilespmem:s15+$0xC460] =	vst v31;
	v27 =	vadd.f32 s19, v27;
	v28 =	vmul.f32 v28, v7;
	v31 =	vmul.f32 v33, v12  }
0x588: {  	v30 =	vld [tilespmem:s9+$0x3410];
	v29 =	vmul.f32 v29, v9;
	v33 =	vadd.f32 v62, v14;
	[tilespmem:s13+$0xC460] =	vst v5;
	v5 =	vadd.f32 s19, v58  }
0x589: {  	v34 =	vmul.f32 v34, v11;
	v61 =	vld [tilespmem:s15+$0x3440];
	v6 =	vmul.f32 v6, v19;
	v28 =	vadd.f32 v28, v8  }
0x58a: {  	v27 =	vmul.f32 v27, v17;
	v29 =	vadd.f32 v29, v10;
	[tilespmem:s26+$0xC470] =	vst v33;
	v33 =	vld [tilespmem:s9+$0x3440];
	v5 =	vmul.f32 v5, v15  }
0x58b: {  	v32 =	vmul.f32 s14, v60;
	v35 =	vmul.f32 s14, v63;
	[tilespmem:s26+$0xC410] =	vst v28;
	v28 =	vadd.f32 v31, v13  }
0x58c: {  	v31 =	vadd.f32 v6, v20;
	[tilespmem:s26+$0xC440] =	vst v29;
	v29 =	vmul.f32 s28, v59;
	v39 =	vadd.f32 v5, v16  }
0x58d: {  	v6 =	vld [tilespmem:s9+$0x3420];
	[tilespmem:s26+$0xC430] =	vst v28;
	v28 =	vadd.f32 v27, v18;
	v27 =	vmul.f32 s30, v30;
	v30 =	vadd.f32 v34, v14  }
0x58e: {  	s2 =	simm.s32 $0x4;
	s3 =	simm.s32 $0x0;
	v34 =	vadd.f32 s18, v32;
	v32 =	vmul.f32 s14, v57;
	s14 =	simm.s32 $0x200;
	v5 =	vmul.f32 s17, v61;
	[tilespmem:s26+$0xC420] =	vst v39  }
.LBB2_12:
0x58f: {  	s3 =	sadd.s32 $0x4, s3;
	s4 =	sadd.s32 $0x180, s14;
	[tilespmem:s26+$0xC400] =	vst v31;
	v29 =	vadd.f32 s19, v29;
	v31 =	vmul.f32 s30, v33;
	v2 =	vmul.f32 v2, v21;
	s2 =	sadd.s32 $0x8, s2  }
0x590: {  	s5 =	sshrl.u32 s3, $0x3;
	s4 =	sand.u32 $0x380, s4;
	p0 =	slt.u32 s3, $0xC;
	v33 =	vld [tilespmem:s15+$0x3430];
	v34 =	vmul.f32 v34, v19;
	v35 =	vadd.f32 s18, v35;
	v32 =	vadd.f32 s18, v32;
	[tilespmem:s9+$0xC470] =	vst v30  }
0x591: {  	s5 =	smul.u32 $0x1800, s5;
	v29 =	vmul.f32 v29, v21;
	v30 =	vadd.f32 s23, v31;
	v2 =	vadd.f32 v2, v22  }
0x592: {  	s7 =	sadd.s32 $0x100, s14;
	v4 =	vadd.f32 s16, v4;
	v31 =	vadd.f32 v34, v20;
	v34 =	vmul.f32 v35, v7  }
0x593: {  	s19 =	sand.u32 $0x200, s14;
	v1 =	vadd.f32 s18, v1;
	s28 =	sand.u32 $0x300, s7;
	v32 =	vmul.f32 v32, v15;
	s5 =	sadd.s32 s6, s5;
	v30 =	vmul.f32 v30, v9;
	[tilespmem:s9+$0xC460] =	vst v2  }
0x594: {  	v6 =	vmul.f32 s30, v6;
	v2 =	vmul.f32 v4, v17;
	s7 =	sor.u32 s19, s5;
	s28 =	sor.u32 s28, s5;
	s19 =	sor.u32 s4, s5;
	[tilespmem:s26+$0xC450] =	vst v28;
	v28 =	vadd.f32 v34, v8  }
0x595: {  	v29 =	vadd.f32 v29, v22;
	v4 =	vld [tilespmem:s28+$0x3460];
	v33 =	vmul.f32 s17, v33;
	v30 =	vadd.f32 v30, v10  }
0x596: {  	v0 =	vadd.f32 s16, v0;
	v3 =	vmul.f32 v3, v7;
	s18 =	sadd.s32 $0x80, s14;
	v6 =	vadd.f32 s23, v6;
	s4 =	sld [smem:s2+$0x0];
	v34 =	vld [tilespmem:s28+$0x3450]  }
0x597: {  	v24 =	vmul.f32 v24, v19;
	v25 =	vadd.f32 s23, v25;
	s18 =	sand.u32 $0x280, s18;
	s17 =	sld [smem:s2+$0xFFFFFFFC];
	v35 =	vld [tilespmem:s19+$0x3470];
	v33 =	vadd.f32 s16, v33;
	[tilespmem:s26+$0xC460] =	vst v29  }
0x598: {  	v27 =	vadd.f32 s23, v27;
	v3 =	vadd.f32 v3, v8;
	v6 =	vmul.f32 v6, v15;
	s26 =	sor.u32 s18, s5;
	s18 =	sld [smem:s2+$0x1];
	v29 =	vld [tilespmem:s28+$0x3440];
	[tilespmem:s9+$0xC440] =	vst v30  }
0x599: {  	v0 =	vmul.f32 v0, v19;
	v24 =	vadd.f32 v24, v20;
	v30 =	vld [tilespmem:s28+$0x3470];
	s30 =	sld [smem:s2+$0x2];
	v33 =	vmul.f32 v33, v12;
	[tilespmem:s13+$0xC410] =	vst v28  }
0x59a: {  	v25 =	vmul.f32 v25, v17;
	v6 =	vadd.f32 v6, v16;
	s29 =	sld [smem:s2+$0xFFFFFFFD];
	v28 =	vld [tilespmem:s19+$0x3400];
	[tilespmem:s15+$0xC410] =	vst v3;
	v3 =	vmul.f32 v27, v7  }
0x59b: {  	v1 =	vmul.f32 v1, v12;
	v0 =	vadd.f32 v0, v20;
	s5 =	sld [smem:s2+$0xFFFFFFFE];
	v27 =	vld [tilespmem:s19+$0x3460];
	v33 =	vadd.f32 v33, v13  }
0x59c: {  	v26 =	vmul.f32 v26, v15;
	v2 =	vadd.f32 v2, v18;
	v36 =	vld [tilespmem:s19+$0x3430];
	[tilespmem:s9+$0xC400] =	vst v24;
	v3 =	vadd.f32 v3, v8  }
0x59d: {  	v1 =	vadd.f32 v1, v13;
	v35 =	vmul.f32 s30, v35;
	v37 =	vld [tilespmem:s7+$0x3460];
	s23 =	sld [smem:s2+$0x3];
	[tilespmem:s15+$0xC400] =	vst v0;
	v0 =	vadd.f32 v32, v16  }
0x59e: {  	v5 =	vadd.f32 s16, v5;
	v26 =	vadd.f32 v26, v16;
	v32 =	vld [tilespmem:s26+$0x3450];
	v24 =	vmul.f32 s4, v30;
	[tilespmem:s13+$0xC400] =	vst v31  }
0x59f: {  	v23 =	vadd.f32 s16, v23;
	s16 =	smov.u32 s29;
	v30 =	vld [tilespmem:s7+$0x3470];
	v28 =	vmul.f32 s30, v28;
	[tilespmem:s13+$0xC420] =	vst v0;
	v0 =	vadd.f32 v25, v18  }
0x5a0: {  	v5 =	vmul.f32 v5, v9;
	v25 =	vadd.f32 s18, v24;
	v31 =	vld [tilespmem:s19+$0x3450];
	v27 =	vmul.f32 s30, v27;
	[tilespmem:s15+$0xC450] =	vst v2  }
0x5a1: {  	v38 =	vld [tilespmem:s7+$0x3400];
	v24 =	vadd.f32 s23, v28;
	v28 =	vmul.f32 s30, v36;
	[tilespmem:s15+$0xC420] =	vst v26;
	v26 =	vmul.f32 v23, v11  }
0x5a2: {  	v5 =	vadd.f32 v5, v10;
	v36 =	vld [tilespmem:s7+$0x3410];
	v25 =	vmul.f32 v25, v11;
	v2 =	vadd.f32 s23, v27;
	[tilespmem:s9+$0xC450] =	vst v0  }
0x5a3: {  	v35 =	vadd.f32 s23, v35;
	v0 =	vmul.f32 s17, v37;
	v27 =	vld [tilespmem:s7+$0x3420];
	v28 =	vadd.f32 s23, v28;
	[tilespmem:s9+$0xC420] =	vst v6  }
0x5a4: {  	v26 =	vadd.f32 v26, v14;
	v23 =	vmul.f32 s17, v30;
	v6 =	vld [tilespmem:s28+$0x3430];
	v30 =	vadd.f32 v25, v14;
	[tilespmem:s15+$0xC430] =	vst v33  }
0x5a5: {  	v37 =	vadd.f32 s16, v0;
	v33 =	vld [tilespmem:s7+$0x3450];
	v28 =	vmul.f32 v28, v12;
	v25 =	vmul.f32 s30, v31;
	[tilespmem:s13+$0xC430] =	vst v1;
	s13 =	smov.u32 s28  }
0x5a6: {  	v1 =	vmul.f32 s4, v29;
	v0 =	vmul.f32 s17, v38;
	v31 =	vld [tilespmem:s26+$0x3410];
	[tilespmem:s15+$0xC470] =	vst v26  }
0x5a7: {  	v26 =	vmul.f32 s4, v34;
	v29 =	vmul.f32 s17, v36;
	v36 =	vld [tilespmem:s26+$0x3400];
	v28 =	vadd.f32 v28, v13;
	[tilespmem:s15+$0xC440] =	vst v5;
	s15 =	smov.u32 s7  }
0x5a8: {  	v5 =	vmul.f32 s17, v27;
	v27 =	vmul.f32 v37, v21;
	v34 =	vld [tilespmem:s26+$0x3470];
	v37 =	vadd.f32 s18, v1;
	[tilespmem:s9+$0xC410] =	vst v3;
	s9 =	smov.u32 s19  }
0x5a9: {  	v3 =	vadd.f32 s18, v26;
	v38 =	vld [tilespmem:s26+$0x3440];
	v1 =	vmul.f32 s4, v6;
	v6 =	vmul.f32 s4, v4;
	[tilespmem:s13+$0xC470] =	vst v30  }
0x5aa: {  	v26 =	vadd.f32 s16, v5;
	v4 =	vmul.f32 s17, v33;
	v5 =	vld [tilespmem:s26+$0x3430];
	v30 =	vmul.f32 v37, v9  }
0x5ab: {  	v27 =	vadd.f32 v27, v22;
	v37 =	vmul.f32 v3, v17;
	s19 =	sld [smem:s2+$0xFFFFFFFF];
	v33 =	vld [tilespmem:s26+$0x3420];
	v39 =	vadd.f32 s18, v6;
	[tilespmem:s9+$0xC430] =	vst v28  }
0x5ac: {  	v3 =	vadd.f32 s16, v29;
	v29 =	vmul.f32 s5, v31;
	v28 =	vmul.f32 s5, v36;
	v6 =	vld [tilespmem:s9+$0x3420]  }
0x5ad: {  	[tilespmem:s15+$0xC460] =	vst v27;
	v27 =	vadd.f32 v30, v10;
	v30 =	vadd.f32 v37, v18;
	v31 =	vmul.f32 v39, v21  }
0x5ae: {  	v28 =	vadd.f32 s19, v28;
	v29 =	vadd.f32 s19, v29;
	v36 =	vmul.f32 s5, v38  }
0x5af: {  	v34 =	vmul.f32 s5, v34;
	v5 =	vmul.f32 s5, v5;
	v37 =	vld [tilespmem:s13+$0x3420];
	[tilespmem:s13+$0xC440] =	vst v27;
	v27 =	vadd.f32 v31, v22  }
0x5b0: {  	v32 =	vmul.f32 s5, v32;
	v31 =	vmul.f32 s5, v33;
	v33 =	vadd.f32 s19, v36;
	[tilespmem:s13+$0xC450] =	vst v30;
	v30 =	vld [tilespmem:s9+$0x3410]  }
0x5b1: {  	v34 =	vadd.f32 s19, v34;
	v29 =	vmul.f32 v29, v7;
	v5 =	vadd.f32 s19, v5;
	v36 =	vld [tilespmem:s26+$0x3460];
	[tilespmem:s13+$0xC460] =	vst v27  }
0x5b2: {  	v32 =	vadd.f32 s19, v32;
	v27 =	vadd.f32 s19, v31;
	v31 =	vmul.f32 v33, v9;
	v38 =	vld [tilespmem:s13+$0x3400]  }
0x5b3: {  	v29 =	vadd.f32 v29, v8;
	v33 =	vmul.f32 v34, v11;
	v39 =	vld [tilespmem:s15+$0x3440];
	v5 =	vmul.f32 v5, v12  }
0x5b4: {  	v28 =	vmul.f32 v28, v19;
	v27 =	vmul.f32 v27, v15;
	v31 =	vadd.f32 v31, v10;
	v40 =	vld [tilespmem:s13+$0x3410]  }
.Ltmp4:
0x5b5: {  	v32 =	vmul.f32 v32, v17;
	v34 =	vadd.f32 v33, v14;
	[tilespmem:s26+$0xC410] =	vst v29;
	v5 =	vadd.f32 v5, v13;
	v33 =	vld [tilespmem:s9+$0x3440];
	(pc) =	sbr.rel @p0 .LBB2_12-.Ltmp4, $4  }
0x5b6: {  	v35 =	vmul.f32 v35, v11;
	v41 =	vadd.f32 v27, v16;
	[tilespmem:s26+$0xC440] =	vst v31;
	v29 =	vmul.f32 s5, v36  }
0x5b7: {  	v31 =	vadd.f32 v28, v20;
	v28 =	vadd.f32 v32, v18;
	[tilespmem:s26+$0xC430] =	vst v5;
	v32 =	vmul.f32 s4, v38  }
0x5b8: {  	v27 =	vmul.f32 s30, v30;
	v30 =	vadd.f32 v35, v14;
	v5 =	vmul.f32 s17, v39;
	[tilespmem:s26+$0xC470] =	vst v34  }
0x5b9: {  	s14 =	sadd.s32 $0x200, s14;
	[tilespmem:s26+$0xC420] =	vst v41;
	v34 =	vadd.f32 s18, v32;
	v35 =	vmul.f32 s4, v40;
	v32 =	vmul.f32 s4, v37  }
0x5ba: {  	v2 =	vmul.f32 v2, v21  }
0x5bb: {  	v33 =	vmul.f32 s30, v33;
	v29 =	vadd.f32 s19, v29;
	[tilespmem:s26+$0xC400] =	vst v31;
	v3 =	vmul.f32 v3, v7  }
0x5bc: {  	[tilespmem:s9+$0xC470] =	vst v30;
	v6 =	vmul.f32 s30, v6;
	v53 =	vmul.f32 v26, v15;
	v2 =	vadd.f32 v2, v22  }
0x5bd: {  	[tilespmem:s26+$0xC450] =	vst v28;
	v0 =	vadd.f32 s16, v0;
	v40 =	vmul.f32 v34, v19;
	v3 =	vadd.f32 v3, v8  }
0x5be: {  	v38 =	vmul.f32 v29, v21;
	v52 =	vadd.f32 s23, v6;
	v6 =	vadd.f32 v53, v16;
	[tilespmem:s9+$0xC460] =	vst v2  }
0x5bf: {  	v46 =	vmul.f32 v24, v19;
	v4 =	vadd.f32 s16, v4;
	v47 =	vadd.f32 v40, v20;
	[tilespmem:s15+$0xC410] =	vst v3  }
0x5c0: {  	v51 =	vadd.f32 s23, v25;
	v0 =	vmul.f32 v0, v19;
	v41 =	vadd.f32 v38, v22;
	[tilespmem:s15+$0xC420] =	vst v6  }
0x5c1: {  	v42 =	vld [tilespmem:s15+$0x3430];
	v1 =	vadd.f32 s18, v1;
	v49 =	vmul.f32 v4, v17;
	v2 =	vadd.f32 v46, v20;
	[tilespmem:s13+$0xC400] =	vst v47  }
0x5c2: {  	v60 =	vadd.f32 s23, v27;
	v55 =	vmul.f32 v51, v17;
	v0 =	vadd.f32 v0, v20;
	[tilespmem:s26+$0xC460] =	vst v41  }
0x5c3: {  	v37 =	vadd.f32 s18, v35;
	v1 =	vmul.f32 v1, v12;
	v3 =	vadd.f32 v49, v18;
	[tilespmem:s9+$0xC400] =	vst v2  }
0x5c4: {  	v44 =	vadd.f32 s18, v32;
	v61 =	vmul.f32 v60, v7;
	v58 =	vadd.f32 v55, v18;
	[tilespmem:s15+$0xC400] =	vst v0  }
0x5c5: {  	v33 =	vadd.f32 s23, v33;
	v31 =	vmul.f32 v37, v7;
	v1 =	vadd.f32 v1, v13;
	[tilespmem:s15+$0xC450] =	vst v3  }
0x5c6: {  	v48 =	vmul.f32 v44, v15;
	v63 =	vadd.f32 v61, v8;
	v50 =	vmul.f32 s17, v42;
	[tilespmem:s9+$0xC450] =	vst v58  }
0x5c7: {  	v59 =	vadd.f32 s16, v5;
	v39 =	vmul.f32 v33, v9;
	v45 =	vadd.f32 v31, v8;
	[tilespmem:s13+$0xC430] =	vst v1  }
0x5c8: {  	v54 =	vadd.f32 v48, v16;
	v2 =	vmul.f32 v52, v15;
	[tilespmem:s9+$0xC410] =	vst v63;
	v4 =	vadd.f32 s16, v50  }
0x5c9: {  	v57 =	vadd.f32 s16, v23;
	s8 =	sadd.s32 $0x1, s8;
	v43 =	vadd.f32 v39, v10;
	v3 =	vmul.f32 v59, v9;
	[tilespmem:s13+$0xC410] =	vst v45  }
0x5ca: {  	p0 =	sne.s32 s8, $0x6;
	[tilespmem:s13+$0xC420] =	vst v54;
	v2 =	vadd.f32 v2, v16;
	v56 =	vmul.f32 v4, v12  }
.Ltmp5:
0x5cb: {  	[tilespmem:s9+$0xC440] =	vst v43;
	v3 =	vadd.f32 v3, v10;
	v4 =	vmul.f32 v57, v11;
	(pc) =	sbr.rel @p0 .LBB2_11-.Ltmp5, $4  }
0x5cc: {  	[tilespmem:s9+$0xC420] =	vst v2;
	v0 =	vadd.f32 v56, v13  }
0x5cd: {  	[tilespmem:s15+$0xC440] =	vst v3;
	v62 =	vadd.f32 v4, v14  }
0x5ce: {  	[tilespmem:s15+$0xC430] =	vst v0  }
0x5cf: {  	[tilespmem:s15+$0xC470] =	vst v62  }
0x5d0: {  	s24 =	sadd.s32 $0x1, s24  }
0x5d1: {  	p0 =	sne.s32 s24, $0x20  }
.Ltmp6:
0x5d2: {  	_ = 	snop;
	(pc) =	sbr.rel @p0 .LBB2_2-.Ltmp6, $4  }
0x5d3: {  	s0 =	sadd.s32 s12, s25  }
0x5d4: {  	s0 =	sshrl.u32 s0, $0x3  }
0x5d5: {  	s2 =	simm.s32 $0xC400;
	s0 =	sadd.s32 s31, s0  }
0x5d6: {  	[hbm4b:s0+s20] =	stream.linear.scatter [tilespmem:s2], [sflag:$0x5], $0x3000, $0x38;
	[tilespmem:$0x1BA00] =	vst v63  }
0x5d7: {  	_ =	swait.ge [sflag:s22], $0x3000  }
0x5d8: {  	s2 =	rddreg [dreg:$0xd]  }
0x5d9: {  	s0 =	rddreg [dreg:$0xa];
	s2 =	sadd.s32 $0x1, s2  }
0x5da: {  	p0 =	sne.s32 s2, s0  }
.Ltmp7:
0x5db: {  	_ = 	snop;
	(pc) =	sbr.rel @p0 .LBB2_1-.Ltmp7, $3  }
0x5dc: {  	_ =	sdelay $0x1  }
0x5dd: {  	[sflag:s22] =	ssyncset.done $0x0  }
0x5de: {  	[sflag:s22] =	ssyncadd.s32 $0xFFFFD000  }
0x5df: {  	_ =	sfence.sel $0x180000  }
0x5e0: {  	[bflag:$0x0] =	sbarrier.arrive $0xFFFF  }
0x5e1: {  	_ =	strace $0x90000047  }
0x5e2: {  	s0 =	stileid.u32;
	[bflag:$0x2] =	sbarrier.arrive $0xFFFF  }
0x5e3: {  	p0 =	sne.s32 s0, $0x0;
	s0 =	rddreg [dreg:$0x7]  }
0x5e4: {  	s0 =	sadd.s32 @!p0 $0x100000, s0  }
0x5e5: {  	[sflag:s0] =	ssyncadd.tile.s32 @!p0 $0x1;
	_ =	shalt  }
.Lfunc_end2:
_tile_overlayer_lowered:
.L_overlay_start_2:
0x5e6: {  	(tag) =	ssettag $0x2  }
0x5e7: {  	s0 =	rddreg [dreg:$0x0];
	s2 =	stileid.u32  }
0x5e8: {  	s1 =	rddreg [dreg:$0x1];
	p0 =	sne.s32 s2, $0x0  }
0x5e9: {  	s3 =	rddreg [dreg:$0x2];
	[bflag:$0x3] =	sbarrier.arrive $0xFFFF;
	s2 =	simm.s32 @!p0 $0x1C06  }
0x5ea: {  	[timem:s3], [sflag:s2] =	dma.local @!p0 [hbm:s0], s1  }
0x5eb: {  	s0 =	simm.s32 @!p0 $0x6  }
0x5ec: {  	_ =	swait.ge @!p0 [sflag:s0], s1  }
0x5ed: {  	s1 =	ssub.s32 @!p0 $0x0, s1;
	[sflag:s0] =	ssyncset.done @!p0 $0x0  }
0x5ee: {  	[sflag:s0] =	ssyncadd.s32 @!p0 s1  }
0x5ef: {  	[bflag:$0x3] =	sbarrier.arrive $0xFFFF  }
0x5f0: {  	_ =	shalt  }

</sc_bundles>
